<compile_context>
chip_gen: v7x
topology: tpu7x:2x2x1
jax: 0.10.2.dev20260603
libtpu: 0.0.44.dev20260713+nightly
codegen_flags: <defaults>
</compile_context>

<pallas_src>
import functools

import jax
import jax.numpy as jnp
from jax import lax
from jax.experimental import pallas as pl
from jax.experimental.pallas import tpu as pltpu
from jax.experimental.pallas import tpu_sc as plsc

N_NODES = 10000
D = 128
TIME_DIM = 16
D_EDGE = 16
DK = 64
SCALE = DK ** -0.5

NC = 2
NS = 16
NW = NC * NS
LANES = 16

AW = D + LANES

NPAD = 11776
NACC = 10112
E0 = 160000
EBP = 160256
ETOT = 2 * E0 + NPAD
EPW = ETOT // NW
BATCH = 16
NITER = EPW // BATCH
ROWS_PT = NACC // NS

NBLK = 736
MBLK = 632
EBLK = 512


def _node_tables_body(x_ref, wq_ref, wk_ref, wv_ref, aq_ref, akv_ref):
    x = x_ref[...]
    aq_ref[...] = jnp.dot(x, wq_ref[...], preferred_element_type=jnp.float32)
    akv_ref[:, :D] = jnp.dot(x, wk_ref[...], preferred_element_type=jnp.float32)
    akv_ref[:, D:] = jnp.dot(x, wv_ref[...], preferred_element_type=jnp.float32)


def _node_tables(node_pad, wq1, wk1, wv1):
    return pl.pallas_call(
        _node_tables_body,
        grid=(NPAD // NBLK,),
        in_specs=[
            pl.BlockSpec((NBLK, D), lambda i: (i, 0)),
            pl.BlockSpec((D, D), lambda i: (0, 0)),
            pl.BlockSpec((D, D), lambda i: (0, 0)),
            pl.BlockSpec((D, D), lambda i: (0, 0)),
        ],
        out_specs=[
            pl.BlockSpec((NBLK, D), lambda i: (i, 0)),
            pl.BlockSpec((NBLK, 2 * D), lambda i: (i, 0)),
        ],
        out_shape=[
            jax.ShapeDtypeStruct((NPAD, D), jnp.float32),
            jax.ShapeDtypeStruct((NPAD, 2 * D), jnp.float32),
        ],
    )(node_pad, wq1, wk1, wv1)


def _edge_tables_body(stf_ref, ef_ref, et_ref, wq2_ref, wk2_ref, wk3_ref,
                      wv2_ref, wv3_ref, bq_ref, bk_ref, bv_ref, bqkv_out):
    stf = stf_ref[...]
    ef = ef_ref[...]
    et = et_ref[...]
    bqkv_out[:, :D] = (jnp.dot(stf, wq2_ref[...], preferred_element_type=jnp.float32)
                       + bq_ref[...])
    bqkv_out[:, D:2 * D] = (jnp.dot(ef, wk2_ref[...], preferred_element_type=jnp.float32)
                            + jnp.dot(et, wk3_ref[...], preferred_element_type=jnp.float32)
                            + bk_ref[...])
    bqkv_out[:, 2 * D:] = (jnp.dot(ef, wv2_ref[...], preferred_element_type=jnp.float32)
                           + jnp.dot(et, wv3_ref[...], preferred_element_type=jnp.float32)
                           + bv_ref[...])


def _edge_tables(stf_ext, ef_ext, et_ext, wq2, wk2, wk3, wv2, wv3, bq, bk, bv):
    wspec = pl.BlockSpec((TIME_DIM, D), lambda i: (0, 0))
    bspec = pl.BlockSpec((1, D), lambda i: (0, 0))
    espec = pl.BlockSpec((EBLK, TIME_DIM), lambda i: (i, 0))
    return pl.pallas_call(
        _edge_tables_body,
        grid=(EBP // EBLK,),
        in_specs=[espec, espec, espec, wspec, wspec, wspec, wspec, wspec,
                  bspec, bspec, bspec],
        out_specs=pl.BlockSpec((EBLK, 3 * D), lambda i: (i, 0)),
        out_shape=jax.ShapeDtypeStruct((EBP, 3 * D), jnp.float32),
    )(stf_ext, ef_ext, et_ext, wq2, wk2, wk3, wv2, wv3, bq, bk, bv)


def _edge_pass_body(aq_h, akv_h, bqkv_h, ids_h,
                    out_h,
                    acc_s,
                    ids0_v, ids1_v, aq0_v, aq1_v, akv0_v, akv1_v,
                    bqkv0_v, bqkv1_v, w_v, sem_i, sem_g):
    cid = lax.axis_index("c")
    sid = lax.axis_index("s")
    wid = sid * NC + cid

    zero = jnp.zeros((LANES,), jnp.float32)

    def _zrow(r, carry):
        for c in range(AW // LANES):
            w_v[r, c * LANES:(c + 1) * LANES] = zero
        return carry

    lax.fori_loop(0, BATCH, _zrow, 0)
    stripe = sid * ROWS_PT
    nfull = ROWS_PT // BATCH
    rem = ROWS_PT - nfull * BATCH
    for t in range(nfull):
        pltpu.sync_copy(w_v, acc_s.at[pl.ds(stripe + t * BATCH, BATCH)])
    if rem:
        pltpu.sync_copy(w_v.at[pl.ds(0, rem)],
                        acc_s.at[pl.ds(stripe + nfull * BATCH, rem)])
    plsc.subcore_barrier()

    base = wid * NITER

    def _fire_ids(it, ids_v):
        pltpu.async_copy(ids_h.at[base + it], ids_v, sem_i)

    def _wait_ids(it, ids_v):
        pltpu.make_async_copy(ids_h.at[base + it], ids_v, sem_i).wait()

    def _fire_gathers(ids_v, aq_v, akv_v, bqkv_v):
        pltpu.async_copy(aq_h.at[ids_v.at[0]], aq_v, sem_g)
        pltpu.async_copy(akv_h.at[ids_v.at[1]], akv_v, sem_g)
        pltpu.async_copy(bqkv_h.at[ids_v.at[2]], bqkv_v, sem_g)

    def _wait_gathers(ids_v, aq_v, akv_v, bqkv_v):
        pltpu.make_async_copy(aq_h.at[ids_v.at[0]], aq_v, sem_g).wait()
        pltpu.make_async_copy(akv_h.at[ids_v.at[1]], akv_v, sem_g).wait()
        pltpu.make_async_copy(bqkv_h.at[ids_v.at[2]], bqkv_v, sem_g).wait()

    def _compute(ids_v, aq_v, akv_v, bqkv_v):
        if True:
            pltpu.sync_copy(w_v, acc_s.at[ids_v.at[0]], add=True)
            return
        @plsc.parallel_loop(0, BATCH, unroll=BATCH)
        def _edge(e):
            acc0 = jnp.zeros((LANES,), jnp.float32)
            acc1 = jnp.zeros((LANES,), jnp.float32)
            for c in range(DK // LANES):
                sl = slice(c * LANES, (c + 1) * LANES)
                sk = slice(D + c * LANES, D + (c + 1) * LANES)
                q = jnp.maximum(aq_v[e, sl] + bqkv_v[e, sl], 0.0)
                k = jnp.maximum(akv_v[e, sl] + bqkv_v[e, sk], 0.0)
                acc0 = acc0 + q * k
            for c in range(DK // LANES, D // LANES):
                sl = slice(c * LANES, (c + 1) * LANES)
                sk = slice(D + c * LANES, D + (c + 1) * LANES)
                q = jnp.maximum(aq_v[e, sl] + bqkv_v[e, sl], 0.0)
                k = jnp.maximum(akv_v[e, sl] + bqkv_v[e, sk], 0.0)
                acc1 = acc1 + q * k
            att0 = jnp.sum(acc0) * SCALE
            att1 = jnp.sum(acc1) * SCALE
            lane = lax.iota(jnp.int32, LANES)
            att = jnp.where(lane == 0, att0, jnp.where(lane == 1, att1, -1e30))
            pe = jnp.exp(att)
            w_v[e, D:AW] = pe
            p0 = pe[0]
            p1 = pe[1]
            for c in range(D // LANES):
                sl = slice(c * LANES, (c + 1) * LANES)
                sv = slice(D + c * LANES, D + (c + 1) * LANES)
                sb = slice(2 * D + c * LANES, 2 * D + (c + 1) * LANES)
                p = p0 if c < (DK // LANES) else p1
                w_v[e, sl] = (akv_v[e, sv] + bqkv_v[e, sb]) * p

        pltpu.sync_copy(w_v, acc_s.at[ids_v.at[0]], add=True)

    bufs0 = (ids0_v, aq0_v, akv0_v, bqkv0_v)
    bufs1 = (ids1_v, aq1_v, akv1_v, bqkv1_v)

    pltpu.sync_copy(ids_h.at[base], ids0_v)
    _fire_ids(1, ids1_v)
    _fire_gathers(*bufs0)

    def _phase(t, this, other, other_ids_idx):
        _wait_ids(other_ids_idx, other[0])
        _fire_gathers(*other)
        _wait_gathers(*this)
        _compute(*this)

        @pl.when(other_ids_idx + 1 < NITER)
        def _():
            _fire_ids(other_ids_idx + 1, this[0])

    def _pair(u, carry):
        t = u * 2
        _phase(t, bufs0, bufs1, t + 1)

        @pl.when(t + 2 < NITER)
        def _():
            _phase(t + 1, bufs1, bufs0, t + 2)

        return carry

    lax.fori_loop(0, NITER // 2, _pair, 0)
    _wait_gathers(*bufs1)
    _compute(*bufs1)

    plsc.subcore_barrier()

    def _pub(lo, cnt):
        pltpu.sync_copy(acc_s.at[pl.ds(stripe + lo, cnt)], w_v.at[pl.ds(0, cnt)])
        pltpu.sync_copy(w_v.at[pl.ds(0, cnt)],
                        out_h.at[cid, pl.ds(stripe + lo, cnt)])

    for t in range(nfull):
        _pub(t * BATCH, BATCH)
    if rem:
        _pub(nfull * BATCH, rem)


def _edge_pass(aq_t, akv_t, bqkv_t, ids):
    mesh = plsc.VectorSubcoreMesh(core_axis_name="c", subcore_axis_name="s")
    f = pl.kernel(
        _edge_pass_body,
        out_type=jax.ShapeDtypeStruct((NC, NACC, AW), jnp.float32),
        mesh=mesh,
        compiler_params=pltpu.CompilerParams(needs_layout_passes=False,
                                             use_tc_tiling_on_sc=False),
        scratch_types=[
            pltpu.VMEM_SHARED((NACC, AW), jnp.float32),
            pltpu.VMEM((4, BATCH), jnp.int32),
            pltpu.VMEM((4, BATCH), jnp.int32),
            pltpu.VMEM((BATCH, D), jnp.float32),
            pltpu.VMEM((BATCH, D), jnp.float32),
            pltpu.VMEM((BATCH, 2 * D), jnp.float32),
            pltpu.VMEM((BATCH, 2 * D), jnp.float32),
            pltpu.VMEM((BATCH, 3 * D), jnp.float32),
            pltpu.VMEM((BATCH, 3 * D), jnp.float32),
            pltpu.VMEM((BATCH, AW), jnp.float32),
            pltpu.SemaphoreType.DMA,
            pltpu.SemaphoreType.DMA,
        ],
    )
    return f(aq_t, akv_t, bqkv_t, ids)


def _merge_body(p0_ref, p1_ref, x_ref,
                w1a_ref, w1b_ref, b1_ref, w2_ref, b2_ref, o_ref):
    acc = p0_ref[...] + p1_ref[...]
    pv = acc[:, :D]
    d0 = acc[:, D:D + 1] + 1e-16
    d1 = acc[:, D + 1:D + 2] + 1e-16
    col = lax.broadcasted_iota(jnp.int32, (MBLK, D), 1)
    out_emb = pv / jnp.where(col < DK, d0, d1)
    h = jnp.maximum(
        jnp.dot(out_emb, w1a_ref[...], preferred_element_type=jnp.float32)
        + jnp.dot(x_ref[...], w1b_ref[...], preferred_element_type=jnp.float32)
        + b1_ref[...], 0.0)
    o_ref[...] = (jnp.dot(h, w2_ref[...], preferred_element_type=jnp.float32)
                  + b2_ref[...])


def _merge(p0, p1, node_acc, w1a, w1b, b1, w2, b2):
    aspec = pl.BlockSpec((MBLK, AW), lambda i: (i, 0))
    nspec = pl.BlockSpec((MBLK, D), lambda i: (i, 0))
    wspec = pl.BlockSpec((D, D), lambda i: (0, 0))
    bspec = pl.BlockSpec((1, D), lambda i: (0, 0))
    return pl.pallas_call(
        _merge_body,
        grid=(NACC // MBLK,),
        in_specs=[aspec, aspec, nspec, wspec, wspec, bspec, wspec, bspec],
        out_specs=pl.BlockSpec((MBLK, D), lambda i: (i, 0)),
        out_shape=jax.ShapeDtypeStruct((NACC, D), jnp.float32),
    )(p0, p1, node_acc, w1a, w1b, b1, w2, b2)


def kernel(node_feature, edge_index, edge_feature, src_time_features,
           edge_time, Wq, bq, Wk, bk, Wv, bv, W1, b1, W2, b2):
    node_pad = jnp.pad(node_feature, ((0, NPAD - N_NODES), (0, 0)))
    aq_t, akv_t = _node_tables(node_pad, Wq[:D], Wk[:D], Wv[:D])

    tunit = src_time_features[0:1]
    zpad = jnp.zeros((EBP - E0 - 1, TIME_DIM), jnp.float32)
    stf_ext = jnp.concatenate([src_time_features, tunit, zpad], axis=0)
    ef_ext = jnp.concatenate(
        [edge_feature, jnp.zeros((EBP - E0, D_EDGE), jnp.float32)], axis=0)
    et_ext = jnp.concatenate([edge_time, tunit, zpad], axis=0)
    bqkv_t = _edge_tables(
        stf_ext, ef_ext, et_ext,
        Wq[D:], Wk[D:D + D_EDGE], Wk[D + D_EDGE:],
        Wv[D:D + D_EDGE], Wv[D + D_EDGE:],
        bq[None], bk[None], bv[None])

    a = edge_index[:, 0]
    b = edge_index[:, 1]
    selfg = jnp.arange(NPAD, dtype=jnp.int32)
    selfs = jnp.minimum(selfg, NACC - 1)
    eid = jnp.arange(E0, dtype=jnp.int32)
    qs_ids = jnp.concatenate([a, b, selfs])
    kv_ids = jnp.concatenate([b, a, selfg])
    b_ids = jnp.concatenate([eid, eid, jnp.full((NPAD,), E0, jnp.int32)])
    ids = jnp.stack([qs_ids, kv_ids, b_ids, jnp.zeros((ETOT,), jnp.int32)])
    ids = ids.reshape(4, ETOT // BATCH, BATCH).transpose(1, 0, 2)

    outp = _edge_pass(aq_t, akv_t, bqkv_t, ids)

    y = _merge(outp[0], outp[1], node_pad[:NACC],
               W1[:D], W1[D:], b1[None], W2, b2[None])
    return y[:N_NODES]

# --- scband reference (transcript-rebuilt; emitter-appended) ---
"""Pipeline reference for scband-temporal-attention-layer2-49624052138345 (READ-ONLY COPY).

The authoritative reference and input builder live on the scoring server;
editing this copy changes nothing except your own understanding.
"""

import jax, jax.numpy as jnp
import numpy as np

N_NODES = 10000
N_EDGES = 160000
D_NODE = 128
D_EDGE = 16
TIME_DIM = 16
OUT_DIM = 128
N_HEAD = 2
D_K = OUT_DIM // N_HEAD
SCALE = D_K ** -0.5
Q_DIM = D_NODE + TIME_DIM
K_DIM = D_NODE + TIME_DIM + D_EDGE


def setup_inputs(seed: int = 0) -> dict:
    key = jax.random.key(seed)
    ks = jax.random.split(key, 16)
    node_feature = jax.random.normal(ks[0], (N_NODES, D_NODE), dtype=jnp.float32)
    edge_index = jax.random.randint(ks[1], (N_EDGES, 2), 0, N_NODES, dtype=jnp.int32)
    edge_feature = jax.random.normal(ks[2], (N_EDGES, D_EDGE), dtype=jnp.float32)
    src_time_features = jax.random.normal(ks[3], (N_EDGES, TIME_DIM), dtype=jnp.float32)
    edge_time = jax.random.normal(ks[4], (N_EDGES, TIME_DIM), dtype=jnp.float32)
    # learned parameters (stored as (in, out), i.e. already transposed vs torch)
    Wq = jax.random.normal(ks[5], (Q_DIM, OUT_DIM), dtype=jnp.float32) * (Q_DIM ** -0.5)
    bq = jnp.zeros((OUT_DIM,), dtype=jnp.float32)
    Wk = jax.random.normal(ks[6], (K_DIM, OUT_DIM), dtype=jnp.float32) * (K_DIM ** -0.5)
    bk = jnp.zeros((OUT_DIM,), dtype=jnp.float32)
    Wv = jax.random.normal(ks[7], (K_DIM, OUT_DIM), dtype=jnp.float32) * (K_DIM ** -0.5)
    bv = jnp.zeros((OUT_DIM,), dtype=jnp.float32)
    # MergeLayer(n_node_features, n_node_features, n_node_features, output_dimension)
    W1 = jax.random.normal(ks[8], (2 * D_NODE, D_NODE), dtype=jnp.float32) * ((2 * D_NODE) ** -0.5)
    b1 = jnp.zeros((D_NODE,), dtype=jnp.float32)
    W2 = jax.random.normal(ks[9], (D_NODE, OUT_DIM), dtype=jnp.float32) * (D_NODE ** -0.5)
    b2 = jnp.zeros((OUT_DIM,), dtype=jnp.float32)
    return {"node_feature": node_feature, "edge_index": edge_index, "edge_feature": edge_feature,
            "src_time_features": src_time_features, "edge_time": edge_time,
            "Wq": Wq, "bq": bq, "Wk": Wk, "bk": bk, "Wv": Wv, "bv": bv,
            "W1": W1, "b1": b1, "W2": W2, "b2": b2}


def _segment_softmax(scores, seg_ids, num_segments):
    smax = jax.ops.segment_max(scores, seg_ids, num_segments=num_segments)
    smax = jnp.where(jnp.isfinite(smax), smax, 0.0)
    smax = jax.lax.stop_gradient(smax)
    ex = jnp.exp(scores - smax[seg_ids])
    ssum = jax.ops.segment_sum(ex, seg_ids, num_segments=num_segments)
    return ex / (ssum[seg_ids] + 1e-16)


def reference(node_feature, edge_index, edge_feature, src_time_features, edge_time,
              Wq, bq, Wk, bk, Wv, bv, W1, b1, W2, b2):
    n = node_feature.shape[0]
    # reverse_edge: append swapped edges, tile features
    rev = edge_index[:, ::-1]
    ei = jnp.concatenate([edge_index, rev], axis=0)
    ef = jnp.concatenate([edge_feature, edge_feature], axis=0)
    stf = jnp.concatenate([src_time_features, src_time_features], axis=0)
    et = jnp.concatenate([edge_time, edge_time], axis=0)
    # add_selfloop
    tunit = src_time_features[0:1, :]
    nid = jnp.arange(n, dtype=ei.dtype)[:, None]
    ei = jnp.concatenate([ei, jnp.concatenate([nid, nid], axis=1)], axis=0)
    ef = jnp.concatenate([ef, jnp.zeros((n, ef.shape[1]), ef.dtype)], axis=0)
    stf = jnp.concatenate([stf, jnp.tile(tunit, (n, 1))], axis=0)
    et = jnp.concatenate([et, jnp.tile(tunit, (n, 1))], axis=0)
    node_i = ei[:, 0]
    node_j = ei[:, 1]
    feat_i = jnp.take(node_feature, node_i, axis=0)
    feat_j = jnp.take(node_feature, node_j, axis=0)
    src_vec = jnp.concatenate([feat_i, stf], axis=1)
    tgt_vec = jnp.concatenate([feat_j, ef, et], axis=1)
    q = jax.nn.relu(src_vec @ Wq + bq).reshape(-1, N_HEAD, D_K)
    k = jax.nn.relu(tgt_vec @ Wk + bk).reshape(-1, N_HEAD, D_K)
    v = (tgt_vec @ Wv + bv).reshape(-1, N_HEAD, D_K)
    att = jnp.sum(q * k, axis=-1) * SCALE
    scores = _segment_softmax(att, node_i, n)
    vw = (scores[:, :, None] * v).reshape(-1, OUT_DIM)
    out_emb = jax.ops.segment_sum(vw, node_i, num_segments=n)
    # MergeLayer(out_emb, node_feature)
    h = jax.nn.relu(jnp.concatenate([out_emb, node_feature], axis=1) @ W1 + b1)
    return h @ W2 + b2

if __name__ == "__main__":
    import jax
    _d = setup_inputs()
    print(jax.jit(kernel)(*tuple(_d.values())))

</pallas_src>

<mosaic_0001>
#map = affine_map<(d0, d1) -> (0, 0)>
#map1 = affine_map<(d0, d1) -> (0, 0, 0)>
module attributes {stable_mosaic.version = 14 : i64} {
  func.func @_edge_pass_body(%arg0: i32, %arg1: i32, %arg2: memref<11776x128xf32, #tpu.memory_space<hbm>>, %arg3: memref<11776x256xf32, #tpu.memory_space<hbm>>, %arg4: memref<160256x384xf32, #tpu.memory_space<hbm>>, %arg5: memref<20736x4x16xi32, #tpu.memory_space<hbm>>, %arg6: memref<2x10112x144xf32, #tpu.memory_space<hbm>>, %arg7: memref<10112x144xf32, #tpu.memory_space<vmem_shared>>, %arg8: memref<4x16xi32, #tpu.memory_space<vmem>>, %arg9: memref<4x16xi32, #tpu.memory_space<vmem>>, %arg10: memref<16x128xf32, #tpu.memory_space<vmem>>, %arg11: memref<16x128xf32, #tpu.memory_space<vmem>>, %arg12: memref<16x256xf32, #tpu.memory_space<vmem>>, %arg13: memref<16x256xf32, #tpu.memory_space<vmem>>, %arg14: memref<16x384xf32, #tpu.memory_space<vmem>>, %arg15: memref<16x384xf32, #tpu.memory_space<vmem>>, %arg16: memref<16x144xf32, #tpu.memory_space<vmem>>, %arg17: memref<!tpu.dma_semaphore, #tpu.memory_space<semaphore_mem>>, %arg18: memref<!tpu.dma_semaphore, #tpu.memory_space<semaphore_mem>>) attributes {dimension_semantics = [#tpu.dimension_semantics<core_parallel>, #tpu.dimension_semantics<subcore_parallel>], iteration_bounds = array<i64: 2, 16>, scalar_prefetch = 0 : i64, scratch_operands = 12 : i64, tpu.core_type = #tpu.core_type<sc_vector_subcore>, window_params = [{transform_indices = #map}, {transform_indices = #map}, {transform_indices = #map}, {transform_indices = #map1}, {transform_indices = #map1}]} {
    %mul3A = arith.constant 2 : i32
    %mul3A_0 = arith.muli %arg1, %mul3A : i32
    %add3A = arith.addi %mul3A_0, %arg0 : i32
    %broadcast_in_dim3A = arith.constant 0.000000e+00 : f32
    %broadcast_in_dim3A_1 = vector.broadcast %broadcast_in_dim3A : f32 to vector<16xf32>
    %scan3A = arith.constant 0 : i32
    %scan3A_2 = arith.constant 0 : i32
    %scan3A_3 = arith.constant 16 : i32
    %scan3A_4 = arith.addi %scan3A_2, %scan3A_3 : i32
    %scan3A_5 = arith.constant 1 : i32
    scf.for %scan3A_308 = %scan3A_2 to %scan3A_4 step %scan3A_5  : i32 {
      %swap3A = arith.index_cast %scan3A_308 : i32 to index
      %swap3A_309 = arith.constant 0 : index
      %swap3A_310 = tpu.vector_load %arg16[%swap3A, %swap3A_309] {strides = array<i32>} : memref<16x144xf32, #tpu.memory_space<vmem>>, vector<16xf32>,
      tpu.vector_store %arg16[%swap3A, %swap3A_309], %broadcast_in_dim3A_1 {strides = array<i32>} : memref<16x144xf32, #tpu.memory_space<vmem>>, vector<16xf32>,
      %swap3A_311 = arith.index_cast %scan3A_308 : i32 to index
      %swap3A_312 = arith.constant 16 : index
      %swap3A_313 = tpu.vector_load %arg16[%swap3A_311, %swap3A_312] {strides = array<i32>} : memref<16x144xf32, #tpu.memory_space<vmem>>, vector<16xf32>,
      tpu.vector_store %arg16[%swap3A_311, %swap3A_312], %broadcast_in_dim3A_1 {strides = array<i32>} : memref<16x144xf32, #tpu.memory_space<vmem>>, vector<16xf32>,
      %swap3A_314 = arith.index_cast %scan3A_308 : i32 to index
      %swap3A_315 = arith.constant 32 : index
      %swap3A_316 = tpu.vector_load %arg16[%swap3A_314, %swap3A_315] {strides = array<i32>} : memref<16x144xf32, #tpu.memory_space<vmem>>, vector<16xf32>,
      tpu.vector_store %arg16[%swap3A_314, %swap3A_315], %broadcast_in_dim3A_1 {strides = array<i32>} : memref<16x144xf32, #tpu.memory_space<vmem>>, vector<16xf32>,
      %swap3A_317 = arith.index_cast %scan3A_308 : i32 to index
      %swap3A_318 = arith.constant 48 : index
      %swap3A_319 = tpu.vector_load %arg16[%swap3A_317, %swap3A_318] {strides = array<i32>} : memref<16x144xf32, #tpu.memory_space<vmem>>, vector<16xf32>,
      tpu.vector_store %arg16[%swap3A_317, %swap3A_318], %broadcast_in_dim3A_1 {strides = array<i32>} : memref<16x144xf32, #tpu.memory_space<vmem>>, vector<16xf32>,
      %swap3A_320 = arith.index_cast %scan3A_308 : i32 to index
      %swap3A_321 = arith.constant 64 : index
      %swap3A_322 = tpu.vector_load %arg16[%swap3A_320, %swap3A_321] {strides = array<i32>} : memref<16x144xf32, #tpu.memory_space<vmem>>, vector<16xf32>,
      tpu.vector_store %arg16[%swap3A_320, %swap3A_321], %broadcast_in_dim3A_1 {strides = array<i32>} : memref<16x144xf32, #tpu.memory_space<vmem>>, vector<16xf32>,
      %swap3A_323 = arith.index_cast %scan3A_308 : i32 to index
      %swap3A_324 = arith.constant 80 : index
      %swap3A_325 = tpu.vector_load %arg16[%swap3A_323, %swap3A_324] {strides = array<i32>} : memref<16x144xf32, #tpu.memory_space<vmem>>, vector<16xf32>,
      tpu.vector_store %arg16[%swap3A_323, %swap3A_324], %broadcast_in_dim3A_1 {strides = array<i32>} : memref<16x144xf32, #tpu.memory_space<vmem>>, vector<16xf32>,
      %swap3A_326 = arith.index_cast %scan3A_308 : i32 to index
      %swap3A_327 = arith.constant 96 : index
      %swap3A_328 = tpu.vector_load %arg16[%swap3A_326, %swap3A_327] {strides = array<i32>} : memref<16x144xf32, #tpu.memory_space<vmem>>, vector<16xf32>,
      tpu.vector_store %arg16[%swap3A_326, %swap3A_327], %broadcast_in_dim3A_1 {strides = array<i32>} : memref<16x144xf32, #tpu.memory_space<vmem>>, vector<16xf32>,
      %swap3A_329 = arith.index_cast %scan3A_308 : i32 to index
      %swap3A_330 = arith.constant 112 : index
      %swap3A_331 = tpu.vector_load %arg16[%swap3A_329, %swap3A_330] {strides = array<i32>} : memref<16x144xf32, #tpu.memory_space<vmem>>, vector<16xf32>,
      tpu.vector_store %arg16[%swap3A_329, %swap3A_330], %broadcast_in_dim3A_1 {strides = array<i32>} : memref<16x144xf32, #tpu.memory_space<vmem>>, vector<16xf32>,
      %swap3A_332 = arith.index_cast %scan3A_308 : i32 to index
      %swap3A_333 = arith.constant 128 : index
      %swap3A_334 = tpu.vector_load %arg16[%swap3A_332, %swap3A_333] {strides = array<i32>} : memref<16x144xf32, #tpu.memory_space<vmem>>, vector<16xf32>,
      tpu.vector_store %arg16[%swap3A_332, %swap3A_333], %broadcast_in_dim3A_1 {strides = array<i32>} : memref<16x144xf32, #tpu.memory_space<vmem>>, vector<16xf32>,
    }
    %scan3A_6 = arith.constant 16 : i32
    %mul3A_7 = arith.constant 632 : i32
    %mul3A_8 = arith.muli %arg1, %mul3A_7 : i32
    %add3A_9 = arith.constant 0 : i32
    %add3A_10 = arith.addi %mul3A_8, %add3A_9 : i32
    "tpu.region"() ({
      %run_scoped3A_308 = tpu.sem_alloc : memref<!tpu.dma_semaphore, #tpu.memory_space<semaphore_mem>>
      %dma_start3A_309 = arith.constant 0 : i32
      %dma_start3A_310 = tpu.memref_slice %arg7[%add3A_10, %dma_start3A_309] : memref<10112x144xf32, #tpu.memory_space<vmem_shared>> -> memref<16x144xf32, #tpu.memory_space<vmem_shared>>
      %dma_start3A_311 = arith.constant 0 : i32
      %dma_start3A_312 = tpu.memref_slice %arg7[%add3A_10, %dma_start3A_311] : memref<10112x144xf32, #tpu.memory_space<vmem_shared>> -> memref<16x144xf32, #tpu.memory_space<vmem_shared>>
      tpu.enqueue_dma source(%arg16 : memref<16x144xf32, #tpu.memory_space<vmem>>) target(%dma_start3A_312 : memref<16x144xf32, #tpu.memory_space<vmem_shared>>) target_semaphore(%run_scoped3A_308 : memref<!tpu.dma_semaphore, #tpu.memory_space<semaphore_mem>>)
      %dma_wait3A_313 = arith.constant 0 : i32
      %dma_wait3A_314 = tpu.memref_slice %arg7[%add3A_10, %dma_wait3A_313] : memref<10112x144xf32, #tpu.memory_space<vmem_shared>> -> memref<16x144xf32, #tpu.memory_space<vmem_shared>>
      %dma_wait3A_315 = arith.constant 0 : i32
      %dma_wait3A_316 = tpu.memref_slice %arg7[%add3A_10, %dma_wait3A_315] : memref<10112x144xf32, #tpu.memory_space<vmem_shared>> -> memref<16x144xf32, #tpu.memory_space<vmem_shared>>
      tpu.wait_dma2 semaphore(%run_scoped3A_308 : memref<!tpu.dma_semaphore, #tpu.memory_space<semaphore_mem>>) src(%arg16 : memref<16x144xf32, #tpu.memory_space<vmem>>) dst(%dma_wait3A_316 : memref<16x144xf32, #tpu.memory_space<vmem_shared>>)
      tpu.yield
    }) : () -> ()
    %add3A_11 = arith.constant 16 : i32
    %add3A_12 = arith.addi %mul3A_8, %add3A_11 : i32
    "tpu.region"() ({
      %run_scoped3A_308 = tpu.sem_alloc : memref<!tpu.dma_semaphore, #tpu.memory_space<semaphore_mem>>
      %dma_start3A_309 = arith.constant 0 : i32
      %dma_start3A_310 = tpu.memref_slice %arg7[%add3A_12, %dma_start3A_309] : memref<10112x144xf32, #tpu.memory_space<vmem_shared>> -> memref<16x144xf32, #tpu.memory_space<vmem_shared>>
      %dma_start3A_311 = arith.constant 0 : i32
      %dma_start3A_312 = tpu.memref_slice %arg7[%add3A_12, %dma_start3A_311] : memref<10112x144xf32, #tpu.memory_space<vmem_shared>> -> memref<16x144xf32, #tpu.memory_space<vmem_shared>>
      tpu.enqueue_dma source(%arg16 : memref<16x144xf32, #tpu.memory_space<vmem>>) target(%dma_start3A_312 : memref<16x144xf32, #tpu.memory_space<vmem_shared>>) target_semaphore(%run_scoped3A_308 : memref<!tpu.dma_semaphore, #tpu.memory_space<semaphore_mem>>)
      %dma_wait3A_313 = arith.constant 0 : i32
      %dma_wait3A_314 = tpu.memref_slice %arg7[%add3A_12, %dma_wait3A_313] : memref<10112x144xf32, #tpu.memory_space<vmem_shared>> -> memref<16x144xf32, #tpu.memory_space<vmem_shared>>
      %dma_wait3A_315 = arith.constant 0 : i32
      %dma_wait3A_316 = tpu.memref_slice %arg7[%add3A_12, %dma_wait3A_315] : memref<10112x144xf32, #tpu.memory_space<vmem_shared>> -> memref<16x144xf32, #tpu.memory_space<vmem_shared>>
      tpu.wait_dma2 semaphore(%run_scoped3A_308 : memref<!tpu.dma_semaphore, #tpu.memory_space<semaphore_mem>>) src(%arg16 : memref<16x144xf32, #tpu.memory_space<vmem>>) dst(%dma_wait3A_316 : memref<16x144xf32, #tpu.memory_space<vmem_shared>>)
      tpu.yield
    }) : () -> ()
    %add3A_13 = arith.constant 32 : i32
    %add3A_14 = arith.addi %mul3A_8, %add3A_13 : i32
    "tpu.region"() ({
      %run_scoped3A_308 = tpu.sem_alloc : memref<!tpu.dma_semaphore, #tpu.memory_space<semaphore_mem>>
      %dma_start3A_309 = arith.constant 0 : i32
      %dma_start3A_310 = tpu.memref_slice %arg7[%add3A_14, %dma_start3A_309] : memref<10112x144xf32, #tpu.memory_space<vmem_shared>> -> memref<16x144xf32, #tpu.memory_space<vmem_shared>>
      %dma_start3A_311 = arith.constant 0 : i32
      %dma_start3A_312 = tpu.memref_slice %arg7[%add3A_14, %dma_start3A_311] : memref<10112x144xf32, #tpu.memory_space<vmem_shared>> -> memref<16x144xf32, #tpu.memory_space<vmem_shared>>
      tpu.enqueue_dma source(%arg16 : memref<16x144xf32, #tpu.memory_space<vmem>>) target(%dma_start3A_312 : memref<16x144xf32, #tpu.memory_space<vmem_shared>>) target_semaphore(%run_scoped3A_308 : memref<!tpu.dma_semaphore, #tpu.memory_space<semaphore_mem>>)
      %dma_wait3A_313 = arith.constant 0 : i32
      %dma_wait3A_314 = tpu.memref_slice %arg7[%add3A_14, %dma_wait3A_313] : memref<10112x144xf32, #tpu.memory_space<vmem_shared>> -> memref<16x144xf32, #tpu.memory_space<vmem_shared>>
      %dma_wait3A_315 = arith.constant 0 : i32
      %dma_wait3A_316 = tpu.memref_slice %arg7[%add3A_14, %dma_wait3A_315] : memref<10112x144xf32, #tpu.memory_space<vmem_shared>> -> memref<16x144xf32, #tpu.memory_space<vmem_shared>>
      tpu.wait_dma2 semaphore(%run_scoped3A_308 : memref<!tpu.dma_semaphore, #tpu.memory_space<semaphore_mem>>) src(%arg16 : memref<16x144xf32, #tpu.memory_space<vmem>>) dst(%dma_wait3A_316 : memref<16x144xf32, #tpu.memory_space<vmem_shared>>)
      tpu.yield
    }) : () -> ()
    %add3A_15 = arith.constant 48 : i32
    %add3A_16 = arith.addi %mul3A_8, %add3A_15 : i32
    "tpu.region"() ({
      %run_scoped3A_308 = tpu.sem_alloc : memref<!tpu.dma_semaphore, #tpu.memory_space<semaphore_mem>>
      %dma_start3A_309 = arith.constant 0 : i32
      %dma_start3A_310 = tpu.memref_slice %arg7[%add3A_16, %dma_start3A_309] : memref<10112x144xf32, #tpu.memory_space<vmem_shared>> -> memref<16x144xf32, #tpu.memory_space<vmem_shared>>
      %dma_start3A_311 = arith.constant 0 : i32
      %dma_start3A_312 = tpu.memref_slice %arg7[%add3A_16, %dma_start3A_311] : memref<10112x144xf32, #tpu.memory_space<vmem_shared>> -> memref<16x144xf32, #tpu.memory_space<vmem_shared>>
      tpu.enqueue_dma source(%arg16 : memref<16x144xf32, #tpu.memory_space<vmem>>) target(%dma_start3A_312 : memref<16x144xf32, #tpu.memory_space<vmem_shared>>) target_semaphore(%run_scoped3A_308 : memref<!tpu.dma_semaphore, #tpu.memory_space<semaphore_mem>>)
      %dma_wait3A_313 = arith.constant 0 : i32
      %dma_wait3A_314 = tpu.memref_slice %arg7[%add3A_16, %dma_wait3A_313] : memref<10112x144xf32, #tpu.memory_space<vmem_shared>> -> memref<16x144xf32, #tpu.memory_space<vmem_shared>>
      %dma_wait3A_315 = arith.constant 0 : i32
      %dma_wait3A_316 = tpu.memref_slice %arg7[%add3A_16, %dma_wait3A_315] : memref<10112x144xf32, #tpu.memory_space<vmem_shared>> -> memref<16x144xf32, #tpu.memory_space<vmem_shared>>
      tpu.wait_dma2 semaphore(%run_scoped3A_308 : memref<!tpu.dma_semaphore, #tpu.memory_space<semaphore_mem>>) src(%arg16 : memref<16x144xf32, #tpu.memory_space<vmem>>) dst(%dma_wait3A_316 : memref<16x144xf32, #tpu.memory_space<vmem_shared>>)
      tpu.yield
    }) : () -> ()
    %add3A_17 = arith.constant 64 : i32
    %add3A_18 = arith.addi %mul3A_8, %add3A_17 : i32
    "tpu.region"() ({
      %run_scoped3A_308 = tpu.sem_alloc : memref<!tpu.dma_semaphore, #tpu.memory_space<semaphore_mem>>
      %dma_start3A_309 = arith.constant 0 : i32
      %dma_start3A_310 = tpu.memref_slice %arg7[%add3A_18, %dma_start3A_309] : memref<10112x144xf32, #tpu.memory_space<vmem_shared>> -> memref<16x144xf32, #tpu.memory_space<vmem_shared>>
      %dma_start3A_311 = arith.constant 0 : i32
      %dma_start3A_312 = tpu.memref_slice %arg7[%add3A_18, %dma_start3A_311] : memref<10112x144xf32, #tpu.memory_space<vmem_shared>> -> memref<16x144xf32, #tpu.memory_space<vmem_shared>>
      tpu.enqueue_dma source(%arg16 : memref<16x144xf32, #tpu.memory_space<vmem>>) target(%dma_start3A_312 : memref<16x144xf32, #tpu.memory_space<vmem_shared>>) target_semaphore(%run_scoped3A_308 : memref<!tpu.dma_semaphore, #tpu.memory_space<semaphore_mem>>)
      %dma_wait3A_313 = arith.constant 0 : i32
      %dma_wait3A_314 = tpu.memref_slice %arg7[%add3A_18, %dma_wait3A_313] : memref<10112x144xf32, #tpu.memory_space<vmem_shared>> -> memref<16x144xf32, #tpu.memory_space<vmem_shared>>
      %dma_wait3A_315 = arith.constant 0 : i32
      %dma_wait3A_316 = tpu.memref_slice %arg7[%add3A_18, %dma_wait3A_315] : memref<10112x144xf32, #tpu.memory_space<vmem_shared>> -> memref<16x144xf32, #tpu.memory_space<vmem_shared>>
      tpu.wait_dma2 semaphore(%run_scoped3A_308 : memref<!tpu.dma_semaphore, #tpu.memory_space<semaphore_mem>>) src(%arg16 : memref<16x144xf32, #tpu.memory_space<vmem>>) dst(%dma_wait3A_316 : memref<16x144xf32, #tpu.memory_space<vmem_shared>>)
      tpu.yield
    }) : () -> ()
    %add3A_19 = arith.constant 80 : i32
    %add3A_20 = arith.addi %mul3A_8, %add3A_19 : i32
    "tpu.region"() ({
      %run_scoped3A_308 = tpu.sem_alloc : memref<!tpu.dma_semaphore, #tpu.memory_space<semaphore_mem>>
      %dma_start3A_309 = arith.constant 0 : i32
      %dma_start3A_310 = tpu.memref_slice %arg7[%add3A_20, %dma_start3A_309] : memref<10112x144xf32, #tpu.memory_space<vmem_shared>> -> memref<16x144xf32, #tpu.memory_space<vmem_shared>>
      %dma_start3A_311 = arith.constant 0 : i32
      %dma_start3A_312 = tpu.memref_slice %arg7[%add3A_20, %dma_start3A_311] : memref<10112x144xf32, #tpu.memory_space<vmem_shared>> -> memref<16x144xf32, #tpu.memory_space<vmem_shared>>
      tpu.enqueue_dma source(%arg16 : memref<16x144xf32, #tpu.memory_space<vmem>>) target(%dma_start3A_312 : memref<16x144xf32, #tpu.memory_space<vmem_shared>>) target_semaphore(%run_scoped3A_308 : memref<!tpu.dma_semaphore, #tpu.memory_space<semaphore_mem>>)
      %dma_wait3A_313 = arith.constant 0 : i32
      %dma_wait3A_314 = tpu.memref_slice %arg7[%add3A_20, %dma_wait3A_313] : memref<10112x144xf32, #tpu.memory_space<vmem_shared>> -> memref<16x144xf32, #tpu.memory_space<vmem_shared>>
      %dma_wait3A_315 = arith.constant 0 : i32
      %dma_wait3A_316 = tpu.memref_slice %arg7[%add3A_20, %dma_wait3A_315] : memref<10112x144xf32, #tpu.memory_space<vmem_shared>> -> memref<16x144xf32, #tpu.memory_space<vmem_shared>>
      tpu.wait_dma2 semaphore(%run_scoped3A_308 : memref<!tpu.dma_semaphore, #tpu.memory_space<semaphore_mem>>) src(%arg16 : memref<16x144xf32, #tpu.memory_space<vmem>>) dst(%dma_wait3A_316 : memref<16x144xf32, #tpu.memory_space<vmem_shared>>)
      tpu.yield
    }) : () -> ()
    %add3A_21 = arith.constant 96 : i32
    %add3A_22 = arith.addi %mul3A_8, %add3A_21 : i32
    "tpu.region"() ({
      %run_scoped3A_308 = tpu.sem_alloc : memref<!tpu.dma_semaphore, #tpu.memory_space<semaphore_mem>>
      %dma_start3A_309 = arith.constant 0 : i32
      %dma_start3A_310 = tpu.memref_slice %arg7[%add3A_22, %dma_start3A_309] : memref<10112x144xf32, #tpu.memory_space<vmem_shared>> -> memref<16x144xf32, #tpu.memory_space<vmem_shared>>
      %dma_start3A_311 = arith.constant 0 : i32
      %dma_start3A_312 = tpu.memref_slice %arg7[%add3A_22, %dma_start3A_311] : memref<10112x144xf32, #tpu.memory_space<vmem_shared>> -> memref<16x144xf32, #tpu.memory_space<vmem_shared>>
      tpu.enqueue_dma source(%arg16 : memref<16x144xf32, #tpu.memory_space<vmem>>) target(%dma_start3A_312 : memref<16x144xf32, #tpu.memory_space<vmem_shared>>) target_semaphore(%run_scoped3A_308 : memref<!tpu.dma_semaphore, #tpu.memory_space<semaphore_mem>>)
      %dma_wait3A_313 = arith.constant 0 : i32
      %dma_wait3A_314 = tpu.memref_slice %arg7[%add3A_22, %dma_wait3A_313] : memref<10112x144xf32, #tpu.memory_space<vmem_shared>> -> memref<16x144xf32, #tpu.memory_space<vmem_shared>>
      %dma_wait3A_315 = arith.constant 0 : i32
      %dma_wait3A_316 = tpu.memref_slice %arg7[%add3A_22, %dma_wait3A_315] : memref<10112x144xf32, #tpu.memory_space<vmem_shared>> -> memref<16x144xf32, #tpu.memory_space<vmem_shared>>
      tpu.wait_dma2 semaphore(%run_scoped3A_308 : memref<!tpu.dma_semaphore, #tpu.memory_space<semaphore_mem>>) src(%arg16 : memref<16x144xf32, #tpu.memory_space<vmem>>) dst(%dma_wait3A_316 : memref<16x144xf32, #tpu.memory_space<vmem_shared>>)
      tpu.yield
    }) : () -> ()
    %add3A_23 = arith.constant 112 : i32
    %add3A_24 = arith.addi %mul3A_8, %add3A_23 : i32
    "tpu.region"() ({
      %run_scoped3A_308 = tpu.sem_alloc : memref<!tpu.dma_semaphore, #tpu.memory_space<semaphore_mem>>
      %dma_start3A_309 = arith.constant 0 : i32
      %dma_start3A_310 = tpu.memref_slice %arg7[%add3A_24, %dma_start3A_309] : memref<10112x144xf32, #tpu.memory_space<vmem_shared>> -> memref<16x144xf32, #tpu.memory_space<vmem_shared>>
      %dma_start3A_311 = arith.constant 0 : i32
      %dma_start3A_312 = tpu.memref_slice %arg7[%add3A_24, %dma_start3A_311] : memref<10112x144xf32, #tpu.memory_space<vmem_shared>> -> memref<16x144xf32, #tpu.memory_space<vmem_shared>>
      tpu.enqueue_dma source(%arg16 : memref<16x144xf32, #tpu.memory_space<vmem>>) target(%dma_start3A_312 : memref<16x144xf32, #tpu.memory_space<vmem_shared>>) target_semaphore(%run_scoped3A_308 : memref<!tpu.dma_semaphore, #tpu.memory_space<semaphore_mem>>)
      %dma_wait3A_313 = arith.constant 0 : i32
      %dma_wait3A_314 = tpu.memref_slice %arg7[%add3A_24, %dma_wait3A_313] : memref<10112x144xf32, #tpu.memory_space<vmem_shared>> -> memref<16x144xf32, #tpu.memory_space<vmem_shared>>
      %dma_wait3A_315 = arith.constant 0 : i32
      %dma_wait3A_316 = tpu.memref_slice %arg7[%add3A_24, %dma_wait3A_315] : memref<10112x144xf32, #tpu.memory_space<vmem_shared>> -> memref<16x144xf32, #tpu.memory_space<vmem_shared>>
      tpu.wait_dma2 semaphore(%run_scoped3A_308 : memref<!tpu.dma_semaphore, #tpu.memory_space<semaphore_mem>>) src(%arg16 : memref<16x144xf32, #tpu.memory_space<vmem>>) dst(%dma_wait3A_316 : memref<16x144xf32, #tpu.memory_space<vmem_shared>>)
      tpu.yield
    }) : () -> ()
    %add3A_25 = arith.constant 128 : i32
    %add3A_26 = arith.addi %mul3A_8, %add3A_25 : i32
    "tpu.region"() ({
      %run_scoped3A_308 = tpu.sem_alloc : memref<!tpu.dma_semaphore, #tpu.memory_space<semaphore_mem>>
      %dma_start3A_309 = arith.constant 0 : i32
      %dma_start3A_310 = tpu.memref_slice %arg7[%add3A_26, %dma_start3A_309] : memref<10112x144xf32, #tpu.memory_space<vmem_shared>> -> memref<16x144xf32, #tpu.memory_space<vmem_shared>>
      %dma_start3A_311 = arith.constant 0 : i32
      %dma_start3A_312 = tpu.memref_slice %arg7[%add3A_26, %dma_start3A_311] : memref<10112x144xf32, #tpu.memory_space<vmem_shared>> -> memref<16x144xf32, #tpu.memory_space<vmem_shared>>
      tpu.enqueue_dma source(%arg16 : memref<16x144xf32, #tpu.memory_space<vmem>>) target(%dma_start3A_312 : memref<16x144xf32, #tpu.memory_space<vmem_shared>>) target_semaphore(%run_scoped3A_308 : memref<!tpu.dma_semaphore, #tpu.memory_space<semaphore_mem>>)
      %dma_wait3A_313 = arith.constant 0 : i32
      %dma_wait3A_314 = tpu.memref_slice %arg7[%add3A_26, %dma_wait3A_313] : memref<10112x144xf32, #tpu.memory_space<vmem_shared>> -> memref<16x144xf32, #tpu.memory_space<vmem_shared>>
      %dma_wait3A_315 = arith.constant 0 : i32
      %dma_wait3A_316 = tpu.memref_slice %arg7[%add3A_26, %dma_wait3A_315] : memref<10112x144xf32, #tpu.memory_space<vmem_shared>> -> memref<16x144xf32, #tpu.memory_space<vmem_shared>>
      tpu.wait_dma2 semaphore(%run_scoped3A_308 : memref<!tpu.dma_semaphore, #tpu.memory_space<semaphore_mem>>) src(%arg16 : memref<16x144xf32, #tpu.memory_space<vmem>>) dst(%dma_wait3A_316 : memref<16x144xf32, #tpu.memory_space<vmem_shared>>)
      tpu.yield
    }) : () -> ()
    %add3A_27 = arith.constant 144 : i32
    %add3A_28 = arith.addi %mul3A_8, %add3A_27 : i32
    "tpu.region"() ({
      %run_scoped3A_308 = tpu.sem_alloc : memref<!tpu.dma_semaphore, #tpu.memory_space<semaphore_mem>>
      %dma_start3A_309 = arith.constant 0 : i32
      %dma_start3A_310 = tpu.memref_slice %arg7[%add3A_28, %dma_start3A_309] : memref<10112x144xf32, #tpu.memory_space<vmem_shared>> -> memref<16x144xf32, #tpu.memory_space<vmem_shared>>
      %dma_start3A_311 = arith.constant 0 : i32
      %dma_start3A_312 = tpu.memref_slice %arg7[%add3A_28, %dma_start3A_311] : memref<10112x144xf32, #tpu.memory_space<vmem_shared>> -> memref<16x144xf32, #tpu.memory_space<vmem_shared>>
      tpu.enqueue_dma source(%arg16 : memref<16x144xf32, #tpu.memory_space<vmem>>) target(%dma_start3A_312 : memref<16x144xf32, #tpu.memory_space<vmem_shared>>) target_semaphore(%run_scoped3A_308 : memref<!tpu.dma_semaphore, #tpu.memory_space<semaphore_mem>>)
      %dma_wait3A_313 = arith.constant 0 : i32
      %dma_wait3A_314 = tpu.memref_slice %arg7[%add3A_28, %dma_wait3A_313] : memref<10112x144xf32, #tpu.memory_space<vmem_shared>> -> memref<16x144xf32, #tpu.memory_space<vmem_shared>>
      %dma_wait3A_315 = arith.constant 0 : i32
      %dma_wait3A_316 = tpu.memref_slice %arg7[%add3A_28, %dma_wait3A_315] : memref<10112x144xf32, #tpu.memory_space<vmem_shared>> -> memref<16x144xf32, #tpu.memory_space<vmem_shared>>
      tpu.wait_dma2 semaphore(%run_scoped3A_308 : memref<!tpu.dma_semaphore, #tpu.memory_space<semaphore_mem>>) src(%arg16 : memref<16x144xf32, #tpu.memory_space<vmem>>) dst(%dma_wait3A_316 : memref<16x144xf32, #tpu.memory_space<vmem_shared>>)
      tpu.yield
    }) : () -> ()
    %add3A_29 = arith.constant 160 : i32
    %add3A_30 = arith.addi %mul3A_8, %add3A_29 : i32
    "tpu.region"() ({
      %run_scoped3A_308 = tpu.sem_alloc : memref<!tpu.dma_semaphore, #tpu.memory_space<semaphore_mem>>
      %dma_start3A_309 = arith.constant 0 : i32
      %dma_start3A_310 = tpu.memref_slice %arg7[%add3A_30, %dma_start3A_309] : memref<10112x144xf32, #tpu.memory_space<vmem_shared>> -> memref<16x144xf32, #tpu.memory_space<vmem_shared>>
      %dma_start3A_311 = arith.constant 0 : i32
      %dma_start3A_312 = tpu.memref_slice %arg7[%add3A_30, %dma_start3A_311] : memref<10112x144xf32, #tpu.memory_space<vmem_shared>> -> memref<16x144xf32, #tpu.memory_space<vmem_shared>>
      tpu.enqueue_dma source(%arg16 : memref<16x144xf32, #tpu.memory_space<vmem>>) target(%dma_start3A_312 : memref<16x144xf32, #tpu.memory_space<vmem_shared>>) target_semaphore(%run_scoped3A_308 : memref<!tpu.dma_semaphore, #tpu.memory_space<semaphore_mem>>)
      %dma_wait3A_313 = arith.constant 0 : i32
      %dma_wait3A_314 = tpu.memref_slice %arg7[%add3A_30, %dma_wait3A_313] : memref<10112x144xf32, #tpu.memory_space<vmem_shared>> -> memref<16x144xf32, #tpu.memory_space<vmem_shared>>
      %dma_wait3A_315 = arith.constant 0 : i32
      %dma_wait3A_316 = tpu.memref_slice %arg7[%add3A_30, %dma_wait3A_315] : memref<10112x144xf32, #tpu.memory_space<vmem_shared>> -> memref<16x144xf32, #tpu.memory_space<vmem_shared>>
      tpu.wait_dma2 semaphore(%run_scoped3A_308 : memref<!tpu.dma_semaphore, #tpu.memory_space<semaphore_mem>>) src(%arg16 : memref<16x144xf32, #tpu.memory_space<vmem>>) dst(%dma_wait3A_316 : memref<16x144xf32, #tpu.memory_space<vmem_shared>>)
      tpu.yield
    }) : () -> ()
    %add3A_31 = arith.constant 176 : i32
    %add3A_32 = arith.addi %mul3A_8, %add3A_31 : i32
    "tpu.region"() ({
      %run_scoped3A_308 = tpu.sem_alloc : memref<!tpu.dma_semaphore, #tpu.memory_space<semaphore_mem>>
      %dma_start3A_309 = arith.constant 0 : i32
      %dma_start3A_310 = tpu.memref_slice %arg7[%add3A_32, %dma_start3A_309] : memref<10112x144xf32, #tpu.memory_space<vmem_shared>> -> memref<16x144xf32, #tpu.memory_space<vmem_shared>>
      %dma_start3A_311 = arith.constant 0 : i32
      %dma_start3A_312 = tpu.memref_slice %arg7[%add3A_32, %dma_start3A_311] : memref<10112x144xf32, #tpu.memory_space<vmem_shared>> -> memref<16x144xf32, #tpu.memory_space<vmem_shared>>
      tpu.enqueue_dma source(%arg16 : memref<16x144xf32, #tpu.memory_space<vmem>>) target(%dma_start3A_312 : memref<16x144xf32, #tpu.memory_space<vmem_shared>>) target_semaphore(%run_scoped3A_308 : memref<!tpu.dma_semaphore, #tpu.memory_space<semaphore_mem>>)
      %dma_wait3A_313 = arith.constant 0 : i32
      %dma_wait3A_314 = tpu.memref_slice %arg7[%add3A_32, %dma_wait3A_313] : memref<10112x144xf32, #tpu.memory_space<vmem_shared>> -> memref<16x144xf32, #tpu.memory_space<vmem_shared>>
      %dma_wait3A_315 = arith.constant 0 : i32
      %dma_wait3A_316 = tpu.memref_slice %arg7[%add3A_32, %dma_wait3A_315] : memref<10112x144xf32, #tpu.memory_space<vmem_shared>> -> memref<16x144xf32, #tpu.memory_space<vmem_shared>>
      tpu.wait_dma2 semaphore(%run_scoped3A_308 : memref<!tpu.dma_semaphore, #tpu.memory_space<semaphore_mem>>) src(%arg16 : memref<16x144xf32, #tpu.memory_space<vmem>>) dst(%dma_wait3A_316 : memref<16x144xf32, #tpu.memory_space<vmem_shared>>)
      tpu.yield
    }) : () -> ()
    %add3A_33 = arith.constant 192 : i32
    %add3A_34 = arith.addi %mul3A_8, %add3A_33 : i32
    "tpu.region"() ({
      %run_scoped3A_308 = tpu.sem_alloc : memref<!tpu.dma_semaphore, #tpu.memory_space<semaphore_mem>>
      %dma_start3A_309 = arith.constant 0 : i32
      %dma_start3A_310 = tpu.memref_slice %arg7[%add3A_34, %dma_start3A_309] : memref<10112x144xf32, #tpu.memory_space<vmem_shared>> -> memref<16x144xf32, #tpu.memory_space<vmem_shared>>
      %dma_start3A_311 = arith.constant 0 : i32
      %dma_start3A_312 = tpu.memref_slice %arg7[%add3A_34, %dma_start3A_311] : memref<10112x144xf32, #tpu.memory_space<vmem_shared>> -> memref<16x144xf32, #tpu.memory_space<vmem_shared>>
      tpu.enqueue_dma source(%arg16 : memref<16x144xf32, #tpu.memory_space<vmem>>) target(%dma_start3A_312 : memref<16x144xf32, #tpu.memory_space<vmem_shared>>) target_semaphore(%run_scoped3A_308 : memref<!tpu.dma_semaphore, #tpu.memory_space<semaphore_mem>>)
      %dma_wait3A_313 = arith.constant 0 : i32
      %dma_wait3A_314 = tpu.memref_slice %arg7[%add3A_34, %dma_wait3A_313] : memref<10112x144xf32, #tpu.memory_space<vmem_shared>> -> memref<16x144xf32, #tpu.memory_space<vmem_shared>>
      %dma_wait3A_315 = arith.constant 0 : i32
      %dma_wait3A_316 = tpu.memref_slice %arg7[%add3A_34, %dma_wait3A_315] : memref<10112x144xf32, #tpu.memory_space<vmem_shared>> -> memref<16x144xf32, #tpu.memory_space<vmem_shared>>
      tpu.wait_dma2 semaphore(%run_scoped3A_308 : memref<!tpu.dma_semaphore, #tpu.memory_space<semaphore_mem>>) src(%arg16 : memref<16x144xf32, #tpu.memory_space<vmem>>) dst(%dma_wait3A_316 : memref<16x144xf32, #tpu.memory_space<vmem_shared>>)
      tpu.yield
    }) : () -> ()
    %add3A_35 = arith.constant 208 : i32
    %add3A_36 = arith.addi %mul3A_8, %add3A_35 : i32
    "tpu.region"() ({
      %run_scoped3A_308 = tpu.sem_alloc : memref<!tpu.dma_semaphore, #tpu.memory_space<semaphore_mem>>
      %dma_start3A_309 = arith.constant 0 : i32
      %dma_start3A_310 = tpu.memref_slice %arg7[%add3A_36, %dma_start3A_309] : memref<10112x144xf32, #tpu.memory_space<vmem_shared>> -> memref<16x144xf32, #tpu.memory_space<vmem_shared>>
      %dma_start3A_311 = arith.constant 0 : i32
      %dma_start3A_312 = tpu.memref_slice %arg7[%add3A_36, %dma_start3A_311] : memref<10112x144xf32, #tpu.memory_space<vmem_shared>> -> memref<16x144xf32, #tpu.memory_space<vmem_shared>>
      tpu.enqueue_dma source(%arg16 : memref<16x144xf32, #tpu.memory_space<vmem>>) target(%dma_start3A_312 : memref<16x144xf32, #tpu.memory_space<vmem_shared>>) target_semaphore(%run_scoped3A_308 : memref<!tpu.dma_semaphore, #tpu.memory_space<semaphore_mem>>)
      %dma_wait3A_313 = arith.constant 0 : i32
      %dma_wait3A_314 = tpu.memref_slice %arg7[%add3A_36, %dma_wait3A_313] : memref<10112x144xf32, #tpu.memory_space<vmem_shared>> -> memref<16x144xf32, #tpu.memory_space<vmem_shared>>
      %dma_wait3A_315 = arith.constant 0 : i32
      %dma_wait3A_316 = tpu.memref_slice %arg7[%add3A_36, %dma_wait3A_315] : memref<10112x144xf32, #tpu.memory_space<vmem_shared>> -> memref<16x144xf32, #tpu.memory_space<vmem_shared>>
      tpu.wait_dma2 semaphore(%run_scoped3A_308 : memref<!tpu.dma_semaphore, #tpu.memory_space<semaphore_mem>>) src(%arg16 : memref<16x144xf32, #tpu.memory_space<vmem>>) dst(%dma_wait3A_316 : memref<16x144xf32, #tpu.memory_space<vmem_shared>>)
      tpu.yield
    }) : () -> ()
    %add3A_37 = arith.constant 224 : i32
    %add3A_38 = arith.addi %mul3A_8, %add3A_37 : i32
    "tpu.region"() ({
      %run_scoped3A_308 = tpu.sem_alloc : memref<!tpu.dma_semaphore, #tpu.memory_space<semaphore_mem>>
      %dma_start3A_309 = arith.constant 0 : i32
      %dma_start3A_310 = tpu.memref_slice %arg7[%add3A_38, %dma_start3A_309] : memref<10112x144xf32, #tpu.memory_space<vmem_shared>> -> memref<16x144xf32, #tpu.memory_space<vmem_shared>>
      %dma_start3A_311 = arith.constant 0 : i32
      %dma_start3A_312 = tpu.memref_slice %arg7[%add3A_38, %dma_start3A_311] : memref<10112x144xf32, #tpu.memory_space<vmem_shared>> -> memref<16x144xf32, #tpu.memory_space<vmem_shared>>
      tpu.enqueue_dma source(%arg16 : memref<16x144xf32, #tpu.memory_space<vmem>>) target(%dma_start3A_312 : memref<16x144xf32, #tpu.memory_space<vmem_shared>>) target_semaphore(%run_scoped3A_308 : memref<!tpu.dma_semaphore, #tpu.memory_space<semaphore_mem>>)
      %dma_wait3A_313 = arith.constant 0 : i32
      %dma_wait3A_314 = tpu.memref_slice %arg7[%add3A_38, %dma_wait3A_313] : memref<10112x144xf32, #tpu.memory_space<vmem_shared>> -> memref<16x144xf32, #tpu.memory_space<vmem_shared>>
      %dma_wait3A_315 = arith.constant 0 : i32
      %dma_wait3A_316 = tpu.memref_slice %arg7[%add3A_38, %dma_wait3A_315] : memref<10112x144xf32, #tpu.memory_space<vmem_shared>> -> memref<16x144xf32, #tpu.memory_space<vmem_shared>>
      tpu.wait_dma2 semaphore(%run_scoped3A_308 : memref<!tpu.dma_semaphore, #tpu.memory_space<semaphore_mem>>) src(%arg16 : memref<16x144xf32, #tpu.memory_space<vmem>>) dst(%dma_wait3A_316 : memref<16x144xf32, #tpu.memory_space<vmem_shared>>)
      tpu.yield
    }) : () -> ()
    %add3A_39 = arith.constant 240 : i32
    %add3A_40 = arith.addi %mul3A_8, %add3A_39 : i32
    "tpu.region"() ({
      %run_scoped3A_308 = tpu.sem_alloc : memref<!tpu.dma_semaphore, #tpu.memory_space<semaphore_mem>>
      %dma_start3A_309 = arith.constant 0 : i32
      %dma_start3A_310 = tpu.memref_slice %arg7[%add3A_40, %dma_start3A_309] : memref<10112x144xf32, #tpu.memory_space<vmem_shared>> -> memref<16x144xf32, #tpu.memory_space<vmem_shared>>
      %dma_start3A_311 = arith.constant 0 : i32
      %dma_start3A_312 = tpu.memref_slice %arg7[%add3A_40, %dma_start3A_311] : memref<10112x144xf32, #tpu.memory_space<vmem_shared>> -> memref<16x144xf32, #tpu.memory_space<vmem_shared>>
      tpu.enqueue_dma source(%arg16 : memref<16x144xf32, #tpu.memory_space<vmem>>) target(%dma_start3A_312 : memref<16x144xf32, #tpu.memory_space<vmem_shared>>) target_semaphore(%run_scoped3A_308 : memref<!tpu.dma_semaphore, #tpu.memory_space<semaphore_mem>>)
      %dma_wait3A_313 = arith.constant 0 : i32
      %dma_wait3A_314 = tpu.memref_slice %arg7[%add3A_40, %dma_wait3A_313] : memref<10112x144xf32, #tpu.memory_space<vmem_shared>> -> memref<16x144xf32, #tpu.memory_space<vmem_shared>>
      %dma_wait3A_315 = arith.constant 0 : i32
      %dma_wait3A_316 = tpu.memref_slice %arg7[%add3A_40, %dma_wait3A_315] : memref<10112x144xf32, #tpu.memory_space<vmem_shared>> -> memref<16x144xf32, #tpu.memory_space<vmem_shared>>
      tpu.wait_dma2 semaphore(%run_scoped3A_308 : memref<!tpu.dma_semaphore, #tpu.memory_space<semaphore_mem>>) src(%arg16 : memref<16x144xf32, #tpu.memory_space<vmem>>) dst(%dma_wait3A_316 : memref<16x144xf32, #tpu.memory_space<vmem_shared>>)
      tpu.yield
    }) : () -> ()
    %add3A_41 = arith.constant 256 : i32
    %add3A_42 = arith.addi %mul3A_8, %add3A_41 : i32
    "tpu.region"() ({
      %run_scoped3A_308 = tpu.sem_alloc : memref<!tpu.dma_semaphore, #tpu.memory_space<semaphore_mem>>
      %dma_start3A_309 = arith.constant 0 : i32
      %dma_start3A_310 = tpu.memref_slice %arg7[%add3A_42, %dma_start3A_309] : memref<10112x144xf32, #tpu.memory_space<vmem_shared>> -> memref<16x144xf32, #tpu.memory_space<vmem_shared>>
      %dma_start3A_311 = arith.constant 0 : i32
      %dma_start3A_312 = tpu.memref_slice %arg7[%add3A_42, %dma_start3A_311] : memref<10112x144xf32, #tpu.memory_space<vmem_shared>> -> memref<16x144xf32, #tpu.memory_space<vmem_shared>>
      tpu.enqueue_dma source(%arg16 : memref<16x144xf32, #tpu.memory_space<vmem>>) target(%dma_start3A_312 : memref<16x144xf32, #tpu.memory_space<vmem_shared>>) target_semaphore(%run_scoped3A_308 : memref<!tpu.dma_semaphore, #tpu.memory_space<semaphore_mem>>)
      %dma_wait3A_313 = arith.constant 0 : i32
      %dma_wait3A_314 = tpu.memref_slice %arg7[%add3A_42, %dma_wait3A_313] : memref<10112x144xf32, #tpu.memory_space<vmem_shared>> -> memref<16x144xf32, #tpu.memory_space<vmem_shared>>
      %dma_wait3A_315 = arith.constant 0 : i32
      %dma_wait3A_316 = tpu.memref_slice %arg7[%add3A_42, %dma_wait3A_315] : memref<10112x144xf32, #tpu.memory_space<vmem_shared>> -> memref<16x144xf32, #tpu.memory_space<vmem_shared>>
      tpu.wait_dma2 semaphore(%run_scoped3A_308 : memref<!tpu.dma_semaphore, #tpu.memory_space<semaphore_mem>>) src(%arg16 : memref<16x144xf32, #tpu.memory_space<vmem>>) dst(%dma_wait3A_316 : memref<16x144xf32, #tpu.memory_space<vmem_shared>>)
      tpu.yield
    }) : () -> ()
    %add3A_43 = arith.constant 272 : i32
    %add3A_44 = arith.addi %mul3A_8, %add3A_43 : i32
    "tpu.region"() ({
      %run_scoped3A_308 = tpu.sem_alloc : memref<!tpu.dma_semaphore, #tpu.memory_space<semaphore_mem>>
      %dma_start3A_309 = arith.constant 0 : i32
      %dma_start3A_310 = tpu.memref_slice %arg7[%add3A_44, %dma_start3A_309] : memref<10112x144xf32, #tpu.memory_space<vmem_shared>> -> memref<16x144xf32, #tpu.memory_space<vmem_shared>>
      %dma_start3A_311 = arith.constant 0 : i32
      %dma_start3A_312 = tpu.memref_slice %arg7[%add3A_44, %dma_start3A_311] : memref<10112x144xf32, #tpu.memory_space<vmem_shared>> -> memref<16x144xf32, #tpu.memory_space<vmem_shared>>
      tpu.enqueue_dma source(%arg16 : memref<16x144xf32, #tpu.memory_space<vmem>>) target(%dma_start3A_312 : memref<16x144xf32, #tpu.memory_space<vmem_shared>>) target_semaphore(%run_scoped3A_308 : memref<!tpu.dma_semaphore, #tpu.memory_space<semaphore_mem>>)
      %dma_wait3A_313 = arith.constant 0 : i32
      %dma_wait3A_314 = tpu.memref_slice %arg7[%add3A_44, %dma_wait3A_313] : memref<10112x144xf32, #tpu.memory_space<vmem_shared>> -> memref<16x144xf32, #tpu.memory_space<vmem_shared>>
      %dma_wait3A_315 = arith.constant 0 : i32
      %dma_wait3A_316 = tpu.memref_slice %arg7[%add3A_44, %dma_wait3A_315] : memref<10112x144xf32, #tpu.memory_space<vmem_shared>> -> memref<16x144xf32, #tpu.memory_space<vmem_shared>>
      tpu.wait_dma2 semaphore(%run_scoped3A_308 : memref<!tpu.dma_semaphore, #tpu.memory_space<semaphore_mem>>) src(%arg16 : memref<16x144xf32, #tpu.memory_space<vmem>>) dst(%dma_wait3A_316 : memref<16x144xf32, #tpu.memory_space<vmem_shared>>)
      tpu.yield
    }) : () -> ()
    %add3A_45 = arith.constant 288 : i32
    %add3A_46 = arith.addi %mul3A_8, %add3A_45 : i32
    "tpu.region"() ({
      %run_scoped3A_308 = tpu.sem_alloc : memref<!tpu.dma_semaphore, #tpu.memory_space<semaphore_mem>>
      %dma_start3A_309 = arith.constant 0 : i32
      %dma_start3A_310 = tpu.memref_slice %arg7[%add3A_46, %dma_start3A_309] : memref<10112x144xf32, #tpu.memory_space<vmem_shared>> -> memref<16x144xf32, #tpu.memory_space<vmem_shared>>
      %dma_start3A_311 = arith.constant 0 : i32
      %dma_start3A_312 = tpu.memref_slice %arg7[%add3A_46, %dma_start3A_311] : memref<10112x144xf32, #tpu.memory_space<vmem_shared>> -> memref<16x144xf32, #tpu.memory_space<vmem_shared>>
      tpu.enqueue_dma source(%arg16 : memref<16x144xf32, #tpu.memory_space<vmem>>) target(%dma_start3A_312 : memref<16x144xf32, #tpu.memory_space<vmem_shared>>) target_semaphore(%run_scoped3A_308 : memref<!tpu.dma_semaphore, #tpu.memory_space<semaphore_mem>>)
      %dma_wait3A_313 = arith.constant 0 : i32
      %dma_wait3A_314 = tpu.memref_slice %arg7[%add3A_46, %dma_wait3A_313] : memref<10112x144xf32, #tpu.memory_space<vmem_shared>> -> memref<16x144xf32, #tpu.memory_space<vmem_shared>>
      %dma_wait3A_315 = arith.constant 0 : i32
      %dma_wait3A_316 = tpu.memref_slice %arg7[%add3A_46, %dma_wait3A_315] : memref<10112x144xf32, #tpu.memory_space<vmem_shared>> -> memref<16x144xf32, #tpu.memory_space<vmem_shared>>
      tpu.wait_dma2 semaphore(%run_scoped3A_308 : memref<!tpu.dma_semaphore, #tpu.memory_space<semaphore_mem>>) src(%arg16 : memref<16x144xf32, #tpu.memory_space<vmem>>) dst(%dma_wait3A_316 : memref<16x144xf32, #tpu.memory_space<vmem_shared>>)
      tpu.yield
    }) : () -> ()
    %add3A_47 = arith.constant 304 : i32
    %add3A_48 = arith.addi %mul3A_8, %add3A_47 : i32
    "tpu.region"() ({
      %run_scoped3A_308 = tpu.sem_alloc : memref<!tpu.dma_semaphore, #tpu.memory_space<semaphore_mem>>
      %dma_start3A_309 = arith.constant 0 : i32
      %dma_start3A_310 = tpu.memref_slice %arg7[%add3A_48, %dma_start3A_309] : memref<10112x144xf32, #tpu.memory_space<vmem_shared>> -> memref<16x144xf32, #tpu.memory_space<vmem_shared>>
      %dma_start3A_311 = arith.constant 0 : i32
      %dma_start3A_312 = tpu.memref_slice %arg7[%add3A_48, %dma_start3A_311] : memref<10112x144xf32, #tpu.memory_space<vmem_shared>> -> memref<16x144xf32, #tpu.memory_space<vmem_shared>>
      tpu.enqueue_dma source(%arg16 : memref<16x144xf32, #tpu.memory_space<vmem>>) target(%dma_start3A_312 : memref<16x144xf32, #tpu.memory_space<vmem_shared>>) target_semaphore(%run_scoped3A_308 : memref<!tpu.dma_semaphore, #tpu.memory_space<semaphore_mem>>)
      %dma_wait3A_313 = arith.constant 0 : i32
      %dma_wait3A_314 = tpu.memref_slice %arg7[%add3A_48, %dma_wait3A_313] : memref<10112x144xf32, #tpu.memory_space<vmem_shared>> -> memref<16x144xf32, #tpu.memory_space<vmem_shared>>
      %dma_wait3A_315 = arith.constant 0 : i32
      %dma_wait3A_316 = tpu.memref_slice %arg7[%add3A_48, %dma_wait3A_315] : memref<10112x144xf32, #tpu.memory_space<vmem_shared>> -> memref<16x144xf32, #tpu.memory_space<vmem_shared>>
      tpu.wait_dma2 semaphore(%run_scoped3A_308 : memref<!tpu.dma_semaphore, #tpu.memory_space<semaphore_mem>>) src(%arg16 : memref<16x144xf32, #tpu.memory_space<vmem>>) dst(%dma_wait3A_316 : memref<16x144xf32, #tpu.memory_space<vmem_shared>>)
      tpu.yield
    }) : () -> ()
    %add3A_49 = arith.constant 320 : i32
    %add3A_50 = arith.addi %mul3A_8, %add3A_49 : i32
    "tpu.region"() ({
      %run_scoped3A_308 = tpu.sem_alloc : memref<!tpu.dma_semaphore, #tpu.memory_space<semaphore_mem>>
      %dma_start3A_309 = arith.constant 0 : i32
      %dma_start3A_310 = tpu.memref_slice %arg7[%add3A_50, %dma_start3A_309] : memref<10112x144xf32, #tpu.memory_space<vmem_shared>> -> memref<16x144xf32, #tpu.memory_space<vmem_shared>>
      %dma_start3A_311 = arith.constant 0 : i32
      %dma_start3A_312 = tpu.memref_slice %arg7[%add3A_50, %dma_start3A_311] : memref<10112x144xf32, #tpu.memory_space<vmem_shared>> -> memref<16x144xf32, #tpu.memory_space<vmem_shared>>
      tpu.enqueue_dma source(%arg16 : memref<16x144xf32, #tpu.memory_space<vmem>>) target(%dma_start3A_312 : memref<16x144xf32, #tpu.memory_space<vmem_shared>>) target_semaphore(%run_scoped3A_308 : memref<!tpu.dma_semaphore, #tpu.memory_space<semaphore_mem>>)
      %dma_wait3A_313 = arith.constant 0 : i32
      %dma_wait3A_314 = tpu.memref_slice %arg7[%add3A_50, %dma_wait3A_313] : memref<10112x144xf32, #tpu.memory_space<vmem_shared>> -> memref<16x144xf32, #tpu.memory_space<vmem_shared>>
      %dma_wait3A_315 = arith.constant 0 : i32
      %dma_wait3A_316 = tpu.memref_slice %arg7[%add3A_50, %dma_wait3A_315] : memref<10112x144xf32, #tpu.memory_space<vmem_shared>> -> memref<16x144xf32, #tpu.memory_space<vmem_shared>>
      tpu.wait_dma2 semaphore(%run_scoped3A_308 : memref<!tpu.dma_semaphore, #tpu.memory_space<semaphore_mem>>) src(%arg16 : memref<16x144xf32, #tpu.memory_space<vmem>>) dst(%dma_wait3A_316 : memref<16x144xf32, #tpu.memory_space<vmem_shared>>)
      tpu.yield
    }) : () -> ()
    %add3A_51 = arith.constant 336 : i32
    %add3A_52 = arith.addi %mul3A_8, %add3A_51 : i32
    "tpu.region"() ({
      %run_scoped3A_308 = tpu.sem_alloc : memref<!tpu.dma_semaphore, #tpu.memory_space<semaphore_mem>>
      %dma_start3A_309 = arith.constant 0 : i32
      %dma_start3A_310 = tpu.memref_slice %arg7[%add3A_52, %dma_start3A_309] : memref<10112x144xf32, #tpu.memory_space<vmem_shared>> -> memref<16x144xf32, #tpu.memory_space<vmem_shared>>
      %dma_start3A_311 = arith.constant 0 : i32
      %dma_start3A_312 = tpu.memref_slice %arg7[%add3A_52, %dma_start3A_311] : memref<10112x144xf32, #tpu.memory_space<vmem_shared>> -> memref<16x144xf32, #tpu.memory_space<vmem_shared>>
      tpu.enqueue_dma source(%arg16 : memref<16x144xf32, #tpu.memory_space<vmem>>) target(%dma_start3A_312 : memref<16x144xf32, #tpu.memory_space<vmem_shared>>) target_semaphore(%run_scoped3A_308 : memref<!tpu.dma_semaphore, #tpu.memory_space<semaphore_mem>>)
      %dma_wait3A_313 = arith.constant 0 : i32
      %dma_wait3A_314 = tpu.memref_slice %arg7[%add3A_52, %dma_wait3A_313] : memref<10112x144xf32, #tpu.memory_space<vmem_shared>> -> memref<16x144xf32, #tpu.memory_space<vmem_shared>>
      %dma_wait3A_315 = arith.constant 0 : i32
      %dma_wait3A_316 = tpu.memref_slice %arg7[%add3A_52, %dma_wait3A_315] : memref<10112x144xf32, #tpu.memory_space<vmem_shared>> -> memref<16x144xf32, #tpu.memory_space<vmem_shared>>
      tpu.wait_dma2 semaphore(%run_scoped3A_308 : memref<!tpu.dma_semaphore, #tpu.memory_space<semaphore_mem>>) src(%arg16 : memref<16x144xf32, #tpu.memory_space<vmem>>) dst(%dma_wait3A_316 : memref<16x144xf32, #tpu.memory_space<vmem_shared>>)
      tpu.yield
    }) : () -> ()
    %add3A_53 = arith.constant 352 : i32
    %add3A_54 = arith.addi %mul3A_8, %add3A_53 : i32
    "tpu.region"() ({
      %run_scoped3A_308 = tpu.sem_alloc : memref<!tpu.dma_semaphore, #tpu.memory_space<semaphore_mem>>
      %dma_start3A_309 = arith.constant 0 : i32
      %dma_start3A_310 = tpu.memref_slice %arg7[%add3A_54, %dma_start3A_309] : memref<10112x144xf32, #tpu.memory_space<vmem_shared>> -> memref<16x144xf32, #tpu.memory_space<vmem_shared>>
      %dma_start3A_311 = arith.constant 0 : i32
      %dma_start3A_312 = tpu.memref_slice %arg7[%add3A_54, %dma_start3A_311] : memref<10112x144xf32, #tpu.memory_space<vmem_shared>> -> memref<16x144xf32, #tpu.memory_space<vmem_shared>>
      tpu.enqueue_dma source(%arg16 : memref<16x144xf32, #tpu.memory_space<vmem>>) target(%dma_start3A_312 : memref<16x144xf32, #tpu.memory_space<vmem_shared>>) target_semaphore(%run_scoped3A_308 : memref<!tpu.dma_semaphore, #tpu.memory_space<semaphore_mem>>)
      %dma_wait3A_313 = arith.constant 0 : i32
      %dma_wait3A_314 = tpu.memref_slice %arg7[%add3A_54, %dma_wait3A_313] : memref<10112x144xf32, #tpu.memory_space<vmem_shared>> -> memref<16x144xf32, #tpu.memory_space<vmem_shared>>
      %dma_wait3A_315 = arith.constant 0 : i32
      %dma_wait3A_316 = tpu.memref_slice %arg7[%add3A_54, %dma_wait3A_315] : memref<10112x144xf32, #tpu.memory_space<vmem_shared>> -> memref<16x144xf32, #tpu.memory_space<vmem_shared>>
      tpu.wait_dma2 semaphore(%run_scoped3A_308 : memref<!tpu.dma_semaphore, #tpu.memory_space<semaphore_mem>>) src(%arg16 : memref<16x144xf32, #tpu.memory_space<vmem>>) dst(%dma_wait3A_316 : memref<16x144xf32, #tpu.memory_space<vmem_shared>>)
      tpu.yield
    }) : () -> ()
    %add3A_55 = arith.constant 368 : i32
    %add3A_56 = arith.addi %mul3A_8, %add3A_55 : i32
    "tpu.region"() ({
      %run_scoped3A_308 = tpu.sem_alloc : memref<!tpu.dma_semaphore, #tpu.memory_space<semaphore_mem>>
      %dma_start3A_309 = arith.constant 0 : i32
      %dma_start3A_310 = tpu.memref_slice %arg7[%add3A_56, %dma_start3A_309] : memref<10112x144xf32, #tpu.memory_space<vmem_shared>> -> memref<16x144xf32, #tpu.memory_space<vmem_shared>>
      %dma_start3A_311 = arith.constant 0 : i32
      %dma_start3A_312 = tpu.memref_slice %arg7[%add3A_56, %dma_start3A_311] : memref<10112x144xf32, #tpu.memory_space<vmem_shared>> -> memref<16x144xf32, #tpu.memory_space<vmem_shared>>
      tpu.enqueue_dma source(%arg16 : memref<16x144xf32, #tpu.memory_space<vmem>>) target(%dma_start3A_312 : memref<16x144xf32, #tpu.memory_space<vmem_shared>>) target_semaphore(%run_scoped3A_308 : memref<!tpu.dma_semaphore, #tpu.memory_space<semaphore_mem>>)
      %dma_wait3A_313 = arith.constant 0 : i32
      %dma_wait3A_314 = tpu.memref_slice %arg7[%add3A_56, %dma_wait3A_313] : memref<10112x144xf32, #tpu.memory_space<vmem_shared>> -> memref<16x144xf32, #tpu.memory_space<vmem_shared>>
      %dma_wait3A_315 = arith.constant 0 : i32
      %dma_wait3A_316 = tpu.memref_slice %arg7[%add3A_56, %dma_wait3A_315] : memref<10112x144xf32, #tpu.memory_space<vmem_shared>> -> memref<16x144xf32, #tpu.memory_space<vmem_shared>>
      tpu.wait_dma2 semaphore(%run_scoped3A_308 : memref<!tpu.dma_semaphore, #tpu.memory_space<semaphore_mem>>) src(%arg16 : memref<16x144xf32, #tpu.memory_space<vmem>>) dst(%dma_wait3A_316 : memref<16x144xf32, #tpu.memory_space<vmem_shared>>)
      tpu.yield
    }) : () -> ()
    %add3A_57 = arith.constant 384 : i32
    %add3A_58 = arith.addi %mul3A_8, %add3A_57 : i32
    "tpu.region"() ({
      %run_scoped3A_308 = tpu.sem_alloc : memref<!tpu.dma_semaphore, #tpu.memory_space<semaphore_mem>>
      %dma_start3A_309 = arith.constant 0 : i32
      %dma_start3A_310 = tpu.memref_slice %arg7[%add3A_58, %dma_start3A_309] : memref<10112x144xf32, #tpu.memory_space<vmem_shared>> -> memref<16x144xf32, #tpu.memory_space<vmem_shared>>
      %dma_start3A_311 = arith.constant 0 : i32
      %dma_start3A_312 = tpu.memref_slice %arg7[%add3A_58, %dma_start3A_311] : memref<10112x144xf32, #tpu.memory_space<vmem_shared>> -> memref<16x144xf32, #tpu.memory_space<vmem_shared>>
      tpu.enqueue_dma source(%arg16 : memref<16x144xf32, #tpu.memory_space<vmem>>) target(%dma_start3A_312 : memref<16x144xf32, #tpu.memory_space<vmem_shared>>) target_semaphore(%run_scoped3A_308 : memref<!tpu.dma_semaphore, #tpu.memory_space<semaphore_mem>>)
      %dma_wait3A_313 = arith.constant 0 : i32
      %dma_wait3A_314 = tpu.memref_slice %arg7[%add3A_58, %dma_wait3A_313] : memref<10112x144xf32, #tpu.memory_space<vmem_shared>> -> memref<16x144xf32, #tpu.memory_space<vmem_shared>>
      %dma_wait3A_315 = arith.constant 0 : i32
      %dma_wait3A_316 = tpu.memref_slice %arg7[%add3A_58, %dma_wait3A_315] : memref<10112x144xf32, #tpu.memory_space<vmem_shared>> -> memref<16x144xf32, #tpu.memory_space<vmem_shared>>
      tpu.wait_dma2 semaphore(%run_scoped3A_308 : memref<!tpu.dma_semaphore, #tpu.memory_space<semaphore_mem>>) src(%arg16 : memref<16x144xf32, #tpu.memory_space<vmem>>) dst(%dma_wait3A_316 : memref<16x144xf32, #tpu.memory_space<vmem_shared>>)
      tpu.yield
    }) : () -> ()
    %add3A_59 = arith.constant 400 : i32
    %add3A_60 = arith.addi %mul3A_8, %add3A_59 : i32
    "tpu.region"() ({
      %run_scoped3A_308 = tpu.sem_alloc : memref<!tpu.dma_semaphore, #tpu.memory_space<semaphore_mem>>
      %dma_start3A_309 = arith.constant 0 : i32
      %dma_start3A_310 = tpu.memref_slice %arg7[%add3A_60, %dma_start3A_309] : memref<10112x144xf32, #tpu.memory_space<vmem_shared>> -> memref<16x144xf32, #tpu.memory_space<vmem_shared>>
      %dma_start3A_311 = arith.constant 0 : i32
      %dma_start3A_312 = tpu.memref_slice %arg7[%add3A_60, %dma_start3A_311] : memref<10112x144xf32, #tpu.memory_space<vmem_shared>> -> memref<16x144xf32, #tpu.memory_space<vmem_shared>>
      tpu.enqueue_dma source(%arg16 : memref<16x144xf32, #tpu.memory_space<vmem>>) target(%dma_start3A_312 : memref<16x144xf32, #tpu.memory_space<vmem_shared>>) target_semaphore(%run_scoped3A_308 : memref<!tpu.dma_semaphore, #tpu.memory_space<semaphore_mem>>)
      %dma_wait3A_313 = arith.constant 0 : i32
      %dma_wait3A_314 = tpu.memref_slice %arg7[%add3A_60, %dma_wait3A_313] : memref<10112x144xf32, #tpu.memory_space<vmem_shared>> -> memref<16x144xf32, #tpu.memory_space<vmem_shared>>
      %dma_wait3A_315 = arith.constant 0 : i32
      %dma_wait3A_316 = tpu.memref_slice %arg7[%add3A_60, %dma_wait3A_315] : memref<10112x144xf32, #tpu.memory_space<vmem_shared>> -> memref<16x144xf32, #tpu.memory_space<vmem_shared>>
      tpu.wait_dma2 semaphore(%run_scoped3A_308 : memref<!tpu.dma_semaphore, #tpu.memory_space<semaphore_mem>>) src(%arg16 : memref<16x144xf32, #tpu.memory_space<vmem>>) dst(%dma_wait3A_316 : memref<16x144xf32, #tpu.memory_space<vmem_shared>>)
      tpu.yield
    }) : () -> ()
    %add3A_61 = arith.constant 416 : i32
    %add3A_62 = arith.addi %mul3A_8, %add3A_61 : i32
    "tpu.region"() ({
      %run_scoped3A_308 = tpu.sem_alloc : memref<!tpu.dma_semaphore, #tpu.memory_space<semaphore_mem>>
      %dma_start3A_309 = arith.constant 0 : i32
      %dma_start3A_310 = tpu.memref_slice %arg7[%add3A_62, %dma_start3A_309] : memref<10112x144xf32, #tpu.memory_space<vmem_shared>> -> memref<16x144xf32, #tpu.memory_space<vmem_shared>>
      %dma_start3A_311 = arith.constant 0 : i32
      %dma_start3A_312 = tpu.memref_slice %arg7[%add3A_62, %dma_start3A_311] : memref<10112x144xf32, #tpu.memory_space<vmem_shared>> -> memref<16x144xf32, #tpu.memory_space<vmem_shared>>
      tpu.enqueue_dma source(%arg16 : memref<16x144xf32, #tpu.memory_space<vmem>>) target(%dma_start3A_312 : memref<16x144xf32, #tpu.memory_space<vmem_shared>>) target_semaphore(%run_scoped3A_308 : memref<!tpu.dma_semaphore, #tpu.memory_space<semaphore_mem>>)
      %dma_wait3A_313 = arith.constant 0 : i32
      %dma_wait3A_314 = tpu.memref_slice %arg7[%add3A_62, %dma_wait3A_313] : memref<10112x144xf32, #tpu.memory_space<vmem_shared>> -> memref<16x144xf32, #tpu.memory_space<vmem_shared>>
      %dma_wait3A_315 = arith.constant 0 : i32
      %dma_wait3A_316 = tpu.memref_slice %arg7[%add3A_62, %dma_wait3A_315] : memref<10112x144xf32, #tpu.memory_space<vmem_shared>> -> memref<16x144xf32, #tpu.memory_space<vmem_shared>>
      tpu.wait_dma2 semaphore(%run_scoped3A_308 : memref<!tpu.dma_semaphore, #tpu.memory_space<semaphore_mem>>) src(%arg16 : memref<16x144xf32, #tpu.memory_space<vmem>>) dst(%dma_wait3A_316 : memref<16x144xf32, #tpu.memory_space<vmem_shared>>)
      tpu.yield
    }) : () -> ()
    %add3A_63 = arith.constant 432 : i32
    %add3A_64 = arith.addi %mul3A_8, %add3A_63 : i32
    "tpu.region"() ({
      %run_scoped3A_308 = tpu.sem_alloc : memref<!tpu.dma_semaphore, #tpu.memory_space<semaphore_mem>>
      %dma_start3A_309 = arith.constant 0 : i32
      %dma_start3A_310 = tpu.memref_slice %arg7[%add3A_64, %dma_start3A_309] : memref<10112x144xf32, #tpu.memory_space<vmem_shared>> -> memref<16x144xf32, #tpu.memory_space<vmem_shared>>
      %dma_start3A_311 = arith.constant 0 : i32
      %dma_start3A_312 = tpu.memref_slice %arg7[%add3A_64, %dma_start3A_311] : memref<10112x144xf32, #tpu.memory_space<vmem_shared>> -> memref<16x144xf32, #tpu.memory_space<vmem_shared>>
      tpu.enqueue_dma source(%arg16 : memref<16x144xf32, #tpu.memory_space<vmem>>) target(%dma_start3A_312 : memref<16x144xf32, #tpu.memory_space<vmem_shared>>) target_semaphore(%run_scoped3A_308 : memref<!tpu.dma_semaphore, #tpu.memory_space<semaphore_mem>>)
      %dma_wait3A_313 = arith.constant 0 : i32
      %dma_wait3A_314 = tpu.memref_slice %arg7[%add3A_64, %dma_wait3A_313] : memref<10112x144xf32, #tpu.memory_space<vmem_shared>> -> memref<16x144xf32, #tpu.memory_space<vmem_shared>>
      %dma_wait3A_315 = arith.constant 0 : i32
      %dma_wait3A_316 = tpu.memref_slice %arg7[%add3A_64, %dma_wait3A_315] : memref<10112x144xf32, #tpu.memory_space<vmem_shared>> -> memref<16x144xf32, #tpu.memory_space<vmem_shared>>
      tpu.wait_dma2 semaphore(%run_scoped3A_308 : memref<!tpu.dma_semaphore, #tpu.memory_space<semaphore_mem>>) src(%arg16 : memref<16x144xf32, #tpu.memory_space<vmem>>) dst(%dma_wait3A_316 : memref<16x144xf32, #tpu.memory_space<vmem_shared>>)
      tpu.yield
    }) : () -> ()
    %add3A_65 = arith.constant 448 : i32
    %add3A_66 = arith.addi %mul3A_8, %add3A_65 : i32
    "tpu.region"() ({
      %run_scoped3A_308 = tpu.sem_alloc : memref<!tpu.dma_semaphore, #tpu.memory_space<semaphore_mem>>
      %dma_start3A_309 = arith.constant 0 : i32
      %dma_start3A_310 = tpu.memref_slice %arg7[%add3A_66, %dma_start3A_309] : memref<10112x144xf32, #tpu.memory_space<vmem_shared>> -> memref<16x144xf32, #tpu.memory_space<vmem_shared>>
      %dma_start3A_311 = arith.constant 0 : i32
      %dma_start3A_312 = tpu.memref_slice %arg7[%add3A_66, %dma_start3A_311] : memref<10112x144xf32, #tpu.memory_space<vmem_shared>> -> memref<16x144xf32, #tpu.memory_space<vmem_shared>>
      tpu.enqueue_dma source(%arg16 : memref<16x144xf32, #tpu.memory_space<vmem>>) target(%dma_start3A_312 : memref<16x144xf32, #tpu.memory_space<vmem_shared>>) target_semaphore(%run_scoped3A_308 : memref<!tpu.dma_semaphore, #tpu.memory_space<semaphore_mem>>)
      %dma_wait3A_313 = arith.constant 0 : i32
      %dma_wait3A_314 = tpu.memref_slice %arg7[%add3A_66, %dma_wait3A_313] : memref<10112x144xf32, #tpu.memory_space<vmem_shared>> -> memref<16x144xf32, #tpu.memory_space<vmem_shared>>
      %dma_wait3A_315 = arith.constant 0 : i32
      %dma_wait3A_316 = tpu.memref_slice %arg7[%add3A_66, %dma_wait3A_315] : memref<10112x144xf32, #tpu.memory_space<vmem_shared>> -> memref<16x144xf32, #tpu.memory_space<vmem_shared>>
      tpu.wait_dma2 semaphore(%run_scoped3A_308 : memref<!tpu.dma_semaphore, #tpu.memory_space<semaphore_mem>>) src(%arg16 : memref<16x144xf32, #tpu.memory_space<vmem>>) dst(%dma_wait3A_316 : memref<16x144xf32, #tpu.memory_space<vmem_shared>>)
      tpu.yield
    }) : () -> ()
    %add3A_67 = arith.constant 464 : i32
    %add3A_68 = arith.addi %mul3A_8, %add3A_67 : i32
    "tpu.region"() ({
      %run_scoped3A_308 = tpu.sem_alloc : memref<!tpu.dma_semaphore, #tpu.memory_space<semaphore_mem>>
      %dma_start3A_309 = arith.constant 0 : i32
      %dma_start3A_310 = tpu.memref_slice %arg7[%add3A_68, %dma_start3A_309] : memref<10112x144xf32, #tpu.memory_space<vmem_shared>> -> memref<16x144xf32, #tpu.memory_space<vmem_shared>>
      %dma_start3A_311 = arith.constant 0 : i32
      %dma_start3A_312 = tpu.memref_slice %arg7[%add3A_68, %dma_start3A_311] : memref<10112x144xf32, #tpu.memory_space<vmem_shared>> -> memref<16x144xf32, #tpu.memory_space<vmem_shared>>
      tpu.enqueue_dma source(%arg16 : memref<16x144xf32, #tpu.memory_space<vmem>>) target(%dma_start3A_312 : memref<16x144xf32, #tpu.memory_space<vmem_shared>>) target_semaphore(%run_scoped3A_308 : memref<!tpu.dma_semaphore, #tpu.memory_space<semaphore_mem>>)
      %dma_wait3A_313 = arith.constant 0 : i32
      %dma_wait3A_314 = tpu.memref_slice %arg7[%add3A_68, %dma_wait3A_313] : memref<10112x144xf32, #tpu.memory_space<vmem_shared>> -> memref<16x144xf32, #tpu.memory_space<vmem_shared>>
      %dma_wait3A_315 = arith.constant 0 : i32
      %dma_wait3A_316 = tpu.memref_slice %arg7[%add3A_68, %dma_wait3A_315] : memref<10112x144xf32, #tpu.memory_space<vmem_shared>> -> memref<16x144xf32, #tpu.memory_space<vmem_shared>>
      tpu.wait_dma2 semaphore(%run_scoped3A_308 : memref<!tpu.dma_semaphore, #tpu.memory_space<semaphore_mem>>) src(%arg16 : memref<16x144xf32, #tpu.memory_space<vmem>>) dst(%dma_wait3A_316 : memref<16x144xf32, #tpu.memory_space<vmem_shared>>)
      tpu.yield
    }) : () -> ()
    %add3A_69 = arith.constant 480 : i32
    %add3A_70 = arith.addi %mul3A_8, %add3A_69 : i32
    "tpu.region"() ({
      %run_scoped3A_308 = tpu.sem_alloc : memref<!tpu.dma_semaphore, #tpu.memory_space<semaphore_mem>>
      %dma_start3A_309 = arith.constant 0 : i32
      %dma_start3A_310 = tpu.memref_slice %arg7[%add3A_70, %dma_start3A_309] : memref<10112x144xf32, #tpu.memory_space<vmem_shared>> -> memref<16x144xf32, #tpu.memory_space<vmem_shared>>
      %dma_start3A_311 = arith.constant 0 : i32
      %dma_start3A_312 = tpu.memref_slice %arg7[%add3A_70, %dma_start3A_311] : memref<10112x144xf32, #tpu.memory_space<vmem_shared>> -> memref<16x144xf32, #tpu.memory_space<vmem_shared>>
      tpu.enqueue_dma source(%arg16 : memref<16x144xf32, #tpu.memory_space<vmem>>) target(%dma_start3A_312 : memref<16x144xf32, #tpu.memory_space<vmem_shared>>) target_semaphore(%run_scoped3A_308 : memref<!tpu.dma_semaphore, #tpu.memory_space<semaphore_mem>>)
      %dma_wait3A_313 = arith.constant 0 : i32
      %dma_wait3A_314 = tpu.memref_slice %arg7[%add3A_70, %dma_wait3A_313] : memref<10112x144xf32, #tpu.memory_space<vmem_shared>> -> memref<16x144xf32, #tpu.memory_space<vmem_shared>>
      %dma_wait3A_315 = arith.constant 0 : i32
      %dma_wait3A_316 = tpu.memref_slice %arg7[%add3A_70, %dma_wait3A_315] : memref<10112x144xf32, #tpu.memory_space<vmem_shared>> -> memref<16x144xf32, #tpu.memory_space<vmem_shared>>
      tpu.wait_dma2 semaphore(%run_scoped3A_308 : memref<!tpu.dma_semaphore, #tpu.memory_space<semaphore_mem>>) src(%arg16 : memref<16x144xf32, #tpu.memory_space<vmem>>) dst(%dma_wait3A_316 : memref<16x144xf32, #tpu.memory_space<vmem_shared>>)
      tpu.yield
    }) : () -> ()
    %add3A_71 = arith.constant 496 : i32
    %add3A_72 = arith.addi %mul3A_8, %add3A_71 : i32
    "tpu.region"() ({
      %run_scoped3A_308 = tpu.sem_alloc : memref<!tpu.dma_semaphore, #tpu.memory_space<semaphore_mem>>
      %dma_start3A_309 = arith.constant 0 : i32
      %dma_start3A_310 = tpu.memref_slice %arg7[%add3A_72, %dma_start3A_309] : memref<10112x144xf32, #tpu.memory_space<vmem_shared>> -> memref<16x144xf32, #tpu.memory_space<vmem_shared>>
      %dma_start3A_311 = arith.constant 0 : i32
      %dma_start3A_312 = tpu.memref_slice %arg7[%add3A_72, %dma_start3A_311] : memref<10112x144xf32, #tpu.memory_space<vmem_shared>> -> memref<16x144xf32, #tpu.memory_space<vmem_shared>>
      tpu.enqueue_dma source(%arg16 : memref<16x144xf32, #tpu.memory_space<vmem>>) target(%dma_start3A_312 : memref<16x144xf32, #tpu.memory_space<vmem_shared>>) target_semaphore(%run_scoped3A_308 : memref<!tpu.dma_semaphore, #tpu.memory_space<semaphore_mem>>)
      %dma_wait3A_313 = arith.constant 0 : i32
      %dma_wait3A_314 = tpu.memref_slice %arg7[%add3A_72, %dma_wait3A_313] : memref<10112x144xf32, #tpu.memory_space<vmem_shared>> -> memref<16x144xf32, #tpu.memory_space<vmem_shared>>
      %dma_wait3A_315 = arith.constant 0 : i32
      %dma_wait3A_316 = tpu.memref_slice %arg7[%add3A_72, %dma_wait3A_315] : memref<10112x144xf32, #tpu.memory_space<vmem_shared>> -> memref<16x144xf32, #tpu.memory_space<vmem_shared>>
      tpu.wait_dma2 semaphore(%run_scoped3A_308 : memref<!tpu.dma_semaphore, #tpu.memory_space<semaphore_mem>>) src(%arg16 : memref<16x144xf32, #tpu.memory_space<vmem>>) dst(%dma_wait3A_316 : memref<16x144xf32, #tpu.memory_space<vmem_shared>>)
      tpu.yield
    }) : () -> ()
    %add3A_73 = arith.constant 512 : i32
    %add3A_74 = arith.addi %mul3A_8, %add3A_73 : i32
    "tpu.region"() ({
      %run_scoped3A_308 = tpu.sem_alloc : memref<!tpu.dma_semaphore, #tpu.memory_space<semaphore_mem>>
      %dma_start3A_309 = arith.constant 0 : i32
      %dma_start3A_310 = tpu.memref_slice %arg7[%add3A_74, %dma_start3A_309] : memref<10112x144xf32, #tpu.memory_space<vmem_shared>> -> memref<16x144xf32, #tpu.memory_space<vmem_shared>>
      %dma_start3A_311 = arith.constant 0 : i32
      %dma_start3A_312 = tpu.memref_slice %arg7[%add3A_74, %dma_start3A_311] : memref<10112x144xf32, #tpu.memory_space<vmem_shared>> -> memref<16x144xf32, #tpu.memory_space<vmem_shared>>
      tpu.enqueue_dma source(%arg16 : memref<16x144xf32, #tpu.memory_space<vmem>>) target(%dma_start3A_312 : memref<16x144xf32, #tpu.memory_space<vmem_shared>>) target_semaphore(%run_scoped3A_308 : memref<!tpu.dma_semaphore, #tpu.memory_space<semaphore_mem>>)
      %dma_wait3A_313 = arith.constant 0 : i32
      %dma_wait3A_314 = tpu.memref_slice %arg7[%add3A_74, %dma_wait3A_313] : memref<10112x144xf32, #tpu.memory_space<vmem_shared>> -> memref<16x144xf32, #tpu.memory_space<vmem_shared>>
      %dma_wait3A_315 = arith.constant 0 : i32
      %dma_wait3A_316 = tpu.memref_slice %arg7[%add3A_74, %dma_wait3A_315] : memref<10112x144xf32, #tpu.memory_space<vmem_shared>> -> memref<16x144xf32, #tpu.memory_space<vmem_shared>>
      tpu.wait_dma2 semaphore(%run_scoped3A_308 : memref<!tpu.dma_semaphore, #tpu.memory_space<semaphore_mem>>) src(%arg16 : memref<16x144xf32, #tpu.memory_space<vmem>>) dst(%dma_wait3A_316 : memref<16x144xf32, #tpu.memory_space<vmem_shared>>)
      tpu.yield
    }) : () -> ()
    %add3A_75 = arith.constant 528 : i32
    %add3A_76 = arith.addi %mul3A_8, %add3A_75 : i32
    "tpu.region"() ({
      %run_scoped3A_308 = tpu.sem_alloc : memref<!tpu.dma_semaphore, #tpu.memory_space<semaphore_mem>>
      %dma_start3A_309 = arith.constant 0 : i32
      %dma_start3A_310 = tpu.memref_slice %arg7[%add3A_76, %dma_start3A_309] : memref<10112x144xf32, #tpu.memory_space<vmem_shared>> -> memref<16x144xf32, #tpu.memory_space<vmem_shared>>
      %dma_start3A_311 = arith.constant 0 : i32
      %dma_start3A_312 = tpu.memref_slice %arg7[%add3A_76, %dma_start3A_311] : memref<10112x144xf32, #tpu.memory_space<vmem_shared>> -> memref<16x144xf32, #tpu.memory_space<vmem_shared>>
      tpu.enqueue_dma source(%arg16 : memref<16x144xf32, #tpu.memory_space<vmem>>) target(%dma_start3A_312 : memref<16x144xf32, #tpu.memory_space<vmem_shared>>) target_semaphore(%run_scoped3A_308 : memref<!tpu.dma_semaphore, #tpu.memory_space<semaphore_mem>>)
      %dma_wait3A_313 = arith.constant 0 : i32
      %dma_wait3A_314 = tpu.memref_slice %arg7[%add3A_76, %dma_wait3A_313] : memref<10112x144xf32, #tpu.memory_space<vmem_shared>> -> memref<16x144xf32, #tpu.memory_space<vmem_shared>>
      %dma_wait3A_315 = arith.constant 0 : i32
      %dma_wait3A_316 = tpu.memref_slice %arg7[%add3A_76, %dma_wait3A_315] : memref<10112x144xf32, #tpu.memory_space<vmem_shared>> -> memref<16x144xf32, #tpu.memory_space<vmem_shared>>
      tpu.wait_dma2 semaphore(%run_scoped3A_308 : memref<!tpu.dma_semaphore, #tpu.memory_space<semaphore_mem>>) src(%arg16 : memref<16x144xf32, #tpu.memory_space<vmem>>) dst(%dma_wait3A_316 : memref<16x144xf32, #tpu.memory_space<vmem_shared>>)
      tpu.yield
    }) : () -> ()
    %add3A_77 = arith.constant 544 : i32
    %add3A_78 = arith.addi %mul3A_8, %add3A_77 : i32
    "tpu.region"() ({
      %run_scoped3A_308 = tpu.sem_alloc : memref<!tpu.dma_semaphore, #tpu.memory_space<semaphore_mem>>
      %dma_start3A_309 = arith.constant 0 : i32
      %dma_start3A_310 = tpu.memref_slice %arg7[%add3A_78, %dma_start3A_309] : memref<10112x144xf32, #tpu.memory_space<vmem_shared>> -> memref<16x144xf32, #tpu.memory_space<vmem_shared>>
      %dma_start3A_311 = arith.constant 0 : i32
      %dma_start3A_312 = tpu.memref_slice %arg7[%add3A_78, %dma_start3A_311] : memref<10112x144xf32, #tpu.memory_space<vmem_shared>> -> memref<16x144xf32, #tpu.memory_space<vmem_shared>>
      tpu.enqueue_dma source(%arg16 : memref<16x144xf32, #tpu.memory_space<vmem>>) target(%dma_start3A_312 : memref<16x144xf32, #tpu.memory_space<vmem_shared>>) target_semaphore(%run_scoped3A_308 : memref<!tpu.dma_semaphore, #tpu.memory_space<semaphore_mem>>)
      %dma_wait3A_313 = arith.constant 0 : i32
      %dma_wait3A_314 = tpu.memref_slice %arg7[%add3A_78, %dma_wait3A_313] : memref<10112x144xf32, #tpu.memory_space<vmem_shared>> -> memref<16x144xf32, #tpu.memory_space<vmem_shared>>
      %dma_wait3A_315 = arith.constant 0 : i32
      %dma_wait3A_316 = tpu.memref_slice %arg7[%add3A_78, %dma_wait3A_315] : memref<10112x144xf32, #tpu.memory_space<vmem_shared>> -> memref<16x144xf32, #tpu.memory_space<vmem_shared>>
      tpu.wait_dma2 semaphore(%run_scoped3A_308 : memref<!tpu.dma_semaphore, #tpu.memory_space<semaphore_mem>>) src(%arg16 : memref<16x144xf32, #tpu.memory_space<vmem>>) dst(%dma_wait3A_316 : memref<16x144xf32, #tpu.memory_space<vmem_shared>>)
      tpu.yield
    }) : () -> ()
    %add3A_79 = arith.constant 560 : i32
    %add3A_80 = arith.addi %mul3A_8, %add3A_79 : i32
    "tpu.region"() ({
      %run_scoped3A_308 = tpu.sem_alloc : memref<!tpu.dma_semaphore, #tpu.memory_space<semaphore_mem>>
      %dma_start3A_309 = arith.constant 0 : i32
      %dma_start3A_310 = tpu.memref_slice %arg7[%add3A_80, %dma_start3A_309] : memref<10112x144xf32, #tpu.memory_space<vmem_shared>> -> memref<16x144xf32, #tpu.memory_space<vmem_shared>>
      %dma_start3A_311 = arith.constant 0 : i32
      %dma_start3A_312 = tpu.memref_slice %arg7[%add3A_80, %dma_start3A_311] : memref<10112x144xf32, #tpu.memory_space<vmem_shared>> -> memref<16x144xf32, #tpu.memory_space<vmem_shared>>
      tpu.enqueue_dma source(%arg16 : memref<16x144xf32, #tpu.memory_space<vmem>>) target(%dma_start3A_312 : memref<16x144xf32, #tpu.memory_space<vmem_shared>>) target_semaphore(%run_scoped3A_308 : memref<!tpu.dma_semaphore, #tpu.memory_space<semaphore_mem>>)
      %dma_wait3A_313 = arith.constant 0 : i32
      %dma_wait3A_314 = tpu.memref_slice %arg7[%add3A_80, %dma_wait3A_313] : memref<10112x144xf32, #tpu.memory_space<vmem_shared>> -> memref<16x144xf32, #tpu.memory_space<vmem_shared>>
      %dma_wait3A_315 = arith.constant 0 : i32
      %dma_wait3A_316 = tpu.memref_slice %arg7[%add3A_80, %dma_wait3A_315] : memref<10112x144xf32, #tpu.memory_space<vmem_shared>> -> memref<16x144xf32, #tpu.memory_space<vmem_shared>>
      tpu.wait_dma2 semaphore(%run_scoped3A_308 : memref<!tpu.dma_semaphore, #tpu.memory_space<semaphore_mem>>) src(%arg16 : memref<16x144xf32, #tpu.memory_space<vmem>>) dst(%dma_wait3A_316 : memref<16x144xf32, #tpu.memory_space<vmem_shared>>)
      tpu.yield
    }) : () -> ()
    %add3A_81 = arith.constant 576 : i32
    %add3A_82 = arith.addi %mul3A_8, %add3A_81 : i32
    "tpu.region"() ({
      %run_scoped3A_308 = tpu.sem_alloc : memref<!tpu.dma_semaphore, #tpu.memory_space<semaphore_mem>>
      %dma_start3A_309 = arith.constant 0 : i32
      %dma_start3A_310 = tpu.memref_slice %arg7[%add3A_82, %dma_start3A_309] : memref<10112x144xf32, #tpu.memory_space<vmem_shared>> -> memref<16x144xf32, #tpu.memory_space<vmem_shared>>
      %dma_start3A_311 = arith.constant 0 : i32
      %dma_start3A_312 = tpu.memref_slice %arg7[%add3A_82, %dma_start3A_311] : memref<10112x144xf32, #tpu.memory_space<vmem_shared>> -> memref<16x144xf32, #tpu.memory_space<vmem_shared>>
      tpu.enqueue_dma source(%arg16 : memref<16x144xf32, #tpu.memory_space<vmem>>) target(%dma_start3A_312 : memref<16x144xf32, #tpu.memory_space<vmem_shared>>) target_semaphore(%run_scoped3A_308 : memref<!tpu.dma_semaphore, #tpu.memory_space<semaphore_mem>>)
      %dma_wait3A_313 = arith.constant 0 : i32
      %dma_wait3A_314 = tpu.memref_slice %arg7[%add3A_82, %dma_wait3A_313] : memref<10112x144xf32, #tpu.memory_space<vmem_shared>> -> memref<16x144xf32, #tpu.memory_space<vmem_shared>>
      %dma_wait3A_315 = arith.constant 0 : i32
      %dma_wait3A_316 = tpu.memref_slice %arg7[%add3A_82, %dma_wait3A_315] : memref<10112x144xf32, #tpu.memory_space<vmem_shared>> -> memref<16x144xf32, #tpu.memory_space<vmem_shared>>
      tpu.wait_dma2 semaphore(%run_scoped3A_308 : memref<!tpu.dma_semaphore, #tpu.memory_space<semaphore_mem>>) src(%arg16 : memref<16x144xf32, #tpu.memory_space<vmem>>) dst(%dma_wait3A_316 : memref<16x144xf32, #tpu.memory_space<vmem_shared>>)
      tpu.yield
    }) : () -> ()
    %add3A_83 = arith.constant 592 : i32
    %add3A_84 = arith.addi %mul3A_8, %add3A_83 : i32
    "tpu.region"() ({
      %run_scoped3A_308 = tpu.sem_alloc : memref<!tpu.dma_semaphore, #tpu.memory_space<semaphore_mem>>
      %dma_start3A_309 = arith.constant 0 : i32
      %dma_start3A_310 = tpu.memref_slice %arg7[%add3A_84, %dma_start3A_309] : memref<10112x144xf32, #tpu.memory_space<vmem_shared>> -> memref<16x144xf32, #tpu.memory_space<vmem_shared>>
      %dma_start3A_311 = arith.constant 0 : i32
      %dma_start3A_312 = tpu.memref_slice %arg7[%add3A_84, %dma_start3A_311] : memref<10112x144xf32, #tpu.memory_space<vmem_shared>> -> memref<16x144xf32, #tpu.memory_space<vmem_shared>>
      tpu.enqueue_dma source(%arg16 : memref<16x144xf32, #tpu.memory_space<vmem>>) target(%dma_start3A_312 : memref<16x144xf32, #tpu.memory_space<vmem_shared>>) target_semaphore(%run_scoped3A_308 : memref<!tpu.dma_semaphore, #tpu.memory_space<semaphore_mem>>)
      %dma_wait3A_313 = arith.constant 0 : i32
      %dma_wait3A_314 = tpu.memref_slice %arg7[%add3A_84, %dma_wait3A_313] : memref<10112x144xf32, #tpu.memory_space<vmem_shared>> -> memref<16x144xf32, #tpu.memory_space<vmem_shared>>
      %dma_wait3A_315 = arith.constant 0 : i32
      %dma_wait3A_316 = tpu.memref_slice %arg7[%add3A_84, %dma_wait3A_315] : memref<10112x144xf32, #tpu.memory_space<vmem_shared>> -> memref<16x144xf32, #tpu.memory_space<vmem_shared>>
      tpu.wait_dma2 semaphore(%run_scoped3A_308 : memref<!tpu.dma_semaphore, #tpu.memory_space<semaphore_mem>>) src(%arg16 : memref<16x144xf32, #tpu.memory_space<vmem>>) dst(%dma_wait3A_316 : memref<16x144xf32, #tpu.memory_space<vmem_shared>>)
      tpu.yield
    }) : () -> ()
    %add3A_85 = arith.constant 608 : i32
    %add3A_86 = arith.addi %mul3A_8, %add3A_85 : i32
    "tpu.region"() ({
      %run_scoped3A_308 = tpu.sem_alloc : memref<!tpu.dma_semaphore, #tpu.memory_space<semaphore_mem>>
      %dma_start3A_309 = arith.constant 0 : i32
      %dma_start3A_310 = tpu.memref_slice %arg7[%add3A_86, %dma_start3A_309] : memref<10112x144xf32, #tpu.memory_space<vmem_shared>> -> memref<16x144xf32, #tpu.memory_space<vmem_shared>>
      %dma_start3A_311 = arith.constant 0 : i32
      %dma_start3A_312 = tpu.memref_slice %arg7[%add3A_86, %dma_start3A_311] : memref<10112x144xf32, #tpu.memory_space<vmem_shared>> -> memref<16x144xf32, #tpu.memory_space<vmem_shared>>
      tpu.enqueue_dma source(%arg16 : memref<16x144xf32, #tpu.memory_space<vmem>>) target(%dma_start3A_312 : memref<16x144xf32, #tpu.memory_space<vmem_shared>>) target_semaphore(%run_scoped3A_308 : memref<!tpu.dma_semaphore, #tpu.memory_space<semaphore_mem>>)
      %dma_wait3A_313 = arith.constant 0 : i32
      %dma_wait3A_314 = tpu.memref_slice %arg7[%add3A_86, %dma_wait3A_313] : memref<10112x144xf32, #tpu.memory_space<vmem_shared>> -> memref<16x144xf32, #tpu.memory_space<vmem_shared>>
      %dma_wait3A_315 = arith.constant 0 : i32
      %dma_wait3A_316 = tpu.memref_slice %arg7[%add3A_86, %dma_wait3A_315] : memref<10112x144xf32, #tpu.memory_space<vmem_shared>> -> memref<16x144xf32, #tpu.memory_space<vmem_shared>>
      tpu.wait_dma2 semaphore(%run_scoped3A_308 : memref<!tpu.dma_semaphore, #tpu.memory_space<semaphore_mem>>) src(%arg16 : memref<16x144xf32, #tpu.memory_space<vmem>>) dst(%dma_wait3A_316 : memref<16x144xf32, #tpu.memory_space<vmem_shared>>)
      tpu.yield
    }) : () -> ()
    %add3A_87 = arith.constant 624 : i32
    %add3A_88 = arith.addi %mul3A_8, %add3A_87 : i32
    "tpu.region"() ({
      %run_scoped3A_308 = tpu.sem_alloc : memref<!tpu.dma_semaphore, #tpu.memory_space<semaphore_mem>>
      %dma_start3A_309 = arith.constant 0 : i32
      %dma_start3A_310 = arith.constant 0 : i32
      %dma_start3A_311 = tpu.memref_slice %arg16[%dma_start3A_309, %dma_start3A_310] : memref<16x144xf32, #tpu.memory_space<vmem>> -> memref<8x144xf32, #tpu.memory_space<vmem>>
      %dma_start3A_312 = arith.constant 0 : i32
      %dma_start3A_313 = tpu.memref_slice %arg7[%add3A_88, %dma_start3A_312] : memref<10112x144xf32, #tpu.memory_space<vmem_shared>> -> memref<8x144xf32, #tpu.memory_space<vmem_shared>>
      %dma_start3A_314 = arith.constant 0 : i32
      %dma_start3A_315 = tpu.memref_slice %arg7[%add3A_88, %dma_start3A_314] : memref<10112x144xf32, #tpu.memory_space<vmem_shared>> -> memref<8x144xf32, #tpu.memory_space<vmem_shared>>
      %dma_start3A_316 = arith.constant 0 : i32
      %dma_start3A_317 = arith.constant 0 : i32
      %dma_start3A_318 = tpu.memref_slice %arg16[%dma_start3A_316, %dma_start3A_317] : memref<16x144xf32, #tpu.memory_space<vmem>> -> memref<8x144xf32, #tpu.memory_space<vmem>>
      tpu.enqueue_dma source(%dma_start3A_318 : memref<8x144xf32, #tpu.memory_space<vmem>>) target(%dma_start3A_315 : memref<8x144xf32, #tpu.memory_space<vmem_shared>>) target_semaphore(%run_scoped3A_308 : memref<!tpu.dma_semaphore, #tpu.memory_space<semaphore_mem>>)
      %dma_wait3A_319 = arith.constant 0 : i32
      %dma_wait3A_320 = arith.constant 0 : i32
      %dma_wait3A_321 = tpu.memref_slice %arg16[%dma_wait3A_319, %dma_wait3A_320] : memref<16x144xf32, #tpu.memory_space<vmem>> -> memref<8x144xf32, #tpu.memory_space<vmem>>
      %dma_wait3A_322 = arith.constant 0 : i32
      %dma_wait3A_323 = tpu.memref_slice %arg7[%add3A_88, %dma_wait3A_322] : memref<10112x144xf32, #tpu.memory_space<vmem_shared>> -> memref<8x144xf32, #tpu.memory_space<vmem_shared>>
      %dma_wait3A_324 = arith.constant 0 : i32
      %dma_wait3A_325 = tpu.memref_slice %arg7[%add3A_88, %dma_wait3A_324] : memref<10112x144xf32, #tpu.memory_space<vmem_shared>> -> memref<8x144xf32, #tpu.memory_space<vmem_shared>>
      %dma_wait3A_326 = arith.constant 0 : i32
      %dma_wait3A_327 = arith.constant 0 : i32
      %dma_wait3A_328 = tpu.memref_slice %arg16[%dma_wait3A_326, %dma_wait3A_327] : memref<16x144xf32, #tpu.memory_space<vmem>> -> memref<8x144xf32, #tpu.memory_space<vmem>>
      tpu.wait_dma2 semaphore(%run_scoped3A_308 : memref<!tpu.dma_semaphore, #tpu.memory_space<semaphore_mem>>) src(%dma_wait3A_328 : memref<8x144xf32, #tpu.memory_space<vmem>>) dst(%dma_wait3A_325 : memref<8x144xf32, #tpu.memory_space<vmem_shared>>)
      tpu.yield
    }) : () -> ()
    %barrier3A = arith.constant 0 : index
    tpu.barrier barrier_id(%barrier3A)
    %mul3A_89 = arith.constant 648 : i32
    %mul3A_90 = arith.muli %add3A, %mul3A_89 : i32
    "tpu.region"() ({
      %run_scoped3A_308 = tpu.sem_alloc : memref<!tpu.dma_semaphore, #tpu.memory_space<semaphore_mem>>
      %dma_start3A_309 = arith.constant 0 : i32
      %dma_start3A_310 = arith.constant 0 : i32
      %dma_start3A_311 = tpu.memref_slice %arg5[%mul3A_90, %dma_start3A_309, %dma_start3A_310] : memref<20736x4x16xi32, #tpu.memory_space<hbm>> -> memref<1x4x16xi32, #tpu.memory_space<hbm>>
      %dma_start3A_312 = tpu.memref_squeeze %dma_start3A_311 : memref<1x4x16xi32, #tpu.memory_space<hbm>> -> memref<4x16xi32, #tpu.memory_space<hbm>>
      %dma_start3A_313 = arith.constant 0 : i32
      %dma_start3A_314 = arith.constant 0 : i32
      %dma_start3A_315 = tpu.memref_slice %arg5[%mul3A_90, %dma_start3A_313, %dma_start3A_314] : memref<20736x4x16xi32, #tpu.memory_space<hbm>> -> memref<1x4x16xi32, #tpu.memory_space<hbm>>
      %dma_start3A_316 = tpu.memref_squeeze %dma_start3A_315 : memref<1x4x16xi32, #tpu.memory_space<hbm>> -> memref<4x16xi32, #tpu.memory_space<hbm>>
      tpu.enqueue_dma source(%dma_start3A_316 : memref<4x16xi32, #tpu.memory_space<hbm>>) target(%arg8 : memref<4x16xi32, #tpu.memory_space<vmem>>) target_semaphore(%run_scoped3A_308 : memref<!tpu.dma_semaphore, #tpu.memory_space<semaphore_mem>>)
      %dma_wait3A_317 = arith.constant 0 : i32
      %dma_wait3A_318 = arith.constant 0 : i32
      %dma_wait3A_319 = tpu.memref_slice %arg5[%mul3A_90, %dma_wait3A_317, %dma_wait3A_318] : memref<20736x4x16xi32, #tpu.memory_space<hbm>> -> memref<1x4x16xi32, #tpu.memory_space<hbm>>
      %dma_wait3A_320 = tpu.memref_squeeze %dma_wait3A_319 : memref<1x4x16xi32, #tpu.memory_space<hbm>> -> memref<4x16xi32, #tpu.memory_space<hbm>>
      %dma_wait3A_321 = arith.constant 0 : i32
      %dma_wait3A_322 = arith.constant 0 : i32
      %dma_wait3A_323 = tpu.memref_slice %arg5[%mul3A_90, %dma_wait3A_321, %dma_wait3A_322] : memref<20736x4x16xi32, #tpu.memory_space<hbm>> -> memref<1x4x16xi32, #tpu.memory_space<hbm>>
      %dma_wait3A_324 = tpu.memref_squeeze %dma_wait3A_323 : memref<1x4x16xi32, #tpu.memory_space<hbm>> -> memref<4x16xi32, #tpu.memory_space<hbm>>
      tpu.wait_dma2 semaphore(%run_scoped3A_308 : memref<!tpu.dma_semaphore, #tpu.memory_space<semaphore_mem>>) src(%dma_wait3A_324 : memref<4x16xi32, #tpu.memory_space<hbm>>) dst(%arg8 : memref<4x16xi32, #tpu.memory_space<vmem>>)
      tpu.yield
    }) : () -> ()
    %add3A_91 = arith.constant 1 : i32
    %add3A_92 = arith.addi %mul3A_90, %add3A_91 : i32
    %dma_start3A = arith.constant 0 : i32
    %dma_start3A_93 = arith.constant 0 : i32
    %dma_start3A_94 = tpu.memref_slice %arg5[%add3A_92, %dma_start3A, %dma_start3A_93] : memref<20736x4x16xi32, #tpu.memory_space<hbm>> -> memref<1x4x16xi32, #tpu.memory_space<hbm>>
    %dma_start3A_95 = tpu.memref_squeeze %dma_start3A_94 : memref<1x4x16xi32, #tpu.memory_space<hbm>> -> memref<4x16xi32, #tpu.memory_space<hbm>>
    %dma_start3A_96 = arith.constant 0 : i32
    %dma_start3A_97 = arith.constant 0 : i32
    %dma_start3A_98 = tpu.memref_slice %arg5[%add3A_92, %dma_start3A_96, %dma_start3A_97] : memref<20736x4x16xi32, #tpu.memory_space<hbm>> -> memref<1x4x16xi32, #tpu.memory_space<hbm>>
    %dma_start3A_99 = tpu.memref_squeeze %dma_start3A_98 : memref<1x4x16xi32, #tpu.memory_space<hbm>> -> memref<4x16xi32, #tpu.memory_space<hbm>>
    tpu.enqueue_dma source(%dma_start3A_99 : memref<4x16xi32, #tpu.memory_space<hbm>>) target(%arg9 : memref<4x16xi32, #tpu.memory_space<vmem>>) target_semaphore(%arg17 : memref<!tpu.dma_semaphore, #tpu.memory_space<semaphore_mem>>)
    %dma_start3A_100 = arith.constant 0 : i32
    %dma_start3A_101 = arith.constant 0 : i32
    %dma_start3A_102 = tpu.memref_slice %arg8[%dma_start3A_100, %dma_start3A_101] : memref<4x16xi32, #tpu.memory_space<vmem>> -> memref<1x16xi32, #tpu.memory_space<vmem>>
    %dma_start3A_103 = tpu.memref_squeeze %dma_start3A_102 : memref<1x16xi32, #tpu.memory_space<vmem>> -> memref<16xi32, #tpu.memory_space<vmem>>
    %dma_start3A_104 = arith.constant 0 : i32
    %dma_start3A_105 = arith.constant 0 : i32
    %dma_start3A_106 = tpu.memref_slice %arg2[%dma_start3A_104, %dma_start3A_105] : memref<11776x128xf32, #tpu.memory_space<hbm>> -> memref<11776x128xf32, #tpu.memory_space<hbm>>
    tpu.enqueue_indirect_dma source(%dma_start3A_106 : memref<11776x128xf32, #tpu.memory_space<hbm>>) target(%arg10 : memref<16x128xf32, #tpu.memory_space<vmem>>) offsets(%dma_start3A_103 : memref<16xi32, #tpu.memory_space<vmem>>) semaphore(%arg18 : memref<!tpu.dma_semaphore, #tpu.memory_space<semaphore_mem>>)
    %dma_start3A_107 = arith.constant 1 : i32
    %dma_start3A_108 = arith.constant 0 : i32
    %dma_start3A_109 = tpu.memref_slice %arg8[%dma_start3A_107, %dma_start3A_108] : memref<4x16xi32, #tpu.memory_space<vmem>> -> memref<1x16xi32, #tpu.memory_space<vmem>>
    %dma_start3A_110 = tpu.memref_squeeze %dma_start3A_109 : memref<1x16xi32, #tpu.memory_space<vmem>> -> memref<16xi32, #tpu.memory_space<vmem>>
    %dma_start3A_111 = arith.constant 0 : i32
    %dma_start3A_112 = arith.constant 0 : i32
    %dma_start3A_113 = tpu.memref_slice %arg3[%dma_start3A_111, %dma_start3A_112] : memref<11776x256xf32, #tpu.memory_space<hbm>> -> memref<11776x256xf32, #tpu.memory_space<hbm>>
    tpu.enqueue_indirect_dma source(%dma_start3A_113 : memref<11776x256xf32, #tpu.memory_space<hbm>>) target(%arg12 : memref<16x256xf32, #tpu.memory_space<vmem>>) offsets(%dma_start3A_110 : memref<16xi32, #tpu.memory_space<vmem>>) semaphore(%arg18 : memref<!tpu.dma_semaphore, #tpu.memory_space<semaphore_mem>>)
    %dma_start3A_114 = arith.constant 2 : i32
    %dma_start3A_115 = arith.constant 0 : i32
    %dma_start3A_116 = tpu.memref_slice %arg8[%dma_start3A_114, %dma_start3A_115] : memref<4x16xi32, #tpu.memory_space<vmem>> -> memref<1x16xi32, #tpu.memory_space<vmem>>
    %dma_start3A_117 = tpu.memref_squeeze %dma_start3A_116 : memref<1x16xi32, #tpu.memory_space<vmem>> -> memref<16xi32, #tpu.memory_space<vmem>>
    %dma_start3A_118 = arith.constant 0 : i32
    %dma_start3A_119 = arith.constant 0 : i32
    %dma_start3A_120 = tpu.memref_slice %arg4[%dma_start3A_118, %dma_start3A_119] : memref<160256x384xf32, #tpu.memory_space<hbm>> -> memref<160256x384xf32, #tpu.memory_space<hbm>>
    tpu.enqueue_indirect_dma source(%dma_start3A_120 : memref<160256x384xf32, #tpu.memory_space<hbm>>) target(%arg14 : memref<16x384xf32, #tpu.memory_space<vmem>>) offsets(%dma_start3A_117 : memref<16xi32, #tpu.memory_space<vmem>>) semaphore(%arg18 : memref<!tpu.dma_semaphore, #tpu.memory_space<semaphore_mem>>)
    %scan3A_121 = arith.constant 0 : i32
    %scan3A_122 = arith.constant 0 : i32
    %scan3A_123 = arith.constant 324 : i32
    %scan3A_124 = arith.addi %scan3A_122, %scan3A_123 : i32
    %scan3A_125 = arith.constant 1 : i32
    scf.for %scan3A_308 = %scan3A_122 to %scan3A_124 step %scan3A_125  : i32 {
      %mul3A_309 = arith.constant 2 : i32
      %mul3A_310 = arith.muli %scan3A_308, %mul3A_309 : i32
      %add3A_311 = arith.constant 1 : i32
      %add3A_312 = arith.addi %mul3A_310, %add3A_311 : i32
      %add3A_313 = arith.addi %mul3A_90, %add3A_312 : i32
      %dma_wait3A_314 = arith.constant 0 : i32
      %dma_wait3A_315 = arith.constant 0 : i32
      %dma_wait3A_316 = tpu.memref_slice %arg5[%add3A_313, %dma_wait3A_314, %dma_wait3A_315] : memref<20736x4x16xi32, #tpu.memory_space<hbm>> -> memref<1x4x16xi32, #tpu.memory_space<hbm>>
      %dma_wait3A_317 = tpu.memref_squeeze %dma_wait3A_316 : memref<1x4x16xi32, #tpu.memory_space<hbm>> -> memref<4x16xi32, #tpu.memory_space<hbm>>
      %dma_wait3A_318 = arith.constant 0 : i32
      %dma_wait3A_319 = arith.constant 0 : i32
      %dma_wait3A_320 = tpu.memref_slice %arg5[%add3A_313, %dma_wait3A_318, %dma_wait3A_319] : memref<20736x4x16xi32, #tpu.memory_space<hbm>> -> memref<1x4x16xi32, #tpu.memory_space<hbm>>
      %dma_wait3A_321 = tpu.memref_squeeze %dma_wait3A_320 : memref<1x4x16xi32, #tpu.memory_space<hbm>> -> memref<4x16xi32, #tpu.memory_space<hbm>>
      tpu.wait_dma2 semaphore(%arg17 : memref<!tpu.dma_semaphore, #tpu.memory_space<semaphore_mem>>) src(%dma_wait3A_321 : memref<4x16xi32, #tpu.memory_space<hbm>>) dst(%arg9 : memref<4x16xi32, #tpu.memory_space<vmem>>)
      %dma_start3A_322 = arith.constant 0 : i32
      %dma_start3A_323 = arith.constant 0 : i32
      %dma_start3A_324 = tpu.memref_slice %arg9[%dma_start3A_322, %dma_start3A_323] : memref<4x16xi32, #tpu.memory_space<vmem>> -> memref<1x16xi32, #tpu.memory_space<vmem>>
      %dma_start3A_325 = tpu.memref_squeeze %dma_start3A_324 : memref<1x16xi32, #tpu.memory_space<vmem>> -> memref<16xi32, #tpu.memory_space<vmem>>
      %dma_start3A_326 = arith.constant 0 : i32
      %dma_start3A_327 = arith.constant 0 : i32
      %dma_start3A_328 = tpu.memref_slice %arg2[%dma_start3A_326, %dma_start3A_327] : memref<11776x128xf32, #tpu.memory_space<hbm>> -> memref<11776x128xf32, #tpu.memory_space<hbm>>
      tpu.enqueue_indirect_dma source(%dma_start3A_328 : memref<11776x128xf32, #tpu.memory_space<hbm>>) target(%arg11 : memref<16x128xf32, #tpu.memory_space<vmem>>) offsets(%dma_start3A_325 : memref<16xi32, #tpu.memory_space<vmem>>) semaphore(%arg18 : memref<!tpu.dma_semaphore, #tpu.memory_space<semaphore_mem>>)
      %dma_start3A_329 = arith.constant 1 : i32
      %dma_start3A_330 = arith.constant 0 : i32
      %dma_start3A_331 = tpu.memref_slice %arg9[%dma_start3A_329, %dma_start3A_330] : memref<4x16xi32, #tpu.memory_space<vmem>> -> memref<1x16xi32, #tpu.memory_space<vmem>>
      %dma_start3A_332 = tpu.memref_squeeze %dma_start3A_331 : memref<1x16xi32, #tpu.memory_space<vmem>> -> memref<16xi32, #tpu.memory_space<vmem>>
      %dma_start3A_333 = arith.constant 0 : i32
      %dma_start3A_334 = arith.constant 0 : i32
      %dma_start3A_335 = tpu.memref_slice %arg3[%dma_start3A_333, %dma_start3A_334] : memref<11776x256xf32, #tpu.memory_space<hbm>> -> memref<11776x256xf32, #tpu.memory_space<hbm>>
      tpu.enqueue_indirect_dma source(%dma_start3A_335 : memref<11776x256xf32, #tpu.memory_space<hbm>>) target(%arg13 : memref<16x256xf32, #tpu.memory_space<vmem>>) offsets(%dma_start3A_332 : memref<16xi32, #tpu.memory_space<vmem>>) semaphore(%arg18 : memref<!tpu.dma_semaphore, #tpu.memory_space<semaphore_mem>>)
      %dma_start3A_336 = arith.constant 2 : i32
      %dma_start3A_337 = arith.constant 0 : i32
      %dma_start3A_338 = tpu.memref_slice %arg9[%dma_start3A_336, %dma_start3A_337] : memref<4x16xi32, #tpu.memory_space<vmem>> -> memref<1x16xi32, #tpu.memory_space<vmem>>
      %dma_start3A_339 = tpu.memref_squeeze %dma_start3A_338 : memref<1x16xi32, #tpu.memory_space<vmem>> -> memref<16xi32, #tpu.memory_space<vmem>>
      %dma_start3A_340 = arith.constant 0 : i32
      %dma_start3A_341 = arith.constant 0 : i32
      %dma_start3A_342 = tpu.memref_slice %arg4[%dma_start3A_340, %dma_start3A_341] : memref<160256x384xf32, #tpu.memory_space<hbm>> -> memref<160256x384xf32, #tpu.memory_space<hbm>>
      tpu.enqueue_indirect_dma source(%dma_start3A_342 : memref<160256x384xf32, #tpu.memory_space<hbm>>) target(%arg15 : memref<16x384xf32, #tpu.memory_space<vmem>>) offsets(%dma_start3A_339 : memref<16xi32, #tpu.memory_space<vmem>>) semaphore(%arg18 : memref<!tpu.dma_semaphore, #tpu.memory_space<semaphore_mem>>)
      %dma_wait3A_343 = arith.constant 0 : i32
      %dma_wait3A_344 = arith.constant 0 : i32
      %dma_wait3A_345 = tpu.memref_slice %arg8[%dma_wait3A_343, %dma_wait3A_344] : memref<4x16xi32, #tpu.memory_space<vmem>> -> memref<1x16xi32, #tpu.memory_space<vmem>>
      %dma_wait3A_346 = tpu.memref_squeeze %dma_wait3A_345 : memref<1x16xi32, #tpu.memory_space<vmem>> -> memref<16xi32, #tpu.memory_space<vmem>>
      %dma_wait3A_347 = arith.constant 0 : i32
      %dma_wait3A_348 = arith.constant 0 : i32
      %dma_wait3A_349 = tpu.memref_slice %arg2[%dma_wait3A_347, %dma_wait3A_348] : memref<11776x128xf32, #tpu.memory_space<hbm>> -> memref<11776x128xf32, #tpu.memory_space<hbm>>
      tpu.wait_indirect_dma semaphore(%arg18 : memref<!tpu.dma_semaphore, #tpu.memory_space<semaphore_mem>>) src(%dma_wait3A_349 : memref<11776x128xf32, #tpu.memory_space<hbm>>) dst(%arg10 : memref<16x128xf32, #tpu.memory_space<vmem>>)
      %dma_wait3A_350 = arith.constant 1 : i32
      %dma_wait3A_351 = arith.constant 0 : i32
      %dma_wait3A_352 = tpu.memref_slice %arg8[%dma_wait3A_350, %dma_wait3A_351] : memref<4x16xi32, #tpu.memory_space<vmem>> -> memref<1x16xi32, #tpu.memory_space<vmem>>
      %dma_wait3A_353 = tpu.memref_squeeze %dma_wait3A_352 : memref<1x16xi32, #tpu.memory_space<vmem>> -> memref<16xi32, #tpu.memory_space<vmem>>
      %dma_wait3A_354 = arith.constant 0 : i32
      %dma_wait3A_355 = arith.constant 0 : i32
      %dma_wait3A_356 = tpu.memref_slice %arg3[%dma_wait3A_354, %dma_wait3A_355] : memref<11776x256xf32, #tpu.memory_space<hbm>> -> memref<11776x256xf32, #tpu.memory_space<hbm>>
      tpu.wait_indirect_dma semaphore(%arg18 : memref<!tpu.dma_semaphore, #tpu.memory_space<semaphore_mem>>) src(%dma_wait3A_356 : memref<11776x256xf32, #tpu.memory_space<hbm>>) dst(%arg12 : memref<16x256xf32, #tpu.memory_space<vmem>>)
      %dma_wait3A_357 = arith.constant 2 : i32
      %dma_wait3A_358 = arith.constant 0 : i32
      %dma_wait3A_359 = tpu.memref_slice %arg8[%dma_wait3A_357, %dma_wait3A_358] : memref<4x16xi32, #tpu.memory_space<vmem>> -> memref<1x16xi32, #tpu.memory_space<vmem>>
      %dma_wait3A_360 = tpu.memref_squeeze %dma_wait3A_359 : memref<1x16xi32, #tpu.memory_space<vmem>> -> memref<16xi32, #tpu.memory_space<vmem>>
      %dma_wait3A_361 = arith.constant 0 : i32
      %dma_wait3A_362 = arith.constant 0 : i32
      %dma_wait3A_363 = tpu.memref_slice %arg4[%dma_wait3A_361, %dma_wait3A_362] : memref<160256x384xf32, #tpu.memory_space<hbm>> -> memref<160256x384xf32, #tpu.memory_space<hbm>>
      tpu.wait_indirect_dma semaphore(%arg18 : memref<!tpu.dma_semaphore, #tpu.memory_space<semaphore_mem>>) src(%dma_wait3A_363 : memref<160256x384xf32, #tpu.memory_space<hbm>>) dst(%arg14 : memref<16x384xf32, #tpu.memory_space<vmem>>)
      %run_scoped3A_364 = arith.constant 0 : i32
      "tpu.region"() ({
        %run_scoped3A_376 = tpu.sem_alloc : memref<!tpu.dma_semaphore, #tpu.memory_space<semaphore_mem>>
        %dma_start3A_377 = arith.constant 0 : i32
        %dma_start3A_378 = tpu.memref_slice %arg8[%run_scoped3A_364, %dma_start3A_377] : memref<4x16xi32, #tpu.memory_space<vmem>> -> memref<1x16xi32, #tpu.memory_space<vmem>>
        %dma_start3A_379 = tpu.memref_squeeze %dma_start3A_378 : memref<1x16xi32, #tpu.memory_space<vmem>> -> memref<16xi32, #tpu.memory_space<vmem>>
        %dma_start3A_380 = arith.constant 0 : i32
        %dma_start3A_381 = arith.constant 0 : i32
        %dma_start3A_382 = tpu.memref_slice %arg7[%dma_start3A_380, %dma_start3A_381] : memref<10112x144xf32, #tpu.memory_space<vmem_shared>> -> memref<10112x144xf32, #tpu.memory_space<vmem_shared>>
        tpu.enqueue_indirect_dma source(%arg16 : memref<16x144xf32, #tpu.memory_space<vmem>>) target(%dma_start3A_382 : memref<10112x144xf32, #tpu.memory_space<vmem_shared>>) offsets(%dma_start3A_379 : memref<16xi32, #tpu.memory_space<vmem>>) semaphore(%run_scoped3A_376 : memref<!tpu.dma_semaphore, #tpu.memory_space<semaphore_mem>>) {add = true}
        %dma_wait3A_383 = arith.constant 0 : i32
        %dma_wait3A_384 = tpu.memref_slice %arg8[%run_scoped3A_364, %dma_wait3A_383] : memref<4x16xi32, #tpu.memory_space<vmem>> -> memref<1x16xi32, #tpu.memory_space<vmem>>
        %dma_wait3A_385 = tpu.memref_squeeze %dma_wait3A_384 : memref<1x16xi32, #tpu.memory_space<vmem>> -> memref<16xi32, #tpu.memory_space<vmem>>
        %dma_wait3A_386 = arith.constant 0 : i32
        %dma_wait3A_387 = arith.constant 0 : i32
        %dma_wait3A_388 = tpu.memref_slice %arg7[%dma_wait3A_386, %dma_wait3A_387] : memref<10112x144xf32, #tpu.memory_space<vmem_shared>> -> memref<10112x144xf32, #tpu.memory_space<vmem_shared>>
        tpu.wait_indirect_dma semaphore(%run_scoped3A_376 : memref<!tpu.dma_semaphore, #tpu.memory_space<semaphore_mem>>) src(%arg16 : memref<16x144xf32, #tpu.memory_space<vmem>>) dst(%dma_wait3A_388 : memref<10112x144xf32, #tpu.memory_space<vmem_shared>>)
        tpu.yield
      }) : () -> ()
      %add3A_365 = arith.constant 1 : i32
      %add3A_366 = arith.addi %add3A_312, %add3A_365 : i32
      %lt3A = arith.constant 648 : i32
      %lt3A_367 = arith.cmpi slt, %add3A_366, %lt3A : i32
      %convert_element_type3A = arith.extui %lt3A_367 : i1 to i32
      %cond3A = arith.constant 0 : i32
      %cond3A_368 = arith.cmpi ne, %convert_element_type3A, %cond3A : i32
      scf.if %cond3A_368 {
        %add3A_376 = arith.constant 1 : i32
        %add3A_377 = arith.addi %add3A_312, %add3A_376 : i32
        %add3A_378 = arith.addi %mul3A_90, %add3A_377 : i32
        %dma_start3A_379 = arith.constant 0 : i32
        %dma_start3A_380 = arith.constant 0 : i32
        %dma_start3A_381 = tpu.memref_slice %arg5[%add3A_378, %dma_start3A_379, %dma_start3A_380] : memref<20736x4x16xi32, #tpu.memory_space<hbm>> -> memref<1x4x16xi32, #tpu.memory_space<hbm>>
        %dma_start3A_382 = tpu.memref_squeeze %dma_start3A_381 : memref<1x4x16xi32, #tpu.memory_space<hbm>> -> memref<4x16xi32, #tpu.memory_space<hbm>>
        %dma_start3A_383 = arith.constant 0 : i32
        %dma_start3A_384 = arith.constant 0 : i32
        %dma_start3A_385 = tpu.memref_slice %arg5[%add3A_378, %dma_start3A_383, %dma_start3A_384] : memref<20736x4x16xi32, #tpu.memory_space<hbm>> -> memref<1x4x16xi32, #tpu.memory_space<hbm>>
        %dma_start3A_386 = tpu.memref_squeeze %dma_start3A_385 : memref<1x4x16xi32, #tpu.memory_space<hbm>> -> memref<4x16xi32, #tpu.memory_space<hbm>>
        tpu.enqueue_dma source(%dma_start3A_386 : memref<4x16xi32, #tpu.memory_space<hbm>>) target(%arg8 : memref<4x16xi32, #tpu.memory_space<vmem>>) target_semaphore(%arg17 : memref<!tpu.dma_semaphore, #tpu.memory_space<semaphore_mem>>)
      } else {
      }
      %add3A_369 = arith.constant 2 : i32
      %add3A_370 = arith.addi %mul3A_310, %add3A_369 : i32
      %lt3A_371 = arith.constant 648 : i32
      %lt3A_372 = arith.cmpi slt, %add3A_370, %lt3A_371 : i32
      %convert_element_type3A_373 = arith.extui %lt3A_372 : i1 to i32
      %cond3A_374 = arith.constant 0 : i32
      %cond3A_375 = arith.cmpi ne, %convert_element_type3A_373, %cond3A_374 : i32
      scf.if %cond3A_375 {
        %add3A_376 = arith.constant 1 : i32
        %add3A_377 = arith.addi %mul3A_310, %add3A_376 : i32
        %add3A_378 = arith.constant 2 : i32
        %add3A_379 = arith.addi %mul3A_310, %add3A_378 : i32
        %add3A_380 = arith.addi %mul3A_90, %add3A_379 : i32
        %dma_wait3A_381 = arith.constant 0 : i32
        %dma_wait3A_382 = arith.constant 0 : i32
        %dma_wait3A_383 = tpu.memref_slice %arg5[%add3A_380, %dma_wait3A_381, %dma_wait3A_382] : memref<20736x4x16xi32, #tpu.memory_space<hbm>> -> memref<1x4x16xi32, #tpu.memory_space<hbm>>
        %dma_wait3A_384 = tpu.memref_squeeze %dma_wait3A_383 : memref<1x4x16xi32, #tpu.memory_space<hbm>> -> memref<4x16xi32, #tpu.memory_space<hbm>>
        %dma_wait3A_385 = arith.constant 0 : i32
        %dma_wait3A_386 = arith.constant 0 : i32
        %dma_wait3A_387 = tpu.memref_slice %arg5[%add3A_380, %dma_wait3A_385, %dma_wait3A_386] : memref<20736x4x16xi32, #tpu.memory_space<hbm>> -> memref<1x4x16xi32, #tpu.memory_space<hbm>>
        %dma_wait3A_388 = tpu.memref_squeeze %dma_wait3A_387 : memref<1x4x16xi32, #tpu.memory_space<hbm>> -> memref<4x16xi32, #tpu.memory_space<hbm>>
        tpu.wait_dma2 semaphore(%arg17 : memref<!tpu.dma_semaphore, #tpu.memory_space<semaphore_mem>>) src(%dma_wait3A_388 : memref<4x16xi32, #tpu.memory_space<hbm>>) dst(%arg8 : memref<4x16xi32, #tpu.memory_space<vmem>>)
        %dma_start3A_389 = arith.constant 0 : i32
        %dma_start3A_390 = arith.constant 0 : i32
        %dma_start3A_391 = tpu.memref_slice %arg8[%dma_start3A_389, %dma_start3A_390] : memref<4x16xi32, #tpu.memory_space<vmem>> -> memref<1x16xi32, #tpu.memory_space<vmem>>
        %dma_start3A_392 = tpu.memref_squeeze %dma_start3A_391 : memref<1x16xi32, #tpu.memory_space<vmem>> -> memref<16xi32, #tpu.memory_space<vmem>>
        %dma_start3A_393 = arith.constant 0 : i32
        %dma_start3A_394 = arith.constant 0 : i32
        %dma_start3A_395 = tpu.memref_slice %arg2[%dma_start3A_393, %dma_start3A_394] : memref<11776x128xf32, #tpu.memory_space<hbm>> -> memref<11776x128xf32, #tpu.memory_space<hbm>>
        tpu.enqueue_indirect_dma source(%dma_start3A_395 : memref<11776x128xf32, #tpu.memory_space<hbm>>) target(%arg10 : memref<16x128xf32, #tpu.memory_space<vmem>>) offsets(%dma_start3A_392 : memref<16xi32, #tpu.memory_space<vmem>>) semaphore(%arg18 : memref<!tpu.dma_semaphore, #tpu.memory_space<semaphore_mem>>)
        %dma_start3A_396 = arith.constant 1 : i32
        %dma_start3A_397 = arith.constant 0 : i32
        %dma_start3A_398 = tpu.memref_slice %arg8[%dma_start3A_396, %dma_start3A_397] : memref<4x16xi32, #tpu.memory_space<vmem>> -> memref<1x16xi32, #tpu.memory_space<vmem>>
        %dma_start3A_399 = tpu.memref_squeeze %dma_start3A_398 : memref<1x16xi32, #tpu.memory_space<vmem>> -> memref<16xi32, #tpu.memory_space<vmem>>
        %dma_start3A_400 = arith.constant 0 : i32
        %dma_start3A_401 = arith.constant 0 : i32
        %dma_start3A_402 = tpu.memref_slice %arg3[%dma_start3A_400, %dma_start3A_401] : memref<11776x256xf32, #tpu.memory_space<hbm>> -> memref<11776x256xf32, #tpu.memory_space<hbm>>
        tpu.enqueue_indirect_dma source(%dma_start3A_402 : memref<11776x256xf32, #tpu.memory_space<hbm>>) target(%arg12 : memref<16x256xf32, #tpu.memory_space<vmem>>) offsets(%dma_start3A_399 : memref<16xi32, #tpu.memory_space<vmem>>) semaphore(%arg18 : memref<!tpu.dma_semaphore, #tpu.memory_space<semaphore_mem>>)
        %dma_start3A_403 = arith.constant 2 : i32
        %dma_start3A_404 = arith.constant 0 : i32
        %dma_start3A_405 = tpu.memref_slice %arg8[%dma_start3A_403, %dma_start3A_404] : memref<4x16xi32, #tpu.memory_space<vmem>> -> memref<1x16xi32, #tpu.memory_space<vmem>>
        %dma_start3A_406 = tpu.memref_squeeze %dma_start3A_405 : memref<1x16xi32, #tpu.memory_space<vmem>> -> memref<16xi32, #tpu.memory_space<vmem>>
        %dma_start3A_407 = arith.constant 0 : i32
        %dma_start3A_408 = arith.constant 0 : i32
        %dma_start3A_409 = tpu.memref_slice %arg4[%dma_start3A_407, %dma_start3A_408] : memref<160256x384xf32, #tpu.memory_space<hbm>> -> memref<160256x384xf32, #tpu.memory_space<hbm>>
        tpu.enqueue_indirect_dma source(%dma_start3A_409 : memref<160256x384xf32, #tpu.memory_space<hbm>>) target(%arg14 : memref<16x384xf32, #tpu.memory_space<vmem>>) offsets(%dma_start3A_406 : memref<16xi32, #tpu.memory_space<vmem>>) semaphore(%arg18 : memref<!tpu.dma_semaphore, #tpu.memory_space<semaphore_mem>>)
        %dma_wait3A_410 = arith.constant 0 : i32
        %dma_wait3A_411 = arith.constant 0 : i32
        %dma_wait3A_412 = tpu.memref_slice %arg9[%dma_wait3A_410, %dma_wait3A_411] : memref<4x16xi32, #tpu.memory_space<vmem>> -> memref<1x16xi32, #tpu.memory_space<vmem>>
        %dma_wait3A_413 = tpu.memref_squeeze %dma_wait3A_412 : memref<1x16xi32, #tpu.memory_space<vmem>> -> memref<16xi32, #tpu.memory_space<vmem>>
        %dma_wait3A_414 = arith.constant 0 : i32
        %dma_wait3A_415 = arith.constant 0 : i32
        %dma_wait3A_416 = tpu.memref_slice %arg2[%dma_wait3A_414, %dma_wait3A_415] : memref<11776x128xf32, #tpu.memory_space<hbm>> -> memref<11776x128xf32, #tpu.memory_space<hbm>>
        tpu.wait_indirect_dma semaphore(%arg18 : memref<!tpu.dma_semaphore, #tpu.memory_space<semaphore_mem>>) src(%dma_wait3A_416 : memref<11776x128xf32, #tpu.memory_space<hbm>>) dst(%arg11 : memref<16x128xf32, #tpu.memory_space<vmem>>)
        %dma_wait3A_417 = arith.constant 1 : i32
        %dma_wait3A_418 = arith.constant 0 : i32
        %dma_wait3A_419 = tpu.memref_slice %arg9[%dma_wait3A_417, %dma_wait3A_418] : memref<4x16xi32, #tpu.memory_space<vmem>> -> memref<1x16xi32, #tpu.memory_space<vmem>>
        %dma_wait3A_420 = tpu.memref_squeeze %dma_wait3A_419 : memref<1x16xi32, #tpu.memory_space<vmem>> -> memref<16xi32, #tpu.memory_space<vmem>>
        %dma_wait3A_421 = arith.constant 0 : i32
        %dma_wait3A_422 = arith.constant 0 : i32
        %dma_wait3A_423 = tpu.memref_slice %arg3[%dma_wait3A_421, %dma_wait3A_422] : memref<11776x256xf32, #tpu.memory_space<hbm>> -> memref<11776x256xf32, #tpu.memory_space<hbm>>
        tpu.wait_indirect_dma semaphore(%arg18 : memref<!tpu.dma_semaphore, #tpu.memory_space<semaphore_mem>>) src(%dma_wait3A_423 : memref<11776x256xf32, #tpu.memory_space<hbm>>) dst(%arg13 : memref<16x256xf32, #tpu.memory_space<vmem>>)
        %dma_wait3A_424 = arith.constant 2 : i32
        %dma_wait3A_425 = arith.constant 0 : i32
        %dma_wait3A_426 = tpu.memref_slice %arg9[%dma_wait3A_424, %dma_wait3A_425] : memref<4x16xi32, #tpu.memory_space<vmem>> -> memref<1x16xi32, #tpu.memory_space<vmem>>
        %dma_wait3A_427 = tpu.memref_squeeze %dma_wait3A_426 : memref<1x16xi32, #tpu.memory_space<vmem>> -> memref<16xi32, #tpu.memory_space<vmem>>
        %dma_wait3A_428 = arith.constant 0 : i32
        %dma_wait3A_429 = arith.constant 0 : i32
        %dma_wait3A_430 = tpu.memref_slice %arg4[%dma_wait3A_428, %dma_wait3A_429] : memref<160256x384xf32, #tpu.memory_space<hbm>> -> memref<160256x384xf32, #tpu.memory_space<hbm>>
        tpu.wait_indirect_dma semaphore(%arg18 : memref<!tpu.dma_semaphore, #tpu.memory_space<semaphore_mem>>) src(%dma_wait3A_430 : memref<160256x384xf32, #tpu.memory_space<hbm>>) dst(%arg15 : memref<16x384xf32, #tpu.memory_space<vmem>>)
        %run_scoped3A_431 = arith.constant 0 : i32
        "tpu.region"() ({
          %run_scoped3A_439 = tpu.sem_alloc : memref<!tpu.dma_semaphore, #tpu.memory_space<semaphore_mem>>
          %dma_start3A_440 = arith.constant 0 : i32
          %dma_start3A_441 = tpu.memref_slice %arg9[%run_scoped3A_431, %dma_start3A_440] : memref<4x16xi32, #tpu.memory_space<vmem>> -> memref<1x16xi32, #tpu.memory_space<vmem>>
          %dma_start3A_442 = tpu.memref_squeeze %dma_start3A_441 : memref<1x16xi32, #tpu.memory_space<vmem>> -> memref<16xi32, #tpu.memory_space<vmem>>
          %dma_start3A_443 = arith.constant 0 : i32
          %dma_start3A_444 = arith.constant 0 : i32
          %dma_start3A_445 = tpu.memref_slice %arg7[%dma_start3A_443, %dma_start3A_444] : memref<10112x144xf32, #tpu.memory_space<vmem_shared>> -> memref<10112x144xf32, #tpu.memory_space<vmem_shared>>
          tpu.enqueue_indirect_dma source(%arg16 : memref<16x144xf32, #tpu.memory_space<vmem>>) target(%dma_start3A_445 : memref<10112x144xf32, #tpu.memory_space<vmem_shared>>) offsets(%dma_start3A_442 : memref<16xi32, #tpu.memory_space<vmem>>) semaphore(%run_scoped3A_439 : memref<!tpu.dma_semaphore, #tpu.memory_space<semaphore_mem>>) {add = true}
          %dma_wait3A_446 = arith.constant 0 : i32
          %dma_wait3A_447 = tpu.memref_slice %arg9[%run_scoped3A_431, %dma_wait3A_446] : memref<4x16xi32, #tpu.memory_space<vmem>> -> memref<1x16xi32, #tpu.memory_space<vmem>>
          %dma_wait3A_448 = tpu.memref_squeeze %dma_wait3A_447 : memref<1x16xi32, #tpu.memory_space<vmem>> -> memref<16xi32, #tpu.memory_space<vmem>>
          %dma_wait3A_449 = arith.constant 0 : i32
          %dma_wait3A_450 = arith.constant 0 : i32
          %dma_wait3A_451 = tpu.memref_slice %arg7[%dma_wait3A_449, %dma_wait3A_450] : memref<10112x144xf32, #tpu.memory_space<vmem_shared>> -> memref<10112x144xf32, #tpu.memory_space<vmem_shared>>
          tpu.wait_indirect_dma semaphore(%run_scoped3A_439 : memref<!tpu.dma_semaphore, #tpu.memory_space<semaphore_mem>>) src(%arg16 : memref<16x144xf32, #tpu.memory_space<vmem>>) dst(%dma_wait3A_451 : memref<10112x144xf32, #tpu.memory_space<vmem_shared>>)
          tpu.yield
        }) : () -> ()
        %add3A_432 = arith.constant 1 : i32
        %add3A_433 = arith.addi %add3A_379, %add3A_432 : i32
        %lt3A_434 = arith.constant 648 : i32
        %lt3A_435 = arith.cmpi slt, %add3A_433, %lt3A_434 : i32
        %convert_element_type3A_436 = arith.extui %lt3A_435 : i1 to i32
        %cond3A_437 = arith.constant 0 : i32
        %cond3A_438 = arith.cmpi ne, %convert_element_type3A_436, %cond3A_437 : i32
        scf.if %cond3A_438 {
          %add3A_439 = arith.constant 1 : i32
          %add3A_440 = arith.addi %add3A_379, %add3A_439 : i32
          %add3A_441 = arith.addi %mul3A_90, %add3A_440 : i32
          %dma_start3A_442 = arith.constant 0 : i32
          %dma_start3A_443 = arith.constant 0 : i32
          %dma_start3A_444 = tpu.memref_slice %arg5[%add3A_441, %dma_start3A_442, %dma_start3A_443] : memref<20736x4x16xi32, #tpu.memory_space<hbm>> -> memref<1x4x16xi32, #tpu.memory_space<hbm>>
          %dma_start3A_445 = tpu.memref_squeeze %dma_start3A_444 : memref<1x4x16xi32, #tpu.memory_space<hbm>> -> memref<4x16xi32, #tpu.memory_space<hbm>>
          %dma_start3A_446 = arith.constant 0 : i32
          %dma_start3A_447 = arith.constant 0 : i32
          %dma_start3A_448 = tpu.memref_slice %arg5[%add3A_441, %dma_start3A_446, %dma_start3A_447] : memref<20736x4x16xi32, #tpu.memory_space<hbm>> -> memref<1x4x16xi32, #tpu.memory_space<hbm>>
          %dma_start3A_449 = tpu.memref_squeeze %dma_start3A_448 : memref<1x4x16xi32, #tpu.memory_space<hbm>> -> memref<4x16xi32, #tpu.memory_space<hbm>>
          tpu.enqueue_dma source(%dma_start3A_449 : memref<4x16xi32, #tpu.memory_space<hbm>>) target(%arg9 : memref<4x16xi32, #tpu.memory_space<vmem>>) target_semaphore(%arg17 : memref<!tpu.dma_semaphore, #tpu.memory_space<semaphore_mem>>)
        } else {
        }
      } else {
      }
    }
    %scan3A_126 = arith.constant 324 : i32
    %dma_wait3A = arith.constant 0 : i32
    %dma_wait3A_127 = arith.constant 0 : i32
    %dma_wait3A_128 = tpu.memref_slice %arg9[%dma_wait3A, %dma_wait3A_127] : memref<4x16xi32, #tpu.memory_space<vmem>> -> memref<1x16xi32, #tpu.memory_space<vmem>>
    %dma_wait3A_129 = tpu.memref_squeeze %dma_wait3A_128 : memref<1x16xi32, #tpu.memory_space<vmem>> -> memref<16xi32, #tpu.memory_space<vmem>>
    %dma_wait3A_130 = arith.constant 0 : i32
    %dma_wait3A_131 = arith.constant 0 : i32
    %dma_wait3A_132 = tpu.memref_slice %arg2[%dma_wait3A_130, %dma_wait3A_131] : memref<11776x128xf32, #tpu.memory_space<hbm>> -> memref<11776x128xf32, #tpu.memory_space<hbm>>
    tpu.wait_indirect_dma semaphore(%arg18 : memref<!tpu.dma_semaphore, #tpu.memory_space<semaphore_mem>>) src(%dma_wait3A_132 : memref<11776x128xf32, #tpu.memory_space<hbm>>) dst(%arg11 : memref<16x128xf32, #tpu.memory_space<vmem>>)
    %dma_wait3A_133 = arith.constant 1 : i32
    %dma_wait3A_134 = arith.constant 0 : i32
    %dma_wait3A_135 = tpu.memref_slice %arg9[%dma_wait3A_133, %dma_wait3A_134] : memref<4x16xi32, #tpu.memory_space<vmem>> -> memref<1x16xi32, #tpu.memory_space<vmem>>
    %dma_wait3A_136 = tpu.memref_squeeze %dma_wait3A_135 : memref<1x16xi32, #tpu.memory_space<vmem>> -> memref<16xi32, #tpu.memory_space<vmem>>
    %dma_wait3A_137 = arith.constant 0 : i32
    %dma_wait3A_138 = arith.constant 0 : i32
    %dma_wait3A_139 = tpu.memref_slice %arg3[%dma_wait3A_137, %dma_wait3A_138] : memref<11776x256xf32, #tpu.memory_space<hbm>> -> memref<11776x256xf32, #tpu.memory_space<hbm>>
    tpu.wait_indirect_dma semaphore(%arg18 : memref<!tpu.dma_semaphore, #tpu.memory_space<semaphore_mem>>) src(%dma_wait3A_139 : memref<11776x256xf32, #tpu.memory_space<hbm>>) dst(%arg13 : memref<16x256xf32, #tpu.memory_space<vmem>>)
    %dma_wait3A_140 = arith.constant 2 : i32
    %dma_wait3A_141 = arith.constant 0 : i32
    %dma_wait3A_142 = tpu.memref_slice %arg9[%dma_wait3A_140, %dma_wait3A_141] : memref<4x16xi32, #tpu.memory_space<vmem>> -> memref<1x16xi32, #tpu.memory_space<vmem>>
    %dma_wait3A_143 = tpu.memref_squeeze %dma_wait3A_142 : memref<1x16xi32, #tpu.memory_space<vmem>> -> memref<16xi32, #tpu.memory_space<vmem>>
    %dma_wait3A_144 = arith.constant 0 : i32
    %dma_wait3A_145 = arith.constant 0 : i32
    %dma_wait3A_146 = tpu.memref_slice %arg4[%dma_wait3A_144, %dma_wait3A_145] : memref<160256x384xf32, #tpu.memory_space<hbm>> -> memref<160256x384xf32, #tpu.memory_space<hbm>>
    tpu.wait_indirect_dma semaphore(%arg18 : memref<!tpu.dma_semaphore, #tpu.memory_space<semaphore_mem>>) src(%dma_wait3A_146 : memref<160256x384xf32, #tpu.memory_space<hbm>>) dst(%arg15 : memref<16x384xf32, #tpu.memory_space<vmem>>)
    %run_scoped3A = arith.constant 0 : i32
    "tpu.region"() ({
      %run_scoped3A_308 = tpu.sem_alloc : memref<!tpu.dma_semaphore, #tpu.memory_space<semaphore_mem>>
      %dma_start3A_309 = arith.constant 0 : i32
      %dma_start3A_310 = tpu.memref_slice %arg9[%run_scoped3A, %dma_start3A_309] : memref<4x16xi32, #tpu.memory_space<vmem>> -> memref<1x16xi32, #tpu.memory_space<vmem>>
      %dma_start3A_311 = tpu.memref_squeeze %dma_start3A_310 : memref<1x16xi32, #tpu.memory_space<vmem>> -> memref<16xi32, #tpu.memory_space<vmem>>
      %dma_start3A_312 = arith.constant 0 : i32
      %dma_start3A_313 = arith.constant 0 : i32
      %dma_start3A_314 = tpu.memref_slice %arg7[%dma_start3A_312, %dma_start3A_313] : memref<10112x144xf32, #tpu.memory_space<vmem_shared>> -> memref<10112x144xf32, #tpu.memory_space<vmem_shared>>
      tpu.enqueue_indirect_dma source(%arg16 : memref<16x144xf32, #tpu.memory_space<vmem>>) target(%dma_start3A_314 : memref<10112x144xf32, #tpu.memory_space<vmem_shared>>) offsets(%dma_start3A_311 : memref<16xi32, #tpu.memory_space<vmem>>) semaphore(%run_scoped3A_308 : memref<!tpu.dma_semaphore, #tpu.memory_space<semaphore_mem>>) {add = true}
      %dma_wait3A_315 = arith.constant 0 : i32
      %dma_wait3A_316 = tpu.memref_slice %arg9[%run_scoped3A, %dma_wait3A_315] : memref<4x16xi32, #tpu.memory_space<vmem>> -> memref<1x16xi32, #tpu.memory_space<vmem>>
      %dma_wait3A_317 = tpu.memref_squeeze %dma_wait3A_316 : memref<1x16xi32, #tpu.memory_space<vmem>> -> memref<16xi32, #tpu.memory_space<vmem>>
      %dma_wait3A_318 = arith.constant 0 : i32
      %dma_wait3A_319 = arith.constant 0 : i32
      %dma_wait3A_320 = tpu.memref_slice %arg7[%dma_wait3A_318, %dma_wait3A_319] : memref<10112x144xf32, #tpu.memory_space<vmem_shared>> -> memref<10112x144xf32, #tpu.memory_space<vmem_shared>>
      tpu.wait_indirect_dma semaphore(%run_scoped3A_308 : memref<!tpu.dma_semaphore, #tpu.memory_space<semaphore_mem>>) src(%arg16 : memref<16x144xf32, #tpu.memory_space<vmem>>) dst(%dma_wait3A_320 : memref<10112x144xf32, #tpu.memory_space<vmem_shared>>)
      tpu.yield
    }) : () -> ()
    %barrier3A_147 = arith.constant 0 : index
    tpu.barrier barrier_id(%barrier3A_147)
    %add3A_148 = arith.constant 0 : i32
    %add3A_149 = arith.addi %mul3A_8, %add3A_148 : i32
    "tpu.region"() ({
      %run_scoped3A_308 = tpu.sem_alloc : memref<!tpu.dma_semaphore, #tpu.memory_space<semaphore_mem>>
      %dma_start3A_309 = arith.constant 0 : i32
      %dma_start3A_310 = arith.constant 0 : i32
      %dma_start3A_311 = tpu.memref_slice %arg16[%dma_start3A_309, %dma_start3A_310] : memref<16x144xf32, #tpu.memory_space<vmem>> -> memref<16x144xf32, #tpu.memory_space<vmem>>
      %dma_start3A_312 = arith.constant 0 : i32
      %dma_start3A_313 = tpu.memref_slice %arg7[%add3A_149, %dma_start3A_312] : memref<10112x144xf32, #tpu.memory_space<vmem_shared>> -> memref<16x144xf32, #tpu.memory_space<vmem_shared>>
      %dma_start3A_314 = arith.constant 0 : i32
      %dma_start3A_315 = arith.constant 0 : i32
      %dma_start3A_316 = tpu.memref_slice %arg16[%dma_start3A_314, %dma_start3A_315] : memref<16x144xf32, #tpu.memory_space<vmem>> -> memref<16x144xf32, #tpu.memory_space<vmem>>
      %dma_start3A_317 = arith.constant 0 : i32
      %dma_start3A_318 = tpu.memref_slice %arg7[%add3A_149, %dma_start3A_317] : memref<10112x144xf32, #tpu.memory_space<vmem_shared>> -> memref<16x144xf32, #tpu.memory_space<vmem_shared>>
      tpu.enqueue_dma source(%dma_start3A_318 : memref<16x144xf32, #tpu.memory_space<vmem_shared>>) target(%dma_start3A_316 : memref<16x144xf32, #tpu.memory_space<vmem>>) target_semaphore(%run_scoped3A_308 : memref<!tpu.dma_semaphore, #tpu.memory_space<semaphore_mem>>)
      %dma_wait3A_319 = arith.constant 0 : i32
      %dma_wait3A_320 = arith.constant 0 : i32
      %dma_wait3A_321 = tpu.memref_slice %arg16[%dma_wait3A_319, %dma_wait3A_320] : memref<16x144xf32, #tpu.memory_space<vmem>> -> memref<16x144xf32, #tpu.memory_space<vmem>>
      %dma_wait3A_322 = arith.constant 0 : i32
      %dma_wait3A_323 = tpu.memref_slice %arg7[%add3A_149, %dma_wait3A_322] : memref<10112x144xf32, #tpu.memory_space<vmem_shared>> -> memref<16x144xf32, #tpu.memory_space<vmem_shared>>
      %dma_wait3A_324 = arith.constant 0 : i32
      %dma_wait3A_325 = arith.constant 0 : i32
      %dma_wait3A_326 = tpu.memref_slice %arg16[%dma_wait3A_324, %dma_wait3A_325] : memref<16x144xf32, #tpu.memory_space<vmem>> -> memref<16x144xf32, #tpu.memory_space<vmem>>
      %dma_wait3A_327 = arith.constant 0 : i32
      %dma_wait3A_328 = tpu.memref_slice %arg7[%add3A_149, %dma_wait3A_327] : memref<10112x144xf32, #tpu.memory_space<vmem_shared>> -> memref<16x144xf32, #tpu.memory_space<vmem_shared>>
      tpu.wait_dma2 semaphore(%run_scoped3A_308 : memref<!tpu.dma_semaphore, #tpu.memory_space<semaphore_mem>>) src(%dma_wait3A_328 : memref<16x144xf32, #tpu.memory_space<vmem_shared>>) dst(%dma_wait3A_326 : memref<16x144xf32, #tpu.memory_space<vmem>>)
      tpu.yield
    }) : () -> ()
    %add3A_150 = arith.constant 0 : i32
    %add3A_151 = arith.addi %mul3A_8, %add3A_150 : i32
    "tpu.region"() ({
      %run_scoped3A_308 = tpu.sem_alloc : memref<!tpu.dma_semaphore, #tpu.memory_space<semaphore_mem>>
      %dma_start3A_309 = arith.constant 0 : i32
      %dma_start3A_310 = arith.constant 0 : i32
      %dma_start3A_311 = tpu.memref_slice %arg16[%dma_start3A_309, %dma_start3A_310] : memref<16x144xf32, #tpu.memory_space<vmem>> -> memref<16x144xf32, #tpu.memory_space<vmem>>
      %dma_start3A_312 = arith.constant 0 : i32
      %dma_start3A_313 = tpu.memref_slice %arg6[%arg0, %add3A_151, %dma_start3A_312] : memref<2x10112x144xf32, #tpu.memory_space<hbm>> -> memref<1x16x144xf32, #tpu.memory_space<hbm>>
      %dma_start3A_314 = tpu.memref_squeeze %dma_start3A_313 : memref<1x16x144xf32, #tpu.memory_space<hbm>> -> memref<16x144xf32, #tpu.memory_space<hbm>>
      %dma_start3A_315 = arith.constant 0 : i32
      %dma_start3A_316 = tpu.memref_slice %arg6[%arg0, %add3A_151, %dma_start3A_315] : memref<2x10112x144xf32, #tpu.memory_space<hbm>> -> memref<1x16x144xf32, #tpu.memory_space<hbm>>
      %dma_start3A_317 = tpu.memref_squeeze %dma_start3A_316 : memref<1x16x144xf32, #tpu.memory_space<hbm>> -> memref<16x144xf32, #tpu.memory_space<hbm>>
      %dma_start3A_318 = arith.constant 0 : i32
      %dma_start3A_319 = arith.constant 0 : i32
      %dma_start3A_320 = tpu.memref_slice %arg16[%dma_start3A_318, %dma_start3A_319] : memref<16x144xf32, #tpu.memory_space<vmem>> -> memref<16x144xf32, #tpu.memory_space<vmem>>
      tpu.enqueue_dma source(%dma_start3A_320 : memref<16x144xf32, #tpu.memory_space<vmem>>) target(%dma_start3A_317 : memref<16x144xf32, #tpu.memory_space<hbm>>) target_semaphore(%run_scoped3A_308 : memref<!tpu.dma_semaphore, #tpu.memory_space<semaphore_mem>>)
      %dma_wait3A_321 = arith.constant 0 : i32
      %dma_wait3A_322 = arith.constant 0 : i32
      %dma_wait3A_323 = tpu.memref_slice %arg16[%dma_wait3A_321, %dma_wait3A_322] : memref<16x144xf32, #tpu.memory_space<vmem>> -> memref<16x144xf32, #tpu.memory_space<vmem>>
      %dma_wait3A_324 = arith.constant 0 : i32
      %dma_wait3A_325 = tpu.memref_slice %arg6[%arg0, %add3A_151, %dma_wait3A_324] : memref<2x10112x144xf32, #tpu.memory_space<hbm>> -> memref<1x16x144xf32, #tpu.memory_space<hbm>>
      %dma_wait3A_326 = tpu.memref_squeeze %dma_wait3A_325 : memref<1x16x144xf32, #tpu.memory_space<hbm>> -> memref<16x144xf32, #tpu.memory_space<hbm>>
      %dma_wait3A_327 = arith.constant 0 : i32
      %dma_wait3A_328 = tpu.memref_slice %arg6[%arg0, %add3A_151, %dma_wait3A_327] : memref<2x10112x144xf32, #tpu.memory_space<hbm>> -> memref<1x16x144xf32, #tpu.memory_space<hbm>>
      %dma_wait3A_329 = tpu.memref_squeeze %dma_wait3A_328 : memref<1x16x144xf32, #tpu.memory_space<hbm>> -> memref<16x144xf32, #tpu.memory_space<hbm>>
      %dma_wait3A_330 = arith.constant 0 : i32
      %dma_wait3A_331 = arith.constant 0 : i32
      %dma_wait3A_332 = tpu.memref_slice %arg16[%dma_wait3A_330, %dma_wait3A_331] : memref<16x144xf32, #tpu.memory_space<vmem>> -> memref<16x144xf32, #tpu.memory_space<vmem>>
      tpu.wait_dma2 semaphore(%run_scoped3A_308 : memref<!tpu.dma_semaphore, #tpu.memory_space<semaphore_mem>>) src(%dma_wait3A_332 : memref<16x144xf32, #tpu.memory_space<vmem>>) dst(%dma_wait3A_329 : memref<16x144xf32, #tpu.memory_space<hbm>>)
      tpu.yield
    }) : () -> ()
    %add3A_152 = arith.constant 16 : i32
    %add3A_153 = arith.addi %mul3A_8, %add3A_152 : i32
    "tpu.region"() ({
      %run_scoped3A_308 = tpu.sem_alloc : memref<!tpu.dma_semaphore, #tpu.memory_space<semaphore_mem>>
      %dma_start3A_309 = arith.constant 0 : i32
      %dma_start3A_310 = arith.constant 0 : i32
      %dma_start3A_311 = tpu.memref_slice %arg16[%dma_start3A_309, %dma_start3A_310] : memref<16x144xf32, #tpu.memory_space<vmem>> -> memref<16x144xf32, #tpu.memory_space<vmem>>
      %dma_start3A_312 = arith.constant 0 : i32
      %dma_start3A_313 = tpu.memref_slice %arg7[%add3A_153, %dma_start3A_312] : memref<10112x144xf32, #tpu.memory_space<vmem_shared>> -> memref<16x144xf32, #tpu.memory_space<vmem_shared>>
      %dma_start3A_314 = arith.constant 0 : i32
      %dma_start3A_315 = arith.constant 0 : i32
      %dma_start3A_316 = tpu.memref_slice %arg16[%dma_start3A_314, %dma_start3A_315] : memref<16x144xf32, #tpu.memory_space<vmem>> -> memref<16x144xf32, #tpu.memory_space<vmem>>
      %dma_start3A_317 = arith.constant 0 : i32
      %dma_start3A_318 = tpu.memref_slice %arg7[%add3A_153, %dma_start3A_317] : memref<10112x144xf32, #tpu.memory_space<vmem_shared>> -> memref<16x144xf32, #tpu.memory_space<vmem_shared>>
      tpu.enqueue_dma source(%dma_start3A_318 : memref<16x144xf32, #tpu.memory_space<vmem_shared>>) target(%dma_start3A_316 : memref<16x144xf32, #tpu.memory_space<vmem>>) target_semaphore(%run_scoped3A_308 : memref<!tpu.dma_semaphore, #tpu.memory_space<semaphore_mem>>)
      %dma_wait3A_319 = arith.constant 0 : i32
      %dma_wait3A_320 = arith.constant 0 : i32
      %dma_wait3A_321 = tpu.memref_slice %arg16[%dma_wait3A_319, %dma_wait3A_320] : memref<16x144xf32, #tpu.memory_space<vmem>> -> memref<16x144xf32, #tpu.memory_space<vmem>>
      %dma_wait3A_322 = arith.constant 0 : i32
      %dma_wait3A_323 = tpu.memref_slice %arg7[%add3A_153, %dma_wait3A_322] : memref<10112x144xf32, #tpu.memory_space<vmem_shared>> -> memref<16x144xf32, #tpu.memory_space<vmem_shared>>
      %dma_wait3A_324 = arith.constant 0 : i32
      %dma_wait3A_325 = arith.constant 0 : i32
      %dma_wait3A_326 = tpu.memref_slice %arg16[%dma_wait3A_324, %dma_wait3A_325] : memref<16x144xf32, #tpu.memory_space<vmem>> -> memref<16x144xf32, #tpu.memory_space<vmem>>
      %dma_wait3A_327 = arith.constant 0 : i32
      %dma_wait3A_328 = tpu.memref_slice %arg7[%add3A_153, %dma_wait3A_327] : memref<10112x144xf32, #tpu.memory_space<vmem_shared>> -> memref<16x144xf32, #tpu.memory_space<vmem_shared>>
      tpu.wait_dma2 semaphore(%run_scoped3A_308 : memref<!tpu.dma_semaphore, #tpu.memory_space<semaphore_mem>>) src(%dma_wait3A_328 : memref<16x144xf32, #tpu.memory_space<vmem_shared>>) dst(%dma_wait3A_326 : memref<16x144xf32, #tpu.memory_space<vmem>>)
      tpu.yield
    }) : () -> ()
    %add3A_154 = arith.constant 16 : i32
    %add3A_155 = arith.addi %mul3A_8, %add3A_154 : i32
    "tpu.region"() ({
      %run_scoped3A_308 = tpu.sem_alloc : memref<!tpu.dma_semaphore, #tpu.memory_space<semaphore_mem>>
      %dma_start3A_309 = arith.constant 0 : i32
      %dma_start3A_310 = arith.constant 0 : i32
      %dma_start3A_311 = tpu.memref_slice %arg16[%dma_start3A_309, %dma_start3A_310] : memref<16x144xf32, #tpu.memory_space<vmem>> -> memref<16x144xf32, #tpu.memory_space<vmem>>
      %dma_start3A_312 = arith.constant 0 : i32
      %dma_start3A_313 = tpu.memref_slice %arg6[%arg0, %add3A_155, %dma_start3A_312] : memref<2x10112x144xf32, #tpu.memory_space<hbm>> -> memref<1x16x144xf32, #tpu.memory_space<hbm>>
      %dma_start3A_314 = tpu.memref_squeeze %dma_start3A_313 : memref<1x16x144xf32, #tpu.memory_space<hbm>> -> memref<16x144xf32, #tpu.memory_space<hbm>>
      %dma_start3A_315 = arith.constant 0 : i32
      %dma_start3A_316 = tpu.memref_slice %arg6[%arg0, %add3A_155, %dma_start3A_315] : memref<2x10112x144xf32, #tpu.memory_space<hbm>> -> memref<1x16x144xf32, #tpu.memory_space<hbm>>
      %dma_start3A_317 = tpu.memref_squeeze %dma_start3A_316 : memref<1x16x144xf32, #tpu.memory_space<hbm>> -> memref<16x144xf32, #tpu.memory_space<hbm>>
      %dma_start3A_318 = arith.constant 0 : i32
      %dma_start3A_319 = arith.constant 0 : i32
      %dma_start3A_320 = tpu.memref_slice %arg16[%dma_start3A_318, %dma_start3A_319] : memref<16x144xf32, #tpu.memory_space<vmem>> -> memref<16x144xf32, #tpu.memory_space<vmem>>
      tpu.enqueue_dma source(%dma_start3A_320 : memref<16x144xf32, #tpu.memory_space<vmem>>) target(%dma_start3A_317 : memref<16x144xf32, #tpu.memory_space<hbm>>) target_semaphore(%run_scoped3A_308 : memref<!tpu.dma_semaphore, #tpu.memory_space<semaphore_mem>>)
      %dma_wait3A_321 = arith.constant 0 : i32
      %dma_wait3A_322 = arith.constant 0 : i32
      %dma_wait3A_323 = tpu.memref_slice %arg16[%dma_wait3A_321, %dma_wait3A_322] : memref<16x144xf32, #tpu.memory_space<vmem>> -> memref<16x144xf32, #tpu.memory_space<vmem>>
      %dma_wait3A_324 = arith.constant 0 : i32
      %dma_wait3A_325 = tpu.memref_slice %arg6[%arg0, %add3A_155, %dma_wait3A_324] : memref<2x10112x144xf32, #tpu.memory_space<hbm>> -> memref<1x16x144xf32, #tpu.memory_space<hbm>>
      %dma_wait3A_326 = tpu.memref_squeeze %dma_wait3A_325 : memref<1x16x144xf32, #tpu.memory_space<hbm>> -> memref<16x144xf32, #tpu.memory_space<hbm>>
      %dma_wait3A_327 = arith.constant 0 : i32
      %dma_wait3A_328 = tpu.memref_slice %arg6[%arg0, %add3A_155, %dma_wait3A_327] : memref<2x10112x144xf32, #tpu.memory_space<hbm>> -> memref<1x16x144xf32, #tpu.memory_space<hbm>>
      %dma_wait3A_329 = tpu.memref_squeeze %dma_wait3A_328 : memref<1x16x144xf32, #tpu.memory_space<hbm>> -> memref<16x144xf32, #tpu.memory_space<hbm>>
      %dma_wait3A_330 = arith.constant 0 : i32
      %dma_wait3A_331 = arith.constant 0 : i32
      %dma_wait3A_332 = tpu.memref_slice %arg16[%dma_wait3A_330, %dma_wait3A_331] : memref<16x144xf32, #tpu.memory_space<vmem>> -> memref<16x144xf32, #tpu.memory_space<vmem>>
      tpu.wait_dma2 semaphore(%run_scoped3A_308 : memref<!tpu.dma_semaphore, #tpu.memory_space<semaphore_mem>>) src(%dma_wait3A_332 : memref<16x144xf32, #tpu.memory_space<vmem>>) dst(%dma_wait3A_329 : memref<16x144xf32, #tpu.memory_space<hbm>>)
      tpu.yield
    }) : () -> ()
    %add3A_156 = arith.constant 32 : i32
    %add3A_157 = arith.addi %mul3A_8, %add3A_156 : i32
    "tpu.region"() ({
      %run_scoped3A_308 = tpu.sem_alloc : memref<!tpu.dma_semaphore, #tpu.memory_space<semaphore_mem>>
      %dma_start3A_309 = arith.constant 0 : i32
      %dma_start3A_310 = arith.constant 0 : i32
      %dma_start3A_311 = tpu.memref_slice %arg16[%dma_start3A_309, %dma_start3A_310] : memref<16x144xf32, #tpu.memory_space<vmem>> -> memref<16x144xf32, #tpu.memory_space<vmem>>
      %dma_start3A_312 = arith.constant 0 : i32
      %dma_start3A_313 = tpu.memref_slice %arg7[%add3A_157, %dma_start3A_312] : memref<10112x144xf32, #tpu.memory_space<vmem_shared>> -> memref<16x144xf32, #tpu.memory_space<vmem_shared>>
      %dma_start3A_314 = arith.constant 0 : i32
      %dma_start3A_315 = arith.constant 0 : i32
      %dma_start3A_316 = tpu.memref_slice %arg16[%dma_start3A_314, %dma_start3A_315] : memref<16x144xf32, #tpu.memory_space<vmem>> -> memref<16x144xf32, #tpu.memory_space<vmem>>
      %dma_start3A_317 = arith.constant 0 : i32
      %dma_start3A_318 = tpu.memref_slice %arg7[%add3A_157, %dma_start3A_317] : memref<10112x144xf32, #tpu.memory_space<vmem_shared>> -> memref<16x144xf32, #tpu.memory_space<vmem_shared>>
      tpu.enqueue_dma source(%dma_start3A_318 : memref<16x144xf32, #tpu.memory_space<vmem_shared>>) target(%dma_start3A_316 : memref<16x144xf32, #tpu.memory_space<vmem>>) target_semaphore(%run_scoped3A_308 : memref<!tpu.dma_semaphore, #tpu.memory_space<semaphore_mem>>)
      %dma_wait3A_319 = arith.constant 0 : i32
      %dma_wait3A_320 = arith.constant 0 : i32
      %dma_wait3A_321 = tpu.memref_slice %arg16[%dma_wait3A_319, %dma_wait3A_320] : memref<16x144xf32, #tpu.memory_space<vmem>> -> memref<16x144xf32, #tpu.memory_space<vmem>>
      %dma_wait3A_322 = arith.constant 0 : i32
      %dma_wait3A_323 = tpu.memref_slice %arg7[%add3A_157, %dma_wait3A_322] : memref<10112x144xf32, #tpu.memory_space<vmem_shared>> -> memref<16x144xf32, #tpu.memory_space<vmem_shared>>
      %dma_wait3A_324 = arith.constant 0 : i32
      %dma_wait3A_325 = arith.constant 0 : i32
      %dma_wait3A_326 = tpu.memref_slice %arg16[%dma_wait3A_324, %dma_wait3A_325] : memref<16x144xf32, #tpu.memory_space<vmem>> -> memref<16x144xf32, #tpu.memory_space<vmem>>
      %dma_wait3A_327 = arith.constant 0 : i32
      %dma_wait3A_328 = tpu.memref_slice %arg7[%add3A_157, %dma_wait3A_327] : memref<10112x144xf32, #tpu.memory_space<vmem_shared>> -> memref<16x144xf32, #tpu.memory_space<vmem_shared>>
      tpu.wait_dma2 semaphore(%run_scoped3A_308 : memref<!tpu.dma_semaphore, #tpu.memory_space<semaphore_mem>>) src(%dma_wait3A_328 : memref<16x144xf32, #tpu.memory_space<vmem_shared>>) dst(%dma_wait3A_326 : memref<16x144xf32, #tpu.memory_space<vmem>>)
      tpu.yield
    }) : () -> ()
    %add3A_158 = arith.constant 32 : i32
    %add3A_159 = arith.addi %mul3A_8, %add3A_158 : i32
    "tpu.region"() ({
      %run_scoped3A_308 = tpu.sem_alloc : memref<!tpu.dma_semaphore, #tpu.memory_space<semaphore_mem>>
      %dma_start3A_309 = arith.constant 0 : i32
      %dma_start3A_310 = arith.constant 0 : i32
      %dma_start3A_311 = tpu.memref_slice %arg16[%dma_start3A_309, %dma_start3A_310] : memref<16x144xf32, #tpu.memory_space<vmem>> -> memref<16x144xf32, #tpu.memory_space<vmem>>
      %dma_start3A_312 = arith.constant 0 : i32
      %dma_start3A_313 = tpu.memref_slice %arg6[%arg0, %add3A_159, %dma_start3A_312] : memref<2x10112x144xf32, #tpu.memory_space<hbm>> -> memref<1x16x144xf32, #tpu.memory_space<hbm>>
      %dma_start3A_314 = tpu.memref_squeeze %dma_start3A_313 : memref<1x16x144xf32, #tpu.memory_space<hbm>> -> memref<16x144xf32, #tpu.memory_space<hbm>>
      %dma_start3A_315 = arith.constant 0 : i32
      %dma_start3A_316 = tpu.memref_slice %arg6[%arg0, %add3A_159, %dma_start3A_315] : memref<2x10112x144xf32, #tpu.memory_space<hbm>> -> memref<1x16x144xf32, #tpu.memory_space<hbm>>
      %dma_start3A_317 = tpu.memref_squeeze %dma_start3A_316 : memref<1x16x144xf32, #tpu.memory_space<hbm>> -> memref<16x144xf32, #tpu.memory_space<hbm>>
      %dma_start3A_318 = arith.constant 0 : i32
      %dma_start3A_319 = arith.constant 0 : i32
      %dma_start3A_320 = tpu.memref_slice %arg16[%dma_start3A_318, %dma_start3A_319] : memref<16x144xf32, #tpu.memory_space<vmem>> -> memref<16x144xf32, #tpu.memory_space<vmem>>
      tpu.enqueue_dma source(%dma_start3A_320 : memref<16x144xf32, #tpu.memory_space<vmem>>) target(%dma_start3A_317 : memref<16x144xf32, #tpu.memory_space<hbm>>) target_semaphore(%run_scoped3A_308 : memref<!tpu.dma_semaphore, #tpu.memory_space<semaphore_mem>>)
      %dma_wait3A_321 = arith.constant 0 : i32
      %dma_wait3A_322 = arith.constant 0 : i32
      %dma_wait3A_323 = tpu.memref_slice %arg16[%dma_wait3A_321, %dma_wait3A_322] : memref<16x144xf32, #tpu.memory_space<vmem>> -> memref<16x144xf32, #tpu.memory_space<vmem>>
      %dma_wait3A_324 = arith.constant 0 : i32
      %dma_wait3A_325 = tpu.memref_slice %arg6[%arg0, %add3A_159, %dma_wait3A_324] : memref<2x10112x144xf32, #tpu.memory_space<hbm>> -> memref<1x16x144xf32, #tpu.memory_space<hbm>>
      %dma_wait3A_326 = tpu.memref_squeeze %dma_wait3A_325 : memref<1x16x144xf32, #tpu.memory_space<hbm>> -> memref<16x144xf32, #tpu.memory_space<hbm>>
      %dma_wait3A_327 = arith.constant 0 : i32
      %dma_wait3A_328 = tpu.memref_slice %arg6[%arg0, %add3A_159, %dma_wait3A_327] : memref<2x10112x144xf32, #tpu.memory_space<hbm>> -> memref<1x16x144xf32, #tpu.memory_space<hbm>>
      %dma_wait3A_329 = tpu.memref_squeeze %dma_wait3A_328 : memref<1x16x144xf32, #tpu.memory_space<hbm>> -> memref<16x144xf32, #tpu.memory_space<hbm>>
      %dma_wait3A_330 = arith.constant 0 : i32
      %dma_wait3A_331 = arith.constant 0 : i32
      %dma_wait3A_332 = tpu.memref_slice %arg16[%dma_wait3A_330, %dma_wait3A_331] : memref<16x144xf32, #tpu.memory_space<vmem>> -> memref<16x144xf32, #tpu.memory_space<vmem>>
      tpu.wait_dma2 semaphore(%run_scoped3A_308 : memref<!tpu.dma_semaphore, #tpu.memory_space<semaphore_mem>>) src(%dma_wait3A_332 : memref<16x144xf32, #tpu.memory_space<vmem>>) dst(%dma_wait3A_329 : memref<16x144xf32, #tpu.memory_space<hbm>>)
      tpu.yield
    }) : () -> ()
    %add3A_160 = arith.constant 48 : i32
    %add3A_161 = arith.addi %mul3A_8, %add3A_160 : i32
    "tpu.region"() ({
      %run_scoped3A_308 = tpu.sem_alloc : memref<!tpu.dma_semaphore, #tpu.memory_space<semaphore_mem>>
      %dma_start3A_309 = arith.constant 0 : i32
      %dma_start3A_310 = arith.constant 0 : i32
      %dma_start3A_311 = tpu.memref_slice %arg16[%dma_start3A_309, %dma_start3A_310] : memref<16x144xf32, #tpu.memory_space<vmem>> -> memref<16x144xf32, #tpu.memory_space<vmem>>
      %dma_start3A_312 = arith.constant 0 : i32
      %dma_start3A_313 = tpu.memref_slice %arg7[%add3A_161, %dma_start3A_312] : memref<10112x144xf32, #tpu.memory_space<vmem_shared>> -> memref<16x144xf32, #tpu.memory_space<vmem_shared>>
      %dma_start3A_314 = arith.constant 0 : i32
      %dma_start3A_315 = arith.constant 0 : i32
      %dma_start3A_316 = tpu.memref_slice %arg16[%dma_start3A_314, %dma_start3A_315] : memref<16x144xf32, #tpu.memory_space<vmem>> -> memref<16x144xf32, #tpu.memory_space<vmem>>
      %dma_start3A_317 = arith.constant 0 : i32
      %dma_start3A_318 = tpu.memref_slice %arg7[%add3A_161, %dma_start3A_317] : memref<10112x144xf32, #tpu.memory_space<vmem_shared>> -> memref<16x144xf32, #tpu.memory_space<vmem_shared>>
      tpu.enqueue_dma source(%dma_start3A_318 : memref<16x144xf32, #tpu.memory_space<vmem_shared>>) target(%dma_start3A_316 : memref<16x144xf32, #tpu.memory_space<vmem>>) target_semaphore(%run_scoped3A_308 : memref<!tpu.dma_semaphore, #tpu.memory_space<semaphore_mem>>)
      %dma_wait3A_319 = arith.constant 0 : i32
      %dma_wait3A_320 = arith.constant 0 : i32
      %dma_wait3A_321 = tpu.memref_slice %arg16[%dma_wait3A_319, %dma_wait3A_320] : memref<16x144xf32, #tpu.memory_space<vmem>> -> memref<16x144xf32, #tpu.memory_space<vmem>>
      %dma_wait3A_322 = arith.constant 0 : i32
      %dma_wait3A_323 = tpu.memref_slice %arg7[%add3A_161, %dma_wait3A_322] : memref<10112x144xf32, #tpu.memory_space<vmem_shared>> -> memref<16x144xf32, #tpu.memory_space<vmem_shared>>
      %dma_wait3A_324 = arith.constant 0 : i32
      %dma_wait3A_325 = arith.constant 0 : i32
      %dma_wait3A_326 = tpu.memref_slice %arg16[%dma_wait3A_324, %dma_wait3A_325] : memref<16x144xf32, #tpu.memory_space<vmem>> -> memref<16x144xf32, #tpu.memory_space<vmem>>
      %dma_wait3A_327 = arith.constant 0 : i32
      %dma_wait3A_328 = tpu.memref_slice %arg7[%add3A_161, %dma_wait3A_327] : memref<10112x144xf32, #tpu.memory_space<vmem_shared>> -> memref<16x144xf32, #tpu.memory_space<vmem_shared>>
      tpu.wait_dma2 semaphore(%run_scoped3A_308 : memref<!tpu.dma_semaphore, #tpu.memory_space<semaphore_mem>>) src(%dma_wait3A_328 : memref<16x144xf32, #tpu.memory_space<vmem_shared>>) dst(%dma_wait3A_326 : memref<16x144xf32, #tpu.memory_space<vmem>>)
      tpu.yield
    }) : () -> ()
    %add3A_162 = arith.constant 48 : i32
    %add3A_163 = arith.addi %mul3A_8, %add3A_162 : i32
    "tpu.region"() ({
      %run_scoped3A_308 = tpu.sem_alloc : memref<!tpu.dma_semaphore, #tpu.memory_space<semaphore_mem>>
      %dma_start3A_309 = arith.constant 0 : i32
      %dma_start3A_310 = arith.constant 0 : i32
      %dma_start3A_311 = tpu.memref_slice %arg16[%dma_start3A_309, %dma_start3A_310] : memref<16x144xf32, #tpu.memory_space<vmem>> -> memref<16x144xf32, #tpu.memory_space<vmem>>
      %dma_start3A_312 = arith.constant 0 : i32
      %dma_start3A_313 = tpu.memref_slice %arg6[%arg0, %add3A_163, %dma_start3A_312] : memref<2x10112x144xf32, #tpu.memory_space<hbm>> -> memref<1x16x144xf32, #tpu.memory_space<hbm>>
      %dma_start3A_314 = tpu.memref_squeeze %dma_start3A_313 : memref<1x16x144xf32, #tpu.memory_space<hbm>> -> memref<16x144xf32, #tpu.memory_space<hbm>>
      %dma_start3A_315 = arith.constant 0 : i32
      %dma_start3A_316 = tpu.memref_slice %arg6[%arg0, %add3A_163, %dma_start3A_315] : memref<2x10112x144xf32, #tpu.memory_space<hbm>> -> memref<1x16x144xf32, #tpu.memory_space<hbm>>
      %dma_start3A_317 = tpu.memref_squeeze %dma_start3A_316 : memref<1x16x144xf32, #tpu.memory_space<hbm>> -> memref<16x144xf32, #tpu.memory_space<hbm>>
      %dma_start3A_318 = arith.constant 0 : i32
      %dma_start3A_319 = arith.constant 0 : i32
      %dma_start3A_320 = tpu.memref_slice %arg16[%dma_start3A_318, %dma_start3A_319] : memref<16x144xf32, #tpu.memory_space<vmem>> -> memref<16x144xf32, #tpu.memory_space<vmem>>
      tpu.enqueue_dma source(%dma_start3A_320 : memref<16x144xf32, #tpu.memory_space<vmem>>) target(%dma_start3A_317 : memref<16x144xf32, #tpu.memory_space<hbm>>) target_semaphore(%run_scoped3A_308 : memref<!tpu.dma_semaphore, #tpu.memory_space<semaphore_mem>>)
      %dma_wait3A_321 = arith.constant 0 : i32
      %dma_wait3A_322 = arith.constant 0 : i32
      %dma_wait3A_323 = tpu.memref_slice %arg16[%dma_wait3A_321, %dma_wait3A_322] : memref<16x144xf32, #tpu.memory_space<vmem>> -> memref<16x144xf32, #tpu.memory_space<vmem>>
      %dma_wait3A_324 = arith.constant 0 : i32
      %dma_wait3A_325 = tpu.memref_slice %arg6[%arg0, %add3A_163, %dma_wait3A_324] : memref<2x10112x144xf32, #tpu.memory_space<hbm>> -> memref<1x16x144xf32, #tpu.memory_space<hbm>>
      %dma_wait3A_326 = tpu.memref_squeeze %dma_wait3A_325 : memref<1x16x144xf32, #tpu.memory_space<hbm>> -> memref<16x144xf32, #tpu.memory_space<hbm>>
      %dma_wait3A_327 = arith.constant 0 : i32
      %dma_wait3A_328 = tpu.memref_slice %arg6[%arg0, %add3A_163, %dma_wait3A_327] : memref<2x10112x144xf32, #tpu.memory_space<hbm>> -> memref<1x16x144xf32, #tpu.memory_space<hbm>>
      %dma_wait3A_329 = tpu.memref_squeeze %dma_wait3A_328 : memref<1x16x144xf32, #tpu.memory_space<hbm>> -> memref<16x144xf32, #tpu.memory_space<hbm>>
      %dma_wait3A_330 = arith.constant 0 : i32
      %dma_wait3A_331 = arith.constant 0 : i32
      %dma_wait3A_332 = tpu.memref_slice %arg16[%dma_wait3A_330, %dma_wait3A_331] : memref<16x144xf32, #tpu.memory_space<vmem>> -> memref<16x144xf32, #tpu.memory_space<vmem>>
      tpu.wait_dma2 semaphore(%run_scoped3A_308 : memref<!tpu.dma_semaphore, #tpu.memory_space<semaphore_mem>>) src(%dma_wait3A_332 : memref<16x144xf32, #tpu.memory_space<vmem>>) dst(%dma_wait3A_329 : memref<16x144xf32, #tpu.memory_space<hbm>>)
      tpu.yield
    }) : () -> ()
    %add3A_164 = arith.constant 64 : i32
    %add3A_165 = arith.addi %mul3A_8, %add3A_164 : i32
    "tpu.region"() ({
      %run_scoped3A_308 = tpu.sem_alloc : memref<!tpu.dma_semaphore, #tpu.memory_space<semaphore_mem>>
      %dma_start3A_309 = arith.constant 0 : i32
      %dma_start3A_310 = arith.constant 0 : i32
      %dma_start3A_311 = tpu.memref_slice %arg16[%dma_start3A_309, %dma_start3A_310] : memref<16x144xf32, #tpu.memory_space<vmem>> -> memref<16x144xf32, #tpu.memory_space<vmem>>
      %dma_start3A_312 = arith.constant 0 : i32
      %dma_start3A_313 = tpu.memref_slice %arg7[%add3A_165, %dma_start3A_312] : memref<10112x144xf32, #tpu.memory_space<vmem_shared>> -> memref<16x144xf32, #tpu.memory_space<vmem_shared>>
      %dma_start3A_314 = arith.constant 0 : i32
      %dma_start3A_315 = arith.constant 0 : i32
      %dma_start3A_316 = tpu.memref_slice %arg16[%dma_start3A_314, %dma_start3A_315] : memref<16x144xf32, #tpu.memory_space<vmem>> -> memref<16x144xf32, #tpu.memory_space<vmem>>
      %dma_start3A_317 = arith.constant 0 : i32
      %dma_start3A_318 = tpu.memref_slice %arg7[%add3A_165, %dma_start3A_317] : memref<10112x144xf32, #tpu.memory_space<vmem_shared>> -> memref<16x144xf32, #tpu.memory_space<vmem_shared>>
      tpu.enqueue_dma source(%dma_start3A_318 : memref<16x144xf32, #tpu.memory_space<vmem_shared>>) target(%dma_start3A_316 : memref<16x144xf32, #tpu.memory_space<vmem>>) target_semaphore(%run_scoped3A_308 : memref<!tpu.dma_semaphore, #tpu.memory_space<semaphore_mem>>)
      %dma_wait3A_319 = arith.constant 0 : i32
      %dma_wait3A_320 = arith.constant 0 : i32
      %dma_wait3A_321 = tpu.memref_slice %arg16[%dma_wait3A_319, %dma_wait3A_320] : memref<16x144xf32, #tpu.memory_space<vmem>> -> memref<16x144xf32, #tpu.memory_space<vmem>>
      %dma_wait3A_322 = arith.constant 0 : i32
      %dma_wait3A_323 = tpu.memref_slice %arg7[%add3A_165, %dma_wait3A_322] : memref<10112x144xf32, #tpu.memory_space<vmem_shared>> -> memref<16x144xf32, #tpu.memory_space<vmem_shared>>
      %dma_wait3A_324 = arith.constant 0 : i32
      %dma_wait3A_325 = arith.constant 0 : i32
      %dma_wait3A_326 = tpu.memref_slice %arg16[%dma_wait3A_324, %dma_wait3A_325] : memref<16x144xf32, #tpu.memory_space<vmem>> -> memref<16x144xf32, #tpu.memory_space<vmem>>
      %dma_wait3A_327 = arith.constant 0 : i32
      %dma_wait3A_328 = tpu.memref_slice %arg7[%add3A_165, %dma_wait3A_327] : memref<10112x144xf32, #tpu.memory_space<vmem_shared>> -> memref<16x144xf32, #tpu.memory_space<vmem_shared>>
      tpu.wait_dma2 semaphore(%run_scoped3A_308 : memref<!tpu.dma_semaphore, #tpu.memory_space<semaphore_mem>>) src(%dma_wait3A_328 : memref<16x144xf32, #tpu.memory_space<vmem_shared>>) dst(%dma_wait3A_326 : memref<16x144xf32, #tpu.memory_space<vmem>>)
      tpu.yield
    }) : () -> ()
    %add3A_166 = arith.constant 64 : i32
    %add3A_167 = arith.addi %mul3A_8, %add3A_166 : i32
    "tpu.region"() ({
      %run_scoped3A_308 = tpu.sem_alloc : memref<!tpu.dma_semaphore, #tpu.memory_space<semaphore_mem>>
      %dma_start3A_309 = arith.constant 0 : i32
      %dma_start3A_310 = arith.constant 0 : i32
      %dma_start3A_311 = tpu.memref_slice %arg16[%dma_start3A_309, %dma_start3A_310] : memref<16x144xf32, #tpu.memory_space<vmem>> -> memref<16x144xf32, #tpu.memory_space<vmem>>
      %dma_start3A_312 = arith.constant 0 : i32
      %dma_start3A_313 = tpu.memref_slice %arg6[%arg0, %add3A_167, %dma_start3A_312] : memref<2x10112x144xf32, #tpu.memory_space<hbm>> -> memref<1x16x144xf32, #tpu.memory_space<hbm>>
      %dma_start3A_314 = tpu.memref_squeeze %dma_start3A_313 : memref<1x16x144xf32, #tpu.memory_space<hbm>> -> memref<16x144xf32, #tpu.memory_space<hbm>>
      %dma_start3A_315 = arith.constant 0 : i32
      %dma_start3A_316 = tpu.memref_slice %arg6[%arg0, %add3A_167, %dma_start3A_315] : memref<2x10112x144xf32, #tpu.memory_space<hbm>> -> memref<1x16x144xf32, #tpu.memory_space<hbm>>
      %dma_start3A_317 = tpu.memref_squeeze %dma_start3A_316 : memref<1x16x144xf32, #tpu.memory_space<hbm>> -> memref<16x144xf32, #tpu.memory_space<hbm>>
      %dma_start3A_318 = arith.constant 0 : i32
      %dma_start3A_319 = arith.constant 0 : i32
      %dma_start3A_320 = tpu.memref_slice %arg16[%dma_start3A_318, %dma_start3A_319] : memref<16x144xf32, #tpu.memory_space<vmem>> -> memref<16x144xf32, #tpu.memory_space<vmem>>
      tpu.enqueue_dma source(%dma_start3A_320 : memref<16x144xf32, #tpu.memory_space<vmem>>) target(%dma_start3A_317 : memref<16x144xf32, #tpu.memory_space<hbm>>) target_semaphore(%run_scoped3A_308 : memref<!tpu.dma_semaphore, #tpu.memory_space<semaphore_mem>>)
      %dma_wait3A_321 = arith.constant 0 : i32
      %dma_wait3A_322 = arith.constant 0 : i32
      %dma_wait3A_323 = tpu.memref_slice %arg16[%dma_wait3A_321, %dma_wait3A_322] : memref<16x144xf32, #tpu.memory_space<vmem>> -> memref<16x144xf32, #tpu.memory_space<vmem>>
      %dma_wait3A_324 = arith.constant 0 : i32
      %dma_wait3A_325 = tpu.memref_slice %arg6[%arg0, %add3A_167, %dma_wait3A_324] : memref<2x10112x144xf32, #tpu.memory_space<hbm>> -> memref<1x16x144xf32, #tpu.memory_space<hbm>>
      %dma_wait3A_326 = tpu.memref_squeeze %dma_wait3A_325 : memref<1x16x144xf32, #tpu.memory_space<hbm>> -> memref<16x144xf32, #tpu.memory_space<hbm>>
      %dma_wait3A_327 = arith.constant 0 : i32
      %dma_wait3A_328 = tpu.memref_slice %arg6[%arg0, %add3A_167, %dma_wait3A_327] : memref<2x10112x144xf32, #tpu.memory_space<hbm>> -> memref<1x16x144xf32, #tpu.memory_space<hbm>>
      %dma_wait3A_329 = tpu.memref_squeeze %dma_wait3A_328 : memref<1x16x144xf32, #tpu.memory_space<hbm>> -> memref<16x144xf32, #tpu.memory_space<hbm>>
      %dma_wait3A_330 = arith.constant 0 : i32
      %dma_wait3A_331 = arith.constant 0 : i32
      %dma_wait3A_332 = tpu.memref_slice %arg16[%dma_wait3A_330, %dma_wait3A_331] : memref<16x144xf32, #tpu.memory_space<vmem>> -> memref<16x144xf32, #tpu.memory_space<vmem>>
      tpu.wait_dma2 semaphore(%run_scoped3A_308 : memref<!tpu.dma_semaphore, #tpu.memory_space<semaphore_mem>>) src(%dma_wait3A_332 : memref<16x144xf32, #tpu.memory_space<vmem>>) dst(%dma_wait3A_329 : memref<16x144xf32, #tpu.memory_space<hbm>>)
      tpu.yield
    }) : () -> ()
    %add3A_168 = arith.constant 80 : i32
    %add3A_169 = arith.addi %mul3A_8, %add3A_168 : i32
    "tpu.region"() ({
      %run_scoped3A_308 = tpu.sem_alloc : memref<!tpu.dma_semaphore, #tpu.memory_space<semaphore_mem>>
      %dma_start3A_309 = arith.constant 0 : i32
      %dma_start3A_310 = arith.constant 0 : i32
      %dma_start3A_311 = tpu.memref_slice %arg16[%dma_start3A_309, %dma_start3A_310] : memref<16x144xf32, #tpu.memory_space<vmem>> -> memref<16x144xf32, #tpu.memory_space<vmem>>
      %dma_start3A_312 = arith.constant 0 : i32
      %dma_start3A_313 = tpu.memref_slice %arg7[%add3A_169, %dma_start3A_312] : memref<10112x144xf32, #tpu.memory_space<vmem_shared>> -> memref<16x144xf32, #tpu.memory_space<vmem_shared>>
      %dma_start3A_314 = arith.constant 0 : i32
      %dma_start3A_315 = arith.constant 0 : i32
      %dma_start3A_316 = tpu.memref_slice %arg16[%dma_start3A_314, %dma_start3A_315] : memref<16x144xf32, #tpu.memory_space<vmem>> -> memref<16x144xf32, #tpu.memory_space<vmem>>
      %dma_start3A_317 = arith.constant 0 : i32
      %dma_start3A_318 = tpu.memref_slice %arg7[%add3A_169, %dma_start3A_317] : memref<10112x144xf32, #tpu.memory_space<vmem_shared>> -> memref<16x144xf32, #tpu.memory_space<vmem_shared>>
      tpu.enqueue_dma source(%dma_start3A_318 : memref<16x144xf32, #tpu.memory_space<vmem_shared>>) target(%dma_start3A_316 : memref<16x144xf32, #tpu.memory_space<vmem>>) target_semaphore(%run_scoped3A_308 : memref<!tpu.dma_semaphore, #tpu.memory_space<semaphore_mem>>)
      %dma_wait3A_319 = arith.constant 0 : i32
      %dma_wait3A_320 = arith.constant 0 : i32
      %dma_wait3A_321 = tpu.memref_slice %arg16[%dma_wait3A_319, %dma_wait3A_320] : memref<16x144xf32, #tpu.memory_space<vmem>> -> memref<16x144xf32, #tpu.memory_space<vmem>>
      %dma_wait3A_322 = arith.constant 0 : i32
      %dma_wait3A_323 = tpu.memref_slice %arg7[%add3A_169, %dma_wait3A_322] : memref<10112x144xf32, #tpu.memory_space<vmem_shared>> -> memref<16x144xf32, #tpu.memory_space<vmem_shared>>
      %dma_wait3A_324 = arith.constant 0 : i32
      %dma_wait3A_325 = arith.constant 0 : i32
      %dma_wait3A_326 = tpu.memref_slice %arg16[%dma_wait3A_324, %dma_wait3A_325] : memref<16x144xf32, #tpu.memory_space<vmem>> -> memref<16x144xf32, #tpu.memory_space<vmem>>
      %dma_wait3A_327 = arith.constant 0 : i32
      %dma_wait3A_328 = tpu.memref_slice %arg7[%add3A_169, %dma_wait3A_327] : memref<10112x144xf32, #tpu.memory_space<vmem_shared>> -> memref<16x144xf32, #tpu.memory_space<vmem_shared>>
      tpu.wait_dma2 semaphore(%run_scoped3A_308 : memref<!tpu.dma_semaphore, #tpu.memory_space<semaphore_mem>>) src(%dma_wait3A_328 : memref<16x144xf32, #tpu.memory_space<vmem_shared>>) dst(%dma_wait3A_326 : memref<16x144xf32, #tpu.memory_space<vmem>>)
      tpu.yield
    }) : () -> ()
    %add3A_170 = arith.constant 80 : i32
    %add3A_171 = arith.addi %mul3A_8, %add3A_170 : i32
    "tpu.region"() ({
      %run_scoped3A_308 = tpu.sem_alloc : memref<!tpu.dma_semaphore, #tpu.memory_space<semaphore_mem>>
      %dma_start3A_309 = arith.constant 0 : i32
      %dma_start3A_310 = arith.constant 0 : i32
      %dma_start3A_311 = tpu.memref_slice %arg16[%dma_start3A_309, %dma_start3A_310] : memref<16x144xf32, #tpu.memory_space<vmem>> -> memref<16x144xf32, #tpu.memory_space<vmem>>
      %dma_start3A_312 = arith.constant 0 : i32
      %dma_start3A_313 = tpu.memref_slice %arg6[%arg0, %add3A_171, %dma_start3A_312] : memref<2x10112x144xf32, #tpu.memory_space<hbm>> -> memref<1x16x144xf32, #tpu.memory_space<hbm>>
      %dma_start3A_314 = tpu.memref_squeeze %dma_start3A_313 : memref<1x16x144xf32, #tpu.memory_space<hbm>> -> memref<16x144xf32, #tpu.memory_space<hbm>>
      %dma_start3A_315 = arith.constant 0 : i32
      %dma_start3A_316 = tpu.memref_slice %arg6[%arg0, %add3A_171, %dma_start3A_315] : memref<2x10112x144xf32, #tpu.memory_space<hbm>> -> memref<1x16x144xf32, #tpu.memory_space<hbm>>
      %dma_start3A_317 = tpu.memref_squeeze %dma_start3A_316 : memref<1x16x144xf32, #tpu.memory_space<hbm>> -> memref<16x144xf32, #tpu.memory_space<hbm>>
      %dma_start3A_318 = arith.constant 0 : i32
      %dma_start3A_319 = arith.constant 0 : i32
      %dma_start3A_320 = tpu.memref_slice %arg16[%dma_start3A_318, %dma_start3A_319] : memref<16x144xf32, #tpu.memory_space<vmem>> -> memref<16x144xf32, #tpu.memory_space<vmem>>
      tpu.enqueue_dma source(%dma_start3A_320 : memref<16x144xf32, #tpu.memory_space<vmem>>) target(%dma_start3A_317 : memref<16x144xf32, #tpu.memory_space<hbm>>) target_semaphore(%run_scoped3A_308 : memref<!tpu.dma_semaphore, #tpu.memory_space<semaphore_mem>>)
      %dma_wait3A_321 = arith.constant 0 : i32
      %dma_wait3A_322 = arith.constant 0 : i32
      %dma_wait3A_323 = tpu.memref_slice %arg16[%dma_wait3A_321, %dma_wait3A_322] : memref<16x144xf32, #tpu.memory_space<vmem>> -> memref<16x144xf32, #tpu.memory_space<vmem>>
      %dma_wait3A_324 = arith.constant 0 : i32
      %dma_wait3A_325 = tpu.memref_slice %arg6[%arg0, %add3A_171, %dma_wait3A_324] : memref<2x10112x144xf32, #tpu.memory_space<hbm>> -> memref<1x16x144xf32, #tpu.memory_space<hbm>>
      %dma_wait3A_326 = tpu.memref_squeeze %dma_wait3A_325 : memref<1x16x144xf32, #tpu.memory_space<hbm>> -> memref<16x144xf32, #tpu.memory_space<hbm>>
      %dma_wait3A_327 = arith.constant 0 : i32
      %dma_wait3A_328 = tpu.memref_slice %arg6[%arg0, %add3A_171, %dma_wait3A_327] : memref<2x10112x144xf32, #tpu.memory_space<hbm>> -> memref<1x16x144xf32, #tpu.memory_space<hbm>>
      %dma_wait3A_329 = tpu.memref_squeeze %dma_wait3A_328 : memref<1x16x144xf32, #tpu.memory_space<hbm>> -> memref<16x144xf32, #tpu.memory_space<hbm>>
      %dma_wait3A_330 = arith.constant 0 : i32
      %dma_wait3A_331 = arith.constant 0 : i32
      %dma_wait3A_332 = tpu.memref_slice %arg16[%dma_wait3A_330, %dma_wait3A_331] : memref<16x144xf32, #tpu.memory_space<vmem>> -> memref<16x144xf32, #tpu.memory_space<vmem>>
      tpu.wait_dma2 semaphore(%run_scoped3A_308 : memref<!tpu.dma_semaphore, #tpu.memory_space<semaphore_mem>>) src(%dma_wait3A_332 : memref<16x144xf32, #tpu.memory_space<vmem>>) dst(%dma_wait3A_329 : memref<16x144xf32, #tpu.memory_space<hbm>>)
      tpu.yield
    }) : () -> ()
    %add3A_172 = arith.constant 96 : i32
    %add3A_173 = arith.addi %mul3A_8, %add3A_172 : i32
    "tpu.region"() ({
      %run_scoped3A_308 = tpu.sem_alloc : memref<!tpu.dma_semaphore, #tpu.memory_space<semaphore_mem>>
      %dma_start3A_309 = arith.constant 0 : i32
      %dma_start3A_310 = arith.constant 0 : i32
      %dma_start3A_311 = tpu.memref_slice %arg16[%dma_start3A_309, %dma_start3A_310] : memref<16x144xf32, #tpu.memory_space<vmem>> -> memref<16x144xf32, #tpu.memory_space<vmem>>
      %dma_start3A_312 = arith.constant 0 : i32
      %dma_start3A_313 = tpu.memref_slice %arg7[%add3A_173, %dma_start3A_312] : memref<10112x144xf32, #tpu.memory_space<vmem_shared>> -> memref<16x144xf32, #tpu.memory_space<vmem_shared>>
      %dma_start3A_314 = arith.constant 0 : i32
      %dma_start3A_315 = arith.constant 0 : i32
      %dma_start3A_316 = tpu.memref_slice %arg16[%dma_start3A_314, %dma_start3A_315] : memref<16x144xf32, #tpu.memory_space<vmem>> -> memref<16x144xf32, #tpu.memory_space<vmem>>
      %dma_start3A_317 = arith.constant 0 : i32
      %dma_start3A_318 = tpu.memref_slice %arg7[%add3A_173, %dma_start3A_317] : memref<10112x144xf32, #tpu.memory_space<vmem_shared>> -> memref<16x144xf32, #tpu.memory_space<vmem_shared>>
      tpu.enqueue_dma source(%dma_start3A_318 : memref<16x144xf32, #tpu.memory_space<vmem_shared>>) target(%dma_start3A_316 : memref<16x144xf32, #tpu.memory_space<vmem>>) target_semaphore(%run_scoped3A_308 : memref<!tpu.dma_semaphore, #tpu.memory_space<semaphore_mem>>)
      %dma_wait3A_319 = arith.constant 0 : i32
      %dma_wait3A_320 = arith.constant 0 : i32
      %dma_wait3A_321 = tpu.memref_slice %arg16[%dma_wait3A_319, %dma_wait3A_320] : memref<16x144xf32, #tpu.memory_space<vmem>> -> memref<16x144xf32, #tpu.memory_space<vmem>>
      %dma_wait3A_322 = arith.constant 0 : i32
      %dma_wait3A_323 = tpu.memref_slice %arg7[%add3A_173, %dma_wait3A_322] : memref<10112x144xf32, #tpu.memory_space<vmem_shared>> -> memref<16x144xf32, #tpu.memory_space<vmem_shared>>
      %dma_wait3A_324 = arith.constant 0 : i32
      %dma_wait3A_325 = arith.constant 0 : i32
      %dma_wait3A_326 = tpu.memref_slice %arg16[%dma_wait3A_324, %dma_wait3A_325] : memref<16x144xf32, #tpu.memory_space<vmem>> -> memref<16x144xf32, #tpu.memory_space<vmem>>
      %dma_wait3A_327 = arith.constant 0 : i32
      %dma_wait3A_328 = tpu.memref_slice %arg7[%add3A_173, %dma_wait3A_327] : memref<10112x144xf32, #tpu.memory_space<vmem_shared>> -> memref<16x144xf32, #tpu.memory_space<vmem_shared>>
      tpu.wait_dma2 semaphore(%run_scoped3A_308 : memref<!tpu.dma_semaphore, #tpu.memory_space<semaphore_mem>>) src(%dma_wait3A_328 : memref<16x144xf32, #tpu.memory_space<vmem_shared>>) dst(%dma_wait3A_326 : memref<16x144xf32, #tpu.memory_space<vmem>>)
      tpu.yield
    }) : () -> ()
    %add3A_174 = arith.constant 96 : i32
    %add3A_175 = arith.addi %mul3A_8, %add3A_174 : i32
    "tpu.region"() ({
      %run_scoped3A_308 = tpu.sem_alloc : memref<!tpu.dma_semaphore, #tpu.memory_space<semaphore_mem>>
      %dma_start3A_309 = arith.constant 0 : i32
      %dma_start3A_310 = arith.constant 0 : i32
      %dma_start3A_311 = tpu.memref_slice %arg16[%dma_start3A_309, %dma_start3A_310] : memref<16x144xf32, #tpu.memory_space<vmem>> -> memref<16x144xf32, #tpu.memory_space<vmem>>
      %dma_start3A_312 = arith.constant 0 : i32
      %dma_start3A_313 = tpu.memref_slice %arg6[%arg0, %add3A_175, %dma_start3A_312] : memref<2x10112x144xf32, #tpu.memory_space<hbm>> -> memref<1x16x144xf32, #tpu.memory_space<hbm>>
      %dma_start3A_314 = tpu.memref_squeeze %dma_start3A_313 : memref<1x16x144xf32, #tpu.memory_space<hbm>> -> memref<16x144xf32, #tpu.memory_space<hbm>>
      %dma_start3A_315 = arith.constant 0 : i32
      %dma_start3A_316 = tpu.memref_slice %arg6[%arg0, %add3A_175, %dma_start3A_315] : memref<2x10112x144xf32, #tpu.memory_space<hbm>> -> memref<1x16x144xf32, #tpu.memory_space<hbm>>
      %dma_start3A_317 = tpu.memref_squeeze %dma_start3A_316 : memref<1x16x144xf32, #tpu.memory_space<hbm>> -> memref<16x144xf32, #tpu.memory_space<hbm>>
      %dma_start3A_318 = arith.constant 0 : i32
      %dma_start3A_319 = arith.constant 0 : i32
      %dma_start3A_320 = tpu.memref_slice %arg16[%dma_start3A_318, %dma_start3A_319] : memref<16x144xf32, #tpu.memory_space<vmem>> -> memref<16x144xf32, #tpu.memory_space<vmem>>
      tpu.enqueue_dma source(%dma_start3A_320 : memref<16x144xf32, #tpu.memory_space<vmem>>) target(%dma_start3A_317 : memref<16x144xf32, #tpu.memory_space<hbm>>) target_semaphore(%run_scoped3A_308 : memref<!tpu.dma_semaphore, #tpu.memory_space<semaphore_mem>>)
      %dma_wait3A_321 = arith.constant 0 : i32
      %dma_wait3A_322 = arith.constant 0 : i32
      %dma_wait3A_323 = tpu.memref_slice %arg16[%dma_wait3A_321, %dma_wait3A_322] : memref<16x144xf32, #tpu.memory_space<vmem>> -> memref<16x144xf32, #tpu.memory_space<vmem>>
      %dma_wait3A_324 = arith.constant 0 : i32
      %dma_wait3A_325 = tpu.memref_slice %arg6[%arg0, %add3A_175, %dma_wait3A_324] : memref<2x10112x144xf32, #tpu.memory_space<hbm>> -> memref<1x16x144xf32, #tpu.memory_space<hbm>>
      %dma_wait3A_326 = tpu.memref_squeeze %dma_wait3A_325 : memref<1x16x144xf32, #tpu.memory_space<hbm>> -> memref<16x144xf32, #tpu.memory_space<hbm>>
      %dma_wait3A_327 = arith.constant 0 : i32
      %dma_wait3A_328 = tpu.memref_slice %arg6[%arg0, %add3A_175, %dma_wait3A_327] : memref<2x10112x144xf32, #tpu.memory_space<hbm>> -> memref<1x16x144xf32, #tpu.memory_space<hbm>>
      %dma_wait3A_329 = tpu.memref_squeeze %dma_wait3A_328 : memref<1x16x144xf32, #tpu.memory_space<hbm>> -> memref<16x144xf32, #tpu.memory_space<hbm>>
      %dma_wait3A_330 = arith.constant 0 : i32
      %dma_wait3A_331 = arith.constant 0 : i32
      %dma_wait3A_332 = tpu.memref_slice %arg16[%dma_wait3A_330, %dma_wait3A_331] : memref<16x144xf32, #tpu.memory_space<vmem>> -> memref<16x144xf32, #tpu.memory_space<vmem>>
      tpu.wait_dma2 semaphore(%run_scoped3A_308 : memref<!tpu.dma_semaphore, #tpu.memory_space<semaphore_mem>>) src(%dma_wait3A_332 : memref<16x144xf32, #tpu.memory_space<vmem>>) dst(%dma_wait3A_329 : memref<16x144xf32, #tpu.memory_space<hbm>>)
      tpu.yield
    }) : () -> ()
    %add3A_176 = arith.constant 112 : i32
    %add3A_177 = arith.addi %mul3A_8, %add3A_176 : i32
    "tpu.region"() ({
      %run_scoped3A_308 = tpu.sem_alloc : memref<!tpu.dma_semaphore, #tpu.memory_space<semaphore_mem>>
      %dma_start3A_309 = arith.constant 0 : i32
      %dma_start3A_310 = arith.constant 0 : i32
      %dma_start3A_311 = tpu.memref_slice %arg16[%dma_start3A_309, %dma_start3A_310] : memref<16x144xf32, #tpu.memory_space<vmem>> -> memref<16x144xf32, #tpu.memory_space<vmem>>
      %dma_start3A_312 = arith.constant 0 : i32
      %dma_start3A_313 = tpu.memref_slice %arg7[%add3A_177, %dma_start3A_312] : memref<10112x144xf32, #tpu.memory_space<vmem_shared>> -> memref<16x144xf32, #tpu.memory_space<vmem_shared>>
      %dma_start3A_314 = arith.constant 0 : i32
      %dma_start3A_315 = arith.constant 0 : i32
      %dma_start3A_316 = tpu.memref_slice %arg16[%dma_start3A_314, %dma_start3A_315] : memref<16x144xf32, #tpu.memory_space<vmem>> -> memref<16x144xf32, #tpu.memory_space<vmem>>
      %dma_start3A_317 = arith.constant 0 : i32
      %dma_start3A_318 = tpu.memref_slice %arg7[%add3A_177, %dma_start3A_317] : memref<10112x144xf32, #tpu.memory_space<vmem_shared>> -> memref<16x144xf32, #tpu.memory_space<vmem_shared>>
      tpu.enqueue_dma source(%dma_start3A_318 : memref<16x144xf32, #tpu.memory_space<vmem_shared>>) target(%dma_start3A_316 : memref<16x144xf32, #tpu.memory_space<vmem>>) target_semaphore(%run_scoped3A_308 : memref<!tpu.dma_semaphore, #tpu.memory_space<semaphore_mem>>)
      %dma_wait3A_319 = arith.constant 0 : i32
      %dma_wait3A_320 = arith.constant 0 : i32
      %dma_wait3A_321 = tpu.memref_slice %arg16[%dma_wait3A_319, %dma_wait3A_320] : memref<16x144xf32, #tpu.memory_space<vmem>> -> memref<16x144xf32, #tpu.memory_space<vmem>>
      %dma_wait3A_322 = arith.constant 0 : i32
      %dma_wait3A_323 = tpu.memref_slice %arg7[%add3A_177, %dma_wait3A_322] : memref<10112x144xf32, #tpu.memory_space<vmem_shared>> -> memref<16x144xf32, #tpu.memory_space<vmem_shared>>
      %dma_wait3A_324 = arith.constant 0 : i32
      %dma_wait3A_325 = arith.constant 0 : i32
      %dma_wait3A_326 = tpu.memref_slice %arg16[%dma_wait3A_324, %dma_wait3A_325] : memref<16x144xf32, #tpu.memory_space<vmem>> -> memref<16x144xf32, #tpu.memory_space<vmem>>
      %dma_wait3A_327 = arith.constant 0 : i32
      %dma_wait3A_328 = tpu.memref_slice %arg7[%add3A_177, %dma_wait3A_327] : memref<10112x144xf32, #tpu.memory_space<vmem_shared>> -> memref<16x144xf32, #tpu.memory_space<vmem_shared>>
      tpu.wait_dma2 semaphore(%run_scoped3A_308 : memref<!tpu.dma_semaphore, #tpu.memory_space<semaphore_mem>>) src(%dma_wait3A_328 : memref<16x144xf32, #tpu.memory_space<vmem_shared>>) dst(%dma_wait3A_326 : memref<16x144xf32, #tpu.memory_space<vmem>>)
      tpu.yield
    }) : () -> ()
    %add3A_178 = arith.constant 112 : i32
    %add3A_179 = arith.addi %mul3A_8, %add3A_178 : i32
    "tpu.region"() ({
      %run_scoped3A_308 = tpu.sem_alloc : memref<!tpu.dma_semaphore, #tpu.memory_space<semaphore_mem>>
      %dma_start3A_309 = arith.constant 0 : i32
      %dma_start3A_310 = arith.constant 0 : i32
      %dma_start3A_311 = tpu.memref_slice %arg16[%dma_start3A_309, %dma_start3A_310] : memref<16x144xf32, #tpu.memory_space<vmem>> -> memref<16x144xf32, #tpu.memory_space<vmem>>
      %dma_start3A_312 = arith.constant 0 : i32
      %dma_start3A_313 = tpu.memref_slice %arg6[%arg0, %add3A_179, %dma_start3A_312] : memref<2x10112x144xf32, #tpu.memory_space<hbm>> -> memref<1x16x144xf32, #tpu.memory_space<hbm>>
      %dma_start3A_314 = tpu.memref_squeeze %dma_start3A_313 : memref<1x16x144xf32, #tpu.memory_space<hbm>> -> memref<16x144xf32, #tpu.memory_space<hbm>>
      %dma_start3A_315 = arith.constant 0 : i32
      %dma_start3A_316 = tpu.memref_slice %arg6[%arg0, %add3A_179, %dma_start3A_315] : memref<2x10112x144xf32, #tpu.memory_space<hbm>> -> memref<1x16x144xf32, #tpu.memory_space<hbm>>
      %dma_start3A_317 = tpu.memref_squeeze %dma_start3A_316 : memref<1x16x144xf32, #tpu.memory_space<hbm>> -> memref<16x144xf32, #tpu.memory_space<hbm>>
      %dma_start3A_318 = arith.constant 0 : i32
      %dma_start3A_319 = arith.constant 0 : i32
      %dma_start3A_320 = tpu.memref_slice %arg16[%dma_start3A_318, %dma_start3A_319] : memref<16x144xf32, #tpu.memory_space<vmem>> -> memref<16x144xf32, #tpu.memory_space<vmem>>
      tpu.enqueue_dma source(%dma_start3A_320 : memref<16x144xf32, #tpu.memory_space<vmem>>) target(%dma_start3A_317 : memref<16x144xf32, #tpu.memory_space<hbm>>) target_semaphore(%run_scoped3A_308 : memref<!tpu.dma_semaphore, #tpu.memory_space<semaphore_mem>>)
      %dma_wait3A_321 = arith.constant 0 : i32
      %dma_wait3A_322 = arith.constant 0 : i32
      %dma_wait3A_323 = tpu.memref_slice %arg16[%dma_wait3A_321, %dma_wait3A_322] : memref<16x144xf32, #tpu.memory_space<vmem>> -> memref<16x144xf32, #tpu.memory_space<vmem>>
      %dma_wait3A_324 = arith.constant 0 : i32
      %dma_wait3A_325 = tpu.memref_slice %arg6[%arg0, %add3A_179, %dma_wait3A_324] : memref<2x10112x144xf32, #tpu.memory_space<hbm>> -> memref<1x16x144xf32, #tpu.memory_space<hbm>>
      %dma_wait3A_326 = tpu.memref_squeeze %dma_wait3A_325 : memref<1x16x144xf32, #tpu.memory_space<hbm>> -> memref<16x144xf32, #tpu.memory_space<hbm>>
      %dma_wait3A_327 = arith.constant 0 : i32
      %dma_wait3A_328 = tpu.memref_slice %arg6[%arg0, %add3A_179, %dma_wait3A_327] : memref<2x10112x144xf32, #tpu.memory_space<hbm>> -> memref<1x16x144xf32, #tpu.memory_space<hbm>>
      %dma_wait3A_329 = tpu.memref_squeeze %dma_wait3A_328 : memref<1x16x144xf32, #tpu.memory_space<hbm>> -> memref<16x144xf32, #tpu.memory_space<hbm>>
      %dma_wait3A_330 = arith.constant 0 : i32
      %dma_wait3A_331 = arith.constant 0 : i32
      %dma_wait3A_332 = tpu.memref_slice %arg16[%dma_wait3A_330, %dma_wait3A_331] : memref<16x144xf32, #tpu.memory_space<vmem>> -> memref<16x144xf32, #tpu.memory_space<vmem>>
      tpu.wait_dma2 semaphore(%run_scoped3A_308 : memref<!tpu.dma_semaphore, #tpu.memory_space<semaphore_mem>>) src(%dma_wait3A_332 : memref<16x144xf32, #tpu.memory_space<vmem>>) dst(%dma_wait3A_329 : memref<16x144xf32, #tpu.memory_space<hbm>>)
      tpu.yield
    }) : () -> ()
    %add3A_180 = arith.constant 128 : i32
    %add3A_181 = arith.addi %mul3A_8, %add3A_180 : i32
    "tpu.region"() ({
      %run_scoped3A_308 = tpu.sem_alloc : memref<!tpu.dma_semaphore, #tpu.memory_space<semaphore_mem>>
      %dma_start3A_309 = arith.constant 0 : i32
      %dma_start3A_310 = arith.constant 0 : i32
      %dma_start3A_311 = tpu.memref_slice %arg16[%dma_start3A_309, %dma_start3A_310] : memref<16x144xf32, #tpu.memory_space<vmem>> -> memref<16x144xf32, #tpu.memory_space<vmem>>
      %dma_start3A_312 = arith.constant 0 : i32
      %dma_start3A_313 = tpu.memref_slice %arg7[%add3A_181, %dma_start3A_312] : memref<10112x144xf32, #tpu.memory_space<vmem_shared>> -> memref<16x144xf32, #tpu.memory_space<vmem_shared>>
      %dma_start3A_314 = arith.constant 0 : i32
      %dma_start3A_315 = arith.constant 0 : i32
      %dma_start3A_316 = tpu.memref_slice %arg16[%dma_start3A_314, %dma_start3A_315] : memref<16x144xf32, #tpu.memory_space<vmem>> -> memref<16x144xf32, #tpu.memory_space<vmem>>
      %dma_start3A_317 = arith.constant 0 : i32
      %dma_start3A_318 = tpu.memref_slice %arg7[%add3A_181, %dma_start3A_317] : memref<10112x144xf32, #tpu.memory_space<vmem_shared>> -> memref<16x144xf32, #tpu.memory_space<vmem_shared>>
      tpu.enqueue_dma source(%dma_start3A_318 : memref<16x144xf32, #tpu.memory_space<vmem_shared>>) target(%dma_start3A_316 : memref<16x144xf32, #tpu.memory_space<vmem>>) target_semaphore(%run_scoped3A_308 : memref<!tpu.dma_semaphore, #tpu.memory_space<semaphore_mem>>)
      %dma_wait3A_319 = arith.constant 0 : i32
      %dma_wait3A_320 = arith.constant 0 : i32
      %dma_wait3A_321 = tpu.memref_slice %arg16[%dma_wait3A_319, %dma_wait3A_320] : memref<16x144xf32, #tpu.memory_space<vmem>> -> memref<16x144xf32, #tpu.memory_space<vmem>>
      %dma_wait3A_322 = arith.constant 0 : i32
      %dma_wait3A_323 = tpu.memref_slice %arg7[%add3A_181, %dma_wait3A_322] : memref<10112x144xf32, #tpu.memory_space<vmem_shared>> -> memref<16x144xf32, #tpu.memory_space<vmem_shared>>
      %dma_wait3A_324 = arith.constant 0 : i32
      %dma_wait3A_325 = arith.constant 0 : i32
      %dma_wait3A_326 = tpu.memref_slice %arg16[%dma_wait3A_324, %dma_wait3A_325] : memref<16x144xf32, #tpu.memory_space<vmem>> -> memref<16x144xf32, #tpu.memory_space<vmem>>
      %dma_wait3A_327 = arith.constant 0 : i32
      %dma_wait3A_328 = tpu.memref_slice %arg7[%add3A_181, %dma_wait3A_327] : memref<10112x144xf32, #tpu.memory_space<vmem_shared>> -> memref<16x144xf32, #tpu.memory_space<vmem_shared>>
      tpu.wait_dma2 semaphore(%run_scoped3A_308 : memref<!tpu.dma_semaphore, #tpu.memory_space<semaphore_mem>>) src(%dma_wait3A_328 : memref<16x144xf32, #tpu.memory_space<vmem_shared>>) dst(%dma_wait3A_326 : memref<16x144xf32, #tpu.memory_space<vmem>>)
      tpu.yield
    }) : () -> ()
    %add3A_182 = arith.constant 128 : i32
    %add3A_183 = arith.addi %mul3A_8, %add3A_182 : i32
    "tpu.region"() ({
      %run_scoped3A_308 = tpu.sem_alloc : memref<!tpu.dma_semaphore, #tpu.memory_space<semaphore_mem>>
      %dma_start3A_309 = arith.constant 0 : i32
      %dma_start3A_310 = arith.constant 0 : i32
      %dma_start3A_311 = tpu.memref_slice %arg16[%dma_start3A_309, %dma_start3A_310] : memref<16x144xf32, #tpu.memory_space<vmem>> -> memref<16x144xf32, #tpu.memory_space<vmem>>
      %dma_start3A_312 = arith.constant 0 : i32
      %dma_start3A_313 = tpu.memref_slice %arg6[%arg0, %add3A_183, %dma_start3A_312] : memref<2x10112x144xf32, #tpu.memory_space<hbm>> -> memref<1x16x144xf32, #tpu.memory_space<hbm>>
      %dma_start3A_314 = tpu.memref_squeeze %dma_start3A_313 : memref<1x16x144xf32, #tpu.memory_space<hbm>> -> memref<16x144xf32, #tpu.memory_space<hbm>>
      %dma_start3A_315 = arith.constant 0 : i32
      %dma_start3A_316 = tpu.memref_slice %arg6[%arg0, %add3A_183, %dma_start3A_315] : memref<2x10112x144xf32, #tpu.memory_space<hbm>> -> memref<1x16x144xf32, #tpu.memory_space<hbm>>
      %dma_start3A_317 = tpu.memref_squeeze %dma_start3A_316 : memref<1x16x144xf32, #tpu.memory_space<hbm>> -> memref<16x144xf32, #tpu.memory_space<hbm>>
      %dma_start3A_318 = arith.constant 0 : i32
      %dma_start3A_319 = arith.constant 0 : i32
      %dma_start3A_320 = tpu.memref_slice %arg16[%dma_start3A_318, %dma_start3A_319] : memref<16x144xf32, #tpu.memory_space<vmem>> -> memref<16x144xf32, #tpu.memory_space<vmem>>
      tpu.enqueue_dma source(%dma_start3A_320 : memref<16x144xf32, #tpu.memory_space<vmem>>) target(%dma_start3A_317 : memref<16x144xf32, #tpu.memory_space<hbm>>) target_semaphore(%run_scoped3A_308 : memref<!tpu.dma_semaphore, #tpu.memory_space<semaphore_mem>>)
      %dma_wait3A_321 = arith.constant 0 : i32
      %dma_wait3A_322 = arith.constant 0 : i32
      %dma_wait3A_323 = tpu.memref_slice %arg16[%dma_wait3A_321, %dma_wait3A_322] : memref<16x144xf32, #tpu.memory_space<vmem>> -> memref<16x144xf32, #tpu.memory_space<vmem>>
      %dma_wait3A_324 = arith.constant 0 : i32
      %dma_wait3A_325 = tpu.memref_slice %arg6[%arg0, %add3A_183, %dma_wait3A_324] : memref<2x10112x144xf32, #tpu.memory_space<hbm>> -> memref<1x16x144xf32, #tpu.memory_space<hbm>>
      %dma_wait3A_326 = tpu.memref_squeeze %dma_wait3A_325 : memref<1x16x144xf32, #tpu.memory_space<hbm>> -> memref<16x144xf32, #tpu.memory_space<hbm>>
      %dma_wait3A_327 = arith.constant 0 : i32
      %dma_wait3A_328 = tpu.memref_slice %arg6[%arg0, %add3A_183, %dma_wait3A_327] : memref<2x10112x144xf32, #tpu.memory_space<hbm>> -> memref<1x16x144xf32, #tpu.memory_space<hbm>>
      %dma_wait3A_329 = tpu.memref_squeeze %dma_wait3A_328 : memref<1x16x144xf32, #tpu.memory_space<hbm>> -> memref<16x144xf32, #tpu.memory_space<hbm>>
      %dma_wait3A_330 = arith.constant 0 : i32
      %dma_wait3A_331 = arith.constant 0 : i32
      %dma_wait3A_332 = tpu.memref_slice %arg16[%dma_wait3A_330, %dma_wait3A_331] : memref<16x144xf32, #tpu.memory_space<vmem>> -> memref<16x144xf32, #tpu.memory_space<vmem>>
      tpu.wait_dma2 semaphore(%run_scoped3A_308 : memref<!tpu.dma_semaphore, #tpu.memory_space<semaphore_mem>>) src(%dma_wait3A_332 : memref<16x144xf32, #tpu.memory_space<vmem>>) dst(%dma_wait3A_329 : memref<16x144xf32, #tpu.memory_space<hbm>>)
      tpu.yield
    }) : () -> ()
    %add3A_184 = arith.constant 144 : i32
    %add3A_185 = arith.addi %mul3A_8, %add3A_184 : i32
    "tpu.region"() ({
      %run_scoped3A_308 = tpu.sem_alloc : memref<!tpu.dma_semaphore, #tpu.memory_space<semaphore_mem>>
      %dma_start3A_309 = arith.constant 0 : i32
      %dma_start3A_310 = arith.constant 0 : i32
      %dma_start3A_311 = tpu.memref_slice %arg16[%dma_start3A_309, %dma_start3A_310] : memref<16x144xf32, #tpu.memory_space<vmem>> -> memref<16x144xf32, #tpu.memory_space<vmem>>
      %dma_start3A_312 = arith.constant 0 : i32
      %dma_start3A_313 = tpu.memref_slice %arg7[%add3A_185, %dma_start3A_312] : memref<10112x144xf32, #tpu.memory_space<vmem_shared>> -> memref<16x144xf32, #tpu.memory_space<vmem_shared>>
      %dma_start3A_314 = arith.constant 0 : i32
      %dma_start3A_315 = arith.constant 0 : i32
      %dma_start3A_316 = tpu.memref_slice %arg16[%dma_start3A_314, %dma_start3A_315] : memref<16x144xf32, #tpu.memory_space<vmem>> -> memref<16x144xf32, #tpu.memory_space<vmem>>
      %dma_start3A_317 = arith.constant 0 : i32
      %dma_start3A_318 = tpu.memref_slice %arg7[%add3A_185, %dma_start3A_317] : memref<10112x144xf32, #tpu.memory_space<vmem_shared>> -> memref<16x144xf32, #tpu.memory_space<vmem_shared>>
      tpu.enqueue_dma source(%dma_start3A_318 : memref<16x144xf32, #tpu.memory_space<vmem_shared>>) target(%dma_start3A_316 : memref<16x144xf32, #tpu.memory_space<vmem>>) target_semaphore(%run_scoped3A_308 : memref<!tpu.dma_semaphore, #tpu.memory_space<semaphore_mem>>)
      %dma_wait3A_319 = arith.constant 0 : i32
      %dma_wait3A_320 = arith.constant 0 : i32
      %dma_wait3A_321 = tpu.memref_slice %arg16[%dma_wait3A_319, %dma_wait3A_320] : memref<16x144xf32, #tpu.memory_space<vmem>> -> memref<16x144xf32, #tpu.memory_space<vmem>>
      %dma_wait3A_322 = arith.constant 0 : i32
      %dma_wait3A_323 = tpu.memref_slice %arg7[%add3A_185, %dma_wait3A_322] : memref<10112x144xf32, #tpu.memory_space<vmem_shared>> -> memref<16x144xf32, #tpu.memory_space<vmem_shared>>
      %dma_wait3A_324 = arith.constant 0 : i32
      %dma_wait3A_325 = arith.constant 0 : i32
      %dma_wait3A_326 = tpu.memref_slice %arg16[%dma_wait3A_324, %dma_wait3A_325] : memref<16x144xf32, #tpu.memory_space<vmem>> -> memref<16x144xf32, #tpu.memory_space<vmem>>
      %dma_wait3A_327 = arith.constant 0 : i32
      %dma_wait3A_328 = tpu.memref_slice %arg7[%add3A_185, %dma_wait3A_327] : memref<10112x144xf32, #tpu.memory_space<vmem_shared>> -> memref<16x144xf32, #tpu.memory_space<vmem_shared>>
      tpu.wait_dma2 semaphore(%run_scoped3A_308 : memref<!tpu.dma_semaphore, #tpu.memory_space<semaphore_mem>>) src(%dma_wait3A_328 : memref<16x144xf32, #tpu.memory_space<vmem_shared>>) dst(%dma_wait3A_326 : memref<16x144xf32, #tpu.memory_space<vmem>>)
      tpu.yield
    }) : () -> ()
    %add3A_186 = arith.constant 144 : i32
    %add3A_187 = arith.addi %mul3A_8, %add3A_186 : i32
    "tpu.region"() ({
      %run_scoped3A_308 = tpu.sem_alloc : memref<!tpu.dma_semaphore, #tpu.memory_space<semaphore_mem>>
      %dma_start3A_309 = arith.constant 0 : i32
      %dma_start3A_310 = arith.constant 0 : i32
      %dma_start3A_311 = tpu.memref_slice %arg16[%dma_start3A_309, %dma_start3A_310] : memref<16x144xf32, #tpu.memory_space<vmem>> -> memref<16x144xf32, #tpu.memory_space<vmem>>
      %dma_start3A_312 = arith.constant 0 : i32
      %dma_start3A_313 = tpu.memref_slice %arg6[%arg0, %add3A_187, %dma_start3A_312] : memref<2x10112x144xf32, #tpu.memory_space<hbm>> -> memref<1x16x144xf32, #tpu.memory_space<hbm>>
      %dma_start3A_314 = tpu.memref_squeeze %dma_start3A_313 : memref<1x16x144xf32, #tpu.memory_space<hbm>> -> memref<16x144xf32, #tpu.memory_space<hbm>>
      %dma_start3A_315 = arith.constant 0 : i32
      %dma_start3A_316 = tpu.memref_slice %arg6[%arg0, %add3A_187, %dma_start3A_315] : memref<2x10112x144xf32, #tpu.memory_space<hbm>> -> memref<1x16x144xf32, #tpu.memory_space<hbm>>
      %dma_start3A_317 = tpu.memref_squeeze %dma_start3A_316 : memref<1x16x144xf32, #tpu.memory_space<hbm>> -> memref<16x144xf32, #tpu.memory_space<hbm>>
      %dma_start3A_318 = arith.constant 0 : i32
      %dma_start3A_319 = arith.constant 0 : i32
      %dma_start3A_320 = tpu.memref_slice %arg16[%dma_start3A_318, %dma_start3A_319] : memref<16x144xf32, #tpu.memory_space<vmem>> -> memref<16x144xf32, #tpu.memory_space<vmem>>
      tpu.enqueue_dma source(%dma_start3A_320 : memref<16x144xf32, #tpu.memory_space<vmem>>) target(%dma_start3A_317 : memref<16x144xf32, #tpu.memory_space<hbm>>) target_semaphore(%run_scoped3A_308 : memref<!tpu.dma_semaphore, #tpu.memory_space<semaphore_mem>>)
      %dma_wait3A_321 = arith.constant 0 : i32
      %dma_wait3A_322 = arith.constant 0 : i32
      %dma_wait3A_323 = tpu.memref_slice %arg16[%dma_wait3A_321, %dma_wait3A_322] : memref<16x144xf32, #tpu.memory_space<vmem>> -> memref<16x144xf32, #tpu.memory_space<vmem>>
      %dma_wait3A_324 = arith.constant 0 : i32
      %dma_wait3A_325 = tpu.memref_slice %arg6[%arg0, %add3A_187, %dma_wait3A_324] : memref<2x10112x144xf32, #tpu.memory_space<hbm>> -> memref<1x16x144xf32, #tpu.memory_space<hbm>>
      %dma_wait3A_326 = tpu.memref_squeeze %dma_wait3A_325 : memref<1x16x144xf32, #tpu.memory_space<hbm>> -> memref<16x144xf32, #tpu.memory_space<hbm>>
      %dma_wait3A_327 = arith.constant 0 : i32
      %dma_wait3A_328 = tpu.memref_slice %arg6[%arg0, %add3A_187, %dma_wait3A_327] : memref<2x10112x144xf32, #tpu.memory_space<hbm>> -> memref<1x16x144xf32, #tpu.memory_space<hbm>>
      %dma_wait3A_329 = tpu.memref_squeeze %dma_wait3A_328 : memref<1x16x144xf32, #tpu.memory_space<hbm>> -> memref<16x144xf32, #tpu.memory_space<hbm>>
      %dma_wait3A_330 = arith.constant 0 : i32
      %dma_wait3A_331 = arith.constant 0 : i32
      %dma_wait3A_332 = tpu.memref_slice %arg16[%dma_wait3A_330, %dma_wait3A_331] : memref<16x144xf32, #tpu.memory_space<vmem>> -> memref<16x144xf32, #tpu.memory_space<vmem>>
      tpu.wait_dma2 semaphore(%run_scoped3A_308 : memref<!tpu.dma_semaphore, #tpu.memory_space<semaphore_mem>>) src(%dma_wait3A_332 : memref<16x144xf32, #tpu.memory_space<vmem>>) dst(%dma_wait3A_329 : memref<16x144xf32, #tpu.memory_space<hbm>>)
      tpu.yield
    }) : () -> ()
    %add3A_188 = arith.constant 160 : i32
    %add3A_189 = arith.addi %mul3A_8, %add3A_188 : i32
    "tpu.region"() ({
      %run_scoped3A_308 = tpu.sem_alloc : memref<!tpu.dma_semaphore, #tpu.memory_space<semaphore_mem>>
      %dma_start3A_309 = arith.constant 0 : i32
      %dma_start3A_310 = arith.constant 0 : i32
      %dma_start3A_311 = tpu.memref_slice %arg16[%dma_start3A_309, %dma_start3A_310] : memref<16x144xf32, #tpu.memory_space<vmem>> -> memref<16x144xf32, #tpu.memory_space<vmem>>
      %dma_start3A_312 = arith.constant 0 : i32
      %dma_start3A_313 = tpu.memref_slice %arg7[%add3A_189, %dma_start3A_312] : memref<10112x144xf32, #tpu.memory_space<vmem_shared>> -> memref<16x144xf32, #tpu.memory_space<vmem_shared>>
      %dma_start3A_314 = arith.constant 0 : i32
      %dma_start3A_315 = arith.constant 0 : i32
      %dma_start3A_316 = tpu.memref_slice %arg16[%dma_start3A_314, %dma_start3A_315] : memref<16x144xf32, #tpu.memory_space<vmem>> -> memref<16x144xf32, #tpu.memory_space<vmem>>
      %dma_start3A_317 = arith.constant 0 : i32
      %dma_start3A_318 = tpu.memref_slice %arg7[%add3A_189, %dma_start3A_317] : memref<10112x144xf32, #tpu.memory_space<vmem_shared>> -> memref<16x144xf32, #tpu.memory_space<vmem_shared>>
      tpu.enqueue_dma source(%dma_start3A_318 : memref<16x144xf32, #tpu.memory_space<vmem_shared>>) target(%dma_start3A_316 : memref<16x144xf32, #tpu.memory_space<vmem>>) target_semaphore(%run_scoped3A_308 : memref<!tpu.dma_semaphore, #tpu.memory_space<semaphore_mem>>)
      %dma_wait3A_319 = arith.constant 0 : i32
      %dma_wait3A_320 = arith.constant 0 : i32
      %dma_wait3A_321 = tpu.memref_slice %arg16[%dma_wait3A_319, %dma_wait3A_320] : memref<16x144xf32, #tpu.memory_space<vmem>> -> memref<16x144xf32, #tpu.memory_space<vmem>>
      %dma_wait3A_322 = arith.constant 0 : i32
      %dma_wait3A_323 = tpu.memref_slice %arg7[%add3A_189, %dma_wait3A_322] : memref<10112x144xf32, #tpu.memory_space<vmem_shared>> -> memref<16x144xf32, #tpu.memory_space<vmem_shared>>
      %dma_wait3A_324 = arith.constant 0 : i32
      %dma_wait3A_325 = arith.constant 0 : i32
      %dma_wait3A_326 = tpu.memref_slice %arg16[%dma_wait3A_324, %dma_wait3A_325] : memref<16x144xf32, #tpu.memory_space<vmem>> -> memref<16x144xf32, #tpu.memory_space<vmem>>
      %dma_wait3A_327 = arith.constant 0 : i32
      %dma_wait3A_328 = tpu.memref_slice %arg7[%add3A_189, %dma_wait3A_327] : memref<10112x144xf32, #tpu.memory_space<vmem_shared>> -> memref<16x144xf32, #tpu.memory_space<vmem_shared>>
      tpu.wait_dma2 semaphore(%run_scoped3A_308 : memref<!tpu.dma_semaphore, #tpu.memory_space<semaphore_mem>>) src(%dma_wait3A_328 : memref<16x144xf32, #tpu.memory_space<vmem_shared>>) dst(%dma_wait3A_326 : memref<16x144xf32, #tpu.memory_space<vmem>>)
      tpu.yield
    }) : () -> ()
    %add3A_190 = arith.constant 160 : i32
    %add3A_191 = arith.addi %mul3A_8, %add3A_190 : i32
    "tpu.region"() ({
      %run_scoped3A_308 = tpu.sem_alloc : memref<!tpu.dma_semaphore, #tpu.memory_space<semaphore_mem>>
      %dma_start3A_309 = arith.constant 0 : i32
      %dma_start3A_310 = arith.constant 0 : i32
      %dma_start3A_311 = tpu.memref_slice %arg16[%dma_start3A_309, %dma_start3A_310] : memref<16x144xf32, #tpu.memory_space<vmem>> -> memref<16x144xf32, #tpu.memory_space<vmem>>
      %dma_start3A_312 = arith.constant 0 : i32
      %dma_start3A_313 = tpu.memref_slice %arg6[%arg0, %add3A_191, %dma_start3A_312] : memref<2x10112x144xf32, #tpu.memory_space<hbm>> -> memref<1x16x144xf32, #tpu.memory_space<hbm>>
      %dma_start3A_314 = tpu.memref_squeeze %dma_start3A_313 : memref<1x16x144xf32, #tpu.memory_space<hbm>> -> memref<16x144xf32, #tpu.memory_space<hbm>>
      %dma_start3A_315 = arith.constant 0 : i32
      %dma_start3A_316 = tpu.memref_slice %arg6[%arg0, %add3A_191, %dma_start3A_315] : memref<2x10112x144xf32, #tpu.memory_space<hbm>> -> memref<1x16x144xf32, #tpu.memory_space<hbm>>
      %dma_start3A_317 = tpu.memref_squeeze %dma_start3A_316 : memref<1x16x144xf32, #tpu.memory_space<hbm>> -> memref<16x144xf32, #tpu.memory_space<hbm>>
      %dma_start3A_318 = arith.constant 0 : i32
      %dma_start3A_319 = arith.constant 0 : i32
      %dma_start3A_320 = tpu.memref_slice %arg16[%dma_start3A_318, %dma_start3A_319] : memref<16x144xf32, #tpu.memory_space<vmem>> -> memref<16x144xf32, #tpu.memory_space<vmem>>
      tpu.enqueue_dma source(%dma_start3A_320 : memref<16x144xf32, #tpu.memory_space<vmem>>) target(%dma_start3A_317 : memref<16x144xf32, #tpu.memory_space<hbm>>) target_semaphore(%run_scoped3A_308 : memref<!tpu.dma_semaphore, #tpu.memory_space<semaphore_mem>>)
      %dma_wait3A_321 = arith.constant 0 : i32
      %dma_wait3A_322 = arith.constant 0 : i32
      %dma_wait3A_323 = tpu.memref_slice %arg16[%dma_wait3A_321, %dma_wait3A_322] : memref<16x144xf32, #tpu.memory_space<vmem>> -> memref<16x144xf32, #tpu.memory_space<vmem>>
      %dma_wait3A_324 = arith.constant 0 : i32
      %dma_wait3A_325 = tpu.memref_slice %arg6[%arg0, %add3A_191, %dma_wait3A_324] : memref<2x10112x144xf32, #tpu.memory_space<hbm>> -> memref<1x16x144xf32, #tpu.memory_space<hbm>>
      %dma_wait3A_326 = tpu.memref_squeeze %dma_wait3A_325 : memref<1x16x144xf32, #tpu.memory_space<hbm>> -> memref<16x144xf32, #tpu.memory_space<hbm>>
      %dma_wait3A_327 = arith.constant 0 : i32
      %dma_wait3A_328 = tpu.memref_slice %arg6[%arg0, %add3A_191, %dma_wait3A_327] : memref<2x10112x144xf32, #tpu.memory_space<hbm>> -> memref<1x16x144xf32, #tpu.memory_space<hbm>>
      %dma_wait3A_329 = tpu.memref_squeeze %dma_wait3A_328 : memref<1x16x144xf32, #tpu.memory_space<hbm>> -> memref<16x144xf32, #tpu.memory_space<hbm>>
      %dma_wait3A_330 = arith.constant 0 : i32
      %dma_wait3A_331 = arith.constant 0 : i32
      %dma_wait3A_332 = tpu.memref_slice %arg16[%dma_wait3A_330, %dma_wait3A_331] : memref<16x144xf32, #tpu.memory_space<vmem>> -> memref<16x144xf32, #tpu.memory_space<vmem>>
      tpu.wait_dma2 semaphore(%run_scoped3A_308 : memref<!tpu.dma_semaphore, #tpu.memory_space<semaphore_mem>>) src(%dma_wait3A_332 : memref<16x144xf32, #tpu.memory_space<vmem>>) dst(%dma_wait3A_329 : memref<16x144xf32, #tpu.memory_space<hbm>>)
      tpu.yield
    }) : () -> ()
    %add3A_192 = arith.constant 176 : i32
    %add3A_193 = arith.addi %mul3A_8, %add3A_192 : i32
    "tpu.region"() ({
      %run_scoped3A_308 = tpu.sem_alloc : memref<!tpu.dma_semaphore, #tpu.memory_space<semaphore_mem>>
      %dma_start3A_309 = arith.constant 0 : i32
      %dma_start3A_310 = arith.constant 0 : i32
      %dma_start3A_311 = tpu.memref_slice %arg16[%dma_start3A_309, %dma_start3A_310] : memref<16x144xf32, #tpu.memory_space<vmem>> -> memref<16x144xf32, #tpu.memory_space<vmem>>
      %dma_start3A_312 = arith.constant 0 : i32
      %dma_start3A_313 = tpu.memref_slice %arg7[%add3A_193, %dma_start3A_312] : memref<10112x144xf32, #tpu.memory_space<vmem_shared>> -> memref<16x144xf32, #tpu.memory_space<vmem_shared>>
      %dma_start3A_314 = arith.constant 0 : i32
      %dma_start3A_315 = arith.constant 0 : i32
      %dma_start3A_316 = tpu.memref_slice %arg16[%dma_start3A_314, %dma_start3A_315] : memref<16x144xf32, #tpu.memory_space<vmem>> -> memref<16x144xf32, #tpu.memory_space<vmem>>
      %dma_start3A_317 = arith.constant 0 : i32
      %dma_start3A_318 = tpu.memref_slice %arg7[%add3A_193, %dma_start3A_317] : memref<10112x144xf32, #tpu.memory_space<vmem_shared>> -> memref<16x144xf32, #tpu.memory_space<vmem_shared>>
      tpu.enqueue_dma source(%dma_start3A_318 : memref<16x144xf32, #tpu.memory_space<vmem_shared>>) target(%dma_start3A_316 : memref<16x144xf32, #tpu.memory_space<vmem>>) target_semaphore(%run_scoped3A_308 : memref<!tpu.dma_semaphore, #tpu.memory_space<semaphore_mem>>)
      %dma_wait3A_319 = arith.constant 0 : i32
      %dma_wait3A_320 = arith.constant 0 : i32
      %dma_wait3A_321 = tpu.memref_slice %arg16[%dma_wait3A_319, %dma_wait3A_320] : memref<16x144xf32, #tpu.memory_space<vmem>> -> memref<16x144xf32, #tpu.memory_space<vmem>>
      %dma_wait3A_322 = arith.constant 0 : i32
      %dma_wait3A_323 = tpu.memref_slice %arg7[%add3A_193, %dma_wait3A_322] : memref<10112x144xf32, #tpu.memory_space<vmem_shared>> -> memref<16x144xf32, #tpu.memory_space<vmem_shared>>
      %dma_wait3A_324 = arith.constant 0 : i32
      %dma_wait3A_325 = arith.constant 0 : i32
      %dma_wait3A_326 = tpu.memref_slice %arg16[%dma_wait3A_324, %dma_wait3A_325] : memref<16x144xf32, #tpu.memory_space<vmem>> -> memref<16x144xf32, #tpu.memory_space<vmem>>
      %dma_wait3A_327 = arith.constant 0 : i32
      %dma_wait3A_328 = tpu.memref_slice %arg7[%add3A_193, %dma_wait3A_327] : memref<10112x144xf32, #tpu.memory_space<vmem_shared>> -> memref<16x144xf32, #tpu.memory_space<vmem_shared>>
      tpu.wait_dma2 semaphore(%run_scoped3A_308 : memref<!tpu.dma_semaphore, #tpu.memory_space<semaphore_mem>>) src(%dma_wait3A_328 : memref<16x144xf32, #tpu.memory_space<vmem_shared>>) dst(%dma_wait3A_326 : memref<16x144xf32, #tpu.memory_space<vmem>>)
      tpu.yield
    }) : () -> ()
    %add3A_194 = arith.constant 176 : i32
    %add3A_195 = arith.addi %mul3A_8, %add3A_194 : i32
    "tpu.region"() ({
      %run_scoped3A_308 = tpu.sem_alloc : memref<!tpu.dma_semaphore, #tpu.memory_space<semaphore_mem>>
      %dma_start3A_309 = arith.constant 0 : i32
      %dma_start3A_310 = arith.constant 0 : i32
      %dma_start3A_311 = tpu.memref_slice %arg16[%dma_start3A_309, %dma_start3A_310] : memref<16x144xf32, #tpu.memory_space<vmem>> -> memref<16x144xf32, #tpu.memory_space<vmem>>
      %dma_start3A_312 = arith.constant 0 : i32
      %dma_start3A_313 = tpu.memref_slice %arg6[%arg0, %add3A_195, %dma_start3A_312] : memref<2x10112x144xf32, #tpu.memory_space<hbm>> -> memref<1x16x144xf32, #tpu.memory_space<hbm>>
      %dma_start3A_314 = tpu.memref_squeeze %dma_start3A_313 : memref<1x16x144xf32, #tpu.memory_space<hbm>> -> memref<16x144xf32, #tpu.memory_space<hbm>>
      %dma_start3A_315 = arith.constant 0 : i32
      %dma_start3A_316 = tpu.memref_slice %arg6[%arg0, %add3A_195, %dma_start3A_315] : memref<2x10112x144xf32, #tpu.memory_space<hbm>> -> memref<1x16x144xf32, #tpu.memory_space<hbm>>
      %dma_start3A_317 = tpu.memref_squeeze %dma_start3A_316 : memref<1x16x144xf32, #tpu.memory_space<hbm>> -> memref<16x144xf32, #tpu.memory_space<hbm>>
      %dma_start3A_318 = arith.constant 0 : i32
      %dma_start3A_319 = arith.constant 0 : i32
      %dma_start3A_320 = tpu.memref_slice %arg16[%dma_start3A_318, %dma_start3A_319] : memref<16x144xf32, #tpu.memory_space<vmem>> -> memref<16x144xf32, #tpu.memory_space<vmem>>
      tpu.enqueue_dma source(%dma_start3A_320 : memref<16x144xf32, #tpu.memory_space<vmem>>) target(%dma_start3A_317 : memref<16x144xf32, #tpu.memory_space<hbm>>) target_semaphore(%run_scoped3A_308 : memref<!tpu.dma_semaphore, #tpu.memory_space<semaphore_mem>>)
      %dma_wait3A_321 = arith.constant 0 : i32
      %dma_wait3A_322 = arith.constant 0 : i32
      %dma_wait3A_323 = tpu.memref_slice %arg16[%dma_wait3A_321, %dma_wait3A_322] : memref<16x144xf32, #tpu.memory_space<vmem>> -> memref<16x144xf32, #tpu.memory_space<vmem>>
      %dma_wait3A_324 = arith.constant 0 : i32
      %dma_wait3A_325 = tpu.memref_slice %arg6[%arg0, %add3A_195, %dma_wait3A_324] : memref<2x10112x144xf32, #tpu.memory_space<hbm>> -> memref<1x16x144xf32, #tpu.memory_space<hbm>>
      %dma_wait3A_326 = tpu.memref_squeeze %dma_wait3A_325 : memref<1x16x144xf32, #tpu.memory_space<hbm>> -> memref<16x144xf32, #tpu.memory_space<hbm>>
      %dma_wait3A_327 = arith.constant 0 : i32
      %dma_wait3A_328 = tpu.memref_slice %arg6[%arg0, %add3A_195, %dma_wait3A_327] : memref<2x10112x144xf32, #tpu.memory_space<hbm>> -> memref<1x16x144xf32, #tpu.memory_space<hbm>>
      %dma_wait3A_329 = tpu.memref_squeeze %dma_wait3A_328 : memref<1x16x144xf32, #tpu.memory_space<hbm>> -> memref<16x144xf32, #tpu.memory_space<hbm>>
      %dma_wait3A_330 = arith.constant 0 : i32
      %dma_wait3A_331 = arith.constant 0 : i32
      %dma_wait3A_332 = tpu.memref_slice %arg16[%dma_wait3A_330, %dma_wait3A_331] : memref<16x144xf32, #tpu.memory_space<vmem>> -> memref<16x144xf32, #tpu.memory_space<vmem>>
      tpu.wait_dma2 semaphore(%run_scoped3A_308 : memref<!tpu.dma_semaphore, #tpu.memory_space<semaphore_mem>>) src(%dma_wait3A_332 : memref<16x144xf32, #tpu.memory_space<vmem>>) dst(%dma_wait3A_329 : memref<16x144xf32, #tpu.memory_space<hbm>>)
      tpu.yield
    }) : () -> ()
    %add3A_196 = arith.constant 192 : i32
    %add3A_197 = arith.addi %mul3A_8, %add3A_196 : i32
    "tpu.region"() ({
      %run_scoped3A_308 = tpu.sem_alloc : memref<!tpu.dma_semaphore, #tpu.memory_space<semaphore_mem>>
      %dma_start3A_309 = arith.constant 0 : i32
      %dma_start3A_310 = arith.constant 0 : i32
      %dma_start3A_311 = tpu.memref_slice %arg16[%dma_start3A_309, %dma_start3A_310] : memref<16x144xf32, #tpu.memory_space<vmem>> -> memref<16x144xf32, #tpu.memory_space<vmem>>
      %dma_start3A_312 = arith.constant 0 : i32
      %dma_start3A_313 = tpu.memref_slice %arg7[%add3A_197, %dma_start3A_312] : memref<10112x144xf32, #tpu.memory_space<vmem_shared>> -> memref<16x144xf32, #tpu.memory_space<vmem_shared>>
      %dma_start3A_314 = arith.constant 0 : i32
      %dma_start3A_315 = arith.constant 0 : i32
      %dma_start3A_316 = tpu.memref_slice %arg16[%dma_start3A_314, %dma_start3A_315] : memref<16x144xf32, #tpu.memory_space<vmem>> -> memref<16x144xf32, #tpu.memory_space<vmem>>
      %dma_start3A_317 = arith.constant 0 : i32
      %dma_start3A_318 = tpu.memref_slice %arg7[%add3A_197, %dma_start3A_317] : memref<10112x144xf32, #tpu.memory_space<vmem_shared>> -> memref<16x144xf32, #tpu.memory_space<vmem_shared>>
      tpu.enqueue_dma source(%dma_start3A_318 : memref<16x144xf32, #tpu.memory_space<vmem_shared>>) target(%dma_start3A_316 : memref<16x144xf32, #tpu.memory_space<vmem>>) target_semaphore(%run_scoped3A_308 : memref<!tpu.dma_semaphore, #tpu.memory_space<semaphore_mem>>)
      %dma_wait3A_319 = arith.constant 0 : i32
      %dma_wait3A_320 = arith.constant 0 : i32
      %dma_wait3A_321 = tpu.memref_slice %arg16[%dma_wait3A_319, %dma_wait3A_320] : memref<16x144xf32, #tpu.memory_space<vmem>> -> memref<16x144xf32, #tpu.memory_space<vmem>>
      %dma_wait3A_322 = arith.constant 0 : i32
      %dma_wait3A_323 = tpu.memref_slice %arg7[%add3A_197, %dma_wait3A_322] : memref<10112x144xf32, #tpu.memory_space<vmem_shared>> -> memref<16x144xf32, #tpu.memory_space<vmem_shared>>
      %dma_wait3A_324 = arith.constant 0 : i32
      %dma_wait3A_325 = arith.constant 0 : i32
      %dma_wait3A_326 = tpu.memref_slice %arg16[%dma_wait3A_324, %dma_wait3A_325] : memref<16x144xf32, #tpu.memory_space<vmem>> -> memref<16x144xf32, #tpu.memory_space<vmem>>
      %dma_wait3A_327 = arith.constant 0 : i32
      %dma_wait3A_328 = tpu.memref_slice %arg7[%add3A_197, %dma_wait3A_327] : memref<10112x144xf32, #tpu.memory_space<vmem_shared>> -> memref<16x144xf32, #tpu.memory_space<vmem_shared>>
      tpu.wait_dma2 semaphore(%run_scoped3A_308 : memref<!tpu.dma_semaphore, #tpu.memory_space<semaphore_mem>>) src(%dma_wait3A_328 : memref<16x144xf32, #tpu.memory_space<vmem_shared>>) dst(%dma_wait3A_326 : memref<16x144xf32, #tpu.memory_space<vmem>>)
      tpu.yield
    }) : () -> ()
    %add3A_198 = arith.constant 192 : i32
    %add3A_199 = arith.addi %mul3A_8, %add3A_198 : i32
    "tpu.region"() ({
      %run_scoped3A_308 = tpu.sem_alloc : memref<!tpu.dma_semaphore, #tpu.memory_space<semaphore_mem>>
      %dma_start3A_309 = arith.constant 0 : i32
      %dma_start3A_310 = arith.constant 0 : i32
      %dma_start3A_311 = tpu.memref_slice %arg16[%dma_start3A_309, %dma_start3A_310] : memref<16x144xf32, #tpu.memory_space<vmem>> -> memref<16x144xf32, #tpu.memory_space<vmem>>
      %dma_start3A_312 = arith.constant 0 : i32
      %dma_start3A_313 = tpu.memref_slice %arg6[%arg0, %add3A_199, %dma_start3A_312] : memref<2x10112x144xf32, #tpu.memory_space<hbm>> -> memref<1x16x144xf32, #tpu.memory_space<hbm>>
      %dma_start3A_314 = tpu.memref_squeeze %dma_start3A_313 : memref<1x16x144xf32, #tpu.memory_space<hbm>> -> memref<16x144xf32, #tpu.memory_space<hbm>>
      %dma_start3A_315 = arith.constant 0 : i32
      %dma_start3A_316 = tpu.memref_slice %arg6[%arg0, %add3A_199, %dma_start3A_315] : memref<2x10112x144xf32, #tpu.memory_space<hbm>> -> memref<1x16x144xf32, #tpu.memory_space<hbm>>
      %dma_start3A_317 = tpu.memref_squeeze %dma_start3A_316 : memref<1x16x144xf32, #tpu.memory_space<hbm>> -> memref<16x144xf32, #tpu.memory_space<hbm>>
      %dma_start3A_318 = arith.constant 0 : i32
      %dma_start3A_319 = arith.constant 0 : i32
      %dma_start3A_320 = tpu.memref_slice %arg16[%dma_start3A_318, %dma_start3A_319] : memref<16x144xf32, #tpu.memory_space<vmem>> -> memref<16x144xf32, #tpu.memory_space<vmem>>
      tpu.enqueue_dma source(%dma_start3A_320 : memref<16x144xf32, #tpu.memory_space<vmem>>) target(%dma_start3A_317 : memref<16x144xf32, #tpu.memory_space<hbm>>) target_semaphore(%run_scoped3A_308 : memref<!tpu.dma_semaphore, #tpu.memory_space<semaphore_mem>>)
      %dma_wait3A_321 = arith.constant 0 : i32
      %dma_wait3A_322 = arith.constant 0 : i32
      %dma_wait3A_323 = tpu.memref_slice %arg16[%dma_wait3A_321, %dma_wait3A_322] : memref<16x144xf32, #tpu.memory_space<vmem>> -> memref<16x144xf32, #tpu.memory_space<vmem>>
      %dma_wait3A_324 = arith.constant 0 : i32
      %dma_wait3A_325 = tpu.memref_slice %arg6[%arg0, %add3A_199, %dma_wait3A_324] : memref<2x10112x144xf32, #tpu.memory_space<hbm>> -> memref<1x16x144xf32, #tpu.memory_space<hbm>>
      %dma_wait3A_326 = tpu.memref_squeeze %dma_wait3A_325 : memref<1x16x144xf32, #tpu.memory_space<hbm>> -> memref<16x144xf32, #tpu.memory_space<hbm>>
      %dma_wait3A_327 = arith.constant 0 : i32
      %dma_wait3A_328 = tpu.memref_slice %arg6[%arg0, %add3A_199, %dma_wait3A_327] : memref<2x10112x144xf32, #tpu.memory_space<hbm>> -> memref<1x16x144xf32, #tpu.memory_space<hbm>>
      %dma_wait3A_329 = tpu.memref_squeeze %dma_wait3A_328 : memref<1x16x144xf32, #tpu.memory_space<hbm>> -> memref<16x144xf32, #tpu.memory_space<hbm>>
      %dma_wait3A_330 = arith.constant 0 : i32
      %dma_wait3A_331 = arith.constant 0 : i32
      %dma_wait3A_332 = tpu.memref_slice %arg16[%dma_wait3A_330, %dma_wait3A_331] : memref<16x144xf32, #tpu.memory_space<vmem>> -> memref<16x144xf32, #tpu.memory_space<vmem>>
      tpu.wait_dma2 semaphore(%run_scoped3A_308 : memref<!tpu.dma_semaphore, #tpu.memory_space<semaphore_mem>>) src(%dma_wait3A_332 : memref<16x144xf32, #tpu.memory_space<vmem>>) dst(%dma_wait3A_329 : memref<16x144xf32, #tpu.memory_space<hbm>>)
      tpu.yield
    }) : () -> ()
    %add3A_200 = arith.constant 208 : i32
    %add3A_201 = arith.addi %mul3A_8, %add3A_200 : i32
    "tpu.region"() ({
      %run_scoped3A_308 = tpu.sem_alloc : memref<!tpu.dma_semaphore, #tpu.memory_space<semaphore_mem>>
      %dma_start3A_309 = arith.constant 0 : i32
      %dma_start3A_310 = arith.constant 0 : i32
      %dma_start3A_311 = tpu.memref_slice %arg16[%dma_start3A_309, %dma_start3A_310] : memref<16x144xf32, #tpu.memory_space<vmem>> -> memref<16x144xf32, #tpu.memory_space<vmem>>
      %dma_start3A_312 = arith.constant 0 : i32
      %dma_start3A_313 = tpu.memref_slice %arg7[%add3A_201, %dma_start3A_312] : memref<10112x144xf32, #tpu.memory_space<vmem_shared>> -> memref<16x144xf32, #tpu.memory_space<vmem_shared>>
      %dma_start3A_314 = arith.constant 0 : i32
      %dma_start3A_315 = arith.constant 0 : i32
      %dma_start3A_316 = tpu.memref_slice %arg16[%dma_start3A_314, %dma_start3A_315] : memref<16x144xf32, #tpu.memory_space<vmem>> -> memref<16x144xf32, #tpu.memory_space<vmem>>
      %dma_start3A_317 = arith.constant 0 : i32
      %dma_start3A_318 = tpu.memref_slice %arg7[%add3A_201, %dma_start3A_317] : memref<10112x144xf32, #tpu.memory_space<vmem_shared>> -> memref<16x144xf32, #tpu.memory_space<vmem_shared>>
      tpu.enqueue_dma source(%dma_start3A_318 : memref<16x144xf32, #tpu.memory_space<vmem_shared>>) target(%dma_start3A_316 : memref<16x144xf32, #tpu.memory_space<vmem>>) target_semaphore(%run_scoped3A_308 : memref<!tpu.dma_semaphore, #tpu.memory_space<semaphore_mem>>)
      %dma_wait3A_319 = arith.constant 0 : i32
      %dma_wait3A_320 = arith.constant 0 : i32
      %dma_wait3A_321 = tpu.memref_slice %arg16[%dma_wait3A_319, %dma_wait3A_320] : memref<16x144xf32, #tpu.memory_space<vmem>> -> memref<16x144xf32, #tpu.memory_space<vmem>>
      %dma_wait3A_322 = arith.constant 0 : i32
      %dma_wait3A_323 = tpu.memref_slice %arg7[%add3A_201, %dma_wait3A_322] : memref<10112x144xf32, #tpu.memory_space<vmem_shared>> -> memref<16x144xf32, #tpu.memory_space<vmem_shared>>
      %dma_wait3A_324 = arith.constant 0 : i32
      %dma_wait3A_325 = arith.constant 0 : i32
      %dma_wait3A_326 = tpu.memref_slice %arg16[%dma_wait3A_324, %dma_wait3A_325] : memref<16x144xf32, #tpu.memory_space<vmem>> -> memref<16x144xf32, #tpu.memory_space<vmem>>
      %dma_wait3A_327 = arith.constant 0 : i32
      %dma_wait3A_328 = tpu.memref_slice %arg7[%add3A_201, %dma_wait3A_327] : memref<10112x144xf32, #tpu.memory_space<vmem_shared>> -> memref<16x144xf32, #tpu.memory_space<vmem_shared>>
      tpu.wait_dma2 semaphore(%run_scoped3A_308 : memref<!tpu.dma_semaphore, #tpu.memory_space<semaphore_mem>>) src(%dma_wait3A_328 : memref<16x144xf32, #tpu.memory_space<vmem_shared>>) dst(%dma_wait3A_326 : memref<16x144xf32, #tpu.memory_space<vmem>>)
      tpu.yield
    }) : () -> ()
    %add3A_202 = arith.constant 208 : i32
    %add3A_203 = arith.addi %mul3A_8, %add3A_202 : i32
    "tpu.region"() ({
      %run_scoped3A_308 = tpu.sem_alloc : memref<!tpu.dma_semaphore, #tpu.memory_space<semaphore_mem>>
      %dma_start3A_309 = arith.constant 0 : i32
      %dma_start3A_310 = arith.constant 0 : i32
      %dma_start3A_311 = tpu.memref_slice %arg16[%dma_start3A_309, %dma_start3A_310] : memref<16x144xf32, #tpu.memory_space<vmem>> -> memref<16x144xf32, #tpu.memory_space<vmem>>
      %dma_start3A_312 = arith.constant 0 : i32
      %dma_start3A_313 = tpu.memref_slice %arg6[%arg0, %add3A_203, %dma_start3A_312] : memref<2x10112x144xf32, #tpu.memory_space<hbm>> -> memref<1x16x144xf32, #tpu.memory_space<hbm>>
      %dma_start3A_314 = tpu.memref_squeeze %dma_start3A_313 : memref<1x16x144xf32, #tpu.memory_space<hbm>> -> memref<16x144xf32, #tpu.memory_space<hbm>>
      %dma_start3A_315 = arith.constant 0 : i32
      %dma_start3A_316 = tpu.memref_slice %arg6[%arg0, %add3A_203, %dma_start3A_315] : memref<2x10112x144xf32, #tpu.memory_space<hbm>> -> memref<1x16x144xf32, #tpu.memory_space<hbm>>
      %dma_start3A_317 = tpu.memref_squeeze %dma_start3A_316 : memref<1x16x144xf32, #tpu.memory_space<hbm>> -> memref<16x144xf32, #tpu.memory_space<hbm>>
      %dma_start3A_318 = arith.constant 0 : i32
      %dma_start3A_319 = arith.constant 0 : i32
      %dma_start3A_320 = tpu.memref_slice %arg16[%dma_start3A_318, %dma_start3A_319] : memref<16x144xf32, #tpu.memory_space<vmem>> -> memref<16x144xf32, #tpu.memory_space<vmem>>
      tpu.enqueue_dma source(%dma_start3A_320 : memref<16x144xf32, #tpu.memory_space<vmem>>) target(%dma_start3A_317 : memref<16x144xf32, #tpu.memory_space<hbm>>) target_semaphore(%run_scoped3A_308 : memref<!tpu.dma_semaphore, #tpu.memory_space<semaphore_mem>>)
      %dma_wait3A_321 = arith.constant 0 : i32
      %dma_wait3A_322 = arith.constant 0 : i32
      %dma_wait3A_323 = tpu.memref_slice %arg16[%dma_wait3A_321, %dma_wait3A_322] : memref<16x144xf32, #tpu.memory_space<vmem>> -> memref<16x144xf32, #tpu.memory_space<vmem>>
      %dma_wait3A_324 = arith.constant 0 : i32
      %dma_wait3A_325 = tpu.memref_slice %arg6[%arg0, %add3A_203, %dma_wait3A_324] : memref<2x10112x144xf32, #tpu.memory_space<hbm>> -> memref<1x16x144xf32, #tpu.memory_space<hbm>>
      %dma_wait3A_326 = tpu.memref_squeeze %dma_wait3A_325 : memref<1x16x144xf32, #tpu.memory_space<hbm>> -> memref<16x144xf32, #tpu.memory_space<hbm>>
      %dma_wait3A_327 = arith.constant 0 : i32
      %dma_wait3A_328 = tpu.memref_slice %arg6[%arg0, %add3A_203, %dma_wait3A_327] : memref<2x10112x144xf32, #tpu.memory_space<hbm>> -> memref<1x16x144xf32, #tpu.memory_space<hbm>>
      %dma_wait3A_329 = tpu.memref_squeeze %dma_wait3A_328 : memref<1x16x144xf32, #tpu.memory_space<hbm>> -> memref<16x144xf32, #tpu.memory_space<hbm>>
      %dma_wait3A_330 = arith.constant 0 : i32
      %dma_wait3A_331 = arith.constant 0 : i32
      %dma_wait3A_332 = tpu.memref_slice %arg16[%dma_wait3A_330, %dma_wait3A_331] : memref<16x144xf32, #tpu.memory_space<vmem>> -> memref<16x144xf32, #tpu.memory_space<vmem>>
      tpu.wait_dma2 semaphore(%run_scoped3A_308 : memref<!tpu.dma_semaphore, #tpu.memory_space<semaphore_mem>>) src(%dma_wait3A_332 : memref<16x144xf32, #tpu.memory_space<vmem>>) dst(%dma_wait3A_329 : memref<16x144xf32, #tpu.memory_space<hbm>>)
      tpu.yield
    }) : () -> ()
    %add3A_204 = arith.constant 224 : i32
    %add3A_205 = arith.addi %mul3A_8, %add3A_204 : i32
    "tpu.region"() ({
      %run_scoped3A_308 = tpu.sem_alloc : memref<!tpu.dma_semaphore, #tpu.memory_space<semaphore_mem>>
      %dma_start3A_309 = arith.constant 0 : i32
      %dma_start3A_310 = arith.constant 0 : i32
      %dma_start3A_311 = tpu.memref_slice %arg16[%dma_start3A_309, %dma_start3A_310] : memref<16x144xf32, #tpu.memory_space<vmem>> -> memref<16x144xf32, #tpu.memory_space<vmem>>
      %dma_start3A_312 = arith.constant 0 : i32
      %dma_start3A_313 = tpu.memref_slice %arg7[%add3A_205, %dma_start3A_312] : memref<10112x144xf32, #tpu.memory_space<vmem_shared>> -> memref<16x144xf32, #tpu.memory_space<vmem_shared>>
      %dma_start3A_314 = arith.constant 0 : i32
      %dma_start3A_315 = arith.constant 0 : i32
      %dma_start3A_316 = tpu.memref_slice %arg16[%dma_start3A_314, %dma_start3A_315] : memref<16x144xf32, #tpu.memory_space<vmem>> -> memref<16x144xf32, #tpu.memory_space<vmem>>
      %dma_start3A_317 = arith.constant 0 : i32
      %dma_start3A_318 = tpu.memref_slice %arg7[%add3A_205, %dma_start3A_317] : memref<10112x144xf32, #tpu.memory_space<vmem_shared>> -> memref<16x144xf32, #tpu.memory_space<vmem_shared>>
      tpu.enqueue_dma source(%dma_start3A_318 : memref<16x144xf32, #tpu.memory_space<vmem_shared>>) target(%dma_start3A_316 : memref<16x144xf32, #tpu.memory_space<vmem>>) target_semaphore(%run_scoped3A_308 : memref<!tpu.dma_semaphore, #tpu.memory_space<semaphore_mem>>)
      %dma_wait3A_319 = arith.constant 0 : i32
      %dma_wait3A_320 = arith.constant 0 : i32
      %dma_wait3A_321 = tpu.memref_slice %arg16[%dma_wait3A_319, %dma_wait3A_320] : memref<16x144xf32, #tpu.memory_space<vmem>> -> memref<16x144xf32, #tpu.memory_space<vmem>>
      %dma_wait3A_322 = arith.constant 0 : i32
      %dma_wait3A_323 = tpu.memref_slice %arg7[%add3A_205, %dma_wait3A_322] : memref<10112x144xf32, #tpu.memory_space<vmem_shared>> -> memref<16x144xf32, #tpu.memory_space<vmem_shared>>
      %dma_wait3A_324 = arith.constant 0 : i32
      %dma_wait3A_325 = arith.constant 0 : i32
      %dma_wait3A_326 = tpu.memref_slice %arg16[%dma_wait3A_324, %dma_wait3A_325] : memref<16x144xf32, #tpu.memory_space<vmem>> -> memref<16x144xf32, #tpu.memory_space<vmem>>
      %dma_wait3A_327 = arith.constant 0 : i32
      %dma_wait3A_328 = tpu.memref_slice %arg7[%add3A_205, %dma_wait3A_327] : memref<10112x144xf32, #tpu.memory_space<vmem_shared>> -> memref<16x144xf32, #tpu.memory_space<vmem_shared>>
      tpu.wait_dma2 semaphore(%run_scoped3A_308 : memref<!tpu.dma_semaphore, #tpu.memory_space<semaphore_mem>>) src(%dma_wait3A_328 : memref<16x144xf32, #tpu.memory_space<vmem_shared>>) dst(%dma_wait3A_326 : memref<16x144xf32, #tpu.memory_space<vmem>>)
      tpu.yield
    }) : () -> ()
    %add3A_206 = arith.constant 224 : i32
    %add3A_207 = arith.addi %mul3A_8, %add3A_206 : i32
    "tpu.region"() ({
      %run_scoped3A_308 = tpu.sem_alloc : memref<!tpu.dma_semaphore, #tpu.memory_space<semaphore_mem>>
      %dma_start3A_309 = arith.constant 0 : i32
      %dma_start3A_310 = arith.constant 0 : i32
      %dma_start3A_311 = tpu.memref_slice %arg16[%dma_start3A_309, %dma_start3A_310] : memref<16x144xf32, #tpu.memory_space<vmem>> -> memref<16x144xf32, #tpu.memory_space<vmem>>
      %dma_start3A_312 = arith.constant 0 : i32
      %dma_start3A_313 = tpu.memref_slice %arg6[%arg0, %add3A_207, %dma_start3A_312] : memref<2x10112x144xf32, #tpu.memory_space<hbm>> -> memref<1x16x144xf32, #tpu.memory_space<hbm>>
      %dma_start3A_314 = tpu.memref_squeeze %dma_start3A_313 : memref<1x16x144xf32, #tpu.memory_space<hbm>> -> memref<16x144xf32, #tpu.memory_space<hbm>>
      %dma_start3A_315 = arith.constant 0 : i32
      %dma_start3A_316 = tpu.memref_slice %arg6[%arg0, %add3A_207, %dma_start3A_315] : memref<2x10112x144xf32, #tpu.memory_space<hbm>> -> memref<1x16x144xf32, #tpu.memory_space<hbm>>
      %dma_start3A_317 = tpu.memref_squeeze %dma_start3A_316 : memref<1x16x144xf32, #tpu.memory_space<hbm>> -> memref<16x144xf32, #tpu.memory_space<hbm>>
      %dma_start3A_318 = arith.constant 0 : i32
      %dma_start3A_319 = arith.constant 0 : i32
      %dma_start3A_320 = tpu.memref_slice %arg16[%dma_start3A_318, %dma_start3A_319] : memref<16x144xf32, #tpu.memory_space<vmem>> -> memref<16x144xf32, #tpu.memory_space<vmem>>
      tpu.enqueue_dma source(%dma_start3A_320 : memref<16x144xf32, #tpu.memory_space<vmem>>) target(%dma_start3A_317 : memref<16x144xf32, #tpu.memory_space<hbm>>) target_semaphore(%run_scoped3A_308 : memref<!tpu.dma_semaphore, #tpu.memory_space<semaphore_mem>>)
      %dma_wait3A_321 = arith.constant 0 : i32
      %dma_wait3A_322 = arith.constant 0 : i32
      %dma_wait3A_323 = tpu.memref_slice %arg16[%dma_wait3A_321, %dma_wait3A_322] : memref<16x144xf32, #tpu.memory_space<vmem>> -> memref<16x144xf32, #tpu.memory_space<vmem>>
      %dma_wait3A_324 = arith.constant 0 : i32
      %dma_wait3A_325 = tpu.memref_slice %arg6[%arg0, %add3A_207, %dma_wait3A_324] : memref<2x10112x144xf32, #tpu.memory_space<hbm>> -> memref<1x16x144xf32, #tpu.memory_space<hbm>>
      %dma_wait3A_326 = tpu.memref_squeeze %dma_wait3A_325 : memref<1x16x144xf32, #tpu.memory_space<hbm>> -> memref<16x144xf32, #tpu.memory_space<hbm>>
      %dma_wait3A_327 = arith.constant 0 : i32
      %dma_wait3A_328 = tpu.memref_slice %arg6[%arg0, %add3A_207, %dma_wait3A_327] : memref<2x10112x144xf32, #tpu.memory_space<hbm>> -> memref<1x16x144xf32, #tpu.memory_space<hbm>>
      %dma_wait3A_329 = tpu.memref_squeeze %dma_wait3A_328 : memref<1x16x144xf32, #tpu.memory_space<hbm>> -> memref<16x144xf32, #tpu.memory_space<hbm>>
      %dma_wait3A_330 = arith.constant 0 : i32
      %dma_wait3A_331 = arith.constant 0 : i32
      %dma_wait3A_332 = tpu.memref_slice %arg16[%dma_wait3A_330, %dma_wait3A_331] : memref<16x144xf32, #tpu.memory_space<vmem>> -> memref<16x144xf32, #tpu.memory_space<vmem>>
      tpu.wait_dma2 semaphore(%run_scoped3A_308 : memref<!tpu.dma_semaphore, #tpu.memory_space<semaphore_mem>>) src(%dma_wait3A_332 : memref<16x144xf32, #tpu.memory_space<vmem>>) dst(%dma_wait3A_329 : memref<16x144xf32, #tpu.memory_space<hbm>>)
      tpu.yield
    }) : () -> ()
    %add3A_208 = arith.constant 240 : i32
    %add3A_209 = arith.addi %mul3A_8, %add3A_208 : i32
    "tpu.region"() ({
      %run_scoped3A_308 = tpu.sem_alloc : memref<!tpu.dma_semaphore, #tpu.memory_space<semaphore_mem>>
      %dma_start3A_309 = arith.constant 0 : i32
      %dma_start3A_310 = arith.constant 0 : i32
      %dma_start3A_311 = tpu.memref_slice %arg16[%dma_start3A_309, %dma_start3A_310] : memref<16x144xf32, #tpu.memory_space<vmem>> -> memref<16x144xf32, #tpu.memory_space<vmem>>
      %dma_start3A_312 = arith.constant 0 : i32
      %dma_start3A_313 = tpu.memref_slice %arg7[%add3A_209, %dma_start3A_312] : memref<10112x144xf32, #tpu.memory_space<vmem_shared>> -> memref<16x144xf32, #tpu.memory_space<vmem_shared>>
      %dma_start3A_314 = arith.constant 0 : i32
      %dma_start3A_315 = arith.constant 0 : i32
      %dma_start3A_316 = tpu.memref_slice %arg16[%dma_start3A_314, %dma_start3A_315] : memref<16x144xf32, #tpu.memory_space<vmem>> -> memref<16x144xf32, #tpu.memory_space<vmem>>
      %dma_start3A_317 = arith.constant 0 : i32
      %dma_start3A_318 = tpu.memref_slice %arg7[%add3A_209, %dma_start3A_317] : memref<10112x144xf32, #tpu.memory_space<vmem_shared>> -> memref<16x144xf32, #tpu.memory_space<vmem_shared>>
      tpu.enqueue_dma source(%dma_start3A_318 : memref<16x144xf32, #tpu.memory_space<vmem_shared>>) target(%dma_start3A_316 : memref<16x144xf32, #tpu.memory_space<vmem>>) target_semaphore(%run_scoped3A_308 : memref<!tpu.dma_semaphore, #tpu.memory_space<semaphore_mem>>)
      %dma_wait3A_319 = arith.constant 0 : i32
      %dma_wait3A_320 = arith.constant 0 : i32
      %dma_wait3A_321 = tpu.memref_slice %arg16[%dma_wait3A_319, %dma_wait3A_320] : memref<16x144xf32, #tpu.memory_space<vmem>> -> memref<16x144xf32, #tpu.memory_space<vmem>>
      %dma_wait3A_322 = arith.constant 0 : i32
      %dma_wait3A_323 = tpu.memref_slice %arg7[%add3A_209, %dma_wait3A_322] : memref<10112x144xf32, #tpu.memory_space<vmem_shared>> -> memref<16x144xf32, #tpu.memory_space<vmem_shared>>
      %dma_wait3A_324 = arith.constant 0 : i32
      %dma_wait3A_325 = arith.constant 0 : i32
      %dma_wait3A_326 = tpu.memref_slice %arg16[%dma_wait3A_324, %dma_wait3A_325] : memref<16x144xf32, #tpu.memory_space<vmem>> -> memref<16x144xf32, #tpu.memory_space<vmem>>
      %dma_wait3A_327 = arith.constant 0 : i32
      %dma_wait3A_328 = tpu.memref_slice %arg7[%add3A_209, %dma_wait3A_327] : memref<10112x144xf32, #tpu.memory_space<vmem_shared>> -> memref<16x144xf32, #tpu.memory_space<vmem_shared>>
      tpu.wait_dma2 semaphore(%run_scoped3A_308 : memref<!tpu.dma_semaphore, #tpu.memory_space<semaphore_mem>>) src(%dma_wait3A_328 : memref<16x144xf32, #tpu.memory_space<vmem_shared>>) dst(%dma_wait3A_326 : memref<16x144xf32, #tpu.memory_space<vmem>>)
      tpu.yield
    }) : () -> ()
    %add3A_210 = arith.constant 240 : i32
    %add3A_211 = arith.addi %mul3A_8, %add3A_210 : i32
    "tpu.region"() ({
      %run_scoped3A_308 = tpu.sem_alloc : memref<!tpu.dma_semaphore, #tpu.memory_space<semaphore_mem>>
      %dma_start3A_309 = arith.constant 0 : i32
      %dma_start3A_310 = arith.constant 0 : i32
      %dma_start3A_311 = tpu.memref_slice %arg16[%dma_start3A_309, %dma_start3A_310] : memref<16x144xf32, #tpu.memory_space<vmem>> -> memref<16x144xf32, #tpu.memory_space<vmem>>
      %dma_start3A_312 = arith.constant 0 : i32
      %dma_start3A_313 = tpu.memref_slice %arg6[%arg0, %add3A_211, %dma_start3A_312] : memref<2x10112x144xf32, #tpu.memory_space<hbm>> -> memref<1x16x144xf32, #tpu.memory_space<hbm>>
      %dma_start3A_314 = tpu.memref_squeeze %dma_start3A_313 : memref<1x16x144xf32, #tpu.memory_space<hbm>> -> memref<16x144xf32, #tpu.memory_space<hbm>>
      %dma_start3A_315 = arith.constant 0 : i32
      %dma_start3A_316 = tpu.memref_slice %arg6[%arg0, %add3A_211, %dma_start3A_315] : memref<2x10112x144xf32, #tpu.memory_space<hbm>> -> memref<1x16x144xf32, #tpu.memory_space<hbm>>
      %dma_start3A_317 = tpu.memref_squeeze %dma_start3A_316 : memref<1x16x144xf32, #tpu.memory_space<hbm>> -> memref<16x144xf32, #tpu.memory_space<hbm>>
      %dma_start3A_318 = arith.constant 0 : i32
      %dma_start3A_319 = arith.constant 0 : i32
      %dma_start3A_320 = tpu.memref_slice %arg16[%dma_start3A_318, %dma_start3A_319] : memref<16x144xf32, #tpu.memory_space<vmem>> -> memref<16x144xf32, #tpu.memory_space<vmem>>
      tpu.enqueue_dma source(%dma_start3A_320 : memref<16x144xf32, #tpu.memory_space<vmem>>) target(%dma_start3A_317 : memref<16x144xf32, #tpu.memory_space<hbm>>) target_semaphore(%run_scoped3A_308 : memref<!tpu.dma_semaphore, #tpu.memory_space<semaphore_mem>>)
      %dma_wait3A_321 = arith.constant 0 : i32
      %dma_wait3A_322 = arith.constant 0 : i32
      %dma_wait3A_323 = tpu.memref_slice %arg16[%dma_wait3A_321, %dma_wait3A_322] : memref<16x144xf32, #tpu.memory_space<vmem>> -> memref<16x144xf32, #tpu.memory_space<vmem>>
      %dma_wait3A_324 = arith.constant 0 : i32
      %dma_wait3A_325 = tpu.memref_slice %arg6[%arg0, %add3A_211, %dma_wait3A_324] : memref<2x10112x144xf32, #tpu.memory_space<hbm>> -> memref<1x16x144xf32, #tpu.memory_space<hbm>>
      %dma_wait3A_326 = tpu.memref_squeeze %dma_wait3A_325 : memref<1x16x144xf32, #tpu.memory_space<hbm>> -> memref<16x144xf32, #tpu.memory_space<hbm>>
      %dma_wait3A_327 = arith.constant 0 : i32
      %dma_wait3A_328 = tpu.memref_slice %arg6[%arg0, %add3A_211, %dma_wait3A_327] : memref<2x10112x144xf32, #tpu.memory_space<hbm>> -> memref<1x16x144xf32, #tpu.memory_space<hbm>>
      %dma_wait3A_329 = tpu.memref_squeeze %dma_wait3A_328 : memref<1x16x144xf32, #tpu.memory_space<hbm>> -> memref<16x144xf32, #tpu.memory_space<hbm>>
      %dma_wait3A_330 = arith.constant 0 : i32
      %dma_wait3A_331 = arith.constant 0 : i32
      %dma_wait3A_332 = tpu.memref_slice %arg16[%dma_wait3A_330, %dma_wait3A_331] : memref<16x144xf32, #tpu.memory_space<vmem>> -> memref<16x144xf32, #tpu.memory_space<vmem>>
      tpu.wait_dma2 semaphore(%run_scoped3A_308 : memref<!tpu.dma_semaphore, #tpu.memory_space<semaphore_mem>>) src(%dma_wait3A_332 : memref<16x144xf32, #tpu.memory_space<vmem>>) dst(%dma_wait3A_329 : memref<16x144xf32, #tpu.memory_space<hbm>>)
      tpu.yield
    }) : () -> ()
    %add3A_212 = arith.constant 256 : i32
    %add3A_213 = arith.addi %mul3A_8, %add3A_212 : i32
    "tpu.region"() ({
      %run_scoped3A_308 = tpu.sem_alloc : memref<!tpu.dma_semaphore, #tpu.memory_space<semaphore_mem>>
      %dma_start3A_309 = arith.constant 0 : i32
      %dma_start3A_310 = arith.constant 0 : i32
      %dma_start3A_311 = tpu.memref_slice %arg16[%dma_start3A_309, %dma_start3A_310] : memref<16x144xf32, #tpu.memory_space<vmem>> -> memref<16x144xf32, #tpu.memory_space<vmem>>
      %dma_start3A_312 = arith.constant 0 : i32
      %dma_start3A_313 = tpu.memref_slice %arg7[%add3A_213, %dma_start3A_312] : memref<10112x144xf32, #tpu.memory_space<vmem_shared>> -> memref<16x144xf32, #tpu.memory_space<vmem_shared>>
      %dma_start3A_314 = arith.constant 0 : i32
      %dma_start3A_315 = arith.constant 0 : i32
      %dma_start3A_316 = tpu.memref_slice %arg16[%dma_start3A_314, %dma_start3A_315] : memref<16x144xf32, #tpu.memory_space<vmem>> -> memref<16x144xf32, #tpu.memory_space<vmem>>
      %dma_start3A_317 = arith.constant 0 : i32
      %dma_start3A_318 = tpu.memref_slice %arg7[%add3A_213, %dma_start3A_317] : memref<10112x144xf32, #tpu.memory_space<vmem_shared>> -> memref<16x144xf32, #tpu.memory_space<vmem_shared>>
      tpu.enqueue_dma source(%dma_start3A_318 : memref<16x144xf32, #tpu.memory_space<vmem_shared>>) target(%dma_start3A_316 : memref<16x144xf32, #tpu.memory_space<vmem>>) target_semaphore(%run_scoped3A_308 : memref<!tpu.dma_semaphore, #tpu.memory_space<semaphore_mem>>)
      %dma_wait3A_319 = arith.constant 0 : i32
      %dma_wait3A_320 = arith.constant 0 : i32
      %dma_wait3A_321 = tpu.memref_slice %arg16[%dma_wait3A_319, %dma_wait3A_320] : memref<16x144xf32, #tpu.memory_space<vmem>> -> memref<16x144xf32, #tpu.memory_space<vmem>>
      %dma_wait3A_322 = arith.constant 0 : i32
      %dma_wait3A_323 = tpu.memref_slice %arg7[%add3A_213, %dma_wait3A_322] : memref<10112x144xf32, #tpu.memory_space<vmem_shared>> -> memref<16x144xf32, #tpu.memory_space<vmem_shared>>
      %dma_wait3A_324 = arith.constant 0 : i32
      %dma_wait3A_325 = arith.constant 0 : i32
      %dma_wait3A_326 = tpu.memref_slice %arg16[%dma_wait3A_324, %dma_wait3A_325] : memref<16x144xf32, #tpu.memory_space<vmem>> -> memref<16x144xf32, #tpu.memory_space<vmem>>
      %dma_wait3A_327 = arith.constant 0 : i32
      %dma_wait3A_328 = tpu.memref_slice %arg7[%add3A_213, %dma_wait3A_327] : memref<10112x144xf32, #tpu.memory_space<vmem_shared>> -> memref<16x144xf32, #tpu.memory_space<vmem_shared>>
      tpu.wait_dma2 semaphore(%run_scoped3A_308 : memref<!tpu.dma_semaphore, #tpu.memory_space<semaphore_mem>>) src(%dma_wait3A_328 : memref<16x144xf32, #tpu.memory_space<vmem_shared>>) dst(%dma_wait3A_326 : memref<16x144xf32, #tpu.memory_space<vmem>>)
      tpu.yield
    }) : () -> ()
    %add3A_214 = arith.constant 256 : i32
    %add3A_215 = arith.addi %mul3A_8, %add3A_214 : i32
    "tpu.region"() ({
      %run_scoped3A_308 = tpu.sem_alloc : memref<!tpu.dma_semaphore, #tpu.memory_space<semaphore_mem>>
      %dma_start3A_309 = arith.constant 0 : i32
      %dma_start3A_310 = arith.constant 0 : i32
      %dma_start3A_311 = tpu.memref_slice %arg16[%dma_start3A_309, %dma_start3A_310] : memref<16x144xf32, #tpu.memory_space<vmem>> -> memref<16x144xf32, #tpu.memory_space<vmem>>
      %dma_start3A_312 = arith.constant 0 : i32
      %dma_start3A_313 = tpu.memref_slice %arg6[%arg0, %add3A_215, %dma_start3A_312] : memref<2x10112x144xf32, #tpu.memory_space<hbm>> -> memref<1x16x144xf32, #tpu.memory_space<hbm>>
      %dma_start3A_314 = tpu.memref_squeeze %dma_start3A_313 : memref<1x16x144xf32, #tpu.memory_space<hbm>> -> memref<16x144xf32, #tpu.memory_space<hbm>>
      %dma_start3A_315 = arith.constant 0 : i32
      %dma_start3A_316 = tpu.memref_slice %arg6[%arg0, %add3A_215, %dma_start3A_315] : memref<2x10112x144xf32, #tpu.memory_space<hbm>> -> memref<1x16x144xf32, #tpu.memory_space<hbm>>
      %dma_start3A_317 = tpu.memref_squeeze %dma_start3A_316 : memref<1x16x144xf32, #tpu.memory_space<hbm>> -> memref<16x144xf32, #tpu.memory_space<hbm>>
      %dma_start3A_318 = arith.constant 0 : i32
      %dma_start3A_319 = arith.constant 0 : i32
      %dma_start3A_320 = tpu.memref_slice %arg16[%dma_start3A_318, %dma_start3A_319] : memref<16x144xf32, #tpu.memory_space<vmem>> -> memref<16x144xf32, #tpu.memory_space<vmem>>
      tpu.enqueue_dma source(%dma_start3A_320 : memref<16x144xf32, #tpu.memory_space<vmem>>) target(%dma_start3A_317 : memref<16x144xf32, #tpu.memory_space<hbm>>) target_semaphore(%run_scoped3A_308 : memref<!tpu.dma_semaphore, #tpu.memory_space<semaphore_mem>>)
      %dma_wait3A_321 = arith.constant 0 : i32
      %dma_wait3A_322 = arith.constant 0 : i32
      %dma_wait3A_323 = tpu.memref_slice %arg16[%dma_wait3A_321, %dma_wait3A_322] : memref<16x144xf32, #tpu.memory_space<vmem>> -> memref<16x144xf32, #tpu.memory_space<vmem>>
      %dma_wait3A_324 = arith.constant 0 : i32
      %dma_wait3A_325 = tpu.memref_slice %arg6[%arg0, %add3A_215, %dma_wait3A_324] : memref<2x10112x144xf32, #tpu.memory_space<hbm>> -> memref<1x16x144xf32, #tpu.memory_space<hbm>>
      %dma_wait3A_326 = tpu.memref_squeeze %dma_wait3A_325 : memref<1x16x144xf32, #tpu.memory_space<hbm>> -> memref<16x144xf32, #tpu.memory_space<hbm>>
      %dma_wait3A_327 = arith.constant 0 : i32
      %dma_wait3A_328 = tpu.memref_slice %arg6[%arg0, %add3A_215, %dma_wait3A_327] : memref<2x10112x144xf32, #tpu.memory_space<hbm>> -> memref<1x16x144xf32, #tpu.memory_space<hbm>>
      %dma_wait3A_329 = tpu.memref_squeeze %dma_wait3A_328 : memref<1x16x144xf32, #tpu.memory_space<hbm>> -> memref<16x144xf32, #tpu.memory_space<hbm>>
      %dma_wait3A_330 = arith.constant 0 : i32
      %dma_wait3A_331 = arith.constant 0 : i32
      %dma_wait3A_332 = tpu.memref_slice %arg16[%dma_wait3A_330, %dma_wait3A_331] : memref<16x144xf32, #tpu.memory_space<vmem>> -> memref<16x144xf32, #tpu.memory_space<vmem>>
      tpu.wait_dma2 semaphore(%run_scoped3A_308 : memref<!tpu.dma_semaphore, #tpu.memory_space<semaphore_mem>>) src(%dma_wait3A_332 : memref<16x144xf32, #tpu.memory_space<vmem>>) dst(%dma_wait3A_329 : memref<16x144xf32, #tpu.memory_space<hbm>>)
      tpu.yield
    }) : () -> ()
    %add3A_216 = arith.constant 272 : i32
    %add3A_217 = arith.addi %mul3A_8, %add3A_216 : i32
    "tpu.region"() ({
      %run_scoped3A_308 = tpu.sem_alloc : memref<!tpu.dma_semaphore, #tpu.memory_space<semaphore_mem>>
      %dma_start3A_309 = arith.constant 0 : i32
      %dma_start3A_310 = arith.constant 0 : i32
      %dma_start3A_311 = tpu.memref_slice %arg16[%dma_start3A_309, %dma_start3A_310] : memref<16x144xf32, #tpu.memory_space<vmem>> -> memref<16x144xf32, #tpu.memory_space<vmem>>
      %dma_start3A_312 = arith.constant 0 : i32
      %dma_start3A_313 = tpu.memref_slice %arg7[%add3A_217, %dma_start3A_312] : memref<10112x144xf32, #tpu.memory_space<vmem_shared>> -> memref<16x144xf32, #tpu.memory_space<vmem_shared>>
      %dma_start3A_314 = arith.constant 0 : i32
      %dma_start3A_315 = arith.constant 0 : i32
      %dma_start3A_316 = tpu.memref_slice %arg16[%dma_start3A_314, %dma_start3A_315] : memref<16x144xf32, #tpu.memory_space<vmem>> -> memref<16x144xf32, #tpu.memory_space<vmem>>
      %dma_start3A_317 = arith.constant 0 : i32
      %dma_start3A_318 = tpu.memref_slice %arg7[%add3A_217, %dma_start3A_317] : memref<10112x144xf32, #tpu.memory_space<vmem_shared>> -> memref<16x144xf32, #tpu.memory_space<vmem_shared>>
      tpu.enqueue_dma source(%dma_start3A_318 : memref<16x144xf32, #tpu.memory_space<vmem_shared>>) target(%dma_start3A_316 : memref<16x144xf32, #tpu.memory_space<vmem>>) target_semaphore(%run_scoped3A_308 : memref<!tpu.dma_semaphore, #tpu.memory_space<semaphore_mem>>)
      %dma_wait3A_319 = arith.constant 0 : i32
      %dma_wait3A_320 = arith.constant 0 : i32
      %dma_wait3A_321 = tpu.memref_slice %arg16[%dma_wait3A_319, %dma_wait3A_320] : memref<16x144xf32, #tpu.memory_space<vmem>> -> memref<16x144xf32, #tpu.memory_space<vmem>>
      %dma_wait3A_322 = arith.constant 0 : i32
      %dma_wait3A_323 = tpu.memref_slice %arg7[%add3A_217, %dma_wait3A_322] : memref<10112x144xf32, #tpu.memory_space<vmem_shared>> -> memref<16x144xf32, #tpu.memory_space<vmem_shared>>
      %dma_wait3A_324 = arith.constant 0 : i32
      %dma_wait3A_325 = arith.constant 0 : i32
      %dma_wait3A_326 = tpu.memref_slice %arg16[%dma_wait3A_324, %dma_wait3A_325] : memref<16x144xf32, #tpu.memory_space<vmem>> -> memref<16x144xf32, #tpu.memory_space<vmem>>
      %dma_wait3A_327 = arith.constant 0 : i32
      %dma_wait3A_328 = tpu.memref_slice %arg7[%add3A_217, %dma_wait3A_327] : memref<10112x144xf32, #tpu.memory_space<vmem_shared>> -> memref<16x144xf32, #tpu.memory_space<vmem_shared>>
      tpu.wait_dma2 semaphore(%run_scoped3A_308 : memref<!tpu.dma_semaphore, #tpu.memory_space<semaphore_mem>>) src(%dma_wait3A_328 : memref<16x144xf32, #tpu.memory_space<vmem_shared>>) dst(%dma_wait3A_326 : memref<16x144xf32, #tpu.memory_space<vmem>>)
      tpu.yield
    }) : () -> ()
    %add3A_218 = arith.constant 272 : i32
    %add3A_219 = arith.addi %mul3A_8, %add3A_218 : i32
    "tpu.region"() ({
      %run_scoped3A_308 = tpu.sem_alloc : memref<!tpu.dma_semaphore, #tpu.memory_space<semaphore_mem>>
      %dma_start3A_309 = arith.constant 0 : i32
      %dma_start3A_310 = arith.constant 0 : i32
      %dma_start3A_311 = tpu.memref_slice %arg16[%dma_start3A_309, %dma_start3A_310] : memref<16x144xf32, #tpu.memory_space<vmem>> -> memref<16x144xf32, #tpu.memory_space<vmem>>
      %dma_start3A_312 = arith.constant 0 : i32
      %dma_start3A_313 = tpu.memref_slice %arg6[%arg0, %add3A_219, %dma_start3A_312] : memref<2x10112x144xf32, #tpu.memory_space<hbm>> -> memref<1x16x144xf32, #tpu.memory_space<hbm>>
      %dma_start3A_314 = tpu.memref_squeeze %dma_start3A_313 : memref<1x16x144xf32, #tpu.memory_space<hbm>> -> memref<16x144xf32, #tpu.memory_space<hbm>>
      %dma_start3A_315 = arith.constant 0 : i32
      %dma_start3A_316 = tpu.memref_slice %arg6[%arg0, %add3A_219, %dma_start3A_315] : memref<2x10112x144xf32, #tpu.memory_space<hbm>> -> memref<1x16x144xf32, #tpu.memory_space<hbm>>
      %dma_start3A_317 = tpu.memref_squeeze %dma_start3A_316 : memref<1x16x144xf32, #tpu.memory_space<hbm>> -> memref<16x144xf32, #tpu.memory_space<hbm>>
      %dma_start3A_318 = arith.constant 0 : i32
      %dma_start3A_319 = arith.constant 0 : i32
      %dma_start3A_320 = tpu.memref_slice %arg16[%dma_start3A_318, %dma_start3A_319] : memref<16x144xf32, #tpu.memory_space<vmem>> -> memref<16x144xf32, #tpu.memory_space<vmem>>
      tpu.enqueue_dma source(%dma_start3A_320 : memref<16x144xf32, #tpu.memory_space<vmem>>) target(%dma_start3A_317 : memref<16x144xf32, #tpu.memory_space<hbm>>) target_semaphore(%run_scoped3A_308 : memref<!tpu.dma_semaphore, #tpu.memory_space<semaphore_mem>>)
      %dma_wait3A_321 = arith.constant 0 : i32
      %dma_wait3A_322 = arith.constant 0 : i32
      %dma_wait3A_323 = tpu.memref_slice %arg16[%dma_wait3A_321, %dma_wait3A_322] : memref<16x144xf32, #tpu.memory_space<vmem>> -> memref<16x144xf32, #tpu.memory_space<vmem>>
      %dma_wait3A_324 = arith.constant 0 : i32
      %dma_wait3A_325 = tpu.memref_slice %arg6[%arg0, %add3A_219, %dma_wait3A_324] : memref<2x10112x144xf32, #tpu.memory_space<hbm>> -> memref<1x16x144xf32, #tpu.memory_space<hbm>>
      %dma_wait3A_326 = tpu.memref_squeeze %dma_wait3A_325 : memref<1x16x144xf32, #tpu.memory_space<hbm>> -> memref<16x144xf32, #tpu.memory_space<hbm>>
      %dma_wait3A_327 = arith.constant 0 : i32
      %dma_wait3A_328 = tpu.memref_slice %arg6[%arg0, %add3A_219, %dma_wait3A_327] : memref<2x10112x144xf32, #tpu.memory_space<hbm>> -> memref<1x16x144xf32, #tpu.memory_space<hbm>>
      %dma_wait3A_329 = tpu.memref_squeeze %dma_wait3A_328 : memref<1x16x144xf32, #tpu.memory_space<hbm>> -> memref<16x144xf32, #tpu.memory_space<hbm>>
      %dma_wait3A_330 = arith.constant 0 : i32
      %dma_wait3A_331 = arith.constant 0 : i32
      %dma_wait3A_332 = tpu.memref_slice %arg16[%dma_wait3A_330, %dma_wait3A_331] : memref<16x144xf32, #tpu.memory_space<vmem>> -> memref<16x144xf32, #tpu.memory_space<vmem>>
      tpu.wait_dma2 semaphore(%run_scoped3A_308 : memref<!tpu.dma_semaphore, #tpu.memory_space<semaphore_mem>>) src(%dma_wait3A_332 : memref<16x144xf32, #tpu.memory_space<vmem>>) dst(%dma_wait3A_329 : memref<16x144xf32, #tpu.memory_space<hbm>>)
      tpu.yield
    }) : () -> ()
    %add3A_220 = arith.constant 288 : i32
    %add3A_221 = arith.addi %mul3A_8, %add3A_220 : i32
    "tpu.region"() ({
      %run_scoped3A_308 = tpu.sem_alloc : memref<!tpu.dma_semaphore, #tpu.memory_space<semaphore_mem>>
      %dma_start3A_309 = arith.constant 0 : i32
      %dma_start3A_310 = arith.constant 0 : i32
      %dma_start3A_311 = tpu.memref_slice %arg16[%dma_start3A_309, %dma_start3A_310] : memref<16x144xf32, #tpu.memory_space<vmem>> -> memref<16x144xf32, #tpu.memory_space<vmem>>
      %dma_start3A_312 = arith.constant 0 : i32
      %dma_start3A_313 = tpu.memref_slice %arg7[%add3A_221, %dma_start3A_312] : memref<10112x144xf32, #tpu.memory_space<vmem_shared>> -> memref<16x144xf32, #tpu.memory_space<vmem_shared>>
      %dma_start3A_314 = arith.constant 0 : i32
      %dma_start3A_315 = arith.constant 0 : i32
      %dma_start3A_316 = tpu.memref_slice %arg16[%dma_start3A_314, %dma_start3A_315] : memref<16x144xf32, #tpu.memory_space<vmem>> -> memref<16x144xf32, #tpu.memory_space<vmem>>
      %dma_start3A_317 = arith.constant 0 : i32
      %dma_start3A_318 = tpu.memref_slice %arg7[%add3A_221, %dma_start3A_317] : memref<10112x144xf32, #tpu.memory_space<vmem_shared>> -> memref<16x144xf32, #tpu.memory_space<vmem_shared>>
      tpu.enqueue_dma source(%dma_start3A_318 : memref<16x144xf32, #tpu.memory_space<vmem_shared>>) target(%dma_start3A_316 : memref<16x144xf32, #tpu.memory_space<vmem>>) target_semaphore(%run_scoped3A_308 : memref<!tpu.dma_semaphore, #tpu.memory_space<semaphore_mem>>)
      %dma_wait3A_319 = arith.constant 0 : i32
      %dma_wait3A_320 = arith.constant 0 : i32
      %dma_wait3A_321 = tpu.memref_slice %arg16[%dma_wait3A_319, %dma_wait3A_320] : memref<16x144xf32, #tpu.memory_space<vmem>> -> memref<16x144xf32, #tpu.memory_space<vmem>>
      %dma_wait3A_322 = arith.constant 0 : i32
      %dma_wait3A_323 = tpu.memref_slice %arg7[%add3A_221, %dma_wait3A_322] : memref<10112x144xf32, #tpu.memory_space<vmem_shared>> -> memref<16x144xf32, #tpu.memory_space<vmem_shared>>
      %dma_wait3A_324 = arith.constant 0 : i32
      %dma_wait3A_325 = arith.constant 0 : i32
      %dma_wait3A_326 = tpu.memref_slice %arg16[%dma_wait3A_324, %dma_wait3A_325] : memref<16x144xf32, #tpu.memory_space<vmem>> -> memref<16x144xf32, #tpu.memory_space<vmem>>
      %dma_wait3A_327 = arith.constant 0 : i32
      %dma_wait3A_328 = tpu.memref_slice %arg7[%add3A_221, %dma_wait3A_327] : memref<10112x144xf32, #tpu.memory_space<vmem_shared>> -> memref<16x144xf32, #tpu.memory_space<vmem_shared>>
      tpu.wait_dma2 semaphore(%run_scoped3A_308 : memref<!tpu.dma_semaphore, #tpu.memory_space<semaphore_mem>>) src(%dma_wait3A_328 : memref<16x144xf32, #tpu.memory_space<vmem_shared>>) dst(%dma_wait3A_326 : memref<16x144xf32, #tpu.memory_space<vmem>>)
      tpu.yield
    }) : () -> ()
    %add3A_222 = arith.constant 288 : i32
    %add3A_223 = arith.addi %mul3A_8, %add3A_222 : i32
    "tpu.region"() ({
      %run_scoped3A_308 = tpu.sem_alloc : memref<!tpu.dma_semaphore, #tpu.memory_space<semaphore_mem>>
      %dma_start3A_309 = arith.constant 0 : i32
      %dma_start3A_310 = arith.constant 0 : i32
      %dma_start3A_311 = tpu.memref_slice %arg16[%dma_start3A_309, %dma_start3A_310] : memref<16x144xf32, #tpu.memory_space<vmem>> -> memref<16x144xf32, #tpu.memory_space<vmem>>
      %dma_start3A_312 = arith.constant 0 : i32
      %dma_start3A_313 = tpu.memref_slice %arg6[%arg0, %add3A_223, %dma_start3A_312] : memref<2x10112x144xf32, #tpu.memory_space<hbm>> -> memref<1x16x144xf32, #tpu.memory_space<hbm>>
      %dma_start3A_314 = tpu.memref_squeeze %dma_start3A_313 : memref<1x16x144xf32, #tpu.memory_space<hbm>> -> memref<16x144xf32, #tpu.memory_space<hbm>>
      %dma_start3A_315 = arith.constant 0 : i32
      %dma_start3A_316 = tpu.memref_slice %arg6[%arg0, %add3A_223, %dma_start3A_315] : memref<2x10112x144xf32, #tpu.memory_space<hbm>> -> memref<1x16x144xf32, #tpu.memory_space<hbm>>
      %dma_start3A_317 = tpu.memref_squeeze %dma_start3A_316 : memref<1x16x144xf32, #tpu.memory_space<hbm>> -> memref<16x144xf32, #tpu.memory_space<hbm>>
      %dma_start3A_318 = arith.constant 0 : i32
      %dma_start3A_319 = arith.constant 0 : i32
      %dma_start3A_320 = tpu.memref_slice %arg16[%dma_start3A_318, %dma_start3A_319] : memref<16x144xf32, #tpu.memory_space<vmem>> -> memref<16x144xf32, #tpu.memory_space<vmem>>
      tpu.enqueue_dma source(%dma_start3A_320 : memref<16x144xf32, #tpu.memory_space<vmem>>) target(%dma_start3A_317 : memref<16x144xf32, #tpu.memory_space<hbm>>) target_semaphore(%run_scoped3A_308 : memref<!tpu.dma_semaphore, #tpu.memory_space<semaphore_mem>>)
      %dma_wait3A_321 = arith.constant 0 : i32
      %dma_wait3A_322 = arith.constant 0 : i32
      %dma_wait3A_323 = tpu.memref_slice %arg16[%dma_wait3A_321, %dma_wait3A_322] : memref<16x144xf32, #tpu.memory_space<vmem>> -> memref<16x144xf32, #tpu.memory_space<vmem>>
      %dma_wait3A_324 = arith.constant 0 : i32
      %dma_wait3A_325 = tpu.memref_slice %arg6[%arg0, %add3A_223, %dma_wait3A_324] : memref<2x10112x144xf32, #tpu.memory_space<hbm>> -> memref<1x16x144xf32, #tpu.memory_space<hbm>>
      %dma_wait3A_326 = tpu.memref_squeeze %dma_wait3A_325 : memref<1x16x144xf32, #tpu.memory_space<hbm>> -> memref<16x144xf32, #tpu.memory_space<hbm>>
      %dma_wait3A_327 = arith.constant 0 : i32
      %dma_wait3A_328 = tpu.memref_slice %arg6[%arg0, %add3A_223, %dma_wait3A_327] : memref<2x10112x144xf32, #tpu.memory_space<hbm>> -> memref<1x16x144xf32, #tpu.memory_space<hbm>>
      %dma_wait3A_329 = tpu.memref_squeeze %dma_wait3A_328 : memref<1x16x144xf32, #tpu.memory_space<hbm>> -> memref<16x144xf32, #tpu.memory_space<hbm>>
      %dma_wait3A_330 = arith.constant 0 : i32
      %dma_wait3A_331 = arith.constant 0 : i32
      %dma_wait3A_332 = tpu.memref_slice %arg16[%dma_wait3A_330, %dma_wait3A_331] : memref<16x144xf32, #tpu.memory_space<vmem>> -> memref<16x144xf32, #tpu.memory_space<vmem>>
      tpu.wait_dma2 semaphore(%run_scoped3A_308 : memref<!tpu.dma_semaphore, #tpu.memory_space<semaphore_mem>>) src(%dma_wait3A_332 : memref<16x144xf32, #tpu.memory_space<vmem>>) dst(%dma_wait3A_329 : memref<16x144xf32, #tpu.memory_space<hbm>>)
      tpu.yield
    }) : () -> ()
    %add3A_224 = arith.constant 304 : i32
    %add3A_225 = arith.addi %mul3A_8, %add3A_224 : i32
    "tpu.region"() ({
      %run_scoped3A_308 = tpu.sem_alloc : memref<!tpu.dma_semaphore, #tpu.memory_space<semaphore_mem>>
      %dma_start3A_309 = arith.constant 0 : i32
      %dma_start3A_310 = arith.constant 0 : i32
      %dma_start3A_311 = tpu.memref_slice %arg16[%dma_start3A_309, %dma_start3A_310] : memref<16x144xf32, #tpu.memory_space<vmem>> -> memref<16x144xf32, #tpu.memory_space<vmem>>
      %dma_start3A_312 = arith.constant 0 : i32
      %dma_start3A_313 = tpu.memref_slice %arg7[%add3A_225, %dma_start3A_312] : memref<10112x144xf32, #tpu.memory_space<vmem_shared>> -> memref<16x144xf32, #tpu.memory_space<vmem_shared>>
      %dma_start3A_314 = arith.constant 0 : i32
      %dma_start3A_315 = arith.constant 0 : i32
      %dma_start3A_316 = tpu.memref_slice %arg16[%dma_start3A_314, %dma_start3A_315] : memref<16x144xf32, #tpu.memory_space<vmem>> -> memref<16x144xf32, #tpu.memory_space<vmem>>
      %dma_start3A_317 = arith.constant 0 : i32
      %dma_start3A_318 = tpu.memref_slice %arg7[%add3A_225, %dma_start3A_317] : memref<10112x144xf32, #tpu.memory_space<vmem_shared>> -> memref<16x144xf32, #tpu.memory_space<vmem_shared>>
      tpu.enqueue_dma source(%dma_start3A_318 : memref<16x144xf32, #tpu.memory_space<vmem_shared>>) target(%dma_start3A_316 : memref<16x144xf32, #tpu.memory_space<vmem>>) target_semaphore(%run_scoped3A_308 : memref<!tpu.dma_semaphore, #tpu.memory_space<semaphore_mem>>)
      %dma_wait3A_319 = arith.constant 0 : i32
      %dma_wait3A_320 = arith.constant 0 : i32
      %dma_wait3A_321 = tpu.memref_slice %arg16[%dma_wait3A_319, %dma_wait3A_320] : memref<16x144xf32, #tpu.memory_space<vmem>> -> memref<16x144xf32, #tpu.memory_space<vmem>>
      %dma_wait3A_322 = arith.constant 0 : i32
      %dma_wait3A_323 = tpu.memref_slice %arg7[%add3A_225, %dma_wait3A_322] : memref<10112x144xf32, #tpu.memory_space<vmem_shared>> -> memref<16x144xf32, #tpu.memory_space<vmem_shared>>
      %dma_wait3A_324 = arith.constant 0 : i32
      %dma_wait3A_325 = arith.constant 0 : i32
      %dma_wait3A_326 = tpu.memref_slice %arg16[%dma_wait3A_324, %dma_wait3A_325] : memref<16x144xf32, #tpu.memory_space<vmem>> -> memref<16x144xf32, #tpu.memory_space<vmem>>
      %dma_wait3A_327 = arith.constant 0 : i32
      %dma_wait3A_328 = tpu.memref_slice %arg7[%add3A_225, %dma_wait3A_327] : memref<10112x144xf32, #tpu.memory_space<vmem_shared>> -> memref<16x144xf32, #tpu.memory_space<vmem_shared>>
      tpu.wait_dma2 semaphore(%run_scoped3A_308 : memref<!tpu.dma_semaphore, #tpu.memory_space<semaphore_mem>>) src(%dma_wait3A_328 : memref<16x144xf32, #tpu.memory_space<vmem_shared>>) dst(%dma_wait3A_326 : memref<16x144xf32, #tpu.memory_space<vmem>>)
      tpu.yield
    }) : () -> ()
    %add3A_226 = arith.constant 304 : i32
    %add3A_227 = arith.addi %mul3A_8, %add3A_226 : i32
    "tpu.region"() ({
      %run_scoped3A_308 = tpu.sem_alloc : memref<!tpu.dma_semaphore, #tpu.memory_space<semaphore_mem>>
      %dma_start3A_309 = arith.constant 0 : i32
      %dma_start3A_310 = arith.constant 0 : i32
      %dma_start3A_311 = tpu.memref_slice %arg16[%dma_start3A_309, %dma_start3A_310] : memref<16x144xf32, #tpu.memory_space<vmem>> -> memref<16x144xf32, #tpu.memory_space<vmem>>
      %dma_start3A_312 = arith.constant 0 : i32
      %dma_start3A_313 = tpu.memref_slice %arg6[%arg0, %add3A_227, %dma_start3A_312] : memref<2x10112x144xf32, #tpu.memory_space<hbm>> -> memref<1x16x144xf32, #tpu.memory_space<hbm>>
      %dma_start3A_314 = tpu.memref_squeeze %dma_start3A_313 : memref<1x16x144xf32, #tpu.memory_space<hbm>> -> memref<16x144xf32, #tpu.memory_space<hbm>>
      %dma_start3A_315 = arith.constant 0 : i32
      %dma_start3A_316 = tpu.memref_slice %arg6[%arg0, %add3A_227, %dma_start3A_315] : memref<2x10112x144xf32, #tpu.memory_space<hbm>> -> memref<1x16x144xf32, #tpu.memory_space<hbm>>
      %dma_start3A_317 = tpu.memref_squeeze %dma_start3A_316 : memref<1x16x144xf32, #tpu.memory_space<hbm>> -> memref<16x144xf32, #tpu.memory_space<hbm>>
      %dma_start3A_318 = arith.constant 0 : i32
      %dma_start3A_319 = arith.constant 0 : i32
      %dma_start3A_320 = tpu.memref_slice %arg16[%dma_start3A_318, %dma_start3A_319] : memref<16x144xf32, #tpu.memory_space<vmem>> -> memref<16x144xf32, #tpu.memory_space<vmem>>
      tpu.enqueue_dma source(%dma_start3A_320 : memref<16x144xf32, #tpu.memory_space<vmem>>) target(%dma_start3A_317 : memref<16x144xf32, #tpu.memory_space<hbm>>) target_semaphore(%run_scoped3A_308 : memref<!tpu.dma_semaphore, #tpu.memory_space<semaphore_mem>>)
      %dma_wait3A_321 = arith.constant 0 : i32
      %dma_wait3A_322 = arith.constant 0 : i32
      %dma_wait3A_323 = tpu.memref_slice %arg16[%dma_wait3A_321, %dma_wait3A_322] : memref<16x144xf32, #tpu.memory_space<vmem>> -> memref<16x144xf32, #tpu.memory_space<vmem>>
      %dma_wait3A_324 = arith.constant 0 : i32
      %dma_wait3A_325 = tpu.memref_slice %arg6[%arg0, %add3A_227, %dma_wait3A_324] : memref<2x10112x144xf32, #tpu.memory_space<hbm>> -> memref<1x16x144xf32, #tpu.memory_space<hbm>>
      %dma_wait3A_326 = tpu.memref_squeeze %dma_wait3A_325 : memref<1x16x144xf32, #tpu.memory_space<hbm>> -> memref<16x144xf32, #tpu.memory_space<hbm>>
      %dma_wait3A_327 = arith.constant 0 : i32
      %dma_wait3A_328 = tpu.memref_slice %arg6[%arg0, %add3A_227, %dma_wait3A_327] : memref<2x10112x144xf32, #tpu.memory_space<hbm>> -> memref<1x16x144xf32, #tpu.memory_space<hbm>>
      %dma_wait3A_329 = tpu.memref_squeeze %dma_wait3A_328 : memref<1x16x144xf32, #tpu.memory_space<hbm>> -> memref<16x144xf32, #tpu.memory_space<hbm>>
      %dma_wait3A_330 = arith.constant 0 : i32
      %dma_wait3A_331 = arith.constant 0 : i32
      %dma_wait3A_332 = tpu.memref_slice %arg16[%dma_wait3A_330, %dma_wait3A_331] : memref<16x144xf32, #tpu.memory_space<vmem>> -> memref<16x144xf32, #tpu.memory_space<vmem>>
      tpu.wait_dma2 semaphore(%run_scoped3A_308 : memref<!tpu.dma_semaphore, #tpu.memory_space<semaphore_mem>>) src(%dma_wait3A_332 : memref<16x144xf32, #tpu.memory_space<vmem>>) dst(%dma_wait3A_329 : memref<16x144xf32, #tpu.memory_space<hbm>>)
      tpu.yield
    }) : () -> ()
    %add3A_228 = arith.constant 320 : i32
    %add3A_229 = arith.addi %mul3A_8, %add3A_228 : i32
    "tpu.region"() ({
      %run_scoped3A_308 = tpu.sem_alloc : memref<!tpu.dma_semaphore, #tpu.memory_space<semaphore_mem>>
      %dma_start3A_309 = arith.constant 0 : i32
      %dma_start3A_310 = arith.constant 0 : i32
      %dma_start3A_311 = tpu.memref_slice %arg16[%dma_start3A_309, %dma_start3A_310] : memref<16x144xf32, #tpu.memory_space<vmem>> -> memref<16x144xf32, #tpu.memory_space<vmem>>
      %dma_start3A_312 = arith.constant 0 : i32
      %dma_start3A_313 = tpu.memref_slice %arg7[%add3A_229, %dma_start3A_312] : memref<10112x144xf32, #tpu.memory_space<vmem_shared>> -> memref<16x144xf32, #tpu.memory_space<vmem_shared>>
      %dma_start3A_314 = arith.constant 0 : i32
      %dma_start3A_315 = arith.constant 0 : i32
      %dma_start3A_316 = tpu.memref_slice %arg16[%dma_start3A_314, %dma_start3A_315] : memref<16x144xf32, #tpu.memory_space<vmem>> -> memref<16x144xf32, #tpu.memory_space<vmem>>
      %dma_start3A_317 = arith.constant 0 : i32
      %dma_start3A_318 = tpu.memref_slice %arg7[%add3A_229, %dma_start3A_317] : memref<10112x144xf32, #tpu.memory_space<vmem_shared>> -> memref<16x144xf32, #tpu.memory_space<vmem_shared>>
      tpu.enqueue_dma source(%dma_start3A_318 : memref<16x144xf32, #tpu.memory_space<vmem_shared>>) target(%dma_start3A_316 : memref<16x144xf32, #tpu.memory_space<vmem>>) target_semaphore(%run_scoped3A_308 : memref<!tpu.dma_semaphore, #tpu.memory_space<semaphore_mem>>)
      %dma_wait3A_319 = arith.constant 0 : i32
      %dma_wait3A_320 = arith.constant 0 : i32
      %dma_wait3A_321 = tpu.memref_slice %arg16[%dma_wait3A_319, %dma_wait3A_320] : memref<16x144xf32, #tpu.memory_space<vmem>> -> memref<16x144xf32, #tpu.memory_space<vmem>>
      %dma_wait3A_322 = arith.constant 0 : i32
      %dma_wait3A_323 = tpu.memref_slice %arg7[%add3A_229, %dma_wait3A_322] : memref<10112x144xf32, #tpu.memory_space<vmem_shared>> -> memref<16x144xf32, #tpu.memory_space<vmem_shared>>
      %dma_wait3A_324 = arith.constant 0 : i32
      %dma_wait3A_325 = arith.constant 0 : i32
      %dma_wait3A_326 = tpu.memref_slice %arg16[%dma_wait3A_324, %dma_wait3A_325] : memref<16x144xf32, #tpu.memory_space<vmem>> -> memref<16x144xf32, #tpu.memory_space<vmem>>
      %dma_wait3A_327 = arith.constant 0 : i32
      %dma_wait3A_328 = tpu.memref_slice %arg7[%add3A_229, %dma_wait3A_327] : memref<10112x144xf32, #tpu.memory_space<vmem_shared>> -> memref<16x144xf32, #tpu.memory_space<vmem_shared>>
      tpu.wait_dma2 semaphore(%run_scoped3A_308 : memref<!tpu.dma_semaphore, #tpu.memory_space<semaphore_mem>>) src(%dma_wait3A_328 : memref<16x144xf32, #tpu.memory_space<vmem_shared>>) dst(%dma_wait3A_326 : memref<16x144xf32, #tpu.memory_space<vmem>>)
      tpu.yield
    }) : () -> ()
    %add3A_230 = arith.constant 320 : i32
    %add3A_231 = arith.addi %mul3A_8, %add3A_230 : i32
    "tpu.region"() ({
      %run_scoped3A_308 = tpu.sem_alloc : memref<!tpu.dma_semaphore, #tpu.memory_space<semaphore_mem>>
      %dma_start3A_309 = arith.constant 0 : i32
      %dma_start3A_310 = arith.constant 0 : i32
      %dma_start3A_311 = tpu.memref_slice %arg16[%dma_start3A_309, %dma_start3A_310] : memref<16x144xf32, #tpu.memory_space<vmem>> -> memref<16x144xf32, #tpu.memory_space<vmem>>
      %dma_start3A_312 = arith.constant 0 : i32
      %dma_start3A_313 = tpu.memref_slice %arg6[%arg0, %add3A_231, %dma_start3A_312] : memref<2x10112x144xf32, #tpu.memory_space<hbm>> -> memref<1x16x144xf32, #tpu.memory_space<hbm>>
      %dma_start3A_314 = tpu.memref_squeeze %dma_start3A_313 : memref<1x16x144xf32, #tpu.memory_space<hbm>> -> memref<16x144xf32, #tpu.memory_space<hbm>>
      %dma_start3A_315 = arith.constant 0 : i32
      %dma_start3A_316 = tpu.memref_slice %arg6[%arg0, %add3A_231, %dma_start3A_315] : memref<2x10112x144xf32, #tpu.memory_space<hbm>> -> memref<1x16x144xf32, #tpu.memory_space<hbm>>
      %dma_start3A_317 = tpu.memref_squeeze %dma_start3A_316 : memref<1x16x144xf32, #tpu.memory_space<hbm>> -> memref<16x144xf32, #tpu.memory_space<hbm>>
      %dma_start3A_318 = arith.constant 0 : i32
      %dma_start3A_319 = arith.constant 0 : i32
      %dma_start3A_320 = tpu.memref_slice %arg16[%dma_start3A_318, %dma_start3A_319] : memref<16x144xf32, #tpu.memory_space<vmem>> -> memref<16x144xf32, #tpu.memory_space<vmem>>
      tpu.enqueue_dma source(%dma_start3A_320 : memref<16x144xf32, #tpu.memory_space<vmem>>) target(%dma_start3A_317 : memref<16x144xf32, #tpu.memory_space<hbm>>) target_semaphore(%run_scoped3A_308 : memref<!tpu.dma_semaphore, #tpu.memory_space<semaphore_mem>>)
      %dma_wait3A_321 = arith.constant 0 : i32
      %dma_wait3A_322 = arith.constant 0 : i32
      %dma_wait3A_323 = tpu.memref_slice %arg16[%dma_wait3A_321, %dma_wait3A_322] : memref<16x144xf32, #tpu.memory_space<vmem>> -> memref<16x144xf32, #tpu.memory_space<vmem>>
      %dma_wait3A_324 = arith.constant 0 : i32
      %dma_wait3A_325 = tpu.memref_slice %arg6[%arg0, %add3A_231, %dma_wait3A_324] : memref<2x10112x144xf32, #tpu.memory_space<hbm>> -> memref<1x16x144xf32, #tpu.memory_space<hbm>>
      %dma_wait3A_326 = tpu.memref_squeeze %dma_wait3A_325 : memref<1x16x144xf32, #tpu.memory_space<hbm>> -> memref<16x144xf32, #tpu.memory_space<hbm>>
      %dma_wait3A_327 = arith.constant 0 : i32
      %dma_wait3A_328 = tpu.memref_slice %arg6[%arg0, %add3A_231, %dma_wait3A_327] : memref<2x10112x144xf32, #tpu.memory_space<hbm>> -> memref<1x16x144xf32, #tpu.memory_space<hbm>>
      %dma_wait3A_329 = tpu.memref_squeeze %dma_wait3A_328 : memref<1x16x144xf32, #tpu.memory_space<hbm>> -> memref<16x144xf32, #tpu.memory_space<hbm>>
      %dma_wait3A_330 = arith.constant 0 : i32
      %dma_wait3A_331 = arith.constant 0 : i32
      %dma_wait3A_332 = tpu.memref_slice %arg16[%dma_wait3A_330, %dma_wait3A_331] : memref<16x144xf32, #tpu.memory_space<vmem>> -> memref<16x144xf32, #tpu.memory_space<vmem>>
      tpu.wait_dma2 semaphore(%run_scoped3A_308 : memref<!tpu.dma_semaphore, #tpu.memory_space<semaphore_mem>>) src(%dma_wait3A_332 : memref<16x144xf32, #tpu.memory_space<vmem>>) dst(%dma_wait3A_329 : memref<16x144xf32, #tpu.memory_space<hbm>>)
      tpu.yield
    }) : () -> ()
    %add3A_232 = arith.constant 336 : i32
    %add3A_233 = arith.addi %mul3A_8, %add3A_232 : i32
    "tpu.region"() ({
      %run_scoped3A_308 = tpu.sem_alloc : memref<!tpu.dma_semaphore, #tpu.memory_space<semaphore_mem>>
      %dma_start3A_309 = arith.constant 0 : i32
      %dma_start3A_310 = arith.constant 0 : i32
      %dma_start3A_311 = tpu.memref_slice %arg16[%dma_start3A_309, %dma_start3A_310] : memref<16x144xf32, #tpu.memory_space<vmem>> -> memref<16x144xf32, #tpu.memory_space<vmem>>
      %dma_start3A_312 = arith.constant 0 : i32
      %dma_start3A_313 = tpu.memref_slice %arg7[%add3A_233, %dma_start3A_312] : memref<10112x144xf32, #tpu.memory_space<vmem_shared>> -> memref<16x144xf32, #tpu.memory_space<vmem_shared>>
      %dma_start3A_314 = arith.constant 0 : i32
      %dma_start3A_315 = arith.constant 0 : i32
      %dma_start3A_316 = tpu.memref_slice %arg16[%dma_start3A_314, %dma_start3A_315] : memref<16x144xf32, #tpu.memory_space<vmem>> -> memref<16x144xf32, #tpu.memory_space<vmem>>
      %dma_start3A_317 = arith.constant 0 : i32
      %dma_start3A_318 = tpu.memref_slice %arg7[%add3A_233, %dma_start3A_317] : memref<10112x144xf32, #tpu.memory_space<vmem_shared>> -> memref<16x144xf32, #tpu.memory_space<vmem_shared>>
      tpu.enqueue_dma source(%dma_start3A_318 : memref<16x144xf32, #tpu.memory_space<vmem_shared>>) target(%dma_start3A_316 : memref<16x144xf32, #tpu.memory_space<vmem>>) target_semaphore(%run_scoped3A_308 : memref<!tpu.dma_semaphore, #tpu.memory_space<semaphore_mem>>)
      %dma_wait3A_319 = arith.constant 0 : i32
      %dma_wait3A_320 = arith.constant 0 : i32
      %dma_wait3A_321 = tpu.memref_slice %arg16[%dma_wait3A_319, %dma_wait3A_320] : memref<16x144xf32, #tpu.memory_space<vmem>> -> memref<16x144xf32, #tpu.memory_space<vmem>>
      %dma_wait3A_322 = arith.constant 0 : i32
      %dma_wait3A_323 = tpu.memref_slice %arg7[%add3A_233, %dma_wait3A_322] : memref<10112x144xf32, #tpu.memory_space<vmem_shared>> -> memref<16x144xf32, #tpu.memory_space<vmem_shared>>
      %dma_wait3A_324 = arith.constant 0 : i32
      %dma_wait3A_325 = arith.constant 0 : i32
      %dma_wait3A_326 = tpu.memref_slice %arg16[%dma_wait3A_324, %dma_wait3A_325] : memref<16x144xf32, #tpu.memory_space<vmem>> -> memref<16x144xf32, #tpu.memory_space<vmem>>
      %dma_wait3A_327 = arith.constant 0 : i32
      %dma_wait3A_328 = tpu.memref_slice %arg7[%add3A_233, %dma_wait3A_327] : memref<10112x144xf32, #tpu.memory_space<vmem_shared>> -> memref<16x144xf32, #tpu.memory_space<vmem_shared>>
      tpu.wait_dma2 semaphore(%run_scoped3A_308 : memref<!tpu.dma_semaphore, #tpu.memory_space<semaphore_mem>>) src(%dma_wait3A_328 : memref<16x144xf32, #tpu.memory_space<vmem_shared>>) dst(%dma_wait3A_326 : memref<16x144xf32, #tpu.memory_space<vmem>>)
      tpu.yield
    }) : () -> ()
    %add3A_234 = arith.constant 336 : i32
    %add3A_235 = arith.addi %mul3A_8, %add3A_234 : i32
    "tpu.region"() ({
      %run_scoped3A_308 = tpu.sem_alloc : memref<!tpu.dma_semaphore, #tpu.memory_space<semaphore_mem>>
      %dma_start3A_309 = arith.constant 0 : i32
      %dma_start3A_310 = arith.constant 0 : i32
      %dma_start3A_311 = tpu.memref_slice %arg16[%dma_start3A_309, %dma_start3A_310] : memref<16x144xf32, #tpu.memory_space<vmem>> -> memref<16x144xf32, #tpu.memory_space<vmem>>
      %dma_start3A_312 = arith.constant 0 : i32
      %dma_start3A_313 = tpu.memref_slice %arg6[%arg0, %add3A_235, %dma_start3A_312] : memref<2x10112x144xf32, #tpu.memory_space<hbm>> -> memref<1x16x144xf32, #tpu.memory_space<hbm>>
      %dma_start3A_314 = tpu.memref_squeeze %dma_start3A_313 : memref<1x16x144xf32, #tpu.memory_space<hbm>> -> memref<16x144xf32, #tpu.memory_space<hbm>>
      %dma_start3A_315 = arith.constant 0 : i32
      %dma_start3A_316 = tpu.memref_slice %arg6[%arg0, %add3A_235, %dma_start3A_315] : memref<2x10112x144xf32, #tpu.memory_space<hbm>> -> memref<1x16x144xf32, #tpu.memory_space<hbm>>
      %dma_start3A_317 = tpu.memref_squeeze %dma_start3A_316 : memref<1x16x144xf32, #tpu.memory_space<hbm>> -> memref<16x144xf32, #tpu.memory_space<hbm>>
      %dma_start3A_318 = arith.constant 0 : i32
      %dma_start3A_319 = arith.constant 0 : i32
      %dma_start3A_320 = tpu.memref_slice %arg16[%dma_start3A_318, %dma_start3A_319] : memref<16x144xf32, #tpu.memory_space<vmem>> -> memref<16x144xf32, #tpu.memory_space<vmem>>
      tpu.enqueue_dma source(%dma_start3A_320 : memref<16x144xf32, #tpu.memory_space<vmem>>) target(%dma_start3A_317 : memref<16x144xf32, #tpu.memory_space<hbm>>) target_semaphore(%run_scoped3A_308 : memref<!tpu.dma_semaphore, #tpu.memory_space<semaphore_mem>>)
      %dma_wait3A_321 = arith.constant 0 : i32
      %dma_wait3A_322 = arith.constant 0 : i32
      %dma_wait3A_323 = tpu.memref_slice %arg16[%dma_wait3A_321, %dma_wait3A_322] : memref<16x144xf32, #tpu.memory_space<vmem>> -> memref<16x144xf32, #tpu.memory_space<vmem>>
      %dma_wait3A_324 = arith.constant 0 : i32
      %dma_wait3A_325 = tpu.memref_slice %arg6[%arg0, %add3A_235, %dma_wait3A_324] : memref<2x10112x144xf32, #tpu.memory_space<hbm>> -> memref<1x16x144xf32, #tpu.memory_space<hbm>>
      %dma_wait3A_326 = tpu.memref_squeeze %dma_wait3A_325 : memref<1x16x144xf32, #tpu.memory_space<hbm>> -> memref<16x144xf32, #tpu.memory_space<hbm>>
      %dma_wait3A_327 = arith.constant 0 : i32
      %dma_wait3A_328 = tpu.memref_slice %arg6[%arg0, %add3A_235, %dma_wait3A_327] : memref<2x10112x144xf32, #tpu.memory_space<hbm>> -> memref<1x16x144xf32, #tpu.memory_space<hbm>>
      %dma_wait3A_329 = tpu.memref_squeeze %dma_wait3A_328 : memref<1x16x144xf32, #tpu.memory_space<hbm>> -> memref<16x144xf32, #tpu.memory_space<hbm>>
      %dma_wait3A_330 = arith.constant 0 : i32
      %dma_wait3A_331 = arith.constant 0 : i32
      %dma_wait3A_332 = tpu.memref_slice %arg16[%dma_wait3A_330, %dma_wait3A_331] : memref<16x144xf32, #tpu.memory_space<vmem>> -> memref<16x144xf32, #tpu.memory_space<vmem>>
      tpu.wait_dma2 semaphore(%run_scoped3A_308 : memref<!tpu.dma_semaphore, #tpu.memory_space<semaphore_mem>>) src(%dma_wait3A_332 : memref<16x144xf32, #tpu.memory_space<vmem>>) dst(%dma_wait3A_329 : memref<16x144xf32, #tpu.memory_space<hbm>>)
      tpu.yield
    }) : () -> ()
    %add3A_236 = arith.constant 352 : i32
    %add3A_237 = arith.addi %mul3A_8, %add3A_236 : i32
    "tpu.region"() ({
      %run_scoped3A_308 = tpu.sem_alloc : memref<!tpu.dma_semaphore, #tpu.memory_space<semaphore_mem>>
      %dma_start3A_309 = arith.constant 0 : i32
      %dma_start3A_310 = arith.constant 0 : i32
      %dma_start3A_311 = tpu.memref_slice %arg16[%dma_start3A_309, %dma_start3A_310] : memref<16x144xf32, #tpu.memory_space<vmem>> -> memref<16x144xf32, #tpu.memory_space<vmem>>
      %dma_start3A_312 = arith.constant 0 : i32
      %dma_start3A_313 = tpu.memref_slice %arg7[%add3A_237, %dma_start3A_312] : memref<10112x144xf32, #tpu.memory_space<vmem_shared>> -> memref<16x144xf32, #tpu.memory_space<vmem_shared>>
      %dma_start3A_314 = arith.constant 0 : i32
      %dma_start3A_315 = arith.constant 0 : i32
      %dma_start3A_316 = tpu.memref_slice %arg16[%dma_start3A_314, %dma_start3A_315] : memref<16x144xf32, #tpu.memory_space<vmem>> -> memref<16x144xf32, #tpu.memory_space<vmem>>
      %dma_start3A_317 = arith.constant 0 : i32
      %dma_start3A_318 = tpu.memref_slice %arg7[%add3A_237, %dma_start3A_317] : memref<10112x144xf32, #tpu.memory_space<vmem_shared>> -> memref<16x144xf32, #tpu.memory_space<vmem_shared>>
      tpu.enqueue_dma source(%dma_start3A_318 : memref<16x144xf32, #tpu.memory_space<vmem_shared>>) target(%dma_start3A_316 : memref<16x144xf32, #tpu.memory_space<vmem>>) target_semaphore(%run_scoped3A_308 : memref<!tpu.dma_semaphore, #tpu.memory_space<semaphore_mem>>)
      %dma_wait3A_319 = arith.constant 0 : i32
      %dma_wait3A_320 = arith.constant 0 : i32
      %dma_wait3A_321 = tpu.memref_slice %arg16[%dma_wait3A_319, %dma_wait3A_320] : memref<16x144xf32, #tpu.memory_space<vmem>> -> memref<16x144xf32, #tpu.memory_space<vmem>>
      %dma_wait3A_322 = arith.constant 0 : i32
      %dma_wait3A_323 = tpu.memref_slice %arg7[%add3A_237, %dma_wait3A_322] : memref<10112x144xf32, #tpu.memory_space<vmem_shared>> -> memref<16x144xf32, #tpu.memory_space<vmem_shared>>
      %dma_wait3A_324 = arith.constant 0 : i32
      %dma_wait3A_325 = arith.constant 0 : i32
      %dma_wait3A_326 = tpu.memref_slice %arg16[%dma_wait3A_324, %dma_wait3A_325] : memref<16x144xf32, #tpu.memory_space<vmem>> -> memref<16x144xf32, #tpu.memory_space<vmem>>
      %dma_wait3A_327 = arith.constant 0 : i32
      %dma_wait3A_328 = tpu.memref_slice %arg7[%add3A_237, %dma_wait3A_327] : memref<10112x144xf32, #tpu.memory_space<vmem_shared>> -> memref<16x144xf32, #tpu.memory_space<vmem_shared>>
      tpu.wait_dma2 semaphore(%run_scoped3A_308 : memref<!tpu.dma_semaphore, #tpu.memory_space<semaphore_mem>>) src(%dma_wait3A_328 : memref<16x144xf32, #tpu.memory_space<vmem_shared>>) dst(%dma_wait3A_326 : memref<16x144xf32, #tpu.memory_space<vmem>>)
      tpu.yield
    }) : () -> ()
    %add3A_238 = arith.constant 352 : i32
    %add3A_239 = arith.addi %mul3A_8, %add3A_238 : i32
    "tpu.region"() ({
      %run_scoped3A_308 = tpu.sem_alloc : memref<!tpu.dma_semaphore, #tpu.memory_space<semaphore_mem>>
      %dma_start3A_309 = arith.constant 0 : i32
      %dma_start3A_310 = arith.constant 0 : i32
      %dma_start3A_311 = tpu.memref_slice %arg16[%dma_start3A_309, %dma_start3A_310] : memref<16x144xf32, #tpu.memory_space<vmem>> -> memref<16x144xf32, #tpu.memory_space<vmem>>
      %dma_start3A_312 = arith.constant 0 : i32
      %dma_start3A_313 = tpu.memref_slice %arg6[%arg0, %add3A_239, %dma_start3A_312] : memref<2x10112x144xf32, #tpu.memory_space<hbm>> -> memref<1x16x144xf32, #tpu.memory_space<hbm>>
      %dma_start3A_314 = tpu.memref_squeeze %dma_start3A_313 : memref<1x16x144xf32, #tpu.memory_space<hbm>> -> memref<16x144xf32, #tpu.memory_space<hbm>>
      %dma_start3A_315 = arith.constant 0 : i32
      %dma_start3A_316 = tpu.memref_slice %arg6[%arg0, %add3A_239, %dma_start3A_315] : memref<2x10112x144xf32, #tpu.memory_space<hbm>> -> memref<1x16x144xf32, #tpu.memory_space<hbm>>
      %dma_start3A_317 = tpu.memref_squeeze %dma_start3A_316 : memref<1x16x144xf32, #tpu.memory_space<hbm>> -> memref<16x144xf32, #tpu.memory_space<hbm>>
      %dma_start3A_318 = arith.constant 0 : i32
      %dma_start3A_319 = arith.constant 0 : i32
      %dma_start3A_320 = tpu.memref_slice %arg16[%dma_start3A_318, %dma_start3A_319] : memref<16x144xf32, #tpu.memory_space<vmem>> -> memref<16x144xf32, #tpu.memory_space<vmem>>
      tpu.enqueue_dma source(%dma_start3A_320 : memref<16x144xf32, #tpu.memory_space<vmem>>) target(%dma_start3A_317 : memref<16x144xf32, #tpu.memory_space<hbm>>) target_semaphore(%run_scoped3A_308 : memref<!tpu.dma_semaphore, #tpu.memory_space<semaphore_mem>>)
      %dma_wait3A_321 = arith.constant 0 : i32
      %dma_wait3A_322 = arith.constant 0 : i32
      %dma_wait3A_323 = tpu.memref_slice %arg16[%dma_wait3A_321, %dma_wait3A_322] : memref<16x144xf32, #tpu.memory_space<vmem>> -> memref<16x144xf32, #tpu.memory_space<vmem>>
      %dma_wait3A_324 = arith.constant 0 : i32
      %dma_wait3A_325 = tpu.memref_slice %arg6[%arg0, %add3A_239, %dma_wait3A_324] : memref<2x10112x144xf32, #tpu.memory_space<hbm>> -> memref<1x16x144xf32, #tpu.memory_space<hbm>>
      %dma_wait3A_326 = tpu.memref_squeeze %dma_wait3A_325 : memref<1x16x144xf32, #tpu.memory_space<hbm>> -> memref<16x144xf32, #tpu.memory_space<hbm>>
      %dma_wait3A_327 = arith.constant 0 : i32
      %dma_wait3A_328 = tpu.memref_slice %arg6[%arg0, %add3A_239, %dma_wait3A_327] : memref<2x10112x144xf32, #tpu.memory_space<hbm>> -> memref<1x16x144xf32, #tpu.memory_space<hbm>>
      %dma_wait3A_329 = tpu.memref_squeeze %dma_wait3A_328 : memref<1x16x144xf32, #tpu.memory_space<hbm>> -> memref<16x144xf32, #tpu.memory_space<hbm>>
      %dma_wait3A_330 = arith.constant 0 : i32
      %dma_wait3A_331 = arith.constant 0 : i32
      %dma_wait3A_332 = tpu.memref_slice %arg16[%dma_wait3A_330, %dma_wait3A_331] : memref<16x144xf32, #tpu.memory_space<vmem>> -> memref<16x144xf32, #tpu.memory_space<vmem>>
      tpu.wait_dma2 semaphore(%run_scoped3A_308 : memref<!tpu.dma_semaphore, #tpu.memory_space<semaphore_mem>>) src(%dma_wait3A_332 : memref<16x144xf32, #tpu.memory_space<vmem>>) dst(%dma_wait3A_329 : memref<16x144xf32, #tpu.memory_space<hbm>>)
      tpu.yield
    }) : () -> ()
    %add3A_240 = arith.constant 368 : i32
    %add3A_241 = arith.addi %mul3A_8, %add3A_240 : i32
    "tpu.region"() ({
      %run_scoped3A_308 = tpu.sem_alloc : memref<!tpu.dma_semaphore, #tpu.memory_space<semaphore_mem>>
      %dma_start3A_309 = arith.constant 0 : i32
      %dma_start3A_310 = arith.constant 0 : i32
      %dma_start3A_311 = tpu.memref_slice %arg16[%dma_start3A_309, %dma_start3A_310] : memref<16x144xf32, #tpu.memory_space<vmem>> -> memref<16x144xf32, #tpu.memory_space<vmem>>
      %dma_start3A_312 = arith.constant 0 : i32
      %dma_start3A_313 = tpu.memref_slice %arg7[%add3A_241, %dma_start3A_312] : memref<10112x144xf32, #tpu.memory_space<vmem_shared>> -> memref<16x144xf32, #tpu.memory_space<vmem_shared>>
      %dma_start3A_314 = arith.constant 0 : i32
      %dma_start3A_315 = arith.constant 0 : i32
      %dma_start3A_316 = tpu.memref_slice %arg16[%dma_start3A_314, %dma_start3A_315] : memref<16x144xf32, #tpu.memory_space<vmem>> -> memref<16x144xf32, #tpu.memory_space<vmem>>
      %dma_start3A_317 = arith.constant 0 : i32
      %dma_start3A_318 = tpu.memref_slice %arg7[%add3A_241, %dma_start3A_317] : memref<10112x144xf32, #tpu.memory_space<vmem_shared>> -> memref<16x144xf32, #tpu.memory_space<vmem_shared>>
      tpu.enqueue_dma source(%dma_start3A_318 : memref<16x144xf32, #tpu.memory_space<vmem_shared>>) target(%dma_start3A_316 : memref<16x144xf32, #tpu.memory_space<vmem>>) target_semaphore(%run_scoped3A_308 : memref<!tpu.dma_semaphore, #tpu.memory_space<semaphore_mem>>)
      %dma_wait3A_319 = arith.constant 0 : i32
      %dma_wait3A_320 = arith.constant 0 : i32
      %dma_wait3A_321 = tpu.memref_slice %arg16[%dma_wait3A_319, %dma_wait3A_320] : memref<16x144xf32, #tpu.memory_space<vmem>> -> memref<16x144xf32, #tpu.memory_space<vmem>>
      %dma_wait3A_322 = arith.constant 0 : i32
      %dma_wait3A_323 = tpu.memref_slice %arg7[%add3A_241, %dma_wait3A_322] : memref<10112x144xf32, #tpu.memory_space<vmem_shared>> -> memref<16x144xf32, #tpu.memory_space<vmem_shared>>
      %dma_wait3A_324 = arith.constant 0 : i32
      %dma_wait3A_325 = arith.constant 0 : i32
      %dma_wait3A_326 = tpu.memref_slice %arg16[%dma_wait3A_324, %dma_wait3A_325] : memref<16x144xf32, #tpu.memory_space<vmem>> -> memref<16x144xf32, #tpu.memory_space<vmem>>
      %dma_wait3A_327 = arith.constant 0 : i32
      %dma_wait3A_328 = tpu.memref_slice %arg7[%add3A_241, %dma_wait3A_327] : memref<10112x144xf32, #tpu.memory_space<vmem_shared>> -> memref<16x144xf32, #tpu.memory_space<vmem_shared>>
      tpu.wait_dma2 semaphore(%run_scoped3A_308 : memref<!tpu.dma_semaphore, #tpu.memory_space<semaphore_mem>>) src(%dma_wait3A_328 : memref<16x144xf32, #tpu.memory_space<vmem_shared>>) dst(%dma_wait3A_326 : memref<16x144xf32, #tpu.memory_space<vmem>>)
      tpu.yield
    }) : () -> ()
    %add3A_242 = arith.constant 368 : i32
    %add3A_243 = arith.addi %mul3A_8, %add3A_242 : i32
    "tpu.region"() ({
      %run_scoped3A_308 = tpu.sem_alloc : memref<!tpu.dma_semaphore, #tpu.memory_space<semaphore_mem>>
      %dma_start3A_309 = arith.constant 0 : i32
      %dma_start3A_310 = arith.constant 0 : i32
      %dma_start3A_311 = tpu.memref_slice %arg16[%dma_start3A_309, %dma_start3A_310] : memref<16x144xf32, #tpu.memory_space<vmem>> -> memref<16x144xf32, #tpu.memory_space<vmem>>
      %dma_start3A_312 = arith.constant 0 : i32
      %dma_start3A_313 = tpu.memref_slice %arg6[%arg0, %add3A_243, %dma_start3A_312] : memref<2x10112x144xf32, #tpu.memory_space<hbm>> -> memref<1x16x144xf32, #tpu.memory_space<hbm>>
      %dma_start3A_314 = tpu.memref_squeeze %dma_start3A_313 : memref<1x16x144xf32, #tpu.memory_space<hbm>> -> memref<16x144xf32, #tpu.memory_space<hbm>>
      %dma_start3A_315 = arith.constant 0 : i32
      %dma_start3A_316 = tpu.memref_slice %arg6[%arg0, %add3A_243, %dma_start3A_315] : memref<2x10112x144xf32, #tpu.memory_space<hbm>> -> memref<1x16x144xf32, #tpu.memory_space<hbm>>
      %dma_start3A_317 = tpu.memref_squeeze %dma_start3A_316 : memref<1x16x144xf32, #tpu.memory_space<hbm>> -> memref<16x144xf32, #tpu.memory_space<hbm>>
      %dma_start3A_318 = arith.constant 0 : i32
      %dma_start3A_319 = arith.constant 0 : i32
      %dma_start3A_320 = tpu.memref_slice %arg16[%dma_start3A_318, %dma_start3A_319] : memref<16x144xf32, #tpu.memory_space<vmem>> -> memref<16x144xf32, #tpu.memory_space<vmem>>
      tpu.enqueue_dma source(%dma_start3A_320 : memref<16x144xf32, #tpu.memory_space<vmem>>) target(%dma_start3A_317 : memref<16x144xf32, #tpu.memory_space<hbm>>) target_semaphore(%run_scoped3A_308 : memref<!tpu.dma_semaphore, #tpu.memory_space<semaphore_mem>>)
      %dma_wait3A_321 = arith.constant 0 : i32
      %dma_wait3A_322 = arith.constant 0 : i32
      %dma_wait3A_323 = tpu.memref_slice %arg16[%dma_wait3A_321, %dma_wait3A_322] : memref<16x144xf32, #tpu.memory_space<vmem>> -> memref<16x144xf32, #tpu.memory_space<vmem>>
      %dma_wait3A_324 = arith.constant 0 : i32
      %dma_wait3A_325 = tpu.memref_slice %arg6[%arg0, %add3A_243, %dma_wait3A_324] : memref<2x10112x144xf32, #tpu.memory_space<hbm>> -> memref<1x16x144xf32, #tpu.memory_space<hbm>>
      %dma_wait3A_326 = tpu.memref_squeeze %dma_wait3A_325 : memref<1x16x144xf32, #tpu.memory_space<hbm>> -> memref<16x144xf32, #tpu.memory_space<hbm>>
      %dma_wait3A_327 = arith.constant 0 : i32
      %dma_wait3A_328 = tpu.memref_slice %arg6[%arg0, %add3A_243, %dma_wait3A_327] : memref<2x10112x144xf32, #tpu.memory_space<hbm>> -> memref<1x16x144xf32, #tpu.memory_space<hbm>>
      %dma_wait3A_329 = tpu.memref_squeeze %dma_wait3A_328 : memref<1x16x144xf32, #tpu.memory_space<hbm>> -> memref<16x144xf32, #tpu.memory_space<hbm>>
      %dma_wait3A_330 = arith.constant 0 : i32
      %dma_wait3A_331 = arith.constant 0 : i32
      %dma_wait3A_332 = tpu.memref_slice %arg16[%dma_wait3A_330, %dma_wait3A_331] : memref<16x144xf32, #tpu.memory_space<vmem>> -> memref<16x144xf32, #tpu.memory_space<vmem>>
      tpu.wait_dma2 semaphore(%run_scoped3A_308 : memref<!tpu.dma_semaphore, #tpu.memory_space<semaphore_mem>>) src(%dma_wait3A_332 : memref<16x144xf32, #tpu.memory_space<vmem>>) dst(%dma_wait3A_329 : memref<16x144xf32, #tpu.memory_space<hbm>>)
      tpu.yield
    }) : () -> ()
    %add3A_244 = arith.constant 384 : i32
    %add3A_245 = arith.addi %mul3A_8, %add3A_244 : i32
    "tpu.region"() ({
      %run_scoped3A_308 = tpu.sem_alloc : memref<!tpu.dma_semaphore, #tpu.memory_space<semaphore_mem>>
      %dma_start3A_309 = arith.constant 0 : i32
      %dma_start3A_310 = arith.constant 0 : i32
      %dma_start3A_311 = tpu.memref_slice %arg16[%dma_start3A_309, %dma_start3A_310] : memref<16x144xf32, #tpu.memory_space<vmem>> -> memref<16x144xf32, #tpu.memory_space<vmem>>
      %dma_start3A_312 = arith.constant 0 : i32
      %dma_start3A_313 = tpu.memref_slice %arg7[%add3A_245, %dma_start3A_312] : memref<10112x144xf32, #tpu.memory_space<vmem_shared>> -> memref<16x144xf32, #tpu.memory_space<vmem_shared>>
      %dma_start3A_314 = arith.constant 0 : i32
      %dma_start3A_315 = arith.constant 0 : i32
      %dma_start3A_316 = tpu.memref_slice %arg16[%dma_start3A_314, %dma_start3A_315] : memref<16x144xf32, #tpu.memory_space<vmem>> -> memref<16x144xf32, #tpu.memory_space<vmem>>
      %dma_start3A_317 = arith.constant 0 : i32
      %dma_start3A_318 = tpu.memref_slice %arg7[%add3A_245, %dma_start3A_317] : memref<10112x144xf32, #tpu.memory_space<vmem_shared>> -> memref<16x144xf32, #tpu.memory_space<vmem_shared>>
      tpu.enqueue_dma source(%dma_start3A_318 : memref<16x144xf32, #tpu.memory_space<vmem_shared>>) target(%dma_start3A_316 : memref<16x144xf32, #tpu.memory_space<vmem>>) target_semaphore(%run_scoped3A_308 : memref<!tpu.dma_semaphore, #tpu.memory_space<semaphore_mem>>)
      %dma_wait3A_319 = arith.constant 0 : i32
      %dma_wait3A_320 = arith.constant 0 : i32
      %dma_wait3A_321 = tpu.memref_slice %arg16[%dma_wait3A_319, %dma_wait3A_320] : memref<16x144xf32, #tpu.memory_space<vmem>> -> memref<16x144xf32, #tpu.memory_space<vmem>>
      %dma_wait3A_322 = arith.constant 0 : i32
      %dma_wait3A_323 = tpu.memref_slice %arg7[%add3A_245, %dma_wait3A_322] : memref<10112x144xf32, #tpu.memory_space<vmem_shared>> -> memref<16x144xf32, #tpu.memory_space<vmem_shared>>
      %dma_wait3A_324 = arith.constant 0 : i32
      %dma_wait3A_325 = arith.constant 0 : i32
      %dma_wait3A_326 = tpu.memref_slice %arg16[%dma_wait3A_324, %dma_wait3A_325] : memref<16x144xf32, #tpu.memory_space<vmem>> -> memref<16x144xf32, #tpu.memory_space<vmem>>
      %dma_wait3A_327 = arith.constant 0 : i32
      %dma_wait3A_328 = tpu.memref_slice %arg7[%add3A_245, %dma_wait3A_327] : memref<10112x144xf32, #tpu.memory_space<vmem_shared>> -> memref<16x144xf32, #tpu.memory_space<vmem_shared>>
      tpu.wait_dma2 semaphore(%run_scoped3A_308 : memref<!tpu.dma_semaphore, #tpu.memory_space<semaphore_mem>>) src(%dma_wait3A_328 : memref<16x144xf32, #tpu.memory_space<vmem_shared>>) dst(%dma_wait3A_326 : memref<16x144xf32, #tpu.memory_space<vmem>>)
      tpu.yield
    }) : () -> ()
    %add3A_246 = arith.constant 384 : i32
    %add3A_247 = arith.addi %mul3A_8, %add3A_246 : i32
    "tpu.region"() ({
      %run_scoped3A_308 = tpu.sem_alloc : memref<!tpu.dma_semaphore, #tpu.memory_space<semaphore_mem>>
      %dma_start3A_309 = arith.constant 0 : i32
      %dma_start3A_310 = arith.constant 0 : i32
      %dma_start3A_311 = tpu.memref_slice %arg16[%dma_start3A_309, %dma_start3A_310] : memref<16x144xf32, #tpu.memory_space<vmem>> -> memref<16x144xf32, #tpu.memory_space<vmem>>
      %dma_start3A_312 = arith.constant 0 : i32
      %dma_start3A_313 = tpu.memref_slice %arg6[%arg0, %add3A_247, %dma_start3A_312] : memref<2x10112x144xf32, #tpu.memory_space<hbm>> -> memref<1x16x144xf32, #tpu.memory_space<hbm>>
      %dma_start3A_314 = tpu.memref_squeeze %dma_start3A_313 : memref<1x16x144xf32, #tpu.memory_space<hbm>> -> memref<16x144xf32, #tpu.memory_space<hbm>>
      %dma_start3A_315 = arith.constant 0 : i32
      %dma_start3A_316 = tpu.memref_slice %arg6[%arg0, %add3A_247, %dma_start3A_315] : memref<2x10112x144xf32, #tpu.memory_space<hbm>> -> memref<1x16x144xf32, #tpu.memory_space<hbm>>
      %dma_start3A_317 = tpu.memref_squeeze %dma_start3A_316 : memref<1x16x144xf32, #tpu.memory_space<hbm>> -> memref<16x144xf32, #tpu.memory_space<hbm>>
      %dma_start3A_318 = arith.constant 0 : i32
      %dma_start3A_319 = arith.constant 0 : i32
      %dma_start3A_320 = tpu.memref_slice %arg16[%dma_start3A_318, %dma_start3A_319] : memref<16x144xf32, #tpu.memory_space<vmem>> -> memref<16x144xf32, #tpu.memory_space<vmem>>
      tpu.enqueue_dma source(%dma_start3A_320 : memref<16x144xf32, #tpu.memory_space<vmem>>) target(%dma_start3A_317 : memref<16x144xf32, #tpu.memory_space<hbm>>) target_semaphore(%run_scoped3A_308 : memref<!tpu.dma_semaphore, #tpu.memory_space<semaphore_mem>>)
      %dma_wait3A_321 = arith.constant 0 : i32
      %dma_wait3A_322 = arith.constant 0 : i32
      %dma_wait3A_323 = tpu.memref_slice %arg16[%dma_wait3A_321, %dma_wait3A_322] : memref<16x144xf32, #tpu.memory_space<vmem>> -> memref<16x144xf32, #tpu.memory_space<vmem>>
      %dma_wait3A_324 = arith.constant 0 : i32
      %dma_wait3A_325 = tpu.memref_slice %arg6[%arg0, %add3A_247, %dma_wait3A_324] : memref<2x10112x144xf32, #tpu.memory_space<hbm>> -> memref<1x16x144xf32, #tpu.memory_space<hbm>>
      %dma_wait3A_326 = tpu.memref_squeeze %dma_wait3A_325 : memref<1x16x144xf32, #tpu.memory_space<hbm>> -> memref<16x144xf32, #tpu.memory_space<hbm>>
      %dma_wait3A_327 = arith.constant 0 : i32
      %dma_wait3A_328 = tpu.memref_slice %arg6[%arg0, %add3A_247, %dma_wait3A_327] : memref<2x10112x144xf32, #tpu.memory_space<hbm>> -> memref<1x16x144xf32, #tpu.memory_space<hbm>>
      %dma_wait3A_329 = tpu.memref_squeeze %dma_wait3A_328 : memref<1x16x144xf32, #tpu.memory_space<hbm>> -> memref<16x144xf32, #tpu.memory_space<hbm>>
      %dma_wait3A_330 = arith.constant 0 : i32
      %dma_wait3A_331 = arith.constant 0 : i32
      %dma_wait3A_332 = tpu.memref_slice %arg16[%dma_wait3A_330, %dma_wait3A_331] : memref<16x144xf32, #tpu.memory_space<vmem>> -> memref<16x144xf32, #tpu.memory_space<vmem>>
      tpu.wait_dma2 semaphore(%run_scoped3A_308 : memref<!tpu.dma_semaphore, #tpu.memory_space<semaphore_mem>>) src(%dma_wait3A_332 : memref<16x144xf32, #tpu.memory_space<vmem>>) dst(%dma_wait3A_329 : memref<16x144xf32, #tpu.memory_space<hbm>>)
      tpu.yield
    }) : () -> ()
    %add3A_248 = arith.constant 400 : i32
    %add3A_249 = arith.addi %mul3A_8, %add3A_248 : i32
    "tpu.region"() ({
      %run_scoped3A_308 = tpu.sem_alloc : memref<!tpu.dma_semaphore, #tpu.memory_space<semaphore_mem>>
      %dma_start3A_309 = arith.constant 0 : i32
      %dma_start3A_310 = arith.constant 0 : i32
      %dma_start3A_311 = tpu.memref_slice %arg16[%dma_start3A_309, %dma_start3A_310] : memref<16x144xf32, #tpu.memory_space<vmem>> -> memref<16x144xf32, #tpu.memory_space<vmem>>
      %dma_start3A_312 = arith.constant 0 : i32
      %dma_start3A_313 = tpu.memref_slice %arg7[%add3A_249, %dma_start3A_312] : memref<10112x144xf32, #tpu.memory_space<vmem_shared>> -> memref<16x144xf32, #tpu.memory_space<vmem_shared>>
      %dma_start3A_314 = arith.constant 0 : i32
      %dma_start3A_315 = arith.constant 0 : i32
      %dma_start3A_316 = tpu.memref_slice %arg16[%dma_start3A_314, %dma_start3A_315] : memref<16x144xf32, #tpu.memory_space<vmem>> -> memref<16x144xf32, #tpu.memory_space<vmem>>
      %dma_start3A_317 = arith.constant 0 : i32
      %dma_start3A_318 = tpu.memref_slice %arg7[%add3A_249, %dma_start3A_317] : memref<10112x144xf32, #tpu.memory_space<vmem_shared>> -> memref<16x144xf32, #tpu.memory_space<vmem_shared>>
      tpu.enqueue_dma source(%dma_start3A_318 : memref<16x144xf32, #tpu.memory_space<vmem_shared>>) target(%dma_start3A_316 : memref<16x144xf32, #tpu.memory_space<vmem>>) target_semaphore(%run_scoped3A_308 : memref<!tpu.dma_semaphore, #tpu.memory_space<semaphore_mem>>)
      %dma_wait3A_319 = arith.constant 0 : i32
      %dma_wait3A_320 = arith.constant 0 : i32
      %dma_wait3A_321 = tpu.memref_slice %arg16[%dma_wait3A_319, %dma_wait3A_320] : memref<16x144xf32, #tpu.memory_space<vmem>> -> memref<16x144xf32, #tpu.memory_space<vmem>>
      %dma_wait3A_322 = arith.constant 0 : i32
      %dma_wait3A_323 = tpu.memref_slice %arg7[%add3A_249, %dma_wait3A_322] : memref<10112x144xf32, #tpu.memory_space<vmem_shared>> -> memref<16x144xf32, #tpu.memory_space<vmem_shared>>
      %dma_wait3A_324 = arith.constant 0 : i32
      %dma_wait3A_325 = arith.constant 0 : i32
      %dma_wait3A_326 = tpu.memref_slice %arg16[%dma_wait3A_324, %dma_wait3A_325] : memref<16x144xf32, #tpu.memory_space<vmem>> -> memref<16x144xf32, #tpu.memory_space<vmem>>
      %dma_wait3A_327 = arith.constant 0 : i32
      %dma_wait3A_328 = tpu.memref_slice %arg7[%add3A_249, %dma_wait3A_327] : memref<10112x144xf32, #tpu.memory_space<vmem_shared>> -> memref<16x144xf32, #tpu.memory_space<vmem_shared>>
      tpu.wait_dma2 semaphore(%run_scoped3A_308 : memref<!tpu.dma_semaphore, #tpu.memory_space<semaphore_mem>>) src(%dma_wait3A_328 : memref<16x144xf32, #tpu.memory_space<vmem_shared>>) dst(%dma_wait3A_326 : memref<16x144xf32, #tpu.memory_space<vmem>>)
      tpu.yield
    }) : () -> ()
    %add3A_250 = arith.constant 400 : i32
    %add3A_251 = arith.addi %mul3A_8, %add3A_250 : i32
    "tpu.region"() ({
      %run_scoped3A_308 = tpu.sem_alloc : memref<!tpu.dma_semaphore, #tpu.memory_space<semaphore_mem>>
      %dma_start3A_309 = arith.constant 0 : i32
      %dma_start3A_310 = arith.constant 0 : i32
      %dma_start3A_311 = tpu.memref_slice %arg16[%dma_start3A_309, %dma_start3A_310] : memref<16x144xf32, #tpu.memory_space<vmem>> -> memref<16x144xf32, #tpu.memory_space<vmem>>
      %dma_start3A_312 = arith.constant 0 : i32
      %dma_start3A_313 = tpu.memref_slice %arg6[%arg0, %add3A_251, %dma_start3A_312] : memref<2x10112x144xf32, #tpu.memory_space<hbm>> -> memref<1x16x144xf32, #tpu.memory_space<hbm>>
      %dma_start3A_314 = tpu.memref_squeeze %dma_start3A_313 : memref<1x16x144xf32, #tpu.memory_space<hbm>> -> memref<16x144xf32, #tpu.memory_space<hbm>>
      %dma_start3A_315 = arith.constant 0 : i32
      %dma_start3A_316 = tpu.memref_slice %arg6[%arg0, %add3A_251, %dma_start3A_315] : memref<2x10112x144xf32, #tpu.memory_space<hbm>> -> memref<1x16x144xf32, #tpu.memory_space<hbm>>
      %dma_start3A_317 = tpu.memref_squeeze %dma_start3A_316 : memref<1x16x144xf32, #tpu.memory_space<hbm>> -> memref<16x144xf32, #tpu.memory_space<hbm>>
      %dma_start3A_318 = arith.constant 0 : i32
      %dma_start3A_319 = arith.constant 0 : i32
      %dma_start3A_320 = tpu.memref_slice %arg16[%dma_start3A_318, %dma_start3A_319] : memref<16x144xf32, #tpu.memory_space<vmem>> -> memref<16x144xf32, #tpu.memory_space<vmem>>
      tpu.enqueue_dma source(%dma_start3A_320 : memref<16x144xf32, #tpu.memory_space<vmem>>) target(%dma_start3A_317 : memref<16x144xf32, #tpu.memory_space<hbm>>) target_semaphore(%run_scoped3A_308 : memref<!tpu.dma_semaphore, #tpu.memory_space<semaphore_mem>>)
      %dma_wait3A_321 = arith.constant 0 : i32
      %dma_wait3A_322 = arith.constant 0 : i32
      %dma_wait3A_323 = tpu.memref_slice %arg16[%dma_wait3A_321, %dma_wait3A_322] : memref<16x144xf32, #tpu.memory_space<vmem>> -> memref<16x144xf32, #tpu.memory_space<vmem>>
      %dma_wait3A_324 = arith.constant 0 : i32
      %dma_wait3A_325 = tpu.memref_slice %arg6[%arg0, %add3A_251, %dma_wait3A_324] : memref<2x10112x144xf32, #tpu.memory_space<hbm>> -> memref<1x16x144xf32, #tpu.memory_space<hbm>>
      %dma_wait3A_326 = tpu.memref_squeeze %dma_wait3A_325 : memref<1x16x144xf32, #tpu.memory_space<hbm>> -> memref<16x144xf32, #tpu.memory_space<hbm>>
      %dma_wait3A_327 = arith.constant 0 : i32
      %dma_wait3A_328 = tpu.memref_slice %arg6[%arg0, %add3A_251, %dma_wait3A_327] : memref<2x10112x144xf32, #tpu.memory_space<hbm>> -> memref<1x16x144xf32, #tpu.memory_space<hbm>>
      %dma_wait3A_329 = tpu.memref_squeeze %dma_wait3A_328 : memref<1x16x144xf32, #tpu.memory_space<hbm>> -> memref<16x144xf32, #tpu.memory_space<hbm>>
      %dma_wait3A_330 = arith.constant 0 : i32
      %dma_wait3A_331 = arith.constant 0 : i32
      %dma_wait3A_332 = tpu.memref_slice %arg16[%dma_wait3A_330, %dma_wait3A_331] : memref<16x144xf32, #tpu.memory_space<vmem>> -> memref<16x144xf32, #tpu.memory_space<vmem>>
      tpu.wait_dma2 semaphore(%run_scoped3A_308 : memref<!tpu.dma_semaphore, #tpu.memory_space<semaphore_mem>>) src(%dma_wait3A_332 : memref<16x144xf32, #tpu.memory_space<vmem>>) dst(%dma_wait3A_329 : memref<16x144xf32, #tpu.memory_space<hbm>>)
      tpu.yield
    }) : () -> ()
    %add3A_252 = arith.constant 416 : i32
    %add3A_253 = arith.addi %mul3A_8, %add3A_252 : i32
    "tpu.region"() ({
      %run_scoped3A_308 = tpu.sem_alloc : memref<!tpu.dma_semaphore, #tpu.memory_space<semaphore_mem>>
      %dma_start3A_309 = arith.constant 0 : i32
      %dma_start3A_310 = arith.constant 0 : i32
      %dma_start3A_311 = tpu.memref_slice %arg16[%dma_start3A_309, %dma_start3A_310] : memref<16x144xf32, #tpu.memory_space<vmem>> -> memref<16x144xf32, #tpu.memory_space<vmem>>
      %dma_start3A_312 = arith.constant 0 : i32
      %dma_start3A_313 = tpu.memref_slice %arg7[%add3A_253, %dma_start3A_312] : memref<10112x144xf32, #tpu.memory_space<vmem_shared>> -> memref<16x144xf32, #tpu.memory_space<vmem_shared>>
      %dma_start3A_314 = arith.constant 0 : i32
      %dma_start3A_315 = arith.constant 0 : i32
      %dma_start3A_316 = tpu.memref_slice %arg16[%dma_start3A_314, %dma_start3A_315] : memref<16x144xf32, #tpu.memory_space<vmem>> -> memref<16x144xf32, #tpu.memory_space<vmem>>
      %dma_start3A_317 = arith.constant 0 : i32
      %dma_start3A_318 = tpu.memref_slice %arg7[%add3A_253, %dma_start3A_317] : memref<10112x144xf32, #tpu.memory_space<vmem_shared>> -> memref<16x144xf32, #tpu.memory_space<vmem_shared>>
      tpu.enqueue_dma source(%dma_start3A_318 : memref<16x144xf32, #tpu.memory_space<vmem_shared>>) target(%dma_start3A_316 : memref<16x144xf32, #tpu.memory_space<vmem>>) target_semaphore(%run_scoped3A_308 : memref<!tpu.dma_semaphore, #tpu.memory_space<semaphore_mem>>)
      %dma_wait3A_319 = arith.constant 0 : i32
      %dma_wait3A_320 = arith.constant 0 : i32
      %dma_wait3A_321 = tpu.memref_slice %arg16[%dma_wait3A_319, %dma_wait3A_320] : memref<16x144xf32, #tpu.memory_space<vmem>> -> memref<16x144xf32, #tpu.memory_space<vmem>>
      %dma_wait3A_322 = arith.constant 0 : i32
      %dma_wait3A_323 = tpu.memref_slice %arg7[%add3A_253, %dma_wait3A_322] : memref<10112x144xf32, #tpu.memory_space<vmem_shared>> -> memref<16x144xf32, #tpu.memory_space<vmem_shared>>
      %dma_wait3A_324 = arith.constant 0 : i32
      %dma_wait3A_325 = arith.constant 0 : i32
      %dma_wait3A_326 = tpu.memref_slice %arg16[%dma_wait3A_324, %dma_wait3A_325] : memref<16x144xf32, #tpu.memory_space<vmem>> -> memref<16x144xf32, #tpu.memory_space<vmem>>
      %dma_wait3A_327 = arith.constant 0 : i32
      %dma_wait3A_328 = tpu.memref_slice %arg7[%add3A_253, %dma_wait3A_327] : memref<10112x144xf32, #tpu.memory_space<vmem_shared>> -> memref<16x144xf32, #tpu.memory_space<vmem_shared>>
      tpu.wait_dma2 semaphore(%run_scoped3A_308 : memref<!tpu.dma_semaphore, #tpu.memory_space<semaphore_mem>>) src(%dma_wait3A_328 : memref<16x144xf32, #tpu.memory_space<vmem_shared>>) dst(%dma_wait3A_326 : memref<16x144xf32, #tpu.memory_space<vmem>>)
      tpu.yield
    }) : () -> ()
    %add3A_254 = arith.constant 416 : i32
    %add3A_255 = arith.addi %mul3A_8, %add3A_254 : i32
    "tpu.region"() ({
      %run_scoped3A_308 = tpu.sem_alloc : memref<!tpu.dma_semaphore, #tpu.memory_space<semaphore_mem>>
      %dma_start3A_309 = arith.constant 0 : i32
      %dma_start3A_310 = arith.constant 0 : i32
      %dma_start3A_311 = tpu.memref_slice %arg16[%dma_start3A_309, %dma_start3A_310] : memref<16x144xf32, #tpu.memory_space<vmem>> -> memref<16x144xf32, #tpu.memory_space<vmem>>
      %dma_start3A_312 = arith.constant 0 : i32
      %dma_start3A_313 = tpu.memref_slice %arg6[%arg0, %add3A_255, %dma_start3A_312] : memref<2x10112x144xf32, #tpu.memory_space<hbm>> -> memref<1x16x144xf32, #tpu.memory_space<hbm>>
      %dma_start3A_314 = tpu.memref_squeeze %dma_start3A_313 : memref<1x16x144xf32, #tpu.memory_space<hbm>> -> memref<16x144xf32, #tpu.memory_space<hbm>>
      %dma_start3A_315 = arith.constant 0 : i32
      %dma_start3A_316 = tpu.memref_slice %arg6[%arg0, %add3A_255, %dma_start3A_315] : memref<2x10112x144xf32, #tpu.memory_space<hbm>> -> memref<1x16x144xf32, #tpu.memory_space<hbm>>
      %dma_start3A_317 = tpu.memref_squeeze %dma_start3A_316 : memref<1x16x144xf32, #tpu.memory_space<hbm>> -> memref<16x144xf32, #tpu.memory_space<hbm>>
      %dma_start3A_318 = arith.constant 0 : i32
      %dma_start3A_319 = arith.constant 0 : i32
      %dma_start3A_320 = tpu.memref_slice %arg16[%dma_start3A_318, %dma_start3A_319] : memref<16x144xf32, #tpu.memory_space<vmem>> -> memref<16x144xf32, #tpu.memory_space<vmem>>
      tpu.enqueue_dma source(%dma_start3A_320 : memref<16x144xf32, #tpu.memory_space<vmem>>) target(%dma_start3A_317 : memref<16x144xf32, #tpu.memory_space<hbm>>) target_semaphore(%run_scoped3A_308 : memref<!tpu.dma_semaphore, #tpu.memory_space<semaphore_mem>>)
      %dma_wait3A_321 = arith.constant 0 : i32
      %dma_wait3A_322 = arith.constant 0 : i32
      %dma_wait3A_323 = tpu.memref_slice %arg16[%dma_wait3A_321, %dma_wait3A_322] : memref<16x144xf32, #tpu.memory_space<vmem>> -> memref<16x144xf32, #tpu.memory_space<vmem>>
      %dma_wait3A_324 = arith.constant 0 : i32
      %dma_wait3A_325 = tpu.memref_slice %arg6[%arg0, %add3A_255, %dma_wait3A_324] : memref<2x10112x144xf32, #tpu.memory_space<hbm>> -> memref<1x16x144xf32, #tpu.memory_space<hbm>>
      %dma_wait3A_326 = tpu.memref_squeeze %dma_wait3A_325 : memref<1x16x144xf32, #tpu.memory_space<hbm>> -> memref<16x144xf32, #tpu.memory_space<hbm>>
      %dma_wait3A_327 = arith.constant 0 : i32
      %dma_wait3A_328 = tpu.memref_slice %arg6[%arg0, %add3A_255, %dma_wait3A_327] : memref<2x10112x144xf32, #tpu.memory_space<hbm>> -> memref<1x16x144xf32, #tpu.memory_space<hbm>>
      %dma_wait3A_329 = tpu.memref_squeeze %dma_wait3A_328 : memref<1x16x144xf32, #tpu.memory_space<hbm>> -> memref<16x144xf32, #tpu.memory_space<hbm>>
      %dma_wait3A_330 = arith.constant 0 : i32
      %dma_wait3A_331 = arith.constant 0 : i32
      %dma_wait3A_332 = tpu.memref_slice %arg16[%dma_wait3A_330, %dma_wait3A_331] : memref<16x144xf32, #tpu.memory_space<vmem>> -> memref<16x144xf32, #tpu.memory_space<vmem>>
      tpu.wait_dma2 semaphore(%run_scoped3A_308 : memref<!tpu.dma_semaphore, #tpu.memory_space<semaphore_mem>>) src(%dma_wait3A_332 : memref<16x144xf32, #tpu.memory_space<vmem>>) dst(%dma_wait3A_329 : memref<16x144xf32, #tpu.memory_space<hbm>>)
      tpu.yield
    }) : () -> ()
    %add3A_256 = arith.constant 432 : i32
    %add3A_257 = arith.addi %mul3A_8, %add3A_256 : i32
    "tpu.region"() ({
      %run_scoped3A_308 = tpu.sem_alloc : memref<!tpu.dma_semaphore, #tpu.memory_space<semaphore_mem>>
      %dma_start3A_309 = arith.constant 0 : i32
      %dma_start3A_310 = arith.constant 0 : i32
      %dma_start3A_311 = tpu.memref_slice %arg16[%dma_start3A_309, %dma_start3A_310] : memref<16x144xf32, #tpu.memory_space<vmem>> -> memref<16x144xf32, #tpu.memory_space<vmem>>
      %dma_start3A_312 = arith.constant 0 : i32
      %dma_start3A_313 = tpu.memref_slice %arg7[%add3A_257, %dma_start3A_312] : memref<10112x144xf32, #tpu.memory_space<vmem_shared>> -> memref<16x144xf32, #tpu.memory_space<vmem_shared>>
      %dma_start3A_314 = arith.constant 0 : i32
      %dma_start3A_315 = arith.constant 0 : i32
      %dma_start3A_316 = tpu.memref_slice %arg16[%dma_start3A_314, %dma_start3A_315] : memref<16x144xf32, #tpu.memory_space<vmem>> -> memref<16x144xf32, #tpu.memory_space<vmem>>
      %dma_start3A_317 = arith.constant 0 : i32
      %dma_start3A_318 = tpu.memref_slice %arg7[%add3A_257, %dma_start3A_317] : memref<10112x144xf32, #tpu.memory_space<vmem_shared>> -> memref<16x144xf32, #tpu.memory_space<vmem_shared>>
      tpu.enqueue_dma source(%dma_start3A_318 : memref<16x144xf32, #tpu.memory_space<vmem_shared>>) target(%dma_start3A_316 : memref<16x144xf32, #tpu.memory_space<vmem>>) target_semaphore(%run_scoped3A_308 : memref<!tpu.dma_semaphore, #tpu.memory_space<semaphore_mem>>)
      %dma_wait3A_319 = arith.constant 0 : i32
      %dma_wait3A_320 = arith.constant 0 : i32
      %dma_wait3A_321 = tpu.memref_slice %arg16[%dma_wait3A_319, %dma_wait3A_320] : memref<16x144xf32, #tpu.memory_space<vmem>> -> memref<16x144xf32, #tpu.memory_space<vmem>>
      %dma_wait3A_322 = arith.constant 0 : i32
      %dma_wait3A_323 = tpu.memref_slice %arg7[%add3A_257, %dma_wait3A_322] : memref<10112x144xf32, #tpu.memory_space<vmem_shared>> -> memref<16x144xf32, #tpu.memory_space<vmem_shared>>
      %dma_wait3A_324 = arith.constant 0 : i32
      %dma_wait3A_325 = arith.constant 0 : i32
      %dma_wait3A_326 = tpu.memref_slice %arg16[%dma_wait3A_324, %dma_wait3A_325] : memref<16x144xf32, #tpu.memory_space<vmem>> -> memref<16x144xf32, #tpu.memory_space<vmem>>
      %dma_wait3A_327 = arith.constant 0 : i32
      %dma_wait3A_328 = tpu.memref_slice %arg7[%add3A_257, %dma_wait3A_327] : memref<10112x144xf32, #tpu.memory_space<vmem_shared>> -> memref<16x144xf32, #tpu.memory_space<vmem_shared>>
      tpu.wait_dma2 semaphore(%run_scoped3A_308 : memref<!tpu.dma_semaphore, #tpu.memory_space<semaphore_mem>>) src(%dma_wait3A_328 : memref<16x144xf32, #tpu.memory_space<vmem_shared>>) dst(%dma_wait3A_326 : memref<16x144xf32, #tpu.memory_space<vmem>>)
      tpu.yield
    }) : () -> ()
    %add3A_258 = arith.constant 432 : i32
    %add3A_259 = arith.addi %mul3A_8, %add3A_258 : i32
    "tpu.region"() ({
      %run_scoped3A_308 = tpu.sem_alloc : memref<!tpu.dma_semaphore, #tpu.memory_space<semaphore_mem>>
      %dma_start3A_309 = arith.constant 0 : i32
      %dma_start3A_310 = arith.constant 0 : i32
      %dma_start3A_311 = tpu.memref_slice %arg16[%dma_start3A_309, %dma_start3A_310] : memref<16x144xf32, #tpu.memory_space<vmem>> -> memref<16x144xf32, #tpu.memory_space<vmem>>
      %dma_start3A_312 = arith.constant 0 : i32
      %dma_start3A_313 = tpu.memref_slice %arg6[%arg0, %add3A_259, %dma_start3A_312] : memref<2x10112x144xf32, #tpu.memory_space<hbm>> -> memref<1x16x144xf32, #tpu.memory_space<hbm>>
      %dma_start3A_314 = tpu.memref_squeeze %dma_start3A_313 : memref<1x16x144xf32, #tpu.memory_space<hbm>> -> memref<16x144xf32, #tpu.memory_space<hbm>>
      %dma_start3A_315 = arith.constant 0 : i32
      %dma_start3A_316 = tpu.memref_slice %arg6[%arg0, %add3A_259, %dma_start3A_315] : memref<2x10112x144xf32, #tpu.memory_space<hbm>> -> memref<1x16x144xf32, #tpu.memory_space<hbm>>
      %dma_start3A_317 = tpu.memref_squeeze %dma_start3A_316 : memref<1x16x144xf32, #tpu.memory_space<hbm>> -> memref<16x144xf32, #tpu.memory_space<hbm>>
      %dma_start3A_318 = arith.constant 0 : i32
      %dma_start3A_319 = arith.constant 0 : i32
      %dma_start3A_320 = tpu.memref_slice %arg16[%dma_start3A_318, %dma_start3A_319] : memref<16x144xf32, #tpu.memory_space<vmem>> -> memref<16x144xf32, #tpu.memory_space<vmem>>
      tpu.enqueue_dma source(%dma_start3A_320 : memref<16x144xf32, #tpu.memory_space<vmem>>) target(%dma_start3A_317 : memref<16x144xf32, #tpu.memory_space<hbm>>) target_semaphore(%run_scoped3A_308 : memref<!tpu.dma_semaphore, #tpu.memory_space<semaphore_mem>>)
      %dma_wait3A_321 = arith.constant 0 : i32
      %dma_wait3A_322 = arith.constant 0 : i32
      %dma_wait3A_323 = tpu.memref_slice %arg16[%dma_wait3A_321, %dma_wait3A_322] : memref<16x144xf32, #tpu.memory_space<vmem>> -> memref<16x144xf32, #tpu.memory_space<vmem>>
      %dma_wait3A_324 = arith.constant 0 : i32
      %dma_wait3A_325 = tpu.memref_slice %arg6[%arg0, %add3A_259, %dma_wait3A_324] : memref<2x10112x144xf32, #tpu.memory_space<hbm>> -> memref<1x16x144xf32, #tpu.memory_space<hbm>>
      %dma_wait3A_326 = tpu.memref_squeeze %dma_wait3A_325 : memref<1x16x144xf32, #tpu.memory_space<hbm>> -> memref<16x144xf32, #tpu.memory_space<hbm>>
      %dma_wait3A_327 = arith.constant 0 : i32
      %dma_wait3A_328 = tpu.memref_slice %arg6[%arg0, %add3A_259, %dma_wait3A_327] : memref<2x10112x144xf32, #tpu.memory_space<hbm>> -> memref<1x16x144xf32, #tpu.memory_space<hbm>>
      %dma_wait3A_329 = tpu.memref_squeeze %dma_wait3A_328 : memref<1x16x144xf32, #tpu.memory_space<hbm>> -> memref<16x144xf32, #tpu.memory_space<hbm>>
      %dma_wait3A_330 = arith.constant 0 : i32
      %dma_wait3A_331 = arith.constant 0 : i32
      %dma_wait3A_332 = tpu.memref_slice %arg16[%dma_wait3A_330, %dma_wait3A_331] : memref<16x144xf32, #tpu.memory_space<vmem>> -> memref<16x144xf32, #tpu.memory_space<vmem>>
      tpu.wait_dma2 semaphore(%run_scoped3A_308 : memref<!tpu.dma_semaphore, #tpu.memory_space<semaphore_mem>>) src(%dma_wait3A_332 : memref<16x144xf32, #tpu.memory_space<vmem>>) dst(%dma_wait3A_329 : memref<16x144xf32, #tpu.memory_space<hbm>>)
      tpu.yield
    }) : () -> ()
    %add3A_260 = arith.constant 448 : i32
    %add3A_261 = arith.addi %mul3A_8, %add3A_260 : i32
    "tpu.region"() ({
      %run_scoped3A_308 = tpu.sem_alloc : memref<!tpu.dma_semaphore, #tpu.memory_space<semaphore_mem>>
      %dma_start3A_309 = arith.constant 0 : i32
      %dma_start3A_310 = arith.constant 0 : i32
      %dma_start3A_311 = tpu.memref_slice %arg16[%dma_start3A_309, %dma_start3A_310] : memref<16x144xf32, #tpu.memory_space<vmem>> -> memref<16x144xf32, #tpu.memory_space<vmem>>
      %dma_start3A_312 = arith.constant 0 : i32
      %dma_start3A_313 = tpu.memref_slice %arg7[%add3A_261, %dma_start3A_312] : memref<10112x144xf32, #tpu.memory_space<vmem_shared>> -> memref<16x144xf32, #tpu.memory_space<vmem_shared>>
      %dma_start3A_314 = arith.constant 0 : i32
      %dma_start3A_315 = arith.constant 0 : i32
      %dma_start3A_316 = tpu.memref_slice %arg16[%dma_start3A_314, %dma_start3A_315] : memref<16x144xf32, #tpu.memory_space<vmem>> -> memref<16x144xf32, #tpu.memory_space<vmem>>
      %dma_start3A_317 = arith.constant 0 : i32
      %dma_start3A_318 = tpu.memref_slice %arg7[%add3A_261, %dma_start3A_317] : memref<10112x144xf32, #tpu.memory_space<vmem_shared>> -> memref<16x144xf32, #tpu.memory_space<vmem_shared>>
      tpu.enqueue_dma source(%dma_start3A_318 : memref<16x144xf32, #tpu.memory_space<vmem_shared>>) target(%dma_start3A_316 : memref<16x144xf32, #tpu.memory_space<vmem>>) target_semaphore(%run_scoped3A_308 : memref<!tpu.dma_semaphore, #tpu.memory_space<semaphore_mem>>)
      %dma_wait3A_319 = arith.constant 0 : i32
      %dma_wait3A_320 = arith.constant 0 : i32
      %dma_wait3A_321 = tpu.memref_slice %arg16[%dma_wait3A_319, %dma_wait3A_320] : memref<16x144xf32, #tpu.memory_space<vmem>> -> memref<16x144xf32, #tpu.memory_space<vmem>>
      %dma_wait3A_322 = arith.constant 0 : i32
      %dma_wait3A_323 = tpu.memref_slice %arg7[%add3A_261, %dma_wait3A_322] : memref<10112x144xf32, #tpu.memory_space<vmem_shared>> -> memref<16x144xf32, #tpu.memory_space<vmem_shared>>
      %dma_wait3A_324 = arith.constant 0 : i32
      %dma_wait3A_325 = arith.constant 0 : i32
      %dma_wait3A_326 = tpu.memref_slice %arg16[%dma_wait3A_324, %dma_wait3A_325] : memref<16x144xf32, #tpu.memory_space<vmem>> -> memref<16x144xf32, #tpu.memory_space<vmem>>
      %dma_wait3A_327 = arith.constant 0 : i32
      %dma_wait3A_328 = tpu.memref_slice %arg7[%add3A_261, %dma_wait3A_327] : memref<10112x144xf32, #tpu.memory_space<vmem_shared>> -> memref<16x144xf32, #tpu.memory_space<vmem_shared>>
      tpu.wait_dma2 semaphore(%run_scoped3A_308 : memref<!tpu.dma_semaphore, #tpu.memory_space<semaphore_mem>>) src(%dma_wait3A_328 : memref<16x144xf32, #tpu.memory_space<vmem_shared>>) dst(%dma_wait3A_326 : memref<16x144xf32, #tpu.memory_space<vmem>>)
      tpu.yield
    }) : () -> ()
    %add3A_262 = arith.constant 448 : i32
    %add3A_263 = arith.addi %mul3A_8, %add3A_262 : i32
    "tpu.region"() ({
      %run_scoped3A_308 = tpu.sem_alloc : memref<!tpu.dma_semaphore, #tpu.memory_space<semaphore_mem>>
      %dma_start3A_309 = arith.constant 0 : i32
      %dma_start3A_310 = arith.constant 0 : i32
      %dma_start3A_311 = tpu.memref_slice %arg16[%dma_start3A_309, %dma_start3A_310] : memref<16x144xf32, #tpu.memory_space<vmem>> -> memref<16x144xf32, #tpu.memory_space<vmem>>
      %dma_start3A_312 = arith.constant 0 : i32
      %dma_start3A_313 = tpu.memref_slice %arg6[%arg0, %add3A_263, %dma_start3A_312] : memref<2x10112x144xf32, #tpu.memory_space<hbm>> -> memref<1x16x144xf32, #tpu.memory_space<hbm>>
      %dma_start3A_314 = tpu.memref_squeeze %dma_start3A_313 : memref<1x16x144xf32, #tpu.memory_space<hbm>> -> memref<16x144xf32, #tpu.memory_space<hbm>>
      %dma_start3A_315 = arith.constant 0 : i32
      %dma_start3A_316 = tpu.memref_slice %arg6[%arg0, %add3A_263, %dma_start3A_315] : memref<2x10112x144xf32, #tpu.memory_space<hbm>> -> memref<1x16x144xf32, #tpu.memory_space<hbm>>
      %dma_start3A_317 = tpu.memref_squeeze %dma_start3A_316 : memref<1x16x144xf32, #tpu.memory_space<hbm>> -> memref<16x144xf32, #tpu.memory_space<hbm>>
      %dma_start3A_318 = arith.constant 0 : i32
      %dma_start3A_319 = arith.constant 0 : i32
      %dma_start3A_320 = tpu.memref_slice %arg16[%dma_start3A_318, %dma_start3A_319] : memref<16x144xf32, #tpu.memory_space<vmem>> -> memref<16x144xf32, #tpu.memory_space<vmem>>
      tpu.enqueue_dma source(%dma_start3A_320 : memref<16x144xf32, #tpu.memory_space<vmem>>) target(%dma_start3A_317 : memref<16x144xf32, #tpu.memory_space<hbm>>) target_semaphore(%run_scoped3A_308 : memref<!tpu.dma_semaphore, #tpu.memory_space<semaphore_mem>>)
      %dma_wait3A_321 = arith.constant 0 : i32
      %dma_wait3A_322 = arith.constant 0 : i32
      %dma_wait3A_323 = tpu.memref_slice %arg16[%dma_wait3A_321, %dma_wait3A_322] : memref<16x144xf32, #tpu.memory_space<vmem>> -> memref<16x144xf32, #tpu.memory_space<vmem>>
      %dma_wait3A_324 = arith.constant 0 : i32
      %dma_wait3A_325 = tpu.memref_slice %arg6[%arg0, %add3A_263, %dma_wait3A_324] : memref<2x10112x144xf32, #tpu.memory_space<hbm>> -> memref<1x16x144xf32, #tpu.memory_space<hbm>>
      %dma_wait3A_326 = tpu.memref_squeeze %dma_wait3A_325 : memref<1x16x144xf32, #tpu.memory_space<hbm>> -> memref<16x144xf32, #tpu.memory_space<hbm>>
      %dma_wait3A_327 = arith.constant 0 : i32
      %dma_wait3A_328 = tpu.memref_slice %arg6[%arg0, %add3A_263, %dma_wait3A_327] : memref<2x10112x144xf32, #tpu.memory_space<hbm>> -> memref<1x16x144xf32, #tpu.memory_space<hbm>>
      %dma_wait3A_329 = tpu.memref_squeeze %dma_wait3A_328 : memref<1x16x144xf32, #tpu.memory_space<hbm>> -> memref<16x144xf32, #tpu.memory_space<hbm>>
      %dma_wait3A_330 = arith.constant 0 : i32
      %dma_wait3A_331 = arith.constant 0 : i32
      %dma_wait3A_332 = tpu.memref_slice %arg16[%dma_wait3A_330, %dma_wait3A_331] : memref<16x144xf32, #tpu.memory_space<vmem>> -> memref<16x144xf32, #tpu.memory_space<vmem>>
      tpu.wait_dma2 semaphore(%run_scoped3A_308 : memref<!tpu.dma_semaphore, #tpu.memory_space<semaphore_mem>>) src(%dma_wait3A_332 : memref<16x144xf32, #tpu.memory_space<vmem>>) dst(%dma_wait3A_329 : memref<16x144xf32, #tpu.memory_space<hbm>>)
      tpu.yield
    }) : () -> ()
    %add3A_264 = arith.constant 464 : i32
    %add3A_265 = arith.addi %mul3A_8, %add3A_264 : i32
    "tpu.region"() ({
      %run_scoped3A_308 = tpu.sem_alloc : memref<!tpu.dma_semaphore, #tpu.memory_space<semaphore_mem>>
      %dma_start3A_309 = arith.constant 0 : i32
      %dma_start3A_310 = arith.constant 0 : i32
      %dma_start3A_311 = tpu.memref_slice %arg16[%dma_start3A_309, %dma_start3A_310] : memref<16x144xf32, #tpu.memory_space<vmem>> -> memref<16x144xf32, #tpu.memory_space<vmem>>
      %dma_start3A_312 = arith.constant 0 : i32
      %dma_start3A_313 = tpu.memref_slice %arg7[%add3A_265, %dma_start3A_312] : memref<10112x144xf32, #tpu.memory_space<vmem_shared>> -> memref<16x144xf32, #tpu.memory_space<vmem_shared>>
      %dma_start3A_314 = arith.constant 0 : i32
      %dma_start3A_315 = arith.constant 0 : i32
      %dma_start3A_316 = tpu.memref_slice %arg16[%dma_start3A_314, %dma_start3A_315] : memref<16x144xf32, #tpu.memory_space<vmem>> -> memref<16x144xf32, #tpu.memory_space<vmem>>
      %dma_start3A_317 = arith.constant 0 : i32
      %dma_start3A_318 = tpu.memref_slice %arg7[%add3A_265, %dma_start3A_317] : memref<10112x144xf32, #tpu.memory_space<vmem_shared>> -> memref<16x144xf32, #tpu.memory_space<vmem_shared>>
      tpu.enqueue_dma source(%dma_start3A_318 : memref<16x144xf32, #tpu.memory_space<vmem_shared>>) target(%dma_start3A_316 : memref<16x144xf32, #tpu.memory_space<vmem>>) target_semaphore(%run_scoped3A_308 : memref<!tpu.dma_semaphore, #tpu.memory_space<semaphore_mem>>)
      %dma_wait3A_319 = arith.constant 0 : i32
      %dma_wait3A_320 = arith.constant 0 : i32
      %dma_wait3A_321 = tpu.memref_slice %arg16[%dma_wait3A_319, %dma_wait3A_320] : memref<16x144xf32, #tpu.memory_space<vmem>> -> memref<16x144xf32, #tpu.memory_space<vmem>>
      %dma_wait3A_322 = arith.constant 0 : i32
      %dma_wait3A_323 = tpu.memref_slice %arg7[%add3A_265, %dma_wait3A_322] : memref<10112x144xf32, #tpu.memory_space<vmem_shared>> -> memref<16x144xf32, #tpu.memory_space<vmem_shared>>
      %dma_wait3A_324 = arith.constant 0 : i32
      %dma_wait3A_325 = arith.constant 0 : i32
      %dma_wait3A_326 = tpu.memref_slice %arg16[%dma_wait3A_324, %dma_wait3A_325] : memref<16x144xf32, #tpu.memory_space<vmem>> -> memref<16x144xf32, #tpu.memory_space<vmem>>
      %dma_wait3A_327 = arith.constant 0 : i32
      %dma_wait3A_328 = tpu.memref_slice %arg7[%add3A_265, %dma_wait3A_327] : memref<10112x144xf32, #tpu.memory_space<vmem_shared>> -> memref<16x144xf32, #tpu.memory_space<vmem_shared>>
      tpu.wait_dma2 semaphore(%run_scoped3A_308 : memref<!tpu.dma_semaphore, #tpu.memory_space<semaphore_mem>>) src(%dma_wait3A_328 : memref<16x144xf32, #tpu.memory_space<vmem_shared>>) dst(%dma_wait3A_326 : memref<16x144xf32, #tpu.memory_space<vmem>>)
      tpu.yield
    }) : () -> ()
    %add3A_266 = arith.constant 464 : i32
    %add3A_267 = arith.addi %mul3A_8, %add3A_266 : i32
    "tpu.region"() ({
      %run_scoped3A_308 = tpu.sem_alloc : memref<!tpu.dma_semaphore, #tpu.memory_space<semaphore_mem>>
      %dma_start3A_309 = arith.constant 0 : i32
      %dma_start3A_310 = arith.constant 0 : i32
      %dma_start3A_311 = tpu.memref_slice %arg16[%dma_start3A_309, %dma_start3A_310] : memref<16x144xf32, #tpu.memory_space<vmem>> -> memref<16x144xf32, #tpu.memory_space<vmem>>
      %dma_start3A_312 = arith.constant 0 : i32
      %dma_start3A_313 = tpu.memref_slice %arg6[%arg0, %add3A_267, %dma_start3A_312] : memref<2x10112x144xf32, #tpu.memory_space<hbm>> -> memref<1x16x144xf32, #tpu.memory_space<hbm>>
      %dma_start3A_314 = tpu.memref_squeeze %dma_start3A_313 : memref<1x16x144xf32, #tpu.memory_space<hbm>> -> memref<16x144xf32, #tpu.memory_space<hbm>>
      %dma_start3A_315 = arith.constant 0 : i32
      %dma_start3A_316 = tpu.memref_slice %arg6[%arg0, %add3A_267, %dma_start3A_315] : memref<2x10112x144xf32, #tpu.memory_space<hbm>> -> memref<1x16x144xf32, #tpu.memory_space<hbm>>
      %dma_start3A_317 = tpu.memref_squeeze %dma_start3A_316 : memref<1x16x144xf32, #tpu.memory_space<hbm>> -> memref<16x144xf32, #tpu.memory_space<hbm>>
      %dma_start3A_318 = arith.constant 0 : i32
      %dma_start3A_319 = arith.constant 0 : i32
      %dma_start3A_320 = tpu.memref_slice %arg16[%dma_start3A_318, %dma_start3A_319] : memref<16x144xf32, #tpu.memory_space<vmem>> -> memref<16x144xf32, #tpu.memory_space<vmem>>
      tpu.enqueue_dma source(%dma_start3A_320 : memref<16x144xf32, #tpu.memory_space<vmem>>) target(%dma_start3A_317 : memref<16x144xf32, #tpu.memory_space<hbm>>) target_semaphore(%run_scoped3A_308 : memref<!tpu.dma_semaphore, #tpu.memory_space<semaphore_mem>>)
      %dma_wait3A_321 = arith.constant 0 : i32
      %dma_wait3A_322 = arith.constant 0 : i32
      %dma_wait3A_323 = tpu.memref_slice %arg16[%dma_wait3A_321, %dma_wait3A_322] : memref<16x144xf32, #tpu.memory_space<vmem>> -> memref<16x144xf32, #tpu.memory_space<vmem>>
      %dma_wait3A_324 = arith.constant 0 : i32
      %dma_wait3A_325 = tpu.memref_slice %arg6[%arg0, %add3A_267, %dma_wait3A_324] : memref<2x10112x144xf32, #tpu.memory_space<hbm>> -> memref<1x16x144xf32, #tpu.memory_space<hbm>>
      %dma_wait3A_326 = tpu.memref_squeeze %dma_wait3A_325 : memref<1x16x144xf32, #tpu.memory_space<hbm>> -> memref<16x144xf32, #tpu.memory_space<hbm>>
      %dma_wait3A_327 = arith.constant 0 : i32
      %dma_wait3A_328 = tpu.memref_slice %arg6[%arg0, %add3A_267, %dma_wait3A_327] : memref<2x10112x144xf32, #tpu.memory_space<hbm>> -> memref<1x16x144xf32, #tpu.memory_space<hbm>>
      %dma_wait3A_329 = tpu.memref_squeeze %dma_wait3A_328 : memref<1x16x144xf32, #tpu.memory_space<hbm>> -> memref<16x144xf32, #tpu.memory_space<hbm>>
      %dma_wait3A_330 = arith.constant 0 : i32
      %dma_wait3A_331 = arith.constant 0 : i32
      %dma_wait3A_332 = tpu.memref_slice %arg16[%dma_wait3A_330, %dma_wait3A_331] : memref<16x144xf32, #tpu.memory_space<vmem>> -> memref<16x144xf32, #tpu.memory_space<vmem>>
      tpu.wait_dma2 semaphore(%run_scoped3A_308 : memref<!tpu.dma_semaphore, #tpu.memory_space<semaphore_mem>>) src(%dma_wait3A_332 : memref<16x144xf32, #tpu.memory_space<vmem>>) dst(%dma_wait3A_329 : memref<16x144xf32, #tpu.memory_space<hbm>>)
      tpu.yield
    }) : () -> ()
    %add3A_268 = arith.constant 480 : i32
    %add3A_269 = arith.addi %mul3A_8, %add3A_268 : i32
    "tpu.region"() ({
      %run_scoped3A_308 = tpu.sem_alloc : memref<!tpu.dma_semaphore, #tpu.memory_space<semaphore_mem>>
      %dma_start3A_309 = arith.constant 0 : i32
      %dma_start3A_310 = arith.constant 0 : i32
      %dma_start3A_311 = tpu.memref_slice %arg16[%dma_start3A_309, %dma_start3A_310] : memref<16x144xf32, #tpu.memory_space<vmem>> -> memref<16x144xf32, #tpu.memory_space<vmem>>
      %dma_start3A_312 = arith.constant 0 : i32
      %dma_start3A_313 = tpu.memref_slice %arg7[%add3A_269, %dma_start3A_312] : memref<10112x144xf32, #tpu.memory_space<vmem_shared>> -> memref<16x144xf32, #tpu.memory_space<vmem_shared>>
      %dma_start3A_314 = arith.constant 0 : i32
      %dma_start3A_315 = arith.constant 0 : i32
      %dma_start3A_316 = tpu.memref_slice %arg16[%dma_start3A_314, %dma_start3A_315] : memref<16x144xf32, #tpu.memory_space<vmem>> -> memref<16x144xf32, #tpu.memory_space<vmem>>
      %dma_start3A_317 = arith.constant 0 : i32
      %dma_start3A_318 = tpu.memref_slice %arg7[%add3A_269, %dma_start3A_317] : memref<10112x144xf32, #tpu.memory_space<vmem_shared>> -> memref<16x144xf32, #tpu.memory_space<vmem_shared>>
      tpu.enqueue_dma source(%dma_start3A_318 : memref<16x144xf32, #tpu.memory_space<vmem_shared>>) target(%dma_start3A_316 : memref<16x144xf32, #tpu.memory_space<vmem>>) target_semaphore(%run_scoped3A_308 : memref<!tpu.dma_semaphore, #tpu.memory_space<semaphore_mem>>)
      %dma_wait3A_319 = arith.constant 0 : i32
      %dma_wait3A_320 = arith.constant 0 : i32
      %dma_wait3A_321 = tpu.memref_slice %arg16[%dma_wait3A_319, %dma_wait3A_320] : memref<16x144xf32, #tpu.memory_space<vmem>> -> memref<16x144xf32, #tpu.memory_space<vmem>>
      %dma_wait3A_322 = arith.constant 0 : i32
      %dma_wait3A_323 = tpu.memref_slice %arg7[%add3A_269, %dma_wait3A_322] : memref<10112x144xf32, #tpu.memory_space<vmem_shared>> -> memref<16x144xf32, #tpu.memory_space<vmem_shared>>
      %dma_wait3A_324 = arith.constant 0 : i32
      %dma_wait3A_325 = arith.constant 0 : i32
      %dma_wait3A_326 = tpu.memref_slice %arg16[%dma_wait3A_324, %dma_wait3A_325] : memref<16x144xf32, #tpu.memory_space<vmem>> -> memref<16x144xf32, #tpu.memory_space<vmem>>
      %dma_wait3A_327 = arith.constant 0 : i32
      %dma_wait3A_328 = tpu.memref_slice %arg7[%add3A_269, %dma_wait3A_327] : memref<10112x144xf32, #tpu.memory_space<vmem_shared>> -> memref<16x144xf32, #tpu.memory_space<vmem_shared>>
      tpu.wait_dma2 semaphore(%run_scoped3A_308 : memref<!tpu.dma_semaphore, #tpu.memory_space<semaphore_mem>>) src(%dma_wait3A_328 : memref<16x144xf32, #tpu.memory_space<vmem_shared>>) dst(%dma_wait3A_326 : memref<16x144xf32, #tpu.memory_space<vmem>>)
      tpu.yield
    }) : () -> ()
    %add3A_270 = arith.constant 480 : i32
    %add3A_271 = arith.addi %mul3A_8, %add3A_270 : i32
    "tpu.region"() ({
      %run_scoped3A_308 = tpu.sem_alloc : memref<!tpu.dma_semaphore, #tpu.memory_space<semaphore_mem>>
      %dma_start3A_309 = arith.constant 0 : i32
      %dma_start3A_310 = arith.constant 0 : i32
      %dma_start3A_311 = tpu.memref_slice %arg16[%dma_start3A_309, %dma_start3A_310] : memref<16x144xf32, #tpu.memory_space<vmem>> -> memref<16x144xf32, #tpu.memory_space<vmem>>
      %dma_start3A_312 = arith.constant 0 : i32
      %dma_start3A_313 = tpu.memref_slice %arg6[%arg0, %add3A_271, %dma_start3A_312] : memref<2x10112x144xf32, #tpu.memory_space<hbm>> -> memref<1x16x144xf32, #tpu.memory_space<hbm>>
      %dma_start3A_314 = tpu.memref_squeeze %dma_start3A_313 : memref<1x16x144xf32, #tpu.memory_space<hbm>> -> memref<16x144xf32, #tpu.memory_space<hbm>>
      %dma_start3A_315 = arith.constant 0 : i32
      %dma_start3A_316 = tpu.memref_slice %arg6[%arg0, %add3A_271, %dma_start3A_315] : memref<2x10112x144xf32, #tpu.memory_space<hbm>> -> memref<1x16x144xf32, #tpu.memory_space<hbm>>
      %dma_start3A_317 = tpu.memref_squeeze %dma_start3A_316 : memref<1x16x144xf32, #tpu.memory_space<hbm>> -> memref<16x144xf32, #tpu.memory_space<hbm>>
      %dma_start3A_318 = arith.constant 0 : i32
      %dma_start3A_319 = arith.constant 0 : i32
      %dma_start3A_320 = tpu.memref_slice %arg16[%dma_start3A_318, %dma_start3A_319] : memref<16x144xf32, #tpu.memory_space<vmem>> -> memref<16x144xf32, #tpu.memory_space<vmem>>
      tpu.enqueue_dma source(%dma_start3A_320 : memref<16x144xf32, #tpu.memory_space<vmem>>) target(%dma_start3A_317 : memref<16x144xf32, #tpu.memory_space<hbm>>) target_semaphore(%run_scoped3A_308 : memref<!tpu.dma_semaphore, #tpu.memory_space<semaphore_mem>>)
      %dma_wait3A_321 = arith.constant 0 : i32
      %dma_wait3A_322 = arith.constant 0 : i32
      %dma_wait3A_323 = tpu.memref_slice %arg16[%dma_wait3A_321, %dma_wait3A_322] : memref<16x144xf32, #tpu.memory_space<vmem>> -> memref<16x144xf32, #tpu.memory_space<vmem>>
      %dma_wait3A_324 = arith.constant 0 : i32
      %dma_wait3A_325 = tpu.memref_slice %arg6[%arg0, %add3A_271, %dma_wait3A_324] : memref<2x10112x144xf32, #tpu.memory_space<hbm>> -> memref<1x16x144xf32, #tpu.memory_space<hbm>>
      %dma_wait3A_326 = tpu.memref_squeeze %dma_wait3A_325 : memref<1x16x144xf32, #tpu.memory_space<hbm>> -> memref<16x144xf32, #tpu.memory_space<hbm>>
      %dma_wait3A_327 = arith.constant 0 : i32
      %dma_wait3A_328 = tpu.memref_slice %arg6[%arg0, %add3A_271, %dma_wait3A_327] : memref<2x10112x144xf32, #tpu.memory_space<hbm>> -> memref<1x16x144xf32, #tpu.memory_space<hbm>>
      %dma_wait3A_329 = tpu.memref_squeeze %dma_wait3A_328 : memref<1x16x144xf32, #tpu.memory_space<hbm>> -> memref<16x144xf32, #tpu.memory_space<hbm>>
      %dma_wait3A_330 = arith.constant 0 : i32
      %dma_wait3A_331 = arith.constant 0 : i32
      %dma_wait3A_332 = tpu.memref_slice %arg16[%dma_wait3A_330, %dma_wait3A_331] : memref<16x144xf32, #tpu.memory_space<vmem>> -> memref<16x144xf32, #tpu.memory_space<vmem>>
      tpu.wait_dma2 semaphore(%run_scoped3A_308 : memref<!tpu.dma_semaphore, #tpu.memory_space<semaphore_mem>>) src(%dma_wait3A_332 : memref<16x144xf32, #tpu.memory_space<vmem>>) dst(%dma_wait3A_329 : memref<16x144xf32, #tpu.memory_space<hbm>>)
      tpu.yield
    }) : () -> ()
    %add3A_272 = arith.constant 496 : i32
    %add3A_273 = arith.addi %mul3A_8, %add3A_272 : i32
    "tpu.region"() ({
      %run_scoped3A_308 = tpu.sem_alloc : memref<!tpu.dma_semaphore, #tpu.memory_space<semaphore_mem>>
      %dma_start3A_309 = arith.constant 0 : i32
      %dma_start3A_310 = arith.constant 0 : i32
      %dma_start3A_311 = tpu.memref_slice %arg16[%dma_start3A_309, %dma_start3A_310] : memref<16x144xf32, #tpu.memory_space<vmem>> -> memref<16x144xf32, #tpu.memory_space<vmem>>
      %dma_start3A_312 = arith.constant 0 : i32
      %dma_start3A_313 = tpu.memref_slice %arg7[%add3A_273, %dma_start3A_312] : memref<10112x144xf32, #tpu.memory_space<vmem_shared>> -> memref<16x144xf32, #tpu.memory_space<vmem_shared>>
      %dma_start3A_314 = arith.constant 0 : i32
      %dma_start3A_315 = arith.constant 0 : i32
      %dma_start3A_316 = tpu.memref_slice %arg16[%dma_start3A_314, %dma_start3A_315] : memref<16x144xf32, #tpu.memory_space<vmem>> -> memref<16x144xf32, #tpu.memory_space<vmem>>
      %dma_start3A_317 = arith.constant 0 : i32
      %dma_start3A_318 = tpu.memref_slice %arg7[%add3A_273, %dma_start3A_317] : memref<10112x144xf32, #tpu.memory_space<vmem_shared>> -> memref<16x144xf32, #tpu.memory_space<vmem_shared>>
      tpu.enqueue_dma source(%dma_start3A_318 : memref<16x144xf32, #tpu.memory_space<vmem_shared>>) target(%dma_start3A_316 : memref<16x144xf32, #tpu.memory_space<vmem>>) target_semaphore(%run_scoped3A_308 : memref<!tpu.dma_semaphore, #tpu.memory_space<semaphore_mem>>)
      %dma_wait3A_319 = arith.constant 0 : i32
      %dma_wait3A_320 = arith.constant 0 : i32
      %dma_wait3A_321 = tpu.memref_slice %arg16[%dma_wait3A_319, %dma_wait3A_320] : memref<16x144xf32, #tpu.memory_space<vmem>> -> memref<16x144xf32, #tpu.memory_space<vmem>>
      %dma_wait3A_322 = arith.constant 0 : i32
      %dma_wait3A_323 = tpu.memref_slice %arg7[%add3A_273, %dma_wait3A_322] : memref<10112x144xf32, #tpu.memory_space<vmem_shared>> -> memref<16x144xf32, #tpu.memory_space<vmem_shared>>
      %dma_wait3A_324 = arith.constant 0 : i32
      %dma_wait3A_325 = arith.constant 0 : i32
      %dma_wait3A_326 = tpu.memref_slice %arg16[%dma_wait3A_324, %dma_wait3A_325] : memref<16x144xf32, #tpu.memory_space<vmem>> -> memref<16x144xf32, #tpu.memory_space<vmem>>
      %dma_wait3A_327 = arith.constant 0 : i32
      %dma_wait3A_328 = tpu.memref_slice %arg7[%add3A_273, %dma_wait3A_327] : memref<10112x144xf32, #tpu.memory_space<vmem_shared>> -> memref<16x144xf32, #tpu.memory_space<vmem_shared>>
      tpu.wait_dma2 semaphore(%run_scoped3A_308 : memref<!tpu.dma_semaphore, #tpu.memory_space<semaphore_mem>>) src(%dma_wait3A_328 : memref<16x144xf32, #tpu.memory_space<vmem_shared>>) dst(%dma_wait3A_326 : memref<16x144xf32, #tpu.memory_space<vmem>>)
      tpu.yield
    }) : () -> ()
    %add3A_274 = arith.constant 496 : i32
    %add3A_275 = arith.addi %mul3A_8, %add3A_274 : i32
    "tpu.region"() ({
      %run_scoped3A_308 = tpu.sem_alloc : memref<!tpu.dma_semaphore, #tpu.memory_space<semaphore_mem>>
      %dma_start3A_309 = arith.constant 0 : i32
      %dma_start3A_310 = arith.constant 0 : i32
      %dma_start3A_311 = tpu.memref_slice %arg16[%dma_start3A_309, %dma_start3A_310] : memref<16x144xf32, #tpu.memory_space<vmem>> -> memref<16x144xf32, #tpu.memory_space<vmem>>
      %dma_start3A_312 = arith.constant 0 : i32
      %dma_start3A_313 = tpu.memref_slice %arg6[%arg0, %add3A_275, %dma_start3A_312] : memref<2x10112x144xf32, #tpu.memory_space<hbm>> -> memref<1x16x144xf32, #tpu.memory_space<hbm>>
      %dma_start3A_314 = tpu.memref_squeeze %dma_start3A_313 : memref<1x16x144xf32, #tpu.memory_space<hbm>> -> memref<16x144xf32, #tpu.memory_space<hbm>>
      %dma_start3A_315 = arith.constant 0 : i32
      %dma_start3A_316 = tpu.memref_slice %arg6[%arg0, %add3A_275, %dma_start3A_315] : memref<2x10112x144xf32, #tpu.memory_space<hbm>> -> memref<1x16x144xf32, #tpu.memory_space<hbm>>
      %dma_start3A_317 = tpu.memref_squeeze %dma_start3A_316 : memref<1x16x144xf32, #tpu.memory_space<hbm>> -> memref<16x144xf32, #tpu.memory_space<hbm>>
      %dma_start3A_318 = arith.constant 0 : i32
      %dma_start3A_319 = arith.constant 0 : i32
      %dma_start3A_320 = tpu.memref_slice %arg16[%dma_start3A_318, %dma_start3A_319] : memref<16x144xf32, #tpu.memory_space<vmem>> -> memref<16x144xf32, #tpu.memory_space<vmem>>
      tpu.enqueue_dma source(%dma_start3A_320 : memref<16x144xf32, #tpu.memory_space<vmem>>) target(%dma_start3A_317 : memref<16x144xf32, #tpu.memory_space<hbm>>) target_semaphore(%run_scoped3A_308 : memref<!tpu.dma_semaphore, #tpu.memory_space<semaphore_mem>>)
      %dma_wait3A_321 = arith.constant 0 : i32
      %dma_wait3A_322 = arith.constant 0 : i32
      %dma_wait3A_323 = tpu.memref_slice %arg16[%dma_wait3A_321, %dma_wait3A_322] : memref<16x144xf32, #tpu.memory_space<vmem>> -> memref<16x144xf32, #tpu.memory_space<vmem>>
      %dma_wait3A_324 = arith.constant 0 : i32
      %dma_wait3A_325 = tpu.memref_slice %arg6[%arg0, %add3A_275, %dma_wait3A_324] : memref<2x10112x144xf32, #tpu.memory_space<hbm>> -> memref<1x16x144xf32, #tpu.memory_space<hbm>>
      %dma_wait3A_326 = tpu.memref_squeeze %dma_wait3A_325 : memref<1x16x144xf32, #tpu.memory_space<hbm>> -> memref<16x144xf32, #tpu.memory_space<hbm>>
      %dma_wait3A_327 = arith.constant 0 : i32
      %dma_wait3A_328 = tpu.memref_slice %arg6[%arg0, %add3A_275, %dma_wait3A_327] : memref<2x10112x144xf32, #tpu.memory_space<hbm>> -> memref<1x16x144xf32, #tpu.memory_space<hbm>>
      %dma_wait3A_329 = tpu.memref_squeeze %dma_wait3A_328 : memref<1x16x144xf32, #tpu.memory_space<hbm>> -> memref<16x144xf32, #tpu.memory_space<hbm>>
      %dma_wait3A_330 = arith.constant 0 : i32
      %dma_wait3A_331 = arith.constant 0 : i32
      %dma_wait3A_332 = tpu.memref_slice %arg16[%dma_wait3A_330, %dma_wait3A_331] : memref<16x144xf32, #tpu.memory_space<vmem>> -> memref<16x144xf32, #tpu.memory_space<vmem>>
      tpu.wait_dma2 semaphore(%run_scoped3A_308 : memref<!tpu.dma_semaphore, #tpu.memory_space<semaphore_mem>>) src(%dma_wait3A_332 : memref<16x144xf32, #tpu.memory_space<vmem>>) dst(%dma_wait3A_329 : memref<16x144xf32, #tpu.memory_space<hbm>>)
      tpu.yield
    }) : () -> ()
    %add3A_276 = arith.constant 512 : i32
    %add3A_277 = arith.addi %mul3A_8, %add3A_276 : i32
    "tpu.region"() ({
      %run_scoped3A_308 = tpu.sem_alloc : memref<!tpu.dma_semaphore, #tpu.memory_space<semaphore_mem>>
      %dma_start3A_309 = arith.constant 0 : i32
      %dma_start3A_310 = arith.constant 0 : i32
      %dma_start3A_311 = tpu.memref_slice %arg16[%dma_start3A_309, %dma_start3A_310] : memref<16x144xf32, #tpu.memory_space<vmem>> -> memref<16x144xf32, #tpu.memory_space<vmem>>
      %dma_start3A_312 = arith.constant 0 : i32
      %dma_start3A_313 = tpu.memref_slice %arg7[%add3A_277, %dma_start3A_312] : memref<10112x144xf32, #tpu.memory_space<vmem_shared>> -> memref<16x144xf32, #tpu.memory_space<vmem_shared>>
      %dma_start3A_314 = arith.constant 0 : i32
      %dma_start3A_315 = arith.constant 0 : i32
      %dma_start3A_316 = tpu.memref_slice %arg16[%dma_start3A_314, %dma_start3A_315] : memref<16x144xf32, #tpu.memory_space<vmem>> -> memref<16x144xf32, #tpu.memory_space<vmem>>
      %dma_start3A_317 = arith.constant 0 : i32
      %dma_start3A_318 = tpu.memref_slice %arg7[%add3A_277, %dma_start3A_317] : memref<10112x144xf32, #tpu.memory_space<vmem_shared>> -> memref<16x144xf32, #tpu.memory_space<vmem_shared>>
      tpu.enqueue_dma source(%dma_start3A_318 : memref<16x144xf32, #tpu.memory_space<vmem_shared>>) target(%dma_start3A_316 : memref<16x144xf32, #tpu.memory_space<vmem>>) target_semaphore(%run_scoped3A_308 : memref<!tpu.dma_semaphore, #tpu.memory_space<semaphore_mem>>)
      %dma_wait3A_319 = arith.constant 0 : i32
      %dma_wait3A_320 = arith.constant 0 : i32
      %dma_wait3A_321 = tpu.memref_slice %arg16[%dma_wait3A_319, %dma_wait3A_320] : memref<16x144xf32, #tpu.memory_space<vmem>> -> memref<16x144xf32, #tpu.memory_space<vmem>>
      %dma_wait3A_322 = arith.constant 0 : i32
      %dma_wait3A_323 = tpu.memref_slice %arg7[%add3A_277, %dma_wait3A_322] : memref<10112x144xf32, #tpu.memory_space<vmem_shared>> -> memref<16x144xf32, #tpu.memory_space<vmem_shared>>
      %dma_wait3A_324 = arith.constant 0 : i32
      %dma_wait3A_325 = arith.constant 0 : i32
      %dma_wait3A_326 = tpu.memref_slice %arg16[%dma_wait3A_324, %dma_wait3A_325] : memref<16x144xf32, #tpu.memory_space<vmem>> -> memref<16x144xf32, #tpu.memory_space<vmem>>
      %dma_wait3A_327 = arith.constant 0 : i32
      %dma_wait3A_328 = tpu.memref_slice %arg7[%add3A_277, %dma_wait3A_327] : memref<10112x144xf32, #tpu.memory_space<vmem_shared>> -> memref<16x144xf32, #tpu.memory_space<vmem_shared>>
      tpu.wait_dma2 semaphore(%run_scoped3A_308 : memref<!tpu.dma_semaphore, #tpu.memory_space<semaphore_mem>>) src(%dma_wait3A_328 : memref<16x144xf32, #tpu.memory_space<vmem_shared>>) dst(%dma_wait3A_326 : memref<16x144xf32, #tpu.memory_space<vmem>>)
      tpu.yield
    }) : () -> ()
    %add3A_278 = arith.constant 512 : i32
    %add3A_279 = arith.addi %mul3A_8, %add3A_278 : i32
    "tpu.region"() ({
      %run_scoped3A_308 = tpu.sem_alloc : memref<!tpu.dma_semaphore, #tpu.memory_space<semaphore_mem>>
      %dma_start3A_309 = arith.constant 0 : i32
      %dma_start3A_310 = arith.constant 0 : i32
      %dma_start3A_311 = tpu.memref_slice %arg16[%dma_start3A_309, %dma_start3A_310] : memref<16x144xf32, #tpu.memory_space<vmem>> -> memref<16x144xf32, #tpu.memory_space<vmem>>
      %dma_start3A_312 = arith.constant 0 : i32
      %dma_start3A_313 = tpu.memref_slice %arg6[%arg0, %add3A_279, %dma_start3A_312] : memref<2x10112x144xf32, #tpu.memory_space<hbm>> -> memref<1x16x144xf32, #tpu.memory_space<hbm>>
      %dma_start3A_314 = tpu.memref_squeeze %dma_start3A_313 : memref<1x16x144xf32, #tpu.memory_space<hbm>> -> memref<16x144xf32, #tpu.memory_space<hbm>>
      %dma_start3A_315 = arith.constant 0 : i32
      %dma_start3A_316 = tpu.memref_slice %arg6[%arg0, %add3A_279, %dma_start3A_315] : memref<2x10112x144xf32, #tpu.memory_space<hbm>> -> memref<1x16x144xf32, #tpu.memory_space<hbm>>
      %dma_start3A_317 = tpu.memref_squeeze %dma_start3A_316 : memref<1x16x144xf32, #tpu.memory_space<hbm>> -> memref<16x144xf32, #tpu.memory_space<hbm>>
      %dma_start3A_318 = arith.constant 0 : i32
      %dma_start3A_319 = arith.constant 0 : i32
      %dma_start3A_320 = tpu.memref_slice %arg16[%dma_start3A_318, %dma_start3A_319] : memref<16x144xf32, #tpu.memory_space<vmem>> -> memref<16x144xf32, #tpu.memory_space<vmem>>
      tpu.enqueue_dma source(%dma_start3A_320 : memref<16x144xf32, #tpu.memory_space<vmem>>) target(%dma_start3A_317 : memref<16x144xf32, #tpu.memory_space<hbm>>) target_semaphore(%run_scoped3A_308 : memref<!tpu.dma_semaphore, #tpu.memory_space<semaphore_mem>>)
      %dma_wait3A_321 = arith.constant 0 : i32
      %dma_wait3A_322 = arith.constant 0 : i32
      %dma_wait3A_323 = tpu.memref_slice %arg16[%dma_wait3A_321, %dma_wait3A_322] : memref<16x144xf32, #tpu.memory_space<vmem>> -> memref<16x144xf32, #tpu.memory_space<vmem>>
      %dma_wait3A_324 = arith.constant 0 : i32
      %dma_wait3A_325 = tpu.memref_slice %arg6[%arg0, %add3A_279, %dma_wait3A_324] : memref<2x10112x144xf32, #tpu.memory_space<hbm>> -> memref<1x16x144xf32, #tpu.memory_space<hbm>>
      %dma_wait3A_326 = tpu.memref_squeeze %dma_wait3A_325 : memref<1x16x144xf32, #tpu.memory_space<hbm>> -> memref<16x144xf32, #tpu.memory_space<hbm>>
      %dma_wait3A_327 = arith.constant 0 : i32
      %dma_wait3A_328 = tpu.memref_slice %arg6[%arg0, %add3A_279, %dma_wait3A_327] : memref<2x10112x144xf32, #tpu.memory_space<hbm>> -> memref<1x16x144xf32, #tpu.memory_space<hbm>>
      %dma_wait3A_329 = tpu.memref_squeeze %dma_wait3A_328 : memref<1x16x144xf32, #tpu.memory_space<hbm>> -> memref<16x144xf32, #tpu.memory_space<hbm>>
      %dma_wait3A_330 = arith.constant 0 : i32
      %dma_wait3A_331 = arith.constant 0 : i32
      %dma_wait3A_332 = tpu.memref_slice %arg16[%dma_wait3A_330, %dma_wait3A_331] : memref<16x144xf32, #tpu.memory_space<vmem>> -> memref<16x144xf32, #tpu.memory_space<vmem>>
      tpu.wait_dma2 semaphore(%run_scoped3A_308 : memref<!tpu.dma_semaphore, #tpu.memory_space<semaphore_mem>>) src(%dma_wait3A_332 : memref<16x144xf32, #tpu.memory_space<vmem>>) dst(%dma_wait3A_329 : memref<16x144xf32, #tpu.memory_space<hbm>>)
      tpu.yield
    }) : () -> ()
    %add3A_280 = arith.constant 528 : i32
    %add3A_281 = arith.addi %mul3A_8, %add3A_280 : i32
    "tpu.region"() ({
      %run_scoped3A_308 = tpu.sem_alloc : memref<!tpu.dma_semaphore, #tpu.memory_space<semaphore_mem>>
      %dma_start3A_309 = arith.constant 0 : i32
      %dma_start3A_310 = arith.constant 0 : i32
      %dma_start3A_311 = tpu.memref_slice %arg16[%dma_start3A_309, %dma_start3A_310] : memref<16x144xf32, #tpu.memory_space<vmem>> -> memref<16x144xf32, #tpu.memory_space<vmem>>
      %dma_start3A_312 = arith.constant 0 : i32
      %dma_start3A_313 = tpu.memref_slice %arg7[%add3A_281, %dma_start3A_312] : memref<10112x144xf32, #tpu.memory_space<vmem_shared>> -> memref<16x144xf32, #tpu.memory_space<vmem_shared>>
      %dma_start3A_314 = arith.constant 0 : i32
      %dma_start3A_315 = arith.constant 0 : i32
      %dma_start3A_316 = tpu.memref_slice %arg16[%dma_start3A_314, %dma_start3A_315] : memref<16x144xf32, #tpu.memory_space<vmem>> -> memref<16x144xf32, #tpu.memory_space<vmem>>
      %dma_start3A_317 = arith.constant 0 : i32
      %dma_start3A_318 = tpu.memref_slice %arg7[%add3A_281, %dma_start3A_317] : memref<10112x144xf32, #tpu.memory_space<vmem_shared>> -> memref<16x144xf32, #tpu.memory_space<vmem_shared>>
      tpu.enqueue_dma source(%dma_start3A_318 : memref<16x144xf32, #tpu.memory_space<vmem_shared>>) target(%dma_start3A_316 : memref<16x144xf32, #tpu.memory_space<vmem>>) target_semaphore(%run_scoped3A_308 : memref<!tpu.dma_semaphore, #tpu.memory_space<semaphore_mem>>)
      %dma_wait3A_319 = arith.constant 0 : i32
      %dma_wait3A_320 = arith.constant 0 : i32
      %dma_wait3A_321 = tpu.memref_slice %arg16[%dma_wait3A_319, %dma_wait3A_320] : memref<16x144xf32, #tpu.memory_space<vmem>> -> memref<16x144xf32, #tpu.memory_space<vmem>>
      %dma_wait3A_322 = arith.constant 0 : i32
      %dma_wait3A_323 = tpu.memref_slice %arg7[%add3A_281, %dma_wait3A_322] : memref<10112x144xf32, #tpu.memory_space<vmem_shared>> -> memref<16x144xf32, #tpu.memory_space<vmem_shared>>
      %dma_wait3A_324 = arith.constant 0 : i32
      %dma_wait3A_325 = arith.constant 0 : i32
      %dma_wait3A_326 = tpu.memref_slice %arg16[%dma_wait3A_324, %dma_wait3A_325] : memref<16x144xf32, #tpu.memory_space<vmem>> -> memref<16x144xf32, #tpu.memory_space<vmem>>
      %dma_wait3A_327 = arith.constant 0 : i32
      %dma_wait3A_328 = tpu.memref_slice %arg7[%add3A_281, %dma_wait3A_327] : memref<10112x144xf32, #tpu.memory_space<vmem_shared>> -> memref<16x144xf32, #tpu.memory_space<vmem_shared>>
      tpu.wait_dma2 semaphore(%run_scoped3A_308 : memref<!tpu.dma_semaphore, #tpu.memory_space<semaphore_mem>>) src(%dma_wait3A_328 : memref<16x144xf32, #tpu.memory_space<vmem_shared>>) dst(%dma_wait3A_326 : memref<16x144xf32, #tpu.memory_space<vmem>>)
      tpu.yield
    }) : () -> ()
    %add3A_282 = arith.constant 528 : i32
    %add3A_283 = arith.addi %mul3A_8, %add3A_282 : i32
    "tpu.region"() ({
      %run_scoped3A_308 = tpu.sem_alloc : memref<!tpu.dma_semaphore, #tpu.memory_space<semaphore_mem>>
      %dma_start3A_309 = arith.constant 0 : i32
      %dma_start3A_310 = arith.constant 0 : i32
      %dma_start3A_311 = tpu.memref_slice %arg16[%dma_start3A_309, %dma_start3A_310] : memref<16x144xf32, #tpu.memory_space<vmem>> -> memref<16x144xf32, #tpu.memory_space<vmem>>
      %dma_start3A_312 = arith.constant 0 : i32
      %dma_start3A_313 = tpu.memref_slice %arg6[%arg0, %add3A_283, %dma_start3A_312] : memref<2x10112x144xf32, #tpu.memory_space<hbm>> -> memref<1x16x144xf32, #tpu.memory_space<hbm>>
      %dma_start3A_314 = tpu.memref_squeeze %dma_start3A_313 : memref<1x16x144xf32, #tpu.memory_space<hbm>> -> memref<16x144xf32, #tpu.memory_space<hbm>>
      %dma_start3A_315 = arith.constant 0 : i32
      %dma_start3A_316 = tpu.memref_slice %arg6[%arg0, %add3A_283, %dma_start3A_315] : memref<2x10112x144xf32, #tpu.memory_space<hbm>> -> memref<1x16x144xf32, #tpu.memory_space<hbm>>
      %dma_start3A_317 = tpu.memref_squeeze %dma_start3A_316 : memref<1x16x144xf32, #tpu.memory_space<hbm>> -> memref<16x144xf32, #tpu.memory_space<hbm>>
      %dma_start3A_318 = arith.constant 0 : i32
      %dma_start3A_319 = arith.constant 0 : i32
      %dma_start3A_320 = tpu.memref_slice %arg16[%dma_start3A_318, %dma_start3A_319] : memref<16x144xf32, #tpu.memory_space<vmem>> -> memref<16x144xf32, #tpu.memory_space<vmem>>
      tpu.enqueue_dma source(%dma_start3A_320 : memref<16x144xf32, #tpu.memory_space<vmem>>) target(%dma_start3A_317 : memref<16x144xf32, #tpu.memory_space<hbm>>) target_semaphore(%run_scoped3A_308 : memref<!tpu.dma_semaphore, #tpu.memory_space<semaphore_mem>>)
      %dma_wait3A_321 = arith.constant 0 : i32
      %dma_wait3A_322 = arith.constant 0 : i32
      %dma_wait3A_323 = tpu.memref_slice %arg16[%dma_wait3A_321, %dma_wait3A_322] : memref<16x144xf32, #tpu.memory_space<vmem>> -> memref<16x144xf32, #tpu.memory_space<vmem>>
      %dma_wait3A_324 = arith.constant 0 : i32
      %dma_wait3A_325 = tpu.memref_slice %arg6[%arg0, %add3A_283, %dma_wait3A_324] : memref<2x10112x144xf32, #tpu.memory_space<hbm>> -> memref<1x16x144xf32, #tpu.memory_space<hbm>>
      %dma_wait3A_326 = tpu.memref_squeeze %dma_wait3A_325 : memref<1x16x144xf32, #tpu.memory_space<hbm>> -> memref<16x144xf32, #tpu.memory_space<hbm>>
      %dma_wait3A_327 = arith.constant 0 : i32
      %dma_wait3A_328 = tpu.memref_slice %arg6[%arg0, %add3A_283, %dma_wait3A_327] : memref<2x10112x144xf32, #tpu.memory_space<hbm>> -> memref<1x16x144xf32, #tpu.memory_space<hbm>>
      %dma_wait3A_329 = tpu.memref_squeeze %dma_wait3A_328 : memref<1x16x144xf32, #tpu.memory_space<hbm>> -> memref<16x144xf32, #tpu.memory_space<hbm>>
      %dma_wait3A_330 = arith.constant 0 : i32
      %dma_wait3A_331 = arith.constant 0 : i32
      %dma_wait3A_332 = tpu.memref_slice %arg16[%dma_wait3A_330, %dma_wait3A_331] : memref<16x144xf32, #tpu.memory_space<vmem>> -> memref<16x144xf32, #tpu.memory_space<vmem>>
      tpu.wait_dma2 semaphore(%run_scoped3A_308 : memref<!tpu.dma_semaphore, #tpu.memory_space<semaphore_mem>>) src(%dma_wait3A_332 : memref<16x144xf32, #tpu.memory_space<vmem>>) dst(%dma_wait3A_329 : memref<16x144xf32, #tpu.memory_space<hbm>>)
      tpu.yield
    }) : () -> ()
    %add3A_284 = arith.constant 544 : i32
    %add3A_285 = arith.addi %mul3A_8, %add3A_284 : i32
    "tpu.region"() ({
      %run_scoped3A_308 = tpu.sem_alloc : memref<!tpu.dma_semaphore, #tpu.memory_space<semaphore_mem>>
      %dma_start3A_309 = arith.constant 0 : i32
      %dma_start3A_310 = arith.constant 0 : i32
      %dma_start3A_311 = tpu.memref_slice %arg16[%dma_start3A_309, %dma_start3A_310] : memref<16x144xf32, #tpu.memory_space<vmem>> -> memref<16x144xf32, #tpu.memory_space<vmem>>
      %dma_start3A_312 = arith.constant 0 : i32
      %dma_start3A_313 = tpu.memref_slice %arg7[%add3A_285, %dma_start3A_312] : memref<10112x144xf32, #tpu.memory_space<vmem_shared>> -> memref<16x144xf32, #tpu.memory_space<vmem_shared>>
      %dma_start3A_314 = arith.constant 0 : i32
      %dma_start3A_315 = arith.constant 0 : i32
      %dma_start3A_316 = tpu.memref_slice %arg16[%dma_start3A_314, %dma_start3A_315] : memref<16x144xf32, #tpu.memory_space<vmem>> -> memref<16x144xf32, #tpu.memory_space<vmem>>
      %dma_start3A_317 = arith.constant 0 : i32
      %dma_start3A_318 = tpu.memref_slice %arg7[%add3A_285, %dma_start3A_317] : memref<10112x144xf32, #tpu.memory_space<vmem_shared>> -> memref<16x144xf32, #tpu.memory_space<vmem_shared>>
      tpu.enqueue_dma source(%dma_start3A_318 : memref<16x144xf32, #tpu.memory_space<vmem_shared>>) target(%dma_start3A_316 : memref<16x144xf32, #tpu.memory_space<vmem>>) target_semaphore(%run_scoped3A_308 : memref<!tpu.dma_semaphore, #tpu.memory_space<semaphore_mem>>)
      %dma_wait3A_319 = arith.constant 0 : i32
      %dma_wait3A_320 = arith.constant 0 : i32
      %dma_wait3A_321 = tpu.memref_slice %arg16[%dma_wait3A_319, %dma_wait3A_320] : memref<16x144xf32, #tpu.memory_space<vmem>> -> memref<16x144xf32, #tpu.memory_space<vmem>>
      %dma_wait3A_322 = arith.constant 0 : i32
      %dma_wait3A_323 = tpu.memref_slice %arg7[%add3A_285, %dma_wait3A_322] : memref<10112x144xf32, #tpu.memory_space<vmem_shared>> -> memref<16x144xf32, #tpu.memory_space<vmem_shared>>
      %dma_wait3A_324 = arith.constant 0 : i32
      %dma_wait3A_325 = arith.constant 0 : i32
      %dma_wait3A_326 = tpu.memref_slice %arg16[%dma_wait3A_324, %dma_wait3A_325] : memref<16x144xf32, #tpu.memory_space<vmem>> -> memref<16x144xf32, #tpu.memory_space<vmem>>
      %dma_wait3A_327 = arith.constant 0 : i32
      %dma_wait3A_328 = tpu.memref_slice %arg7[%add3A_285, %dma_wait3A_327] : memref<10112x144xf32, #tpu.memory_space<vmem_shared>> -> memref<16x144xf32, #tpu.memory_space<vmem_shared>>
      tpu.wait_dma2 semaphore(%run_scoped3A_308 : memref<!tpu.dma_semaphore, #tpu.memory_space<semaphore_mem>>) src(%dma_wait3A_328 : memref<16x144xf32, #tpu.memory_space<vmem_shared>>) dst(%dma_wait3A_326 : memref<16x144xf32, #tpu.memory_space<vmem>>)
      tpu.yield
    }) : () -> ()
    %add3A_286 = arith.constant 544 : i32
    %add3A_287 = arith.addi %mul3A_8, %add3A_286 : i32
    "tpu.region"() ({
      %run_scoped3A_308 = tpu.sem_alloc : memref<!tpu.dma_semaphore, #tpu.memory_space<semaphore_mem>>
      %dma_start3A_309 = arith.constant 0 : i32
      %dma_start3A_310 = arith.constant 0 : i32
      %dma_start3A_311 = tpu.memref_slice %arg16[%dma_start3A_309, %dma_start3A_310] : memref<16x144xf32, #tpu.memory_space<vmem>> -> memref<16x144xf32, #tpu.memory_space<vmem>>
      %dma_start3A_312 = arith.constant 0 : i32
      %dma_start3A_313 = tpu.memref_slice %arg6[%arg0, %add3A_287, %dma_start3A_312] : memref<2x10112x144xf32, #tpu.memory_space<hbm>> -> memref<1x16x144xf32, #tpu.memory_space<hbm>>
      %dma_start3A_314 = tpu.memref_squeeze %dma_start3A_313 : memref<1x16x144xf32, #tpu.memory_space<hbm>> -> memref<16x144xf32, #tpu.memory_space<hbm>>
      %dma_start3A_315 = arith.constant 0 : i32
      %dma_start3A_316 = tpu.memref_slice %arg6[%arg0, %add3A_287, %dma_start3A_315] : memref<2x10112x144xf32, #tpu.memory_space<hbm>> -> memref<1x16x144xf32, #tpu.memory_space<hbm>>
      %dma_start3A_317 = tpu.memref_squeeze %dma_start3A_316 : memref<1x16x144xf32, #tpu.memory_space<hbm>> -> memref<16x144xf32, #tpu.memory_space<hbm>>
      %dma_start3A_318 = arith.constant 0 : i32
      %dma_start3A_319 = arith.constant 0 : i32
      %dma_start3A_320 = tpu.memref_slice %arg16[%dma_start3A_318, %dma_start3A_319] : memref<16x144xf32, #tpu.memory_space<vmem>> -> memref<16x144xf32, #tpu.memory_space<vmem>>
      tpu.enqueue_dma source(%dma_start3A_320 : memref<16x144xf32, #tpu.memory_space<vmem>>) target(%dma_start3A_317 : memref<16x144xf32, #tpu.memory_space<hbm>>) target_semaphore(%run_scoped3A_308 : memref<!tpu.dma_semaphore, #tpu.memory_space<semaphore_mem>>)
      %dma_wait3A_321 = arith.constant 0 : i32
      %dma_wait3A_322 = arith.constant 0 : i32
      %dma_wait3A_323 = tpu.memref_slice %arg16[%dma_wait3A_321, %dma_wait3A_322] : memref<16x144xf32, #tpu.memory_space<vmem>> -> memref<16x144xf32, #tpu.memory_space<vmem>>
      %dma_wait3A_324 = arith.constant 0 : i32
      %dma_wait3A_325 = tpu.memref_slice %arg6[%arg0, %add3A_287, %dma_wait3A_324] : memref<2x10112x144xf32, #tpu.memory_space<hbm>> -> memref<1x16x144xf32, #tpu.memory_space<hbm>>
      %dma_wait3A_326 = tpu.memref_squeeze %dma_wait3A_325 : memref<1x16x144xf32, #tpu.memory_space<hbm>> -> memref<16x144xf32, #tpu.memory_space<hbm>>
      %dma_wait3A_327 = arith.constant 0 : i32
      %dma_wait3A_328 = tpu.memref_slice %arg6[%arg0, %add3A_287, %dma_wait3A_327] : memref<2x10112x144xf32, #tpu.memory_space<hbm>> -> memref<1x16x144xf32, #tpu.memory_space<hbm>>
      %dma_wait3A_329 = tpu.memref_squeeze %dma_wait3A_328 : memref<1x16x144xf32, #tpu.memory_space<hbm>> -> memref<16x144xf32, #tpu.memory_space<hbm>>
      %dma_wait3A_330 = arith.constant 0 : i32
      %dma_wait3A_331 = arith.constant 0 : i32
      %dma_wait3A_332 = tpu.memref_slice %arg16[%dma_wait3A_330, %dma_wait3A_331] : memref<16x144xf32, #tpu.memory_space<vmem>> -> memref<16x144xf32, #tpu.memory_space<vmem>>
      tpu.wait_dma2 semaphore(%run_scoped3A_308 : memref<!tpu.dma_semaphore, #tpu.memory_space<semaphore_mem>>) src(%dma_wait3A_332 : memref<16x144xf32, #tpu.memory_space<vmem>>) dst(%dma_wait3A_329 : memref<16x144xf32, #tpu.memory_space<hbm>>)
      tpu.yield
    }) : () -> ()
    %add3A_288 = arith.constant 560 : i32
    %add3A_289 = arith.addi %mul3A_8, %add3A_288 : i32
    "tpu.region"() ({
      %run_scoped3A_308 = tpu.sem_alloc : memref<!tpu.dma_semaphore, #tpu.memory_space<semaphore_mem>>
      %dma_start3A_309 = arith.constant 0 : i32
      %dma_start3A_310 = arith.constant 0 : i32
      %dma_start3A_311 = tpu.memref_slice %arg16[%dma_start3A_309, %dma_start3A_310] : memref<16x144xf32, #tpu.memory_space<vmem>> -> memref<16x144xf32, #tpu.memory_space<vmem>>
      %dma_start3A_312 = arith.constant 0 : i32
      %dma_start3A_313 = tpu.memref_slice %arg7[%add3A_289, %dma_start3A_312] : memref<10112x144xf32, #tpu.memory_space<vmem_shared>> -> memref<16x144xf32, #tpu.memory_space<vmem_shared>>
      %dma_start3A_314 = arith.constant 0 : i32
      %dma_start3A_315 = arith.constant 0 : i32
      %dma_start3A_316 = tpu.memref_slice %arg16[%dma_start3A_314, %dma_start3A_315] : memref<16x144xf32, #tpu.memory_space<vmem>> -> memref<16x144xf32, #tpu.memory_space<vmem>>
      %dma_start3A_317 = arith.constant 0 : i32
      %dma_start3A_318 = tpu.memref_slice %arg7[%add3A_289, %dma_start3A_317] : memref<10112x144xf32, #tpu.memory_space<vmem_shared>> -> memref<16x144xf32, #tpu.memory_space<vmem_shared>>
      tpu.enqueue_dma source(%dma_start3A_318 : memref<16x144xf32, #tpu.memory_space<vmem_shared>>) target(%dma_start3A_316 : memref<16x144xf32, #tpu.memory_space<vmem>>) target_semaphore(%run_scoped3A_308 : memref<!tpu.dma_semaphore, #tpu.memory_space<semaphore_mem>>)
      %dma_wait3A_319 = arith.constant 0 : i32
      %dma_wait3A_320 = arith.constant 0 : i32
      %dma_wait3A_321 = tpu.memref_slice %arg16[%dma_wait3A_319, %dma_wait3A_320] : memref<16x144xf32, #tpu.memory_space<vmem>> -> memref<16x144xf32, #tpu.memory_space<vmem>>
      %dma_wait3A_322 = arith.constant 0 : i32
      %dma_wait3A_323 = tpu.memref_slice %arg7[%add3A_289, %dma_wait3A_322] : memref<10112x144xf32, #tpu.memory_space<vmem_shared>> -> memref<16x144xf32, #tpu.memory_space<vmem_shared>>
      %dma_wait3A_324 = arith.constant 0 : i32
      %dma_wait3A_325 = arith.constant 0 : i32
      %dma_wait3A_326 = tpu.memref_slice %arg16[%dma_wait3A_324, %dma_wait3A_325] : memref<16x144xf32, #tpu.memory_space<vmem>> -> memref<16x144xf32, #tpu.memory_space<vmem>>
      %dma_wait3A_327 = arith.constant 0 : i32
      %dma_wait3A_328 = tpu.memref_slice %arg7[%add3A_289, %dma_wait3A_327] : memref<10112x144xf32, #tpu.memory_space<vmem_shared>> -> memref<16x144xf32, #tpu.memory_space<vmem_shared>>
      tpu.wait_dma2 semaphore(%run_scoped3A_308 : memref<!tpu.dma_semaphore, #tpu.memory_space<semaphore_mem>>) src(%dma_wait3A_328 : memref<16x144xf32, #tpu.memory_space<vmem_shared>>) dst(%dma_wait3A_326 : memref<16x144xf32, #tpu.memory_space<vmem>>)
      tpu.yield
    }) : () -> ()
    %add3A_290 = arith.constant 560 : i32
    %add3A_291 = arith.addi %mul3A_8, %add3A_290 : i32
    "tpu.region"() ({
      %run_scoped3A_308 = tpu.sem_alloc : memref<!tpu.dma_semaphore, #tpu.memory_space<semaphore_mem>>
      %dma_start3A_309 = arith.constant 0 : i32
      %dma_start3A_310 = arith.constant 0 : i32
      %dma_start3A_311 = tpu.memref_slice %arg16[%dma_start3A_309, %dma_start3A_310] : memref<16x144xf32, #tpu.memory_space<vmem>> -> memref<16x144xf32, #tpu.memory_space<vmem>>
      %dma_start3A_312 = arith.constant 0 : i32
      %dma_start3A_313 = tpu.memref_slice %arg6[%arg0, %add3A_291, %dma_start3A_312] : memref<2x10112x144xf32, #tpu.memory_space<hbm>> -> memref<1x16x144xf32, #tpu.memory_space<hbm>>
      %dma_start3A_314 = tpu.memref_squeeze %dma_start3A_313 : memref<1x16x144xf32, #tpu.memory_space<hbm>> -> memref<16x144xf32, #tpu.memory_space<hbm>>
      %dma_start3A_315 = arith.constant 0 : i32
      %dma_start3A_316 = tpu.memref_slice %arg6[%arg0, %add3A_291, %dma_start3A_315] : memref<2x10112x144xf32, #tpu.memory_space<hbm>> -> memref<1x16x144xf32, #tpu.memory_space<hbm>>
      %dma_start3A_317 = tpu.memref_squeeze %dma_start3A_316 : memref<1x16x144xf32, #tpu.memory_space<hbm>> -> memref<16x144xf32, #tpu.memory_space<hbm>>
      %dma_start3A_318 = arith.constant 0 : i32
      %dma_start3A_319 = arith.constant 0 : i32
      %dma_start3A_320 = tpu.memref_slice %arg16[%dma_start3A_318, %dma_start3A_319] : memref<16x144xf32, #tpu.memory_space<vmem>> -> memref<16x144xf32, #tpu.memory_space<vmem>>
      tpu.enqueue_dma source(%dma_start3A_320 : memref<16x144xf32, #tpu.memory_space<vmem>>) target(%dma_start3A_317 : memref<16x144xf32, #tpu.memory_space<hbm>>) target_semaphore(%run_scoped3A_308 : memref<!tpu.dma_semaphore, #tpu.memory_space<semaphore_mem>>)
      %dma_wait3A_321 = arith.constant 0 : i32
      %dma_wait3A_322 = arith.constant 0 : i32
      %dma_wait3A_323 = tpu.memref_slice %arg16[%dma_wait3A_321, %dma_wait3A_322] : memref<16x144xf32, #tpu.memory_space<vmem>> -> memref<16x144xf32, #tpu.memory_space<vmem>>
      %dma_wait3A_324 = arith.constant 0 : i32
      %dma_wait3A_325 = tpu.memref_slice %arg6[%arg0, %add3A_291, %dma_wait3A_324] : memref<2x10112x144xf32, #tpu.memory_space<hbm>> -> memref<1x16x144xf32, #tpu.memory_space<hbm>>
      %dma_wait3A_326 = tpu.memref_squeeze %dma_wait3A_325 : memref<1x16x144xf32, #tpu.memory_space<hbm>> -> memref<16x144xf32, #tpu.memory_space<hbm>>
      %dma_wait3A_327 = arith.constant 0 : i32
      %dma_wait3A_328 = tpu.memref_slice %arg6[%arg0, %add3A_291, %dma_wait3A_327] : memref<2x10112x144xf32, #tpu.memory_space<hbm>> -> memref<1x16x144xf32, #tpu.memory_space<hbm>>
      %dma_wait3A_329 = tpu.memref_squeeze %dma_wait3A_328 : memref<1x16x144xf32, #tpu.memory_space<hbm>> -> memref<16x144xf32, #tpu.memory_space<hbm>>
      %dma_wait3A_330 = arith.constant 0 : i32
      %dma_wait3A_331 = arith.constant 0 : i32
      %dma_wait3A_332 = tpu.memref_slice %arg16[%dma_wait3A_330, %dma_wait3A_331] : memref<16x144xf32, #tpu.memory_space<vmem>> -> memref<16x144xf32, #tpu.memory_space<vmem>>
      tpu.wait_dma2 semaphore(%run_scoped3A_308 : memref<!tpu.dma_semaphore, #tpu.memory_space<semaphore_mem>>) src(%dma_wait3A_332 : memref<16x144xf32, #tpu.memory_space<vmem>>) dst(%dma_wait3A_329 : memref<16x144xf32, #tpu.memory_space<hbm>>)
      tpu.yield
    }) : () -> ()
    %add3A_292 = arith.constant 576 : i32
    %add3A_293 = arith.addi %mul3A_8, %add3A_292 : i32
    "tpu.region"() ({
      %run_scoped3A_308 = tpu.sem_alloc : memref<!tpu.dma_semaphore, #tpu.memory_space<semaphore_mem>>
      %dma_start3A_309 = arith.constant 0 : i32
      %dma_start3A_310 = arith.constant 0 : i32
      %dma_start3A_311 = tpu.memref_slice %arg16[%dma_start3A_309, %dma_start3A_310] : memref<16x144xf32, #tpu.memory_space<vmem>> -> memref<16x144xf32, #tpu.memory_space<vmem>>
      %dma_start3A_312 = arith.constant 0 : i32
      %dma_start3A_313 = tpu.memref_slice %arg7[%add3A_293, %dma_start3A_312] : memref<10112x144xf32, #tpu.memory_space<vmem_shared>> -> memref<16x144xf32, #tpu.memory_space<vmem_shared>>
      %dma_start3A_314 = arith.constant 0 : i32
      %dma_start3A_315 = arith.constant 0 : i32
      %dma_start3A_316 = tpu.memref_slice %arg16[%dma_start3A_314, %dma_start3A_315] : memref<16x144xf32, #tpu.memory_space<vmem>> -> memref<16x144xf32, #tpu.memory_space<vmem>>
      %dma_start3A_317 = arith.constant 0 : i32
      %dma_start3A_318 = tpu.memref_slice %arg7[%add3A_293, %dma_start3A_317] : memref<10112x144xf32, #tpu.memory_space<vmem_shared>> -> memref<16x144xf32, #tpu.memory_space<vmem_shared>>
      tpu.enqueue_dma source(%dma_start3A_318 : memref<16x144xf32, #tpu.memory_space<vmem_shared>>) target(%dma_start3A_316 : memref<16x144xf32, #tpu.memory_space<vmem>>) target_semaphore(%run_scoped3A_308 : memref<!tpu.dma_semaphore, #tpu.memory_space<semaphore_mem>>)
      %dma_wait3A_319 = arith.constant 0 : i32
      %dma_wait3A_320 = arith.constant 0 : i32
      %dma_wait3A_321 = tpu.memref_slice %arg16[%dma_wait3A_319, %dma_wait3A_320] : memref<16x144xf32, #tpu.memory_space<vmem>> -> memref<16x144xf32, #tpu.memory_space<vmem>>
      %dma_wait3A_322 = arith.constant 0 : i32
      %dma_wait3A_323 = tpu.memref_slice %arg7[%add3A_293, %dma_wait3A_322] : memref<10112x144xf32, #tpu.memory_space<vmem_shared>> -> memref<16x144xf32, #tpu.memory_space<vmem_shared>>
      %dma_wait3A_324 = arith.constant 0 : i32
      %dma_wait3A_325 = arith.constant 0 : i32
      %dma_wait3A_326 = tpu.memref_slice %arg16[%dma_wait3A_324, %dma_wait3A_325] : memref<16x144xf32, #tpu.memory_space<vmem>> -> memref<16x144xf32, #tpu.memory_space<vmem>>
      %dma_wait3A_327 = arith.constant 0 : i32
      %dma_wait3A_328 = tpu.memref_slice %arg7[%add3A_293, %dma_wait3A_327] : memref<10112x144xf32, #tpu.memory_space<vmem_shared>> -> memref<16x144xf32, #tpu.memory_space<vmem_shared>>
      tpu.wait_dma2 semaphore(%run_scoped3A_308 : memref<!tpu.dma_semaphore, #tpu.memory_space<semaphore_mem>>) src(%dma_wait3A_328 : memref<16x144xf32, #tpu.memory_space<vmem_shared>>) dst(%dma_wait3A_326 : memref<16x144xf32, #tpu.memory_space<vmem>>)
      tpu.yield
    }) : () -> ()
    %add3A_294 = arith.constant 576 : i32
    %add3A_295 = arith.addi %mul3A_8, %add3A_294 : i32
    "tpu.region"() ({
      %run_scoped3A_308 = tpu.sem_alloc : memref<!tpu.dma_semaphore, #tpu.memory_space<semaphore_mem>>
      %dma_start3A_309 = arith.constant 0 : i32
      %dma_start3A_310 = arith.constant 0 : i32
      %dma_start3A_311 = tpu.memref_slice %arg16[%dma_start3A_309, %dma_start3A_310] : memref<16x144xf32, #tpu.memory_space<vmem>> -> memref<16x144xf32, #tpu.memory_space<vmem>>
      %dma_start3A_312 = arith.constant 0 : i32
      %dma_start3A_313 = tpu.memref_slice %arg6[%arg0, %add3A_295, %dma_start3A_312] : memref<2x10112x144xf32, #tpu.memory_space<hbm>> -> memref<1x16x144xf32, #tpu.memory_space<hbm>>
      %dma_start3A_314 = tpu.memref_squeeze %dma_start3A_313 : memref<1x16x144xf32, #tpu.memory_space<hbm>> -> memref<16x144xf32, #tpu.memory_space<hbm>>
      %dma_start3A_315 = arith.constant 0 : i32
      %dma_start3A_316 = tpu.memref_slice %arg6[%arg0, %add3A_295, %dma_start3A_315] : memref<2x10112x144xf32, #tpu.memory_space<hbm>> -> memref<1x16x144xf32, #tpu.memory_space<hbm>>
      %dma_start3A_317 = tpu.memref_squeeze %dma_start3A_316 : memref<1x16x144xf32, #tpu.memory_space<hbm>> -> memref<16x144xf32, #tpu.memory_space<hbm>>
      %dma_start3A_318 = arith.constant 0 : i32
      %dma_start3A_319 = arith.constant 0 : i32
      %dma_start3A_320 = tpu.memref_slice %arg16[%dma_start3A_318, %dma_start3A_319] : memref<16x144xf32, #tpu.memory_space<vmem>> -> memref<16x144xf32, #tpu.memory_space<vmem>>
      tpu.enqueue_dma source(%dma_start3A_320 : memref<16x144xf32, #tpu.memory_space<vmem>>) target(%dma_start3A_317 : memref<16x144xf32, #tpu.memory_space<hbm>>) target_semaphore(%run_scoped3A_308 : memref<!tpu.dma_semaphore, #tpu.memory_space<semaphore_mem>>)
      %dma_wait3A_321 = arith.constant 0 : i32
      %dma_wait3A_322 = arith.constant 0 : i32
      %dma_wait3A_323 = tpu.memref_slice %arg16[%dma_wait3A_321, %dma_wait3A_322] : memref<16x144xf32, #tpu.memory_space<vmem>> -> memref<16x144xf32, #tpu.memory_space<vmem>>
      %dma_wait3A_324 = arith.constant 0 : i32
      %dma_wait3A_325 = tpu.memref_slice %arg6[%arg0, %add3A_295, %dma_wait3A_324] : memref<2x10112x144xf32, #tpu.memory_space<hbm>> -> memref<1x16x144xf32, #tpu.memory_space<hbm>>
      %dma_wait3A_326 = tpu.memref_squeeze %dma_wait3A_325 : memref<1x16x144xf32, #tpu.memory_space<hbm>> -> memref<16x144xf32, #tpu.memory_space<hbm>>
      %dma_wait3A_327 = arith.constant 0 : i32
      %dma_wait3A_328 = tpu.memref_slice %arg6[%arg0, %add3A_295, %dma_wait3A_327] : memref<2x10112x144xf32, #tpu.memory_space<hbm>> -> memref<1x16x144xf32, #tpu.memory_space<hbm>>
      %dma_wait3A_329 = tpu.memref_squeeze %dma_wait3A_328 : memref<1x16x144xf32, #tpu.memory_space<hbm>> -> memref<16x144xf32, #tpu.memory_space<hbm>>
      %dma_wait3A_330 = arith.constant 0 : i32
      %dma_wait3A_331 = arith.constant 0 : i32
      %dma_wait3A_332 = tpu.memref_slice %arg16[%dma_wait3A_330, %dma_wait3A_331] : memref<16x144xf32, #tpu.memory_space<vmem>> -> memref<16x144xf32, #tpu.memory_space<vmem>>
      tpu.wait_dma2 semaphore(%run_scoped3A_308 : memref<!tpu.dma_semaphore, #tpu.memory_space<semaphore_mem>>) src(%dma_wait3A_332 : memref<16x144xf32, #tpu.memory_space<vmem>>) dst(%dma_wait3A_329 : memref<16x144xf32, #tpu.memory_space<hbm>>)
      tpu.yield
    }) : () -> ()
    %add3A_296 = arith.constant 592 : i32
    %add3A_297 = arith.addi %mul3A_8, %add3A_296 : i32
    "tpu.region"() ({
      %run_scoped3A_308 = tpu.sem_alloc : memref<!tpu.dma_semaphore, #tpu.memory_space<semaphore_mem>>
      %dma_start3A_309 = arith.constant 0 : i32
      %dma_start3A_310 = arith.constant 0 : i32
      %dma_start3A_311 = tpu.memref_slice %arg16[%dma_start3A_309, %dma_start3A_310] : memref<16x144xf32, #tpu.memory_space<vmem>> -> memref<16x144xf32, #tpu.memory_space<vmem>>
      %dma_start3A_312 = arith.constant 0 : i32
      %dma_start3A_313 = tpu.memref_slice %arg7[%add3A_297, %dma_start3A_312] : memref<10112x144xf32, #tpu.memory_space<vmem_shared>> -> memref<16x144xf32, #tpu.memory_space<vmem_shared>>
      %dma_start3A_314 = arith.constant 0 : i32
      %dma_start3A_315 = arith.constant 0 : i32
      %dma_start3A_316 = tpu.memref_slice %arg16[%dma_start3A_314, %dma_start3A_315] : memref<16x144xf32, #tpu.memory_space<vmem>> -> memref<16x144xf32, #tpu.memory_space<vmem>>
      %dma_start3A_317 = arith.constant 0 : i32
      %dma_start3A_318 = tpu.memref_slice %arg7[%add3A_297, %dma_start3A_317] : memref<10112x144xf32, #tpu.memory_space<vmem_shared>> -> memref<16x144xf32, #tpu.memory_space<vmem_shared>>
      tpu.enqueue_dma source(%dma_start3A_318 : memref<16x144xf32, #tpu.memory_space<vmem_shared>>) target(%dma_start3A_316 : memref<16x144xf32, #tpu.memory_space<vmem>>) target_semaphore(%run_scoped3A_308 : memref<!tpu.dma_semaphore, #tpu.memory_space<semaphore_mem>>)
      %dma_wait3A_319 = arith.constant 0 : i32
      %dma_wait3A_320 = arith.constant 0 : i32
      %dma_wait3A_321 = tpu.memref_slice %arg16[%dma_wait3A_319, %dma_wait3A_320] : memref<16x144xf32, #tpu.memory_space<vmem>> -> memref<16x144xf32, #tpu.memory_space<vmem>>
      %dma_wait3A_322 = arith.constant 0 : i32
      %dma_wait3A_323 = tpu.memref_slice %arg7[%add3A_297, %dma_wait3A_322] : memref<10112x144xf32, #tpu.memory_space<vmem_shared>> -> memref<16x144xf32, #tpu.memory_space<vmem_shared>>
      %dma_wait3A_324 = arith.constant 0 : i32
      %dma_wait3A_325 = arith.constant 0 : i32
      %dma_wait3A_326 = tpu.memref_slice %arg16[%dma_wait3A_324, %dma_wait3A_325] : memref<16x144xf32, #tpu.memory_space<vmem>> -> memref<16x144xf32, #tpu.memory_space<vmem>>
      %dma_wait3A_327 = arith.constant 0 : i32
      %dma_wait3A_328 = tpu.memref_slice %arg7[%add3A_297, %dma_wait3A_327] : memref<10112x144xf32, #tpu.memory_space<vmem_shared>> -> memref<16x144xf32, #tpu.memory_space<vmem_shared>>
      tpu.wait_dma2 semaphore(%run_scoped3A_308 : memref<!tpu.dma_semaphore, #tpu.memory_space<semaphore_mem>>) src(%dma_wait3A_328 : memref<16x144xf32, #tpu.memory_space<vmem_shared>>) dst(%dma_wait3A_326 : memref<16x144xf32, #tpu.memory_space<vmem>>)
      tpu.yield
    }) : () -> ()
    %add3A_298 = arith.constant 592 : i32
    %add3A_299 = arith.addi %mul3A_8, %add3A_298 : i32
    "tpu.region"() ({
      %run_scoped3A_308 = tpu.sem_alloc : memref<!tpu.dma_semaphore, #tpu.memory_space<semaphore_mem>>
      %dma_start3A_309 = arith.constant 0 : i32
      %dma_start3A_310 = arith.constant 0 : i32
      %dma_start3A_311 = tpu.memref_slice %arg16[%dma_start3A_309, %dma_start3A_310] : memref<16x144xf32, #tpu.memory_space<vmem>> -> memref<16x144xf32, #tpu.memory_space<vmem>>
      %dma_start3A_312 = arith.constant 0 : i32
      %dma_start3A_313 = tpu.memref_slice %arg6[%arg0, %add3A_299, %dma_start3A_312] : memref<2x10112x144xf32, #tpu.memory_space<hbm>> -> memref<1x16x144xf32, #tpu.memory_space<hbm>>
      %dma_start3A_314 = tpu.memref_squeeze %dma_start3A_313 : memref<1x16x144xf32, #tpu.memory_space<hbm>> -> memref<16x144xf32, #tpu.memory_space<hbm>>
      %dma_start3A_315 = arith.constant 0 : i32
      %dma_start3A_316 = tpu.memref_slice %arg6[%arg0, %add3A_299, %dma_start3A_315] : memref<2x10112x144xf32, #tpu.memory_space<hbm>> -> memref<1x16x144xf32, #tpu.memory_space<hbm>>
      %dma_start3A_317 = tpu.memref_squeeze %dma_start3A_316 : memref<1x16x144xf32, #tpu.memory_space<hbm>> -> memref<16x144xf32, #tpu.memory_space<hbm>>
      %dma_start3A_318 = arith.constant 0 : i32
      %dma_start3A_319 = arith.constant 0 : i32
      %dma_start3A_320 = tpu.memref_slice %arg16[%dma_start3A_318, %dma_start3A_319] : memref<16x144xf32, #tpu.memory_space<vmem>> -> memref<16x144xf32, #tpu.memory_space<vmem>>
      tpu.enqueue_dma source(%dma_start3A_320 : memref<16x144xf32, #tpu.memory_space<vmem>>) target(%dma_start3A_317 : memref<16x144xf32, #tpu.memory_space<hbm>>) target_semaphore(%run_scoped3A_308 : memref<!tpu.dma_semaphore, #tpu.memory_space<semaphore_mem>>)
      %dma_wait3A_321 = arith.constant 0 : i32
      %dma_wait3A_322 = arith.constant 0 : i32
      %dma_wait3A_323 = tpu.memref_slice %arg16[%dma_wait3A_321, %dma_wait3A_322] : memref<16x144xf32, #tpu.memory_space<vmem>> -> memref<16x144xf32, #tpu.memory_space<vmem>>
      %dma_wait3A_324 = arith.constant 0 : i32
      %dma_wait3A_325 = tpu.memref_slice %arg6[%arg0, %add3A_299, %dma_wait3A_324] : memref<2x10112x144xf32, #tpu.memory_space<hbm>> -> memref<1x16x144xf32, #tpu.memory_space<hbm>>
      %dma_wait3A_326 = tpu.memref_squeeze %dma_wait3A_325 : memref<1x16x144xf32, #tpu.memory_space<hbm>> -> memref<16x144xf32, #tpu.memory_space<hbm>>
      %dma_wait3A_327 = arith.constant 0 : i32
      %dma_wait3A_328 = tpu.memref_slice %arg6[%arg0, %add3A_299, %dma_wait3A_327] : memref<2x10112x144xf32, #tpu.memory_space<hbm>> -> memref<1x16x144xf32, #tpu.memory_space<hbm>>
      %dma_wait3A_329 = tpu.memref_squeeze %dma_wait3A_328 : memref<1x16x144xf32, #tpu.memory_space<hbm>> -> memref<16x144xf32, #tpu.memory_space<hbm>>
      %dma_wait3A_330 = arith.constant 0 : i32
      %dma_wait3A_331 = arith.constant 0 : i32
      %dma_wait3A_332 = tpu.memref_slice %arg16[%dma_wait3A_330, %dma_wait3A_331] : memref<16x144xf32, #tpu.memory_space<vmem>> -> memref<16x144xf32, #tpu.memory_space<vmem>>
      tpu.wait_dma2 semaphore(%run_scoped3A_308 : memref<!tpu.dma_semaphore, #tpu.memory_space<semaphore_mem>>) src(%dma_wait3A_332 : memref<16x144xf32, #tpu.memory_space<vmem>>) dst(%dma_wait3A_329 : memref<16x144xf32, #tpu.memory_space<hbm>>)
      tpu.yield
    }) : () -> ()
    %add3A_300 = arith.constant 608 : i32
    %add3A_301 = arith.addi %mul3A_8, %add3A_300 : i32
    "tpu.region"() ({
      %run_scoped3A_308 = tpu.sem_alloc : memref<!tpu.dma_semaphore, #tpu.memory_space<semaphore_mem>>
      %dma_start3A_309 = arith.constant 0 : i32
      %dma_start3A_310 = arith.constant 0 : i32
      %dma_start3A_311 = tpu.memref_slice %arg16[%dma_start3A_309, %dma_start3A_310] : memref<16x144xf32, #tpu.memory_space<vmem>> -> memref<16x144xf32, #tpu.memory_space<vmem>>
      %dma_start3A_312 = arith.constant 0 : i32
      %dma_start3A_313 = tpu.memref_slice %arg7[%add3A_301, %dma_start3A_312] : memref<10112x144xf32, #tpu.memory_space<vmem_shared>> -> memref<16x144xf32, #tpu.memory_space<vmem_shared>>
      %dma_start3A_314 = arith.constant 0 : i32
      %dma_start3A_315 = arith.constant 0 : i32
      %dma_start3A_316 = tpu.memref_slice %arg16[%dma_start3A_314, %dma_start3A_315] : memref<16x144xf32, #tpu.memory_space<vmem>> -> memref<16x144xf32, #tpu.memory_space<vmem>>
      %dma_start3A_317 = arith.constant 0 : i32
      %dma_start3A_318 = tpu.memref_slice %arg7[%add3A_301, %dma_start3A_317] : memref<10112x144xf32, #tpu.memory_space<vmem_shared>> -> memref<16x144xf32, #tpu.memory_space<vmem_shared>>
      tpu.enqueue_dma source(%dma_start3A_318 : memref<16x144xf32, #tpu.memory_space<vmem_shared>>) target(%dma_start3A_316 : memref<16x144xf32, #tpu.memory_space<vmem>>) target_semaphore(%run_scoped3A_308 : memref<!tpu.dma_semaphore, #tpu.memory_space<semaphore_mem>>)
      %dma_wait3A_319 = arith.constant 0 : i32
      %dma_wait3A_320 = arith.constant 0 : i32
      %dma_wait3A_321 = tpu.memref_slice %arg16[%dma_wait3A_319, %dma_wait3A_320] : memref<16x144xf32, #tpu.memory_space<vmem>> -> memref<16x144xf32, #tpu.memory_space<vmem>>
      %dma_wait3A_322 = arith.constant 0 : i32
      %dma_wait3A_323 = tpu.memref_slice %arg7[%add3A_301, %dma_wait3A_322] : memref<10112x144xf32, #tpu.memory_space<vmem_shared>> -> memref<16x144xf32, #tpu.memory_space<vmem_shared>>
      %dma_wait3A_324 = arith.constant 0 : i32
      %dma_wait3A_325 = arith.constant 0 : i32
      %dma_wait3A_326 = tpu.memref_slice %arg16[%dma_wait3A_324, %dma_wait3A_325] : memref<16x144xf32, #tpu.memory_space<vmem>> -> memref<16x144xf32, #tpu.memory_space<vmem>>
      %dma_wait3A_327 = arith.constant 0 : i32
      %dma_wait3A_328 = tpu.memref_slice %arg7[%add3A_301, %dma_wait3A_327] : memref<10112x144xf32, #tpu.memory_space<vmem_shared>> -> memref<16x144xf32, #tpu.memory_space<vmem_shared>>
      tpu.wait_dma2 semaphore(%run_scoped3A_308 : memref<!tpu.dma_semaphore, #tpu.memory_space<semaphore_mem>>) src(%dma_wait3A_328 : memref<16x144xf32, #tpu.memory_space<vmem_shared>>) dst(%dma_wait3A_326 : memref<16x144xf32, #tpu.memory_space<vmem>>)
      tpu.yield
    }) : () -> ()
    %add3A_302 = arith.constant 608 : i32
    %add3A_303 = arith.addi %mul3A_8, %add3A_302 : i32
    "tpu.region"() ({
      %run_scoped3A_308 = tpu.sem_alloc : memref<!tpu.dma_semaphore, #tpu.memory_space<semaphore_mem>>
      %dma_start3A_309 = arith.constant 0 : i32
      %dma_start3A_310 = arith.constant 0 : i32
      %dma_start3A_311 = tpu.memref_slice %arg16[%dma_start3A_309, %dma_start3A_310] : memref<16x144xf32, #tpu.memory_space<vmem>> -> memref<16x144xf32, #tpu.memory_space<vmem>>
      %dma_start3A_312 = arith.constant 0 : i32
      %dma_start3A_313 = tpu.memref_slice %arg6[%arg0, %add3A_303, %dma_start3A_312] : memref<2x10112x144xf32, #tpu.memory_space<hbm>> -> memref<1x16x144xf32, #tpu.memory_space<hbm>>
      %dma_start3A_314 = tpu.memref_squeeze %dma_start3A_313 : memref<1x16x144xf32, #tpu.memory_space<hbm>> -> memref<16x144xf32, #tpu.memory_space<hbm>>
      %dma_start3A_315 = arith.constant 0 : i32
      %dma_start3A_316 = tpu.memref_slice %arg6[%arg0, %add3A_303, %dma_start3A_315] : memref<2x10112x144xf32, #tpu.memory_space<hbm>> -> memref<1x16x144xf32, #tpu.memory_space<hbm>>
      %dma_start3A_317 = tpu.memref_squeeze %dma_start3A_316 : memref<1x16x144xf32, #tpu.memory_space<hbm>> -> memref<16x144xf32, #tpu.memory_space<hbm>>
      %dma_start3A_318 = arith.constant 0 : i32
      %dma_start3A_319 = arith.constant 0 : i32
      %dma_start3A_320 = tpu.memref_slice %arg16[%dma_start3A_318, %dma_start3A_319] : memref<16x144xf32, #tpu.memory_space<vmem>> -> memref<16x144xf32, #tpu.memory_space<vmem>>
      tpu.enqueue_dma source(%dma_start3A_320 : memref<16x144xf32, #tpu.memory_space<vmem>>) target(%dma_start3A_317 : memref<16x144xf32, #tpu.memory_space<hbm>>) target_semaphore(%run_scoped3A_308 : memref<!tpu.dma_semaphore, #tpu.memory_space<semaphore_mem>>)
      %dma_wait3A_321 = arith.constant 0 : i32
      %dma_wait3A_322 = arith.constant 0 : i32
      %dma_wait3A_323 = tpu.memref_slice %arg16[%dma_wait3A_321, %dma_wait3A_322] : memref<16x144xf32, #tpu.memory_space<vmem>> -> memref<16x144xf32, #tpu.memory_space<vmem>>
      %dma_wait3A_324 = arith.constant 0 : i32
      %dma_wait3A_325 = tpu.memref_slice %arg6[%arg0, %add3A_303, %dma_wait3A_324] : memref<2x10112x144xf32, #tpu.memory_space<hbm>> -> memref<1x16x144xf32, #tpu.memory_space<hbm>>
      %dma_wait3A_326 = tpu.memref_squeeze %dma_wait3A_325 : memref<1x16x144xf32, #tpu.memory_space<hbm>> -> memref<16x144xf32, #tpu.memory_space<hbm>>
      %dma_wait3A_327 = arith.constant 0 : i32
      %dma_wait3A_328 = tpu.memref_slice %arg6[%arg0, %add3A_303, %dma_wait3A_327] : memref<2x10112x144xf32, #tpu.memory_space<hbm>> -> memref<1x16x144xf32, #tpu.memory_space<hbm>>
      %dma_wait3A_329 = tpu.memref_squeeze %dma_wait3A_328 : memref<1x16x144xf32, #tpu.memory_space<hbm>> -> memref<16x144xf32, #tpu.memory_space<hbm>>
      %dma_wait3A_330 = arith.constant 0 : i32
      %dma_wait3A_331 = arith.constant 0 : i32
      %dma_wait3A_332 = tpu.memref_slice %arg16[%dma_wait3A_330, %dma_wait3A_331] : memref<16x144xf32, #tpu.memory_space<vmem>> -> memref<16x144xf32, #tpu.memory_space<vmem>>
      tpu.wait_dma2 semaphore(%run_scoped3A_308 : memref<!tpu.dma_semaphore, #tpu.memory_space<semaphore_mem>>) src(%dma_wait3A_332 : memref<16x144xf32, #tpu.memory_space<vmem>>) dst(%dma_wait3A_329 : memref<16x144xf32, #tpu.memory_space<hbm>>)
      tpu.yield
    }) : () -> ()
    %add3A_304 = arith.constant 624 : i32
    %add3A_305 = arith.addi %mul3A_8, %add3A_304 : i32
    "tpu.region"() ({
      %run_scoped3A_308 = tpu.sem_alloc : memref<!tpu.dma_semaphore, #tpu.memory_space<semaphore_mem>>
      %dma_start3A_309 = arith.constant 0 : i32
      %dma_start3A_310 = arith.constant 0 : i32
      %dma_start3A_311 = tpu.memref_slice %arg16[%dma_start3A_309, %dma_start3A_310] : memref<16x144xf32, #tpu.memory_space<vmem>> -> memref<8x144xf32, #tpu.memory_space<vmem>>
      %dma_start3A_312 = arith.constant 0 : i32
      %dma_start3A_313 = tpu.memref_slice %arg7[%add3A_305, %dma_start3A_312] : memref<10112x144xf32, #tpu.memory_space<vmem_shared>> -> memref<8x144xf32, #tpu.memory_space<vmem_shared>>
      %dma_start3A_314 = arith.constant 0 : i32
      %dma_start3A_315 = arith.constant 0 : i32
      %dma_start3A_316 = tpu.memref_slice %arg16[%dma_start3A_314, %dma_start3A_315] : memref<16x144xf32, #tpu.memory_space<vmem>> -> memref<8x144xf32, #tpu.memory_space<vmem>>
      %dma_start3A_317 = arith.constant 0 : i32
      %dma_start3A_318 = tpu.memref_slice %arg7[%add3A_305, %dma_start3A_317] : memref<10112x144xf32, #tpu.memory_space<vmem_shared>> -> memref<8x144xf32, #tpu.memory_space<vmem_shared>>
      tpu.enqueue_dma source(%dma_start3A_318 : memref<8x144xf32, #tpu.memory_space<vmem_shared>>) target(%dma_start3A_316 : memref<8x144xf32, #tpu.memory_space<vmem>>) target_semaphore(%run_scoped3A_308 : memref<!tpu.dma_semaphore, #tpu.memory_space<semaphore_mem>>)
      %dma_wait3A_319 = arith.constant 0 : i32
      %dma_wait3A_320 = arith.constant 0 : i32
      %dma_wait3A_321 = tpu.memref_slice %arg16[%dma_wait3A_319, %dma_wait3A_320] : memref<16x144xf32, #tpu.memory_space<vmem>> -> memref<8x144xf32, #tpu.memory_space<vmem>>
      %dma_wait3A_322 = arith.constant 0 : i32
      %dma_wait3A_323 = tpu.memref_slice %arg7[%add3A_305, %dma_wait3A_322] : memref<10112x144xf32, #tpu.memory_space<vmem_shared>> -> memref<8x144xf32, #tpu.memory_space<vmem_shared>>
      %dma_wait3A_324 = arith.constant 0 : i32
      %dma_wait3A_325 = arith.constant 0 : i32
      %dma_wait3A_326 = tpu.memref_slice %arg16[%dma_wait3A_324, %dma_wait3A_325] : memref<16x144xf32, #tpu.memory_space<vmem>> -> memref<8x144xf32, #tpu.memory_space<vmem>>
      %dma_wait3A_327 = arith.constant 0 : i32
      %dma_wait3A_328 = tpu.memref_slice %arg7[%add3A_305, %dma_wait3A_327] : memref<10112x144xf32, #tpu.memory_space<vmem_shared>> -> memref<8x144xf32, #tpu.memory_space<vmem_shared>>
      tpu.wait_dma2 semaphore(%run_scoped3A_308 : memref<!tpu.dma_semaphore, #tpu.memory_space<semaphore_mem>>) src(%dma_wait3A_328 : memref<8x144xf32, #tpu.memory_space<vmem_shared>>) dst(%dma_wait3A_326 : memref<8x144xf32, #tpu.memory_space<vmem>>)
      tpu.yield
    }) : () -> ()
    %add3A_306 = arith.constant 624 : i32
    %add3A_307 = arith.addi %mul3A_8, %add3A_306 : i32
    "tpu.region"() ({
      %run_scoped3A_308 = tpu.sem_alloc : memref<!tpu.dma_semaphore, #tpu.memory_space<semaphore_mem>>
      %dma_start3A_309 = arith.constant 0 : i32
      %dma_start3A_310 = arith.constant 0 : i32
      %dma_start3A_311 = tpu.memref_slice %arg16[%dma_start3A_309, %dma_start3A_310] : memref<16x144xf32, #tpu.memory_space<vmem>> -> memref<8x144xf32, #tpu.memory_space<vmem>>
      %dma_start3A_312 = arith.constant 0 : i32
      %dma_start3A_313 = tpu.memref_slice %arg6[%arg0, %add3A_307, %dma_start3A_312] : memref<2x10112x144xf32, #tpu.memory_space<hbm>> -> memref<1x8x144xf32, #tpu.memory_space<hbm>>
      %dma_start3A_314 = tpu.memref_squeeze %dma_start3A_313 : memref<1x8x144xf32, #tpu.memory_space<hbm>> -> memref<8x144xf32, #tpu.memory_space<hbm>>
      %dma_start3A_315 = arith.constant 0 : i32
      %dma_start3A_316 = tpu.memref_slice %arg6[%arg0, %add3A_307, %dma_start3A_315] : memref<2x10112x144xf32, #tpu.memory_space<hbm>> -> memref<1x8x144xf32, #tpu.memory_space<hbm>>
      %dma_start3A_317 = tpu.memref_squeeze %dma_start3A_316 : memref<1x8x144xf32, #tpu.memory_space<hbm>> -> memref<8x144xf32, #tpu.memory_space<hbm>>
      %dma_start3A_318 = arith.constant 0 : i32
      %dma_start3A_319 = arith.constant 0 : i32
      %dma_start3A_320 = tpu.memref_slice %arg16[%dma_start3A_318, %dma_start3A_319] : memref<16x144xf32, #tpu.memory_space<vmem>> -> memref<8x144xf32, #tpu.memory_space<vmem>>
      tpu.enqueue_dma source(%dma_start3A_320 : memref<8x144xf32, #tpu.memory_space<vmem>>) target(%dma_start3A_317 : memref<8x144xf32, #tpu.memory_space<hbm>>) target_semaphore(%run_scoped3A_308 : memref<!tpu.dma_semaphore, #tpu.memory_space<semaphore_mem>>)
      %dma_wait3A_321 = arith.constant 0 : i32
      %dma_wait3A_322 = arith.constant 0 : i32
      %dma_wait3A_323 = tpu.memref_slice %arg16[%dma_wait3A_321, %dma_wait3A_322] : memref<16x144xf32, #tpu.memory_space<vmem>> -> memref<8x144xf32, #tpu.memory_space<vmem>>
      %dma_wait3A_324 = arith.constant 0 : i32
      %dma_wait3A_325 = tpu.memref_slice %arg6[%arg0, %add3A_307, %dma_wait3A_324] : memref<2x10112x144xf32, #tpu.memory_space<hbm>> -> memref<1x8x144xf32, #tpu.memory_space<hbm>>
      %dma_wait3A_326 = tpu.memref_squeeze %dma_wait3A_325 : memref<1x8x144xf32, #tpu.memory_space<hbm>> -> memref<8x144xf32, #tpu.memory_space<hbm>>
      %dma_wait3A_327 = arith.constant 0 : i32
      %dma_wait3A_328 = tpu.memref_slice %arg6[%arg0, %add3A_307, %dma_wait3A_327] : memref<2x10112x144xf32, #tpu.memory_space<hbm>> -> memref<1x8x144xf32, #tpu.memory_space<hbm>>
      %dma_wait3A_329 = tpu.memref_squeeze %dma_wait3A_328 : memref<1x8x144xf32, #tpu.memory_space<hbm>> -> memref<8x144xf32, #tpu.memory_space<hbm>>
      %dma_wait3A_330 = arith.constant 0 : i32
      %dma_wait3A_331 = arith.constant 0 : i32
      %dma_wait3A_332 = tpu.memref_slice %arg16[%dma_wait3A_330, %dma_wait3A_331] : memref<16x144xf32, #tpu.memory_space<vmem>> -> memref<8x144xf32, #tpu.memory_space<vmem>>
      tpu.wait_dma2 semaphore(%run_scoped3A_308 : memref<!tpu.dma_semaphore, #tpu.memory_space<semaphore_mem>>) src(%dma_wait3A_332 : memref<8x144xf32, #tpu.memory_space<vmem>>) dst(%dma_wait3A_329 : memref<8x144xf32, #tpu.memory_space<hbm>>)
      tpu.yield
    }) : () -> ()
    return
  }
}

module attributes {stable_mosaic.version = 14 : i64} {
  func.func @_edge_tables_body(%arg0: i32, %arg1: memref<512x16xf32, #tpu.memory_space<vmem>>, %arg2: memref<512x16xf32, #tpu.memory_space<vmem>>, %arg3: memref<512x16xf32, #tpu.memory_space<vmem>>, %arg4: memref<16x128xf32, #tpu.memory_space<vmem>>, %arg5: memref<16x128xf32, #tpu.memory_space<vmem>>, %arg6: memref<16x128xf32, #tpu.memory_space<vmem>>, %arg7: memref<16x128xf32, #tpu.memory_space<vmem>>, %arg8: memref<16x128xf32, #tpu.memory_space<vmem>>, %arg9: memref<1x128xf32, #tpu.memory_space<vmem>>, %arg10: memref<1x128xf32, #tpu.memory_space<vmem>>, %arg11: memref<1x128xf32, #tpu.memory_space<vmem>>, %arg12: memref<512x384xf32, #tpu.memory_space<vmem>>) attributes {dimension_semantics = [#tpu.dimension_semantics<arbitrary>], iteration_bounds = array<i64: 313>, scalar_prefetch = 0 : i64, scratch_operands = 0 : i64, tpu.core_type = #tpu.core_type<tc>, window_params = [{transform_indices = @transform_0, window_bounds = array<i64: 512, 16>}, {transform_indices = @transform_1, window_bounds = array<i64: 512, 16>}, {transform_indices = @transform_2, window_bounds = array<i64: 512, 16>}, {pipeline_mode = #tpu.pipeline_mode<synchronous>, transform_indices = @transform_3, window_bounds = array<i64: 16, 128>}, {pipeline_mode = #tpu.pipeline_mode<synchronous>, transform_indices = @transform_4, window_bounds = array<i64: 16, 128>}, {pipeline_mode = #tpu.pipeline_mode<synchronous>, transform_indices = @transform_5, window_bounds = array<i64: 16, 128>}, {pipeline_mode = #tpu.pipeline_mode<synchronous>, transform_indices = @transform_6, window_bounds = array<i64: 16, 128>}, {pipeline_mode = #tpu.pipeline_mode<synchronous>, transform_indices = @transform_7, window_bounds = array<i64: 16, 128>}, {pipeline_mode = #tpu.pipeline_mode<synchronous>, transform_indices = @transform_8, window_bounds = array<i64: 1, 128>}, {pipeline_mode = #tpu.pipeline_mode<synchronous>, transform_indices = @transform_9, window_bounds = array<i64: 1, 128>}, {pipeline_mode = #tpu.pipeline_mode<synchronous>, transform_indices = @transform_10, window_bounds = array<i64: 1, 128>}, {transform_indices = @transform_11, window_bounds = array<i64: 512, 384>}]} {
    %get3A = arith.constant 0 : index
    %get3A_0 = arith.constant 0 : index
    %get3A_1 = vector.load %arg1[%get3A, %get3A_0] : memref<512x16xf32, #tpu.memory_space<vmem>>, vector<512x16xf32>
    %get3A_2 = arith.constant 0 : index
    %get3A_3 = arith.constant 0 : index
    %get3A_4 = vector.load %arg2[%get3A_2, %get3A_3] : memref<512x16xf32, #tpu.memory_space<vmem>>, vector<512x16xf32>
    %get3A_5 = arith.constant 0 : index
    %get3A_6 = arith.constant 0 : index
    %get3A_7 = vector.load %arg3[%get3A_5, %get3A_6] : memref<512x16xf32, #tpu.memory_space<vmem>>, vector<512x16xf32>
    %get3A_8 = arith.constant 0 : index
    %get3A_9 = arith.constant 0 : index
    %get3A_10 = vector.load %arg4[%get3A_8, %get3A_9] : memref<16x128xf32, #tpu.memory_space<vmem>>, vector<16x128xf32>
    %dot_general3A = arith.constant dense<0.000000e+00> : vector<512x128xf32>
    %dot_general3A_11 = tpu.matmul %get3A_1, %get3A_10, %dot_general3A {dimension_numbers = #tpu.dot_dimension_numbers<[1], [0], [0], [1], [0, 0, 1, 1], [], []>, transpose_lhs_hint = false} : vector<512x16xf32>, vector<16x128xf32>, vector<512x128xf32> -> vector<512x128xf32>
    %get3A_12 = arith.constant 0 : index
    %get3A_13 = arith.constant 0 : index
    %get3A_14 = vector.load %arg9[%get3A_12, %get3A_13] : memref<1x128xf32, #tpu.memory_space<vmem>>, vector<1x128xf32>
    %add3A = vector.broadcast %get3A_14 : vector<1x128xf32> to vector<512x128xf32>
    %add3A_15 = arith.addf %dot_general3A_11, %add3A : vector<512x128xf32>
    %swap3A = arith.constant 0 : index
    %swap3A_16 = arith.constant 0 : index
    %swap3A_17 = vector.load %arg12[%swap3A, %swap3A_16] : memref<512x384xf32, #tpu.memory_space<vmem>>, vector<512x128xf32>
    tpu.vector_store %arg12[%swap3A, %swap3A_16], %add3A_15 {strides = array<i32>} : memref<512x384xf32, #tpu.memory_space<vmem>>, vector<512x128xf32>,
    %get3A_18 = arith.constant 0 : index
    %get3A_19 = arith.constant 0 : index
    %get3A_20 = vector.load %arg5[%get3A_18, %get3A_19] : memref<16x128xf32, #tpu.memory_space<vmem>>, vector<16x128xf32>
    %dot_general3A_21 = arith.constant dense<0.000000e+00> : vector<512x128xf32>
    %dot_general3A_22 = tpu.matmul %get3A_4, %get3A_20, %dot_general3A_21 {dimension_numbers = #tpu.dot_dimension_numbers<[1], [0], [0], [1], [0, 0, 1, 1], [], []>, transpose_lhs_hint = false} : vector<512x16xf32>, vector<16x128xf32>, vector<512x128xf32> -> vector<512x128xf32>
    %get3A_23 = arith.constant 0 : index
    %get3A_24 = arith.constant 0 : index
    %get3A_25 = vector.load %arg6[%get3A_23, %get3A_24] : memref<16x128xf32, #tpu.memory_space<vmem>>, vector<16x128xf32>
    %dot_general3A_26 = arith.constant dense<0.000000e+00> : vector<512x128xf32>
    %dot_general3A_27 = tpu.matmul %get3A_7, %get3A_25, %dot_general3A_26 {dimension_numbers = #tpu.dot_dimension_numbers<[1], [0], [0], [1], [0, 0, 1, 1], [], []>, transpose_lhs_hint = false} : vector<512x16xf32>, vector<16x128xf32>, vector<512x128xf32> -> vector<512x128xf32>
    %add3A_28 = arith.addf %dot_general3A_22, %dot_general3A_27 : vector<512x128xf32>
    %get3A_29 = arith.constant 0 : index
    %get3A_30 = arith.constant 0 : index
    %get3A_31 = vector.load %arg10[%get3A_29, %get3A_30] : memref<1x128xf32, #tpu.memory_space<vmem>>, vector<1x128xf32>
    %add3A_32 = vector.broadcast %get3A_31 : vector<1x128xf32> to vector<512x128xf32>
    %add3A_33 = arith.addf %add3A_28, %add3A_32 : vector<512x128xf32>
    %swap3A_34 = arith.constant 0 : index
    %swap3A_35 = arith.constant 128 : index
    %swap3A_36 = vector.load %arg12[%swap3A_34, %swap3A_35] : memref<512x384xf32, #tpu.memory_space<vmem>>, vector<512x128xf32>
    tpu.vector_store %arg12[%swap3A_34, %swap3A_35], %add3A_33 {strides = array<i32>} : memref<512x384xf32, #tpu.memory_space<vmem>>, vector<512x128xf32>,
    %get3A_37 = arith.constant 0 : index
    %get3A_38 = arith.constant 0 : index
    %get3A_39 = vector.load %arg7[%get3A_37, %get3A_38] : memref<16x128xf32, #tpu.memory_space<vmem>>, vector<16x128xf32>
    %dot_general3A_40 = arith.constant dense<0.000000e+00> : vector<512x128xf32>
    %dot_general3A_41 = tpu.matmul %get3A_4, %get3A_39, %dot_general3A_40 {dimension_numbers = #tpu.dot_dimension_numbers<[1], [0], [0], [1], [0, 0, 1, 1], [], []>, transpose_lhs_hint = false} : vector<512x16xf32>, vector<16x128xf32>, vector<512x128xf32> -> vector<512x128xf32>
    %get3A_42 = arith.constant 0 : index
    %get3A_43 = arith.constant 0 : index
    %get3A_44 = vector.load %arg8[%get3A_42, %get3A_43] : memref<16x128xf32, #tpu.memory_space<vmem>>, vector<16x128xf32>
    %dot_general3A_45 = arith.constant dense<0.000000e+00> : vector<512x128xf32>
    %dot_general3A_46 = tpu.matmul %get3A_7, %get3A_44, %dot_general3A_45 {dimension_numbers = #tpu.dot_dimension_numbers<[1], [0], [0], [1], [0, 0, 1, 1], [], []>, transpose_lhs_hint = false} : vector<512x16xf32>, vector<16x128xf32>, vector<512x128xf32> -> vector<512x128xf32>
    %add3A_47 = arith.addf %dot_general3A_41, %dot_general3A_46 : vector<512x128xf32>
    %get3A_48 = arith.constant 0 : index
    %get3A_49 = arith.constant 0 : index
    %get3A_50 = vector.load %arg11[%get3A_48, %get3A_49] : memref<1x128xf32, #tpu.memory_space<vmem>>, vector<1x128xf32>
    %add3A_51 = vector.broadcast %get3A_50 : vector<1x128xf32> to vector<512x128xf32>
    %add3A_52 = arith.addf %add3A_47, %add3A_51 : vector<512x128xf32>
    %swap3A_53 = arith.constant 0 : index
    %swap3A_54 = arith.constant 256 : index
    %swap3A_55 = vector.load %arg12[%swap3A_53, %swap3A_54] : memref<512x384xf32, #tpu.memory_space<vmem>>, vector<512x128xf32>
    tpu.vector_store %arg12[%swap3A_53, %swap3A_54], %add3A_52 {strides = array<i32>} : memref<512x384xf32, #tpu.memory_space<vmem>>, vector<512x128xf32>,
    return
  }
  func.func @transform_0(%arg0: i32) -> (i32, i32) {
    %c0_i32 = arith.constant 0 : i32
    %c0_i32_0 = arith.constant 0 : i32
    return %arg0, %c0_i32 : i32, i32
  }
  func.func @transform_1(%arg0: i32) -> (i32, i32) {
    %c0_i32 = arith.constant 0 : i32
    %c0_i32_0 = arith.constant 0 : i32
    return %arg0, %c0_i32 : i32, i32
  }
  func.func @transform_2(%arg0: i32) -> (i32, i32) {
    %c0_i32 = arith.constant 0 : i32
    %c0_i32_0 = arith.constant 0 : i32
    return %arg0, %c0_i32 : i32, i32
  }
  func.func @transform_3(%arg0: i32) -> (i32, i32) {
    %c0_i32 = arith.constant 0 : i32
    %c0_i32_0 = arith.constant 0 : i32
    %c0_i32_1 = arith.constant 0 : i32
    return %c0_i32, %c0_i32_0 : i32, i32
  }
  func.func @transform_4(%arg0: i32) -> (i32, i32) {
    %c0_i32 = arith.constant 0 : i32
    %c0_i32_0 = arith.constant 0 : i32
    %c0_i32_1 = arith.constant 0 : i32
    return %c0_i32, %c0_i32_0 : i32, i32
  }
  func.func @transform_5(%arg0: i32) -> (i32, i32) {
    %c0_i32 = arith.constant 0 : i32
    %c0_i32_0 = arith.constant 0 : i32
    %c0_i32_1 = arith.constant 0 : i32
    return %c0_i32, %c0_i32_0 : i32, i32
  }
  func.func @transform_6(%arg0: i32) -> (i32, i32) {
    %c0_i32 = arith.constant 0 : i32
    %c0_i32_0 = arith.constant 0 : i32
    %c0_i32_1 = arith.constant 0 : i32
    return %c0_i32, %c0_i32_0 : i32, i32
  }
  func.func @transform_7(%arg0: i32) -> (i32, i32) {
    %c0_i32 = arith.constant 0 : i32
    %c0_i32_0 = arith.constant 0 : i32
    %c0_i32_1 = arith.constant 0 : i32
    return %c0_i32, %c0_i32_0 : i32, i32
  }
  func.func @transform_8(%arg0: i32) -> (i32, i32) {
    %c0_i32 = arith.constant 0 : i32
    %c0_i32_0 = arith.constant 0 : i32
    %c0_i32_1 = arith.constant 0 : i32
    return %c0_i32, %c0_i32_0 : i32, i32
  }
  func.func @transform_9(%arg0: i32) -> (i32, i32) {
    %c0_i32 = arith.constant 0 : i32
    %c0_i32_0 = arith.constant 0 : i32
    %c0_i32_1 = arith.constant 0 : i32
    return %c0_i32, %c0_i32_0 : i32, i32
  }
  func.func @transform_10(%arg0: i32) -> (i32, i32) {
    %c0_i32 = arith.constant 0 : i32
    %c0_i32_0 = arith.constant 0 : i32
    %c0_i32_1 = arith.constant 0 : i32
    return %c0_i32, %c0_i32_0 : i32, i32
  }
  func.func @transform_11(%arg0: i32) -> (i32, i32) {
    %c0_i32 = arith.constant 0 : i32
    %c0_i32_0 = arith.constant 0 : i32
    return %arg0, %c0_i32 : i32, i32
  }
}

module attributes {stable_mosaic.version = 14 : i64} {
  func.func @_node_tables_body(%arg0: i32, %arg1: memref<736x128xf32, #tpu.memory_space<vmem>>, %arg2: memref<128x128xf32, #tpu.memory_space<vmem>>, %arg3: memref<128x128xf32, #tpu.memory_space<vmem>>, %arg4: memref<128x128xf32, #tpu.memory_space<vmem>>, %arg5: memref<736x128xf32, #tpu.memory_space<vmem>>, %arg6: memref<736x256xf32, #tpu.memory_space<vmem>>) attributes {dimension_semantics = [#tpu.dimension_semantics<arbitrary>], iteration_bounds = array<i64: 16>, scalar_prefetch = 0 : i64, scratch_operands = 0 : i64, tpu.core_type = #tpu.core_type<tc>, window_params = [{transform_indices = @transform_0, window_bounds = array<i64: 736, 128>}, {pipeline_mode = #tpu.pipeline_mode<synchronous>, transform_indices = @transform_1, window_bounds = array<i64: 128, 128>}, {pipeline_mode = #tpu.pipeline_mode<synchronous>, transform_indices = @transform_2, window_bounds = array<i64: 128, 128>}, {pipeline_mode = #tpu.pipeline_mode<synchronous>, transform_indices = @transform_3, window_bounds = array<i64: 128, 128>}, {transform_indices = @transform_4, window_bounds = array<i64: 736, 128>}, {transform_indices = @transform_5, window_bounds = array<i64: 736, 256>}]} {
    %get3A = arith.constant 0 : index
    %get3A_0 = arith.constant 0 : index
    %get3A_1 = vector.load %arg1[%get3A, %get3A_0] : memref<736x128xf32, #tpu.memory_space<vmem>>, vector<736x128xf32>
    %get3A_2 = arith.constant 0 : index
    %get3A_3 = arith.constant 0 : index
    %get3A_4 = vector.load %arg2[%get3A_2, %get3A_3] : memref<128x128xf32, #tpu.memory_space<vmem>>, vector<128x128xf32>
    %dot_general3A = arith.constant dense<0.000000e+00> : vector<736x128xf32>
    %dot_general3A_5 = tpu.matmul %get3A_1, %get3A_4, %dot_general3A {dimension_numbers = #tpu.dot_dimension_numbers<[1], [0], [0], [1], [0, 0, 1, 1], [], []>, transpose_lhs_hint = false} : vector<736x128xf32>, vector<128x128xf32>, vector<736x128xf32> -> vector<736x128xf32>
    %swap3A = arith.constant 0 : index
    %swap3A_6 = arith.constant 0 : index
    %swap3A_7 = vector.load %arg5[%swap3A, %swap3A_6] : memref<736x128xf32, #tpu.memory_space<vmem>>, vector<736x128xf32>
    tpu.vector_store %arg5[%swap3A, %swap3A_6], %dot_general3A_5 {strides = array<i32>} : memref<736x128xf32, #tpu.memory_space<vmem>>, vector<736x128xf32>,
    %get3A_8 = arith.constant 0 : index
    %get3A_9 = arith.constant 0 : index
    %get3A_10 = vector.load %arg3[%get3A_8, %get3A_9] : memref<128x128xf32, #tpu.memory_space<vmem>>, vector<128x128xf32>
    %dot_general3A_11 = arith.constant dense<0.000000e+00> : vector<736x128xf32>
    %dot_general3A_12 = tpu.matmul %get3A_1, %get3A_10, %dot_general3A_11 {dimension_numbers = #tpu.dot_dimension_numbers<[1], [0], [0], [1], [0, 0, 1, 1], [], []>, transpose_lhs_hint = false} : vector<736x128xf32>, vector<128x128xf32>, vector<736x128xf32> -> vector<736x128xf32>
    %swap3A_13 = arith.constant 0 : index
    %swap3A_14 = arith.constant 0 : index
    %swap3A_15 = vector.load %arg6[%swap3A_13, %swap3A_14] : memref<736x256xf32, #tpu.memory_space<vmem>>, vector<736x128xf32>
    tpu.vector_store %arg6[%swap3A_13, %swap3A_14], %dot_general3A_12 {strides = array<i32>} : memref<736x256xf32, #tpu.memory_space<vmem>>, vector<736x128xf32>,
    %get3A_16 = arith.constant 0 : index
    %get3A_17 = arith.constant 0 : index
    %get3A_18 = vector.load %arg4[%get3A_16, %get3A_17] : memref<128x128xf32, #tpu.memory_space<vmem>>, vector<128x128xf32>
    %dot_general3A_19 = arith.constant dense<0.000000e+00> : vector<736x128xf32>
    %dot_general3A_20 = tpu.matmul %get3A_1, %get3A_18, %dot_general3A_19 {dimension_numbers = #tpu.dot_dimension_numbers<[1], [0], [0], [1], [0, 0, 1, 1], [], []>, transpose_lhs_hint = false} : vector<736x128xf32>, vector<128x128xf32>, vector<736x128xf32> -> vector<736x128xf32>
    %swap3A_21 = arith.constant 0 : index
    %swap3A_22 = arith.constant 128 : index
    %swap3A_23 = vector.load %arg6[%swap3A_21, %swap3A_22] : memref<736x256xf32, #tpu.memory_space<vmem>>, vector<736x128xf32>
    tpu.vector_store %arg6[%swap3A_21, %swap3A_22], %dot_general3A_20 {strides = array<i32>} : memref<736x256xf32, #tpu.memory_space<vmem>>, vector<736x128xf32>,
    return
  }
  func.func @transform_0(%arg0: i32) -> (i32, i32) {
    %c0_i32 = arith.constant 0 : i32
    %c0_i32_0 = arith.constant 0 : i32
    return %arg0, %c0_i32 : i32, i32
  }
  func.func @transform_1(%arg0: i32) -> (i32, i32) {
    %c0_i32 = arith.constant 0 : i32
    %c0_i32_0 = arith.constant 0 : i32
    %c0_i32_1 = arith.constant 0 : i32
    return %c0_i32, %c0_i32_0 : i32, i32
  }
  func.func @transform_2(%arg0: i32) -> (i32, i32) {
    %c0_i32 = arith.constant 0 : i32
    %c0_i32_0 = arith.constant 0 : i32
    %c0_i32_1 = arith.constant 0 : i32
    return %c0_i32, %c0_i32_0 : i32, i32
  }
  func.func @transform_3(%arg0: i32) -> (i32, i32) {
    %c0_i32 = arith.constant 0 : i32
    %c0_i32_0 = arith.constant 0 : i32
    %c0_i32_1 = arith.constant 0 : i32
    return %c0_i32, %c0_i32_0 : i32, i32
  }
  func.func @transform_4(%arg0: i32) -> (i32, i32) {
    %c0_i32 = arith.constant 0 : i32
    %c0_i32_0 = arith.constant 0 : i32
    return %arg0, %c0_i32 : i32, i32
  }
  func.func @transform_5(%arg0: i32) -> (i32, i32) {
    %c0_i32 = arith.constant 0 : i32
    %c0_i32_0 = arith.constant 0 : i32
    return %arg0, %c0_i32 : i32, i32
  }
}

module attributes {stable_mosaic.version = 14 : i64} {
  func.func @_merge_body(%arg0: i32, %arg1: memref<632x144xf32, #tpu.memory_space<vmem>>, %arg2: memref<632x144xf32, #tpu.memory_space<vmem>>, %arg3: memref<632x128xf32, #tpu.memory_space<vmem>>, %arg4: memref<128x128xf32, #tpu.memory_space<vmem>>, %arg5: memref<128x128xf32, #tpu.memory_space<vmem>>, %arg6: memref<1x128xf32, #tpu.memory_space<vmem>>, %arg7: memref<128x128xf32, #tpu.memory_space<vmem>>, %arg8: memref<1x128xf32, #tpu.memory_space<vmem>>, %arg9: memref<632x128xf32, #tpu.memory_space<vmem>>) attributes {dimension_semantics = [#tpu.dimension_semantics<arbitrary>], iteration_bounds = array<i64: 16>, scalar_prefetch = 0 : i64, scratch_operands = 0 : i64, tpu.core_type = #tpu.core_type<tc>, window_params = [{transform_indices = @transform_0, window_bounds = array<i64: 632, 144>}, {transform_indices = @transform_1, window_bounds = array<i64: 632, 144>}, {transform_indices = @transform_2, window_bounds = array<i64: 632, 128>}, {pipeline_mode = #tpu.pipeline_mode<synchronous>, transform_indices = @transform_3, window_bounds = array<i64: 128, 128>}, {pipeline_mode = #tpu.pipeline_mode<synchronous>, transform_indices = @transform_4, window_bounds = array<i64: 128, 128>}, {pipeline_mode = #tpu.pipeline_mode<synchronous>, transform_indices = @transform_5, window_bounds = array<i64: 1, 128>}, {pipeline_mode = #tpu.pipeline_mode<synchronous>, transform_indices = @transform_6, window_bounds = array<i64: 128, 128>}, {pipeline_mode = #tpu.pipeline_mode<synchronous>, transform_indices = @transform_7, window_bounds = array<i64: 1, 128>}, {transform_indices = @transform_8, window_bounds = array<i64: 632, 128>}]} {
    %get3A = arith.constant 0 : index
    %get3A_0 = arith.constant 0 : index
    %get3A_1 = vector.load %arg1[%get3A, %get3A_0] : memref<632x144xf32, #tpu.memory_space<vmem>>, vector<632x144xf32>
    %get3A_2 = arith.constant 0 : index
    %get3A_3 = arith.constant 0 : index
    %get3A_4 = vector.load %arg2[%get3A_2, %get3A_3] : memref<632x144xf32, #tpu.memory_space<vmem>>, vector<632x144xf32>
    %add3A = arith.addf %get3A_1, %get3A_4 : vector<632x144xf32>
    %slice3A = vector.extract_strided_slice %add3A {offsets = [0, 0], sizes = [632, 128], strides = [1, 1]} : vector<632x144xf32> to vector<632x128xf32>
    %slice3A_5 = vector.extract_strided_slice %add3A {offsets = [0, 128], sizes = [632, 1], strides = [1, 1]} : vector<632x144xf32> to vector<632x1xf32>
    %add3A_6 = arith.constant 1.000000e-16 : f32
    %add3A_7 = vector.broadcast %add3A_6 : f32 to vector<632x1xf32>
    %add3A_8 = arith.addf %slice3A_5, %add3A_7 : vector<632x1xf32>
    %slice3A_9 = vector.extract_strided_slice %add3A {offsets = [0, 129], sizes = [632, 1], strides = [1, 1]} : vector<632x144xf32> to vector<632x1xf32>
    %add3A_10 = arith.constant 1.000000e-16 : f32
    %add3A_11 = vector.broadcast %add3A_10 : f32 to vector<632x1xf32>
    %add3A_12 = arith.addf %slice3A_9, %add3A_11 : vector<632x1xf32>
    %iota3A = tpu.iota {dimensions = array<i32: 1>} : vector<632x128xi32>
    %lt3A = arith.constant 64 : i32
    %lt3A_13 = vector.broadcast %lt3A : i32 to vector<632x128xi32>
    %lt3A_14 = arith.cmpi slt, %iota3A, %lt3A_13 : vector<632x128xi32>
    %broadcast_in_dim3A = vector.shape_cast %add3A_8 : vector<632x1xf32> to vector<632x1xf32>
    %broadcast_in_dim3A_15 = vector.broadcast %broadcast_in_dim3A : vector<632x1xf32> to vector<632x128xf32>
    %broadcast_in_dim3A_16 = vector.shape_cast %add3A_12 : vector<632x1xf32> to vector<632x1xf32>
    %broadcast_in_dim3A_17 = vector.broadcast %broadcast_in_dim3A_16 : vector<632x1xf32> to vector<632x128xf32>
    %select_n3A = arith.select %lt3A_14, %broadcast_in_dim3A_15, %broadcast_in_dim3A_17 : vector<632x128xi1>, vector<632x128xf32>
    %div3A = arith.divf %slice3A, %select_n3A : vector<632x128xf32>
    %get3A_18 = arith.constant 0 : index
    %get3A_19 = arith.constant 0 : index
    %get3A_20 = vector.load %arg4[%get3A_18, %get3A_19] : memref<128x128xf32, #tpu.memory_space<vmem>>, vector<128x128xf32>
    %dot_general3A = arith.constant dense<0.000000e+00> : vector<632x128xf32>
    %dot_general3A_21 = tpu.matmul %div3A, %get3A_20, %dot_general3A {dimension_numbers = #tpu.dot_dimension_numbers<[1], [0], [0], [1], [0, 0, 1, 1], [], []>, transpose_lhs_hint = false} : vector<632x128xf32>, vector<128x128xf32>, vector<632x128xf32> -> vector<632x128xf32>
    %get3A_22 = arith.constant 0 : index
    %get3A_23 = arith.constant 0 : index
    %get3A_24 = vector.load %arg3[%get3A_22, %get3A_23] : memref<632x128xf32, #tpu.memory_space<vmem>>, vector<632x128xf32>
    %get3A_25 = arith.constant 0 : index
    %get3A_26 = arith.constant 0 : index
    %get3A_27 = vector.load %arg5[%get3A_25, %get3A_26] : memref<128x128xf32, #tpu.memory_space<vmem>>, vector<128x128xf32>
    %dot_general3A_28 = arith.constant dense<0.000000e+00> : vector<632x128xf32>
    %dot_general3A_29 = tpu.matmul %get3A_24, %get3A_27, %dot_general3A_28 {dimension_numbers = #tpu.dot_dimension_numbers<[1], [0], [0], [1], [0, 0, 1, 1], [], []>, transpose_lhs_hint = false} : vector<632x128xf32>, vector<128x128xf32>, vector<632x128xf32> -> vector<632x128xf32>
    %add3A_30 = arith.addf %dot_general3A_21, %dot_general3A_29 : vector<632x128xf32>
    %get3A_31 = arith.constant 0 : index
    %get3A_32 = arith.constant 0 : index
    %get3A_33 = vector.load %arg6[%get3A_31, %get3A_32] : memref<1x128xf32, #tpu.memory_space<vmem>>, vector<1x128xf32>
    %add3A_34 = vector.broadcast %get3A_33 : vector<1x128xf32> to vector<632x128xf32>
    %add3A_35 = arith.addf %add3A_30, %add3A_34 : vector<632x128xf32>
    %max3A = arith.constant 0.000000e+00 : f32
    %max3A_36 = vector.broadcast %max3A : f32 to vector<632x128xf32>
    %max3A_37 = arith.maximumf %add3A_35, %max3A_36 : vector<632x128xf32>
    %get3A_38 = arith.constant 0 : index
    %get3A_39 = arith.constant 0 : index
    %get3A_40 = vector.load %arg7[%get3A_38, %get3A_39] : memref<128x128xf32, #tpu.memory_space<vmem>>, vector<128x128xf32>
    %dot_general3A_41 = arith.constant dense<0.000000e+00> : vector<632x128xf32>
    %dot_general3A_42 = tpu.matmul %max3A_37, %get3A_40, %dot_general3A_41 {dimension_numbers = #tpu.dot_dimension_numbers<[1], [0], [0], [1], [0, 0, 1, 1], [], []>, transpose_lhs_hint = false} : vector<632x128xf32>, vector<128x128xf32>, vector<632x128xf32> -> vector<632x128xf32>
    %get3A_43 = arith.constant 0 : index
    %get3A_44 = arith.constant 0 : index
    %get3A_45 = vector.load %arg8[%get3A_43, %get3A_44] : memref<1x128xf32, #tpu.memory_space<vmem>>, vector<1x128xf32>
    %add3A_46 = vector.broadcast %get3A_45 : vector<1x128xf32> to vector<632x128xf32>
    %add3A_47 = arith.addf %dot_general3A_42, %add3A_46 : vector<632x128xf32>
    %swap3A = arith.constant 0 : index
    %swap3A_48 = arith.constant 0 : index
    %swap3A_49 = vector.load %arg9[%swap3A, %swap3A_48] : memref<632x128xf32, #tpu.memory_space<vmem>>, vector<632x128xf32>
    tpu.vector_store %arg9[%swap3A, %swap3A_48], %add3A_47 {strides = array<i32>} : memref<632x128xf32, #tpu.memory_space<vmem>>, vector<632x128xf32>,
    return
  }
  func.func @transform_0(%arg0: i32) -> (i32, i32) {
    %c0_i32 = arith.constant 0 : i32
    %c0_i32_0 = arith.constant 0 : i32
    return %arg0, %c0_i32 : i32, i32
  }
  func.func @transform_1(%arg0: i32) -> (i32, i32) {
    %c0_i32 = arith.constant 0 : i32
    %c0_i32_0 = arith.constant 0 : i32
    return %arg0, %c0_i32 : i32, i32
  }
  func.func @transform_2(%arg0: i32) -> (i32, i32) {
    %c0_i32 = arith.constant 0 : i32
    %c0_i32_0 = arith.constant 0 : i32
    return %arg0, %c0_i32 : i32, i32
  }
  func.func @transform_3(%arg0: i32) -> (i32, i32) {
    %c0_i32 = arith.constant 0 : i32
    %c0_i32_0 = arith.constant 0 : i32
    %c0_i32_1 = arith.constant 0 : i32
    return %c0_i32, %c0_i32_0 : i32, i32
  }
  func.func @transform_4(%arg0: i32) -> (i32, i32) {
    %c0_i32 = arith.constant 0 : i32
    %c0_i32_0 = arith.constant 0 : i32
    %c0_i32_1 = arith.constant 0 : i32
    return %c0_i32, %c0_i32_0 : i32, i32
  }
  func.func @transform_5(%arg0: i32) -> (i32, i32) {
    %c0_i32 = arith.constant 0 : i32
    %c0_i32_0 = arith.constant 0 : i32
    %c0_i32_1 = arith.constant 0 : i32
    return %c0_i32, %c0_i32_0 : i32, i32
  }
  func.func @transform_6(%arg0: i32) -> (i32, i32) {
    %c0_i32 = arith.constant 0 : i32
    %c0_i32_0 = arith.constant 0 : i32
    %c0_i32_1 = arith.constant 0 : i32
    return %c0_i32, %c0_i32_0 : i32, i32
  }
  func.func @transform_7(%arg0: i32) -> (i32, i32) {
    %c0_i32 = arith.constant 0 : i32
    %c0_i32_0 = arith.constant 0 : i32
    %c0_i32_1 = arith.constant 0 : i32
    return %c0_i32, %c0_i32_0 : i32, i32
  }
  func.func @transform_8(%arg0: i32) -> (i32, i32) {
    %c0_i32 = arith.constant 0 : i32
    %c0_i32_0 = arith.constant 0 : i32
    return %arg0, %c0_i32 : i32, i32
  }
}

</mosaic_0001>

<sc_bundles>
// kernel: kernel.6.cloned.1.call-start
scs
__scs_entry_jumppad:
0x0: {  	(pc) =	sbr.rel $0x88, $3  }
0x1: {  	(tag) =	ssettag $0x0;
	lr =	simm.s32 $0x1  }
0x2: {  	[smem:$0x3F92] =	sst lr;
	_ =	strace $0xD0000000  }
0x3: {  	_ = 	snop  }
0x4: {  	_ = 	snop  }
0x5: {  	_ = 	snop  }
0x6: {  	_ = 	snop  }
0x7: {  	_ = 	snop  }
__scs_overlays_trampoline_lowered:
0x8: {  	[smem:$0x3FA1] =	sst s0  }
0x9: {  	[smem:$0x3FA2] =	sst s1  }
0xa: {  	[smem:$0x3FA3] =	sst s2  }
0xb: {  	[smem:$0x3FA4] =	sst s3  }
0xc: {  	[smem:$0x3FA5] =	sst s4  }
0xd: {  	[smem:$0x3FA6] =	sst s5  }
0xe: {  	[smem:$0x3FA7] =	sst s6  }
0xf: {  	[smem:$0x3FA8] =	sst s7  }
0x10: {  	[smem:$0x3FA9] =	sst s8  }
0x11: {  	[smem:$0x3FAA] =	sst s9;
	s0 =	simm.s32 @!p0 $0x0  }
0x12: {  	s1 =	sld [smem:$0x3F90];
	s0 =	simm.s32 @p0 $0x1  }
0x13: {  	[smem:$0x3FAB] =	sst s0;
	s0 =	simm.s32 @!p1 $0x0  }
0x14: {  	s2 =	sld [smem:$0x3F8F];
	s0 =	simm.s32 @p1 $0x1  }
0x15: {  	[smem:$0x3FAC] =	sst s0;
	s0 =	simm.s32 @!p2 $0x0  }
0x16: {  	s3 =	sld [smem:$0x3FDB];
	s0 =	simm.s32 @p2 $0x1  }
0x17: {  	s4 =	simm.s32 $0x1BF5;
	[smem:$0x3FAE] =	sst s0  }
0x18: {  	s0 =	sld [smem:$0x3F91];
	_ =	swait.ge [sflag:s4], $0x0  }
0x19: {  	s7 =	sld [smem:$0x3F92]  }
0x1a: {  	s8 =	sadd.s32 $0xFFFFE003, lr  }
0x1b: {  	s9 =	sadd.s32 $0xFFFFFEF7, lr;
	s5 =	simm.s32 $0xFFFFFFFF;
	p2 =	slt.u32 s8, $0xFFFFF086  }
0x1c: {  	p1 =	slt.u32 s9, $0xF7A;
	s5 =	simm.s32 @!p2 $0x0  }
0x1d: {  	s5 =	simm.s32 @p1 $0x1;
	p0 =	seq.s32 s7, s2  }
0x1e: {  	s7 =	smul.u32 @!p0 $0xF7A, s2;
	p2 =	seq.s32 @!p0 s5, $0x0  }
0x1f: {  	s9 =	smul.u32 $0xF7A, s1;
	s8 =	simm.s32 @!p0 $0x1BF5;
	p2 =	por !p2, p0  }
0x20: {  	[sflag:s8] =	ssyncset.s32 @!p0 $0xFFFFF086;
	s6 =	sadd.s32 @!p0 s3, s7;
	s7 =	simm.s32 @!p0 $0x108  }
0x21: {  	s3 =	sadd.s32 s3, s9;
	s6 =	sadd.s32 @!p0 $0x88, s6;
	s7 =	simm.s32 @p2 $0x1082  }
0x22: {  	[simem:s7], [sflag:s8] =	dma.local @!p0 [hbm:s6], $0xF7A  }
0x23: {  	s9 =	sor.u32 $0xD0000000, s2;
	s6 =	simm.s32 $0x108;
	_ =	swait.ge @!p0 [sflag:s8], $0x0  }
0x24: {  	s3 =	sadd.s32 $0x88, s3;
	s6 =	simm.s32 @!p1 $0x1082;
	[sflag:s4] =	ssyncset.s32 $0xFFFFF086  }
0x25: {  	[simem:s6], [sflag:s4] =	dma.local [hbm:s3], $0xF7A  }
0x26: {  	[smem:$0x3F92] =	sst s1;
	(tag) =	ssettag s2;
	_ =	strace s9  }
0x27: {  	s1 =	sld [smem:$0x3FA2]  }
0x28: {  	s2 =	sld [smem:$0x3FA3]  }
0x29: {  	s4 =	sld [smem:$0x3FA5]  }
0x2a: {  	p0 =	seq.s32 s5, $0x0;
	s5 =	sld [smem:$0x3FA6]  }
0x2b: {  	s6 =	sld [smem:$0x3FA7]  }
0x2c: {  	s7 =	sld [smem:$0x3FA8]  }
0x2d: {  	s3 =	simm.s32 $0x108;
	s8 =	sld [smem:$0x3FA9]  }
0x2e: {  	s3 =	simm.s32 @!p0 $0x1082;
	s9 =	sld [smem:$0x3FAA]  }
0x2f: {  	lr =	sadd.s32 s0, s3;
	s0 =	sld [smem:$0x3FA1]  }
0x30: {  	s3 =	sld [smem:$0x3FA4]  }
0x31: {  	[smem:$0x3FAD] =	sst s10  }
0x32: {  	s10 =	sld [smem:$0x3FAB];
	_ =	sdelay $0x3  }
0x33: {  	p0 =	seq.s32 s10, $0x1;
	s10 =	sld [smem:$0x3FAD];
	_ =	sdelay $0x3  }
0x34: {  	[smem:$0x3FAD] =	sst s10  }
0x35: {  	s10 =	sld [smem:$0x3FAC];
	_ =	sdelay $0x3  }
0x36: {  	p1 =	seq.s32 s10, $0x1;
	s10 =	sld [smem:$0x3FAD];
	_ =	sdelay $0x3  }
0x37: {  	[smem:$0x3FAD] =	sst s10  }
0x38: {  	s10 =	sld [smem:$0x3FAE]  }
0x39: {  	_ = 	snop;
	(pc) =	sbr.ind lr, $3  }
0x3a: {  	_ = 	snop  }
0x3b: {  	_ = 	snop  }
0x3c: {  	p2 =	seq.s32 s10, $0x1;
	s10 =	sld [smem:$0x3FAD]  }
0x3d: {  	_ =	shalt  }
0x3e: {  	_ =	shalt  }
0x3f: {  	_ =	shalt  }
0x40: {  	_ =	shalt  }
0x41: {  	_ =	shalt  }
0x42: {  	_ =	shalt  }
0x43: {  	_ =	shalt  }
0x44: {  	_ =	shalt  }
0x45: {  	_ =	shalt  }
0x46: {  	_ =	shalt  }
0x47: {  	_ =	shalt  }
0x48: {  	_ =	shalt  }
0x49: {  	_ =	shalt  }
0x4a: {  	_ =	shalt  }
0x4b: {  	_ =	shalt  }
0x4c: {  	_ =	shalt  }
0x4d: {  	_ =	shalt  }
0x4e: {  	_ =	shalt  }
0x4f: {  	_ =	shalt  }
0x50: {  	_ =	shalt  }
0x51: {  	_ =	shalt  }
0x52: {  	_ =	shalt  }
0x53: {  	_ =	shalt  }
0x54: {  	_ =	shalt  }
0x55: {  	_ =	shalt  }
0x56: {  	_ =	shalt  }
0x57: {  	_ =	shalt  }
0x58: {  	_ =	shalt  }
0x59: {  	_ =	shalt  }
0x5a: {  	_ =	shalt  }
0x5b: {  	_ =	shalt  }
0x5c: {  	_ =	shalt  }
0x5d: {  	_ =	shalt  }
0x5e: {  	_ =	shalt  }
0x5f: {  	_ =	shalt  }
0x60: {  	_ =	shalt  }
0x61: {  	_ =	shalt  }
0x62: {  	_ =	shalt  }
0x63: {  	_ =	shalt  }
0x64: {  	_ =	shalt  }
0x65: {  	_ =	shalt  }
0x66: {  	_ =	shalt  }
0x67: {  	_ =	shalt  }
0x68: {  	_ =	shalt  }
0x69: {  	_ =	shalt  }
0x6a: {  	_ =	shalt  }
0x6b: {  	_ =	shalt  }
0x6c: {  	_ =	shalt  }
0x6d: {  	_ =	shalt  }
0x6e: {  	_ =	shalt  }
0x6f: {  	_ =	shalt  }
0x70: {  	_ =	shalt  }
0x71: {  	_ =	shalt  }
0x72: {  	_ =	shalt  }
0x73: {  	_ =	shalt  }
0x74: {  	_ =	shalt  }
0x75: {  	_ =	shalt  }
0x76: {  	_ =	shalt  }
0x77: {  	_ =	shalt  }
0x78: {  	_ =	shalt  }
0x79: {  	_ =	shalt  }
0x7a: {  	_ =	shalt  }
0x7b: {  	_ =	shalt  }
0x7c: {  	_ =	shalt  }
0x7d: {  	_ =	shalt  }
0x7e: {  	_ =	shalt  }
0x7f: {  	_ =	shalt  }
0x80: {  	_ =	shalt  }
0x81: {  	_ =	shalt  }
0x82: {  	_ =	shalt  }
0x83: {  	_ =	shalt  }
0x84: {  	_ =	shalt  }
0x85: {  	_ =	shalt  }
0x86: {  	_ =	shalt  }
0x87: {  	_ =	shalt  }
.Lfunc_end0:
.L_simem_size_0:
called_computation_lowered:
.L_overlay_start_0:
0x88: {  	s2 =	sld [smem:$0x3FD9]  }
0x89: {  	s3 =	sld [smem:$0x3FFE];
	_ =	sdelay $0x1  }
0x8a: {  	s1 =	srdreg.scid  }
0x8b: {  	s0 =	sand.u32 $0x1, s1  }
0x8c: {  	s16 =	sshll.u32 s0, $0xA;
	s2 =	sadd.s32 s3, s2  }
0x8d: {  	s2 =	sadd.s32 s2, s16  }
0x8e: {  	[smem:$0x3FB9] =	sst s2  }
0x8f: {  	_ = 	snop  }
0x90: {  	(tm) =	ssettm $0x1  }
0x91: {  	s17 =	sld [smem:$0x3FFB];
	_ =	sdelay $0x3  }
0x92: {  	_ =	strace s17  }
0x93: {  	s2 =	sld [smem:$0x3FFC];
	_ =	sdelay $0x3  }
0x94: {  	_ =	strace s2  }
0x95: {  	s2 =	sld [smem:$0x3FFD];
	_ =	sdelay $0x3  }
0x96: {  	_ =	strace s2  }
0x97: {  	_ =	strace $0x8FFFFFFF  }
0x98: {  	s18 =	sld [smem:$0x3FDB];
	_ =	sdelay $0x1  }
0x99: {  	s19 =	simm.s32 $_scs_section_size  }
0x9a: {  	s4 =	simm.s32 $_size__tile_overlayer_lowered;
	s5 =	simm.s32 $_tile_overlayer_lowered  }
0x9b: {  	s22 =	simm.s32 $0x1BFF;
	s21 =	sshll.u32 s5, $0x1;
	s2 =	sadd.s32 s19, s18  }
0x9c: {  	s6 =	simm.s32 $0x0;
	s20 =	sshll.u32 s4, $0x1;
	s4 =	sadd.s32 s21, s2  }
0x9d: {  	[timem:s6], [sflag:s22] =	dma.local [hbm:s4], s20  }
0x9e: {  	_ =	swait.ge [sflag:s22], s20  }
0x9f: {  	s3 =	ssub.s32 $0x0, s20;
	[sflag:s22] =	ssyncset.done $0x0  }
0xa0: {  	[sflag:s22] =	ssyncadd.s32 s3;
	_ =	sdelay $0x1  }
0xa1: {  	s23 =	simm.s32 $0x1B8B  }
0xa2: {  	_ =	swait.ge [sflag:s23], $0x1  }
0xa3: {  	[sflag:s23] =	ssyncset.done $0x0  }
0xa4: {  	s25 =	simm.s32 $0x1B8E;
	s24 =	sld [smem:$0x3FFE];
	[sflag:s23] =	ssyncadd.s32 $0xFFFFFFFF  }
0xa5: {  	s26 =	simm.s32 $execute0_lowered;
	[smem:$0x3FD2] =	sst s25  }
0xa6: {  	s4 =	sshll.u32 s26, $0x1;
	_ =	strace $0x80000046;
	[dreg:$0x1] =	wrdreg $0xFFFFFFFF  }
0xa7: {  	s28 =	simm.s32 $_size_execute0_lowered;
	s2 =	sadd.s32 s2, s4;
	[dreg:$0x0] =	wrdreg $0x0  }
0xa8: {  	s4 =	sshll.u32 s28, $0x1;
	[dreg:$0x2] =	wrdreg s2  }
0xa9: {  	[dreg:$0x3] =	wrdreg s4  }
0xaa: {  	[dreg:$0x4] =	wrdreg $0xC0  }
0xab: {  	_ =	task [dreg:s6], $0x5FFFF  }
0xac: {  	[dreg:$0x1] =	wrdreg $0xFFFFFFFF  }
0xad: {  	[dreg:$0x0] =	wrdreg $0x60  }
0xae: {  	[dreg:$0x2] =	wrdreg s24  }
0xaf: {  	[dreg:$0x3] =	wrdreg $0x0  }
0xb0: {  	[dreg:$0x4] =	wrdreg $0x9  }
0xb1: {  	_ =	task.clear_ibuf [dreg:s6], $0x5FFFF;
	_ =	strace $0x90000046  }
0xb2: {  	s29 =	simm.s32 $0x9;
	_ =	strace $0x80000048  }
0xb3: {  	_ =	swait.ge [sflag:s29], $0x1  }
0xb4: {  	[sflag:s29] =	ssyncadd.s32 $0xFFFFFFFF  }
0xb5: {  	_ =	strace $0x90000048  }
0xb6: {  	_ =	sfence  }
0xb7: {  	s30 =	sld [smem:$0x0];
	_ =	sdelay $0x2  }
0xb8: {  	s31 =	sshll.u32 s1, $0xD;
	s1 =	sshrl.u32 s1, $0x2  }
0xb9: {  	s3 =	sand.u32 $0x4000, s31;
	s1 =	sadd.s32 s1, s30  }
0xba: {  	s0 =	sor.u32 s3, s0;
	s1 =	sshll.u32 s1, $0x11  }
0xbb: {  	s0 =	sor.u32 s1, s0  }
0xbc: {  	s0 =	sadd.s32 $0x8F2B, s0  }
0xbd: {  	[sflag:s0] =	ssyncadd.remote.s32 $0x1  }
0xbe: {  	_ =	sfence.sel $0xFFFF  }
0xbf: {  	[dreg:$0x0] =	wrdreg $0xFFFFFFFF;
	(pc) =	sbr.abs _section_cstart, $3  }
0xc0: {  	[dreg:$0x1] =	wrdreg $0xFFFFFFFF  }
0xc1: {  	_ =	task.clear_ibuf [dreg:s6], $0x2FFFF;
	_ =	strace $0x9FFFFFFF  }
0xc2: {  	(tm) =	ssettm $0x7FFFFFFF  }
0xc3: {  	_ =	shalt  }
tec
execute0_lowered:
.L_overlay_start_1:
0x0: {  	(tag) =	ssettag $0x1  }
0x1: {  	s0 =	srdreg.scid;
	s5 =	stileid.u32  }
0x2: {  	s4 =	rddreg [dreg:$0x0];
	s1 =	simm.s32 $0x0;
	s3 =	smul.u32 $0x16380, s5  }
0x3: {  	s12 =	sand.u32 $0x1, s0;
	[smem:$0x7FF] =	sst s1;
	s14 =	sadd.s32 $0x75B600, s4  }
0x4: {  	s10 =	sshll.u32 s5, $0x1;
	s0 =	ssub.s32 $0x2, s12;
	s11 =	sadd.s32 $0x900, s3  }
0x5: {  	s16 =	smul.u32 $0x163800, s12;
	s13 =	sadd.s32 $0x1200, s3;
	[smem:$0x7C5] =	sst s11  }
0x6: {  	s2 =	sshrl.u32 s0, $0x1;
	s15 =	sadd.s32 $0x1B00, s3;
	[smem:$0x7C7] =	sst s13  }
0x7: {  	s6 =	sadd.s32 $0x2400, s3;
	s7 =	sadd.s32 $0x2D00, s3;
	[smem:$0x7C9] =	sst s15  }
0x8: {  	s8 =	sadd.s32 $0x3600, s3;
	s9 =	sadd.s32 $0x3F00, s3;
	[smem:$0x7CB] =	sst s6  }
0x9: {  	s28 =	sadd.s32 $0xB400, s3;
	s30 =	sadd.s32 $0xC600, s3;
	[smem:$0x7CD] =	sst s7  }
0xa: {  	s31 =	sadd.s32 $0xCF00, s3;
	s0 =	ssub.s32 s0, s2;
	[smem:$0x7CF] =	sst s8  }
0xb: {  	[smem:$0x7D1] =	sst s9;
	s17 =	sadd.s32 s3, s16;
	s2 =	sadd.s32 s16, s11  }
0xc: {  	s11 =	sadd.s32 $0x5100, s3;
	s19 =	sadd.s32 s16, s13;
	s20 =	sadd.s32 s16, s15  }
0xd: {  	s21 =	sadd.s32 s16, s6;
	s25 =	sadd.s32 s16, s7;
	[smem:$0x7FA] =	sst s0  }
0xe: {  	s26 =	sadd.s32 s16, s8;
	s7 =	sadd.s32 $0x5A00, s3;
	[smem:$0x7D5] =	sst s11  }
0xf: {  	s29 =	sadd.s32 s16, s9;
	s13 =	sadd.s32 $0x6300, s3;
	[smem:$0x7D7] =	sst s7  }
0x10: {  	s15 =	sadd.s32 $0x6C00, s3;
	s0 =	sor.u32 s12, s10;
	[smem:$0x7D9] =	sst s13  }
0x11: {  	s10 =	sadd.s32 $0x4800, s3;
	s2 =	sshrl.u32 s2, $0x3;
	[smem:$0x7DB] =	sst s15  }
0x12: {  	s22 =	sshrl.u32 s20, $0x3;
	s23 =	sshrl.u32 s21, $0x3;
	[smem:$0x7C3] =	sst s0  }
0x13: {  	s4 =	sshrl.u32 s29, $0x3;
	s8 =	sadd.s32 s16, s11;
	[smem:$0x7D3] =	sst s10  }
0x14: {  	s0 =	sshrl.u32 s17, $0x3;
	s18 =	sadd.s32 s14, s2;
	s24 =	sadd.s32 s14, s23  }
0x15: {  	s2 =	sshrl.u32 s26, $0x3;
	s5 =	sadd.s32 s14, s4;
	s6 =	sadd.s32 s16, s10  }
0x16: {  	s9 =	sshrl.u32 s8, $0x3;
	s10 =	sadd.s32 s16, s7;
	[dreg:$0x4] =	wrdreg s18  }
0x17: {  	s17 =	sadd.s32 s16, s13;
	s23 =	sadd.s32 $0x7E00, s3;
	[dreg:$0x7] =	wrdreg s24  }
0x18: {  	s26 =	sadd.s32 $0x9000, s3;
	s7 =	sadd.s32 $0x9900, s3;
	[dreg:$0xa] =	wrdreg s5  }
0x19: {  	s0 =	sadd.s32 s14, s0;
	s11 =	sshrl.u32 s10, $0x3;
	[smem:$0x7DF] =	sst s23  }
0x1a: {  	s18 =	sadd.s32 $0x7500, s3;
	s24 =	sadd.s32 $0x8700, s3;
	[smem:$0x7E3] =	sst s26  }
0x1b: {  	s5 =	sadd.s32 s16, s26;
	[smem:$0x7E5] =	sst s7;
	s8 =	sadd.s32 s16, s7  }
0x1c: {  	s26 =	sadd.s32 $0xAB00, s3;
	[dreg:$0x3] =	wrdreg s0;
	s0 =	sshrl.u32 s19, $0x3  }
0x1d: {  	[smem:$0x7DD] =	sst s18;
	s19 =	sadd.s32 s16, s15;
	s21 =	sadd.s32 s16, s18  }
0x1e: {  	[smem:$0x7E1] =	sst s24;
	s29 =	sadd.s32 s16, s24;
	s0 =	sadd.s32 s14, s0  }
0x1f: {  	s15 =	sadd.s32 s16, s28;
	[dreg:$0x5] =	wrdreg s0;
	s0 =	sadd.s32 s14, s22  }
0x20: {  	s24 =	sadd.s32 $0xD800, s3;
	[dreg:$0x6] =	wrdreg s0;
	s0 =	sshrl.u32 s25, $0x3  }
0x21: {  	s20 =	sshrl.u32 s19, $0x3;
	s4 =	sshrl.u32 s29, $0x3;
	s0 =	sadd.s32 s14, s0  }
0x22: {  	s29 =	sadd.s32 $0xBD00, s3;
	[dreg:$0x8] =	wrdreg s0;
	s0 =	sadd.s32 s14, s2  }
0x23: {  	s19 =	sadd.s32 s16, s30;
	[dreg:$0x9] =	wrdreg s0;
	s0 =	sshrl.u32 s6, $0x3  }
0x24: {  	s22 =	sshrl.u32 s21, $0x3;
	s21 =	sadd.s32 s16, s31;
	s0 =	sadd.s32 s14, s0  }
0x25: {  	s25 =	sadd.s32 s16, s23;
	[dreg:$0xb] =	wrdreg s0;
	s0 =	sadd.s32 s14, s9  }
0x26: {  	s23 =	sadd.s32 $0xE100, s3;
	[dreg:$0xc] =	wrdreg s0;
	s0 =	sadd.s32 s14, s11  }
0x27: {  	s6 =	sshrl.u32 s5, $0x3;
	[dreg:$0xd] =	wrdreg s0;
	s0 =	sshrl.u32 s17, $0x3  }
0x28: {  	s5 =	sadd.s32 s16, s23;
	s11 =	sadd.s32 s16, s26;
	s0 =	sadd.s32 s14, s0  }
0x29: {  	s13 =	sshrl.u32 s11, $0x3;
	[dreg:$0xe] =	wrdreg s0;
	s0 =	sadd.s32 s14, s20  }
0x2a: {  	s17 =	sadd.s32 s16, s29;
	[dreg:$0xf] =	wrdreg s0;
	s0 =	sadd.s32 s14, s22  }
0x2b: {  	s18 =	sshrl.u32 s17, $0x3;
	[dreg:$0x10] =	wrdreg s0;
	s0 =	sshrl.u32 s25, $0x3  }
0x2c: {  	s17 =	sadd.s32 $0x11700, s3;
	s20 =	sshrl.u32 s19, $0x3;
	s0 =	sadd.s32 s14, s0  }
0x2d: {  	s19 =	sadd.s32 $0x10500, s3;
	[dreg:$0x11] =	wrdreg s0;
	s0 =	sadd.s32 s14, s4  }
0x2e: {  	s25 =	sadd.s32 $0xA200, s3;
	[dreg:$0x12] =	wrdreg s0;
	s0 =	sadd.s32 s14, s6  }
0x2f: {  	s9 =	sadd.s32 s16, s25;
	[dreg:$0x13] =	wrdreg s0;
	s0 =	sshrl.u32 s8, $0x3  }
0x30: {  	s22 =	sadd.s32 s16, s24;
	s10 =	sshrl.u32 s9, $0x3;
	s0 =	sadd.s32 s14, s0  }
0x31: {  	s4 =	sshrl.u32 s22, $0x3;
	[dreg:$0x14] =	wrdreg s0;
	s0 =	sadd.s32 s14, s10  }
0x32: {  	s22 =	sadd.s32 $0xEA00, s3;
	[dreg:$0x15] =	wrdreg s0;
	s0 =	sadd.s32 s14, s13  }
0x33: {  	s6 =	sshrl.u32 s5, $0x3;
	[dreg:$0x16] =	wrdreg s0;
	s0 =	sshrl.u32 s15, $0x3  }
0x34: {  	s7 =	sadd.s32 s16, s22;
	s5 =	sadd.s32 s16, s17;
	s0 =	sadd.s32 s14, s0  }
0x35: {  	s13 =	sadd.s32 s16, s19;
	[dreg:$0x17] =	wrdreg s0;
	s0 =	sadd.s32 s14, s18  }
0x36: {  	s18 =	sadd.s32 $0x10E00, s3;
	[dreg:$0x18] =	wrdreg s0;
	s0 =	sadd.s32 s14, s20  }
0x37: {  	s20 =	sadd.s32 $0xFC00, s3;
	[dreg:$0x19] =	wrdreg s0;
	s0 =	sshrl.u32 s21, $0x3  }
0x38: {  	s15 =	sadd.s32 s16, s18;
	s21 =	sadd.s32 $0xF300, s3;
	s0 =	sadd.s32 s14, s0  }
0x39: {  	s10 =	sadd.s32 s16, s20;
	[dreg:$0x1a] =	wrdreg s0;
	s0 =	sadd.s32 s14, s4  }
0x3a: {  	s8 =	sadd.s32 s16, s21;
	[dreg:$0x1b] =	wrdreg s0;
	s0 =	sadd.s32 s14, s6  }
0x3b: {  	s11 =	sshrl.u32 s10, $0x3;
	[dreg:$0x1c] =	wrdreg s0;
	s0 =	sshrl.u32 s7, $0x3  }
0x3c: {  	s10 =	sadd.s32 $0x13200, s3;
	s9 =	sshrl.u32 s8, $0x3;
	s0 =	sadd.s32 s14, s0  }
0x3d: {  	s4 =	sshrl.u32 s15, $0x3;
	[dreg:$0x1d] =	wrdreg s0;
	s0 =	sadd.s32 s14, s9  }
0x3e: {  	s15 =	sadd.s32 s16, s10;
	[dreg:$0x1e] =	wrdreg s0;
	s0 =	sadd.s32 s14, s11  }
0x3f: {  	s6 =	sshrl.u32 s5, $0x3;
	[dreg:$0x1f] =	wrdreg s0;
	s0 =	sshrl.u32 s13, $0x3  }
0x40: {  	s11 =	sadd.s32 $0x12900, s3;
	s13 =	sadd.s32 $0x12000, s3;
	s0 =	sadd.s32 s14, s0  }
0x41: {  	s8 =	sadd.s32 s16, s11;
	[smem:$0x7B8] =	sst s0;
	s0 =	sadd.s32 s14, s4  }
0x42: {  	s7 =	sadd.s32 s16, s13;
	[smem:$0x7B9] =	sst s0;
	s0 =	sadd.s32 s14, s6  }
0x43: {  	s9 =	sshrl.u32 s8, $0x3;
	[smem:$0x7BA] =	sst s0;
	s0 =	sshrl.u32 s7, $0x3  }
0x44: {  	s8 =	sadd.s32 $0x14400, s3;
	s4 =	sshrl.u32 s15, $0x3;
	s0 =	sadd.s32 s14, s0  }
0x45: {  	[smem:$0x7BB] =	sst s0;
	s0 =	sadd.s32 s14, s9;
	s9 =	sadd.s32 $0x13B00, s3  }
0x46: {  	s15 =	sadd.s32 s16, s8;
	s7 =	sadd.s32 $0x14D00, s3;
	s5 =	sadd.s32 s16, s9  }
0x47: {  	[smem:$0x7BC] =	sst s0;
	s0 =	sadd.s32 s14, s4;
	s6 =	sshrl.u32 s5, $0x3  }
0x48: {  	[smem:$0x7BD] =	sst s0;
	s0 =	sshrl.u32 s15, $0x3;
	s2 =	sadd.s32 s14, s6  }
0x49: {  	s4 =	sadd.s32 s16, s7;
	s0 =	sadd.s32 s14, s0;
	[smem:$0x7BE] =	sst s2  }
0x4a: {  	s5 =	sshrl.u32 s4, $0x3;
	s6 =	sadd.s32 $0x15600, s3;
	[smem:$0x7BF] =	sst s0  }
0x4b: {  	s0 =	sadd.s32 s14, s5;
	s5 =	sadd.s32 $0x15F00, s3;
	s15 =	sadd.s32 s16, s6  }
0x4c: {  	[smem:$0x7C0] =	sst s0;
	s15 =	sshrl.u32 s15, $0x3;
	s16 =	sadd.s32 s16, s5  }
0x4d: {  	s0 =	smul.u32 $0x288, s12;
	s12 =	rddreg [dreg:$0x1];
	s16 =	sshrl.u32 s16, $0x3  }
0x4e: {  	s15 =	sadd.s32 s14, s15;
	s14 =	sadd.s32 s14, s16;
	s16 =	sld [smem:$0x7C3]  }
0x4f: {  	s4 =	stileid.u32;
	[smem:$0x7C1] =	sst s15  }
0x50: {  	s15 =	smul.u32 $0x510, s4;
	[smem:$0x7C2] =	sst s14  }
0x51: {  	s3 =	sadd.s32 s3, s12;
	s4 =	smul.u32 $0x1440, s16;
	s16 =	rddreg [dreg:$0x0]  }
0x52: {  	_ =	strace $0x80000047;
	[smem:$0x7C4] =	sst s3  }
0x53: {  	s3 =	sld [smem:$0x7C5]  }
0x54: {  	s0 =	sadd.s32 s0, s15;
	s2 =	sadd.s32 $0x89F600, s16  }
0x55: {  	s0 =	sshll.u32 s0, $0x3;
	s4 =	sadd.s32 s2, s4  }
0x56: {  	s2 =	sadd.s32 s0, s2;
	s0 =	sadd.s32 s3, s12;
	s3 =	sld [smem:$0x7C7]  }
0x57: {  	_ = 	snop  }
0x58: {  	[smem:$0x7C6] =	sst s0  }
0x59: {  	s0 =	sadd.s32 s3, s12;
	s3 =	sld [smem:$0x7C9];
	_ =	sdelay $0x1  }
0x5a: {  	[smem:$0x7C8] =	sst s0  }
0x5b: {  	s0 =	sadd.s32 s3, s12;
	s3 =	sld [smem:$0x7CB];
	_ =	sdelay $0x1  }
0x5c: {  	[smem:$0x7CA] =	sst s0  }
0x5d: {  	s0 =	sadd.s32 s3, s12;
	s3 =	sld [smem:$0x7CD];
	_ =	sdelay $0x1  }
0x5e: {  	[smem:$0x7CC] =	sst s0  }
0x5f: {  	s0 =	sadd.s32 s3, s12;
	s3 =	sld [smem:$0x7CF];
	_ =	sdelay $0x1  }
0x60: {  	[smem:$0x7CE] =	sst s0  }
0x61: {  	s0 =	sadd.s32 s3, s12;
	s3 =	sld [smem:$0x7D1];
	_ =	sdelay $0x1  }
0x62: {  	[smem:$0x7D0] =	sst s0  }
0x63: {  	s25 =	sadd.s32 s25, s12;
	s0 =	sadd.s32 s3, s12;
	s3 =	sld [smem:$0x7D3]  }
0x64: {  	[smem:$0x7E7] =	sst s25  }
0x65: {  	[smem:$0x7D2] =	sst s0  }
0x66: {  	s18 =	sadd.s32 s18, s12;
	s0 =	sadd.s32 s3, s12;
	s3 =	sld [smem:$0x7D5]  }
0x67: {  	[smem:$0x7F2] =	sst s18  }
0x68: {  	[smem:$0x7D4] =	sst s0  }
0x69: {  	s25 =	sadd.s32 s29, s12;
	s0 =	sadd.s32 s3, s12;
	s3 =	sld [smem:$0x7D7]  }
0x6a: {  	[smem:$0x7E9] =	sst s25  }
0x6b: {  	[smem:$0x7D6] =	sst s0  }
0x6c: {  	s29 =	sadd.s32 s31, s12;
	s0 =	sadd.s32 s3, s12;
	s3 =	sld [smem:$0x7D9]  }
0x6d: {  	[smem:$0x7EB] =	sst s29  }
0x6e: {  	[smem:$0x7D8] =	sst s0  }
0x6f: {  	s25 =	sadd.s32 s22, s12;
	s0 =	sadd.s32 s3, s12;
	s3 =	sld [smem:$0x7DB]  }
0x70: {  	[smem:$0x7EE] =	sst s25  }
0x71: {  	[smem:$0x7DA] =	sst s0  }
0x72: {  	s29 =	sadd.s32 s20, s12;
	s0 =	sadd.s32 s3, s12;
	s3 =	sld [smem:$0x7DD]  }
0x73: {  	[smem:$0x7F0] =	sst s29  }
0x74: {  	[smem:$0x7DC] =	sst s0  }
0x75: {  	s20 =	sadd.s32 s13, s12;
	s0 =	sadd.s32 s3, s12;
	s3 =	sld [smem:$0x7DF]  }
0x76: {  	[smem:$0x7F4] =	sst s20  }
0x77: {  	[smem:$0x7DE] =	sst s0  }
0x78: {  	s22 =	sadd.s32 s10, s12;
	s0 =	sadd.s32 s3, s12;
	s3 =	sld [smem:$0x7E1]  }
0x79: {  	[smem:$0x7F6] =	sst s22  }
0x7a: {  	[smem:$0x7E0] =	sst s0  }
0x7b: {  	s25 =	sadd.s32 s7, s12;
	s0 =	sadd.s32 s3, s12;
	s3 =	sld [smem:$0x7E3]  }
0x7c: {  	s28 =	sadd.s32 s28, s12;
	[smem:$0x7F9] =	sst s25  }
0x7d: {  	s31 =	sadd.s32 s5, s12;
	s5 =	simm.s32 $0x16380;
	[smem:$0x7E2] =	sst s0  }
0x7e: {  	s18 =	simm.s32 $0x16C00;
	s0 =	sadd.s32 s3, s12;
	s3 =	sld [smem:$0x7E5]  }
0x7f: {  	s14 =	sadd.s32 $0x7B7600, s16;
	[smem:$0x7FC] =	sst s4;
	s29 =	sadd.s32 $0x8, s4  }
0x80: {  	s15 =	sadd.s32 $0x7E5600, s16;
	s16 =	sadd.s32 $0x5600, s16;
	[smem:$0x7FD] =	sst s29  }
0x81: {  	s10 =	simm.s32 $0x17400;
	[smem:$0x7E4] =	sst s0;
	s0 =	sadd.s32 s3, s12  }
0x82: {  	s13 =	simm.s32 $0x19400;
	s3 =	sadd.s32 s26, s12;
	[smem:$0x7E6] =	sst s0  }
0x83: {  	s7 =	simm.s32 $0x10;
	s26 =	sadd.s32 s30, s12;
	[smem:$0x7E8] =	sst s3  }
0x84: {  	s20 =	simm.s32 $0x18400;
	[smem:$0x7EA] =	sst s26;
	s3 =	sadd.s32 s24, s12  }
0x85: {  	s22 =	simm.s32 $0x1AC00;
	s24 =	sadd.s32 s23, s12;
	[smem:$0x7EC] =	sst s3  }
0x86: {  	s4 =	simm.s32 $0x3;
	s26 =	sadd.s32 s21, s12;
	[smem:$0x7ED] =	sst s24  }
0x87: {  	s30 =	sadd.s32 s6, s12;
	s21 =	sadd.s32 s11, s12;
	[smem:$0x7EF] =	sst s26  }
0x88: {  	s6 =	simm.s32 $0x163C0;
	s23 =	sadd.s32 s9, s12;
	[smem:$0x7F5] =	sst s21  }
0x89: {  	s9 =	simm.s32 $0x16390;
	s11 =	simm.s32 $0x163A0;
	[smem:$0x7F7] =	sst s23  }
0x8a: {  	s3 =	sadd.s32 s19, s12;
	s19 =	sadd.s32 s17, s12;
	s26 =	sld [smem:$0x7FA]  }
0x8b: {  	s24 =	sadd.s32 s8, s12;
	s8 =	simm.s32 $0x16400;
	[smem:$0x7F1] =	sst s3  }
0x8c: {  	s17 =	simm.s32 $0x1;
	s21 =	simm.s32 $0x163E0;
	[smem:$0x7F3] =	sst s19  }
0x8d: {  	s23 =	simm.s32 $0x2;
	[smem:$0x7F8] =	sst s24;
	s3 =	simm.s32 $0x1C400  }
0x8e: {  	s19 =	simm.s32 $0x163D0;
	s24 =	simm.s32 $0x0;
	s0 =	smax.u32 s26, $0x1  }
0x8f: {  	v0 =	vimm.f32 $0.0e+00;
	[smem:$0x7FB] =	sst s0;
	s0 =	sadd.s32 $0x18, s2;
	s2 =	sadd.s32 $0x10, s2  }
.LBB2_1:
0x90: {  	s25 =	simm.s32 $0x0;
	s26 =	simm.s32 $0x240  }
.LBB2_2:
0x91: {  	p0 =	sne.s32 s26, $0x21C0;
	[tilespmem:s25+$0x1C480] =	vst v0  }
0x92: {  	[tilespmem:s25+$0x1C400] =	vst v0  }
0x93: {  	[tilespmem:s25+$0x1C410] =	vst v0  }
0x94: {  	[tilespmem:s25+$0x1C420] =	vst v0  }
.Ltmp0:
0x95: {  	[tilespmem:s25+$0x1C430] =	vst v0;
	(pc) =	sbr.rel @p0 .LBB2_2-.Ltmp0, $4  }
0x96: {  	[tilespmem:s25+$0x1C440] =	vst v0  }
0x97: {  	[tilespmem:s25+$0x1C450] =	vst v0  }
0x98: {  	[tilespmem:s25+$0x1C460] =	vst v0  }
0x99: {  	[tilespmem:s25+$0x1C470] =	vst v0;
	s25 =	sshra.s32 s26, $0x2;
	s26 =	sadd.s32 $0x240, s26  }
0x9a: {  	[tilespmem:s25+$0x1C480] =	vst v0  }
0x9b: {  	[tilespmem:s25+$0x1C400] =	vst v0  }
0x9c: {  	[tilespmem:s25+$0x1C410] =	vst v0  }
0x9d: {  	[tilespmem:s25+$0x1C420] =	vst v0  }
0x9e: {  	[tilespmem:s25+$0x1C430] =	vst v0  }
0x9f: {  	[tilespmem:s25+$0x1C440] =	vst v0  }
0xa0: {  	[tilespmem:s25+$0x1C450] =	vst v0;
	s26 =	sld [smem:$0x7C4]  }
0xa1: {  	[tilespmem:s25+$0x1C460] =	vst v0  }
0xa2: {  	[tilespmem:s25+$0x1C470] =	vst v0  }
0xa3: {  	[spmem:s26] =	stream.linear.scatter [tilespmem:s3], [sflag:$0x3], $0x900, $0x38;
	[tilespmem:$0x1CD00] =	vst v63  }
0xa4: {  	_ =	swait.ge [sflag:s4], $0x900  }
0xa5: {  	s26 =	sld [smem:$0x7C6]  }
0xa6: {  	[sflag:s4] =	ssyncset.done $0x0  }
0xa7: {  	[sflag:s4] =	ssyncadd.s32 $0xFFFFF700  }
0xa8: {  	[spmem:s26] =	stream.linear.scatter [tilespmem:s3], [sflag:$0x3], $0x900, $0x38;
	[tilespmem:$0x1CD00] =	vst v63  }
0xa9: {  	_ =	swait.ge [sflag:s4], $0x900  }
0xaa: {  	s26 =	sld [smem:$0x7C8]  }
0xab: {  	[sflag:s4] =	ssyncset.done $0x0  }
0xac: {  	[sflag:s4] =	ssyncadd.s32 $0xFFFFF700  }
0xad: {  	[spmem:s26] =	stream.linear.scatter [tilespmem:s3], [sflag:$0x3], $0x900, $0x38;
	[tilespmem:$0x1CD00] =	vst v63  }
0xae: {  	_ =	swait.ge [sflag:s4], $0x900  }
0xaf: {  	s26 =	sld [smem:$0x7CA]  }
0xb0: {  	[sflag:s4] =	ssyncset.done $0x0  }
0xb1: {  	[sflag:s4] =	ssyncadd.s32 $0xFFFFF700  }
0xb2: {  	[spmem:s26] =	stream.linear.scatter [tilespmem:s3], [sflag:$0x3], $0x900, $0x38;
	[tilespmem:$0x1CD00] =	vst v63  }
0xb3: {  	_ =	swait.ge [sflag:s4], $0x900  }
0xb4: {  	s26 =	sld [smem:$0x7CC]  }
0xb5: {  	[sflag:s4] =	ssyncset.done $0x0  }
0xb6: {  	[sflag:s4] =	ssyncadd.s32 $0xFFFFF700  }
0xb7: {  	[spmem:s26] =	stream.linear.scatter [tilespmem:s3], [sflag:$0x3], $0x900, $0x38;
	[tilespmem:$0x1CD00] =	vst v63  }
0xb8: {  	_ =	swait.ge [sflag:s4], $0x900  }
0xb9: {  	s26 =	sld [smem:$0x7CE]  }
0xba: {  	[sflag:s4] =	ssyncset.done $0x0  }
0xbb: {  	[sflag:s4] =	ssyncadd.s32 $0xFFFFF700  }
0xbc: {  	[spmem:s26] =	stream.linear.scatter [tilespmem:s3], [sflag:$0x3], $0x900, $0x38;
	[tilespmem:$0x1CD00] =	vst v63  }
0xbd: {  	_ =	swait.ge [sflag:s4], $0x900  }
0xbe: {  	s26 =	sld [smem:$0x7D0]  }
0xbf: {  	[sflag:s4] =	ssyncset.done $0x0  }
0xc0: {  	[sflag:s4] =	ssyncadd.s32 $0xFFFFF700  }
0xc1: {  	[spmem:s26] =	stream.linear.scatter [tilespmem:s3], [sflag:$0x3], $0x900, $0x38;
	[tilespmem:$0x1CD00] =	vst v63  }
0xc2: {  	_ =	swait.ge [sflag:s4], $0x900  }
0xc3: {  	s26 =	sld [smem:$0x7D2]  }
0xc4: {  	[sflag:s4] =	ssyncset.done $0x0  }
0xc5: {  	[sflag:s4] =	ssyncadd.s32 $0xFFFFF700  }
0xc6: {  	[spmem:s26] =	stream.linear.scatter [tilespmem:s3], [sflag:$0x3], $0x900, $0x38;
	[tilespmem:$0x1CD00] =	vst v63  }
0xc7: {  	_ =	swait.ge [sflag:s4], $0x900  }
0xc8: {  	s26 =	sld [smem:$0x7D4]  }
0xc9: {  	[sflag:s4] =	ssyncset.done $0x0  }
0xca: {  	[sflag:s4] =	ssyncadd.s32 $0xFFFFF700  }
0xcb: {  	[spmem:s26] =	stream.linear.scatter [tilespmem:s3], [sflag:$0x3], $0x900, $0x38;
	[tilespmem:$0x1CD00] =	vst v63  }
0xcc: {  	_ =	swait.ge [sflag:s4], $0x900  }
0xcd: {  	s26 =	sld [smem:$0x7D6]  }
0xce: {  	[sflag:s4] =	ssyncset.done $0x0  }
0xcf: {  	[sflag:s4] =	ssyncadd.s32 $0xFFFFF700  }
0xd0: {  	[spmem:s26] =	stream.linear.scatter [tilespmem:s3], [sflag:$0x3], $0x900, $0x38;
	[tilespmem:$0x1CD00] =	vst v63  }
0xd1: {  	_ =	swait.ge [sflag:s4], $0x900  }
0xd2: {  	s26 =	sld [smem:$0x7D8]  }
0xd3: {  	[sflag:s4] =	ssyncset.done $0x0  }
0xd4: {  	[sflag:s4] =	ssyncadd.s32 $0xFFFFF700  }
0xd5: {  	[spmem:s26] =	stream.linear.scatter [tilespmem:s3], [sflag:$0x3], $0x900, $0x38;
	[tilespmem:$0x1CD00] =	vst v63  }
0xd6: {  	_ =	swait.ge [sflag:s4], $0x900  }
0xd7: {  	s26 =	sld [smem:$0x7DA]  }
0xd8: {  	[sflag:s4] =	ssyncset.done $0x0  }
0xd9: {  	[sflag:s4] =	ssyncadd.s32 $0xFFFFF700  }
0xda: {  	[spmem:s26] =	stream.linear.scatter [tilespmem:s3], [sflag:$0x3], $0x900, $0x38;
	[tilespmem:$0x1CD00] =	vst v63  }
0xdb: {  	_ =	swait.ge [sflag:s4], $0x900  }
0xdc: {  	s26 =	sld [smem:$0x7DC]  }
0xdd: {  	[sflag:s4] =	ssyncset.done $0x0  }
0xde: {  	[sflag:s4] =	ssyncadd.s32 $0xFFFFF700  }
0xdf: {  	[spmem:s26] =	stream.linear.scatter [tilespmem:s3], [sflag:$0x3], $0x900, $0x38;
	[tilespmem:$0x1CD00] =	vst v63  }
0xe0: {  	_ =	swait.ge [sflag:s4], $0x900  }
0xe1: {  	s26 =	sld [smem:$0x7DE]  }
0xe2: {  	[sflag:s4] =	ssyncset.done $0x0  }
0xe3: {  	[sflag:s4] =	ssyncadd.s32 $0xFFFFF700  }
0xe4: {  	[spmem:s26] =	stream.linear.scatter [tilespmem:s3], [sflag:$0x3], $0x900, $0x38;
	[tilespmem:$0x1CD00] =	vst v63  }
0xe5: {  	_ =	swait.ge [sflag:s4], $0x900  }
0xe6: {  	s26 =	sld [smem:$0x7E0]  }
0xe7: {  	[sflag:s4] =	ssyncset.done $0x0  }
0xe8: {  	[sflag:s4] =	ssyncadd.s32 $0xFFFFF700  }
0xe9: {  	[spmem:s26] =	stream.linear.scatter [tilespmem:s3], [sflag:$0x3], $0x900, $0x38;
	[tilespmem:$0x1CD00] =	vst v63  }
0xea: {  	_ =	swait.ge [sflag:s4], $0x900  }
0xeb: {  	s26 =	sld [smem:$0x7E2]  }
0xec: {  	[sflag:s4] =	ssyncset.done $0x0  }
0xed: {  	[sflag:s4] =	ssyncadd.s32 $0xFFFFF700  }
0xee: {  	[spmem:s26] =	stream.linear.scatter [tilespmem:s3], [sflag:$0x3], $0x900, $0x38;
	[tilespmem:$0x1CD00] =	vst v63  }
0xef: {  	_ =	swait.ge [sflag:s4], $0x900  }
0xf0: {  	s26 =	sld [smem:$0x7E4]  }
0xf1: {  	[sflag:s4] =	ssyncset.done $0x0  }
0xf2: {  	[sflag:s4] =	ssyncadd.s32 $0xFFFFF700  }
0xf3: {  	[spmem:s26] =	stream.linear.scatter [tilespmem:s3], [sflag:$0x3], $0x900, $0x38;
	[tilespmem:$0x1CD00] =	vst v63  }
0xf4: {  	_ =	swait.ge [sflag:s4], $0x900  }
0xf5: {  	s26 =	sld [smem:$0x7E6]  }
0xf6: {  	[sflag:s4] =	ssyncset.done $0x0  }
0xf7: {  	[sflag:s4] =	ssyncadd.s32 $0xFFFFF700  }
0xf8: {  	[spmem:s26] =	stream.linear.scatter [tilespmem:s3], [sflag:$0x3], $0x900, $0x38;
	[tilespmem:$0x1CD00] =	vst v63  }
0xf9: {  	_ =	swait.ge [sflag:s4], $0x900  }
0xfa: {  	s26 =	sld [smem:$0x7E7]  }
0xfb: {  	[sflag:s4] =	ssyncset.done $0x0  }
0xfc: {  	[sflag:s4] =	ssyncadd.s32 $0xFFFFF700  }
0xfd: {  	[spmem:s26] =	stream.linear.scatter [tilespmem:s3], [sflag:$0x3], $0x900, $0x38;
	[tilespmem:$0x1CD00] =	vst v63  }
0xfe: {  	_ =	swait.ge [sflag:s4], $0x900  }
0xff: {  	s26 =	sld [smem:$0x7E8]  }
0x100: {  	[sflag:s4] =	ssyncset.done $0x0  }
0x101: {  	[sflag:s4] =	ssyncadd.s32 $0xFFFFF700  }
0x102: {  	[spmem:s26] =	stream.linear.scatter [tilespmem:s3], [sflag:$0x3], $0x900, $0x38;
	[tilespmem:$0x1CD00] =	vst v63  }
0x103: {  	_ =	swait.ge [sflag:s4], $0x900  }
0x104: {  	[sflag:s4] =	ssyncset.done $0x0  }
0x105: {  	[sflag:s4] =	ssyncadd.s32 $0xFFFFF700  }
0x106: {  	[spmem:s28] =	stream.linear.scatter [tilespmem:s3], [sflag:$0x3], $0x900, $0x38;
	[tilespmem:$0x1CD00] =	vst v63  }
0x107: {  	_ =	swait.ge [sflag:s4], $0x900  }
0x108: {  	s26 =	sld [smem:$0x7E9]  }
0x109: {  	[sflag:s4] =	ssyncset.done $0x0  }
0x10a: {  	[sflag:s4] =	ssyncadd.s32 $0xFFFFF700  }
0x10b: {  	[spmem:s26] =	stream.linear.scatter [tilespmem:s3], [sflag:$0x3], $0x900, $0x38;
	[tilespmem:$0x1CD00] =	vst v63  }
0x10c: {  	_ =	swait.ge [sflag:s4], $0x900  }
0x10d: {  	s29 =	smov.u32 s28;
	s28 =	sld [smem:$0x7EA]  }
0x10e: {  	[sflag:s4] =	ssyncset.done $0x0  }
0x10f: {  	[sflag:s4] =	ssyncadd.s32 $0xFFFFF700  }
0x110: {  	[spmem:s28] =	stream.linear.scatter [tilespmem:s3], [sflag:$0x3], $0x900, $0x38;
	[tilespmem:$0x1CD00] =	vst v63  }
0x111: {  	_ =	swait.ge [sflag:s4], $0x900  }
0x112: {  	s26 =	sld [smem:$0x7EB]  }
0x113: {  	[sflag:s4] =	ssyncset.done $0x0  }
0x114: {  	[sflag:s4] =	ssyncadd.s32 $0xFFFFF700  }
0x115: {  	[spmem:s26] =	stream.linear.scatter [tilespmem:s3], [sflag:$0x3], $0x900, $0x38;
	[tilespmem:$0x1CD00] =	vst v63  }
0x116: {  	_ =	swait.ge [sflag:s4], $0x900  }
0x117: {  	s28 =	sld [smem:$0x7EC]  }
0x118: {  	[sflag:s4] =	ssyncset.done $0x0  }
0x119: {  	[sflag:s4] =	ssyncadd.s32 $0xFFFFF700  }
0x11a: {  	[spmem:s28] =	stream.linear.scatter [tilespmem:s3], [sflag:$0x3], $0x900, $0x38;
	[tilespmem:$0x1CD00] =	vst v63  }
0x11b: {  	_ =	swait.ge [sflag:s4], $0x900  }
0x11c: {  	s26 =	sld [smem:$0x7ED]  }
0x11d: {  	[sflag:s4] =	ssyncset.done $0x0  }
0x11e: {  	[sflag:s4] =	ssyncadd.s32 $0xFFFFF700  }
0x11f: {  	[spmem:s26] =	stream.linear.scatter [tilespmem:s3], [sflag:$0x3], $0x900, $0x38;
	[tilespmem:$0x1CD00] =	vst v63  }
0x120: {  	_ =	swait.ge [sflag:s4], $0x900  }
0x121: {  	s28 =	sld [smem:$0x7EE]  }
0x122: {  	[sflag:s4] =	ssyncset.done $0x0  }
0x123: {  	[sflag:s4] =	ssyncadd.s32 $0xFFFFF700  }
0x124: {  	[spmem:s28] =	stream.linear.scatter [tilespmem:s3], [sflag:$0x3], $0x900, $0x38;
	[tilespmem:$0x1CD00] =	vst v63  }
0x125: {  	_ =	swait.ge [sflag:s4], $0x900  }
0x126: {  	s26 =	sld [smem:$0x7EF]  }
0x127: {  	[sflag:s4] =	ssyncset.done $0x0  }
0x128: {  	[sflag:s4] =	ssyncadd.s32 $0xFFFFF700  }
0x129: {  	[spmem:s26] =	stream.linear.scatter [tilespmem:s3], [sflag:$0x3], $0x900, $0x38;
	[tilespmem:$0x1CD00] =	vst v63  }
0x12a: {  	_ =	swait.ge [sflag:s4], $0x900  }
0x12b: {  	s28 =	sld [smem:$0x7F0]  }
0x12c: {  	[sflag:s4] =	ssyncset.done $0x0  }
0x12d: {  	[sflag:s4] =	ssyncadd.s32 $0xFFFFF700  }
0x12e: {  	[spmem:s28] =	stream.linear.scatter [tilespmem:s3], [sflag:$0x3], $0x900, $0x38;
	[tilespmem:$0x1CD00] =	vst v63  }
0x12f: {  	_ =	swait.ge [sflag:s4], $0x900  }
0x130: {  	s26 =	sld [smem:$0x7F1]  }
0x131: {  	[sflag:s4] =	ssyncset.done $0x0  }
0x132: {  	[sflag:s4] =	ssyncadd.s32 $0xFFFFF700  }
0x133: {  	[spmem:s26] =	stream.linear.scatter [tilespmem:s3], [sflag:$0x3], $0x900, $0x38;
	[tilespmem:$0x1CD00] =	vst v63  }
0x134: {  	_ =	swait.ge [sflag:s4], $0x900  }
0x135: {  	s28 =	sld [smem:$0x7F2]  }
0x136: {  	[sflag:s4] =	ssyncset.done $0x0  }
0x137: {  	[sflag:s4] =	ssyncadd.s32 $0xFFFFF700  }
0x138: {  	[spmem:s28] =	stream.linear.scatter [tilespmem:s3], [sflag:$0x3], $0x900, $0x38;
	[tilespmem:$0x1CD00] =	vst v63  }
0x139: {  	_ =	swait.ge [sflag:s4], $0x900  }
0x13a: {  	s26 =	sld [smem:$0x7F3]  }
0x13b: {  	[sflag:s4] =	ssyncset.done $0x0  }
0x13c: {  	[sflag:s4] =	ssyncadd.s32 $0xFFFFF700  }
0x13d: {  	[spmem:s26] =	stream.linear.scatter [tilespmem:s3], [sflag:$0x3], $0x900, $0x38;
	[tilespmem:$0x1CD00] =	vst v63  }
0x13e: {  	_ =	swait.ge [sflag:s4], $0x900  }
0x13f: {  	s28 =	sld [smem:$0x7F4]  }
0x140: {  	[sflag:s4] =	ssyncset.done $0x0  }
0x141: {  	[sflag:s4] =	ssyncadd.s32 $0xFFFFF700  }
0x142: {  	[spmem:s28] =	stream.linear.scatter [tilespmem:s3], [sflag:$0x3], $0x900, $0x38;
	[tilespmem:$0x1CD00] =	vst v63  }
0x143: {  	_ =	swait.ge [sflag:s4], $0x900  }
0x144: {  	s26 =	sld [smem:$0x7F5]  }
0x145: {  	[sflag:s4] =	ssyncset.done $0x0  }
0x146: {  	[sflag:s4] =	ssyncadd.s32 $0xFFFFF700  }
0x147: {  	[spmem:s26] =	stream.linear.scatter [tilespmem:s3], [sflag:$0x3], $0x900, $0x38;
	[tilespmem:$0x1CD00] =	vst v63  }
0x148: {  	_ =	swait.ge [sflag:s4], $0x900  }
0x149: {  	s28 =	sld [smem:$0x7F6]  }
0x14a: {  	[sflag:s4] =	ssyncset.done $0x0  }
0x14b: {  	[sflag:s4] =	ssyncadd.s32 $0xFFFFF700  }
0x14c: {  	[spmem:s28] =	stream.linear.scatter [tilespmem:s3], [sflag:$0x3], $0x900, $0x38;
	[tilespmem:$0x1CD00] =	vst v63  }
0x14d: {  	_ =	swait.ge [sflag:s4], $0x900  }
0x14e: {  	s26 =	sld [smem:$0x7F7]  }
0x14f: {  	[sflag:s4] =	ssyncset.done $0x0  }
0x150: {  	[sflag:s4] =	ssyncadd.s32 $0xFFFFF700  }
0x151: {  	[spmem:s26] =	stream.linear.scatter [tilespmem:s3], [sflag:$0x3], $0x900, $0x38;
	[tilespmem:$0x1CD00] =	vst v63  }
0x152: {  	_ =	swait.ge [sflag:s4], $0x900  }
0x153: {  	s28 =	sld [smem:$0x7F8]  }
0x154: {  	[sflag:s4] =	ssyncset.done $0x0  }
0x155: {  	[sflag:s4] =	ssyncadd.s32 $0xFFFFF700  }
0x156: {  	[spmem:s28] =	stream.linear.scatter [tilespmem:s3], [sflag:$0x3], $0x900, $0x38;
	[tilespmem:$0x1CD00] =	vst v63  }
0x157: {  	_ =	swait.ge [sflag:s4], $0x900  }
0x158: {  	s26 =	sld [smem:$0x7F9]  }
0x159: {  	[sflag:s4] =	ssyncset.done $0x0  }
0x15a: {  	[sflag:s4] =	ssyncadd.s32 $0xFFFFF700  }
0x15b: {  	[spmem:s26] =	stream.linear.scatter [tilespmem:s3], [sflag:$0x3], $0x900, $0x38;
	[tilespmem:$0x1CD00] =	vst v63  }
0x15c: {  	_ =	swait.ge [sflag:s4], $0x900  }
0x15d: {  	[sflag:s4] =	ssyncset.done $0x0  }
0x15e: {  	[sflag:s4] =	ssyncadd.s32 $0xFFFFF700  }
0x15f: {  	[spmem:s30] =	stream.linear.scatter [tilespmem:s3], [sflag:$0x3], $0x900, $0x38;
	[tilespmem:$0x1CD00] =	vst v63  }
0x160: {  	_ =	swait.ge [sflag:s4], $0x900  }
0x161: {  	[sflag:s4] =	ssyncset.done $0x0  }
0x162: {  	[sflag:s4] =	ssyncadd.s32 $0xFFFFF700  }
0x163: {  	[spmem:s31] =	stream.linear.scatter [tilespmem:s3], [sflag:$0x3], $0x480, $0x38;
	[tilespmem:$0x1CD00] =	vst v63  }
0x164: {  	_ =	swait.ge [sflag:s4], $0x480  }
0x165: {  	[sflag:s4] =	ssyncset.done $0x0  }
0x166: {  	[sflag:s4] =	ssyncadd.s32 $0xFFFFFB80  }
0x167: {  	[bflag:$0x0] =	sbarrier.arrive $0xFFFF  }
0x168: {  	s26 =	sld [smem:$0x7FC];
	_ =	sdelay $0x1  }
0x169: {  	s25 =	simm.s32 $0x0  }
0x16a: {  	[tilespmem:s5], [sflag:$0x3] =	stream.linear.gather [hbm4b:s26+s25], $0x40, $0x38;
	[tilespmem:$0x1CD00] =	vst v63  }
0x16b: {  	_ =	swait.ge [sflag:s4], $0x40  }
0x16c: {  	s28 =	sld [smem:$0x7FD]  }
0x16d: {  	[sflag:s4] =	ssyncset.done $0x0  }
0x16e: {  	[sflag:s4] =	ssyncadd.s32 $0xFFFFFFC0  }
0x16f: {  	[tilespmem:s6], [sflag:$0x1] =	stream.linear.gather [hbm4b:s28+s25], $0x40, $0x38;
	[tilespmem:$0x1CD00] =	vst v63  }
0x170: {  	_ = 	snop  }
0x171: {  	[tilespmem:s8], [sflag:$0x2] =	stream.indirect.gather [hbm4b:s14+s7], $0x80, s5, s7, $0xb8;
	[tilespmem:$0x1CD00] =	vst v63  }
0x172: {  	_ = 	snop  }
0x173: {  	[tilespmem:s10], [sflag:$0x2] =	stream.indirect.gather [hbm4b:s15+s7], $0x100, s9, s7, $0xb8;
	[tilespmem:$0x1CD00] =	vst v63  }
0x174: {  	_ = 	snop  }
0x175: {  	[tilespmem:s13], [sflag:$0x2] =	stream.indirect.gather [hbm4b:s16+s7], $0x180, s11, s7, $0xb8;
	[tilespmem:$0x1CD00] =	vst v63  }
0x176: {  	_ =	swait.ge [sflag:s17], $0x40  }
0x177: {  	[sflag:s17] =	ssyncset.done $0x0  }
0x178: {  	[sflag:s17] =	ssyncadd.s32 $0xFFFFFFC0  }
0x179: {  	[tilespmem:s18], [sflag:$0x2] =	stream.indirect.gather [hbm4b:s14+s7], $0x80, s6, s7, $0xb8;
	[tilespmem:$0x1CD00] =	vst v63  }
0x17a: {  	_ = 	snop  }
0x17b: {  	[tilespmem:s20], [sflag:$0x2] =	stream.indirect.gather [hbm4b:s15+s7], $0x100, s19, s7, $0xb8;
	[tilespmem:$0x1CD00] =	vst v63  }
0x17c: {  	_ = 	snop  }
0x17d: {  	[tilespmem:s22], [sflag:$0x2] =	stream.indirect.gather [hbm4b:s16+s7], $0x180, s21, s7, $0xb8;
	[tilespmem:$0x1CD00] =	vst v63  }
0x17e: {  	_ =	swait.ge [sflag:s23], $0x800  }
0x17f: {  	[sflag:s23] =	ssyncset.done $0x0  }
0x180: {  	[sflag:s23] =	ssyncadd.s32 $0xFFFFF800  }
0x181: {  	_ =	swait.ge [sflag:s23], $0x1000  }
0x182: {  	[sflag:s23] =	ssyncset.done $0x0  }
0x183: {  	[sflag:s23] =	ssyncadd.s32 $0xFFFFF000  }
0x184: {  	_ =	swait.ge [sflag:s23], $0x1800  }
0x185: {  	[sflag:s23] =	ssyncset.done $0x0  }
0x186: {  	[sflag:s23] =	ssyncadd.s32 $0xFFFFE800  }
0x187: {  	[spmem:s12] =	stream.indirect.scatter.add.f32 [tilespmem:s3], [sflag:$0x3], $0x90, s5, s7, $0xb8;
	[tilespmem:$0x1CD00] =	vst v63  }
0x188: {  	_ =	swait.ge [sflag:s4], $0x900  }
0x189: {  	[sflag:s4] =	ssyncset.done $0x0  }
0x18a: {  	s28 =	sadd.s32 $0x0, s2;
	[sflag:s4] =	ssyncadd.s32 $0xFFFFF700  }
0x18b: {  	[tilespmem:s5], [sflag:$0x1] =	stream.linear.gather [hbm4b:s28+s1], $0x40, $0x38;
	[tilespmem:$0x1CD00] =	vst v63  }
0x18c: {  	_ =	swait.ge [sflag:s17], $0x40  }
0x18d: {  	[sflag:s17] =	ssyncset.done $0x0  }
0x18e: {  	[sflag:s17] =	ssyncadd.s32 $0xFFFFFFC0  }
0x18f: {  	[tilespmem:s8], [sflag:$0x2] =	stream.indirect.gather [hbm4b:s14+s7], $0x80, s5, s7, $0xb8;
	[tilespmem:$0x1CD00] =	vst v63  }
0x190: {  	_ = 	snop  }
0x191: {  	[tilespmem:s10], [sflag:$0x2] =	stream.indirect.gather [hbm4b:s15+s7], $0x100, s9, s7, $0xb8;
	[tilespmem:$0x1CD00] =	vst v63  }
0x192: {  	_ = 	snop  }
0x193: {  	[tilespmem:s13], [sflag:$0x2] =	stream.indirect.gather [hbm4b:s16+s7], $0x180, s11, s7, $0xb8;
	[tilespmem:$0x1CD00] =	vst v63  }
0x194: {  	_ =	swait.ge [sflag:s23], $0x800  }
0x195: {  	[sflag:s23] =	ssyncset.done $0x0  }
0x196: {  	[sflag:s23] =	ssyncadd.s32 $0xFFFFF800  }
0x197: {  	_ =	swait.ge [sflag:s23], $0x1000  }
0x198: {  	[sflag:s23] =	ssyncset.done $0x0  }
0x199: {  	[sflag:s23] =	ssyncadd.s32 $0xFFFFF000  }
0x19a: {  	_ =	swait.ge [sflag:s23], $0x1800  }
0x19b: {  	[sflag:s23] =	ssyncset.done $0x0  }
0x19c: {  	[sflag:s23] =	ssyncadd.s32 $0xFFFFE800  }
0x19d: {  	[spmem:s12] =	stream.indirect.scatter.add.f32 [tilespmem:s3], [sflag:$0x3], $0x90, s6, s7, $0xb8;
	[tilespmem:$0x1CD00] =	vst v63  }
0x19e: {  	_ =	swait.ge [sflag:s4], $0x900  }
0x19f: {  	[sflag:s4] =	ssyncset.done $0x0  }
0x1a0: {  	s26 =	sadd.s32 $0x0, s0;
	s25 =	simm.s32 $0x10;
	[sflag:s4] =	ssyncadd.s32 $0xFFFFF700  }
.LBB2_4:
0x1a1: {  	[tilespmem:s6], [sflag:$0x1] =	stream.linear.gather [hbm4b:s26+s1], $0x40, $0x38;
	[tilespmem:$0x1CD00] =	vst v63  }
0x1a2: {  	s26 =	smov.u32 s25  }
0x1a3: {  	p0 =	sne.s32 s25, $0x1420;
	s25 =	sadd.s32 $0x10, s25;
	_ =	swait.ge [sflag:s17], $0x40  }
0x1a4: {  	[sflag:s17] =	ssyncset.done $0x0  }
0x1a5: {  	[sflag:s17] =	ssyncadd.s32 $0xFFFFFFC0  }
0x1a6: {  	[tilespmem:s18], [sflag:$0x2] =	stream.indirect.gather [hbm4b:s14+s7], $0x80, s6, s7, $0xb8;
	[tilespmem:$0x1CD00] =	vst v63  }
0x1a7: {  	_ = 	snop  }
0x1a8: {  	[tilespmem:s20], [sflag:$0x2] =	stream.indirect.gather [hbm4b:s15+s7], $0x100, s19, s7, $0xb8;
	[tilespmem:$0x1CD00] =	vst v63  }
0x1a9: {  	_ = 	snop  }
0x1aa: {  	[tilespmem:s22], [sflag:$0x2] =	stream.indirect.gather [hbm4b:s16+s7], $0x180, s21, s7, $0xb8;
	[tilespmem:$0x1CD00] =	vst v63  }
0x1ab: {  	_ =	swait.ge [sflag:s23], $0x800  }
0x1ac: {  	[sflag:s23] =	ssyncset.done $0x0  }
0x1ad: {  	[sflag:s23] =	ssyncadd.s32 $0xFFFFF800  }
0x1ae: {  	_ =	swait.ge [sflag:s23], $0x1000  }
0x1af: {  	[sflag:s23] =	ssyncset.done $0x0  }
0x1b0: {  	[sflag:s23] =	ssyncadd.s32 $0xFFFFF000  }
0x1b1: {  	_ =	swait.ge [sflag:s23], $0x1800  }
0x1b2: {  	[sflag:s23] =	ssyncset.done $0x0  }
0x1b3: {  	[sflag:s23] =	ssyncadd.s32 $0xFFFFE800  }
0x1b4: {  	[spmem:s12] =	stream.indirect.scatter.add.f32 [tilespmem:s3], [sflag:$0x3], $0x90, s5, s7, $0xb8;
	[tilespmem:$0x1CD00] =	vst v63  }
0x1b5: {  	_ =	swait.ge [sflag:s4], $0x900  }
0x1b6: {  	[sflag:s4] =	ssyncset.done $0x0  }
0x1b7: {  	s28 =	sadd.s32 s26, s2;
	[sflag:s4] =	ssyncadd.s32 $0xFFFFF700  }
0x1b8: {  	[tilespmem:s5], [sflag:$0x1] =	stream.linear.gather [hbm4b:s28+s1], $0x40, $0x38;
	[tilespmem:$0x1CD00] =	vst v63  }
0x1b9: {  	_ =	swait.ge [sflag:s17], $0x40  }
0x1ba: {  	[sflag:s17] =	ssyncset.done $0x0  }
0x1bb: {  	[sflag:s17] =	ssyncadd.s32 $0xFFFFFFC0  }
0x1bc: {  	[tilespmem:s8], [sflag:$0x2] =	stream.indirect.gather [hbm4b:s14+s7], $0x80, s5, s7, $0xb8;
	[tilespmem:$0x1CD00] =	vst v63  }
0x1bd: {  	_ = 	snop  }
0x1be: {  	[tilespmem:s10], [sflag:$0x2] =	stream.indirect.gather [hbm4b:s15+s7], $0x100, s9, s7, $0xb8;
	[tilespmem:$0x1CD00] =	vst v63  }
0x1bf: {  	_ = 	snop  }
0x1c0: {  	[tilespmem:s13], [sflag:$0x2] =	stream.indirect.gather [hbm4b:s16+s7], $0x180, s11, s7, $0xb8;
	[tilespmem:$0x1CD00] =	vst v63  }
0x1c1: {  	_ =	swait.ge [sflag:s23], $0x800  }
0x1c2: {  	[sflag:s23] =	ssyncset.done $0x0  }
0x1c3: {  	[sflag:s23] =	ssyncadd.s32 $0xFFFFF800  }
0x1c4: {  	_ =	swait.ge [sflag:s23], $0x1000  }
0x1c5: {  	[sflag:s23] =	ssyncset.done $0x0  }
0x1c6: {  	[sflag:s23] =	ssyncadd.s32 $0xFFFFF000  }
0x1c7: {  	_ =	swait.ge [sflag:s23], $0x1800  }
0x1c8: {  	[sflag:s23] =	ssyncset.done $0x0  }
.Ltmp1:
0x1c9: {  	[sflag:s23] =	ssyncadd.s32 $0xFFFFE800;
	(pc) =	sbr.rel @p0 .LBB2_4-.Ltmp1, $4  }
0x1ca: {  	[spmem:s12] =	stream.indirect.scatter.add.f32 [tilespmem:s3], [sflag:$0x3], $0x90, s6, s7, $0xb8;
	[tilespmem:$0x1CD00] =	vst v63  }
0x1cb: {  	_ =	swait.ge [sflag:s4], $0x900  }
0x1cc: {  	[sflag:s4] =	ssyncset.done $0x0  }
0x1cd: {  	s26 =	sadd.s32 s26, s0;
	[sflag:s4] =	ssyncadd.s32 $0xFFFFF700  }
0x1ce: {  	[tilespmem:s6], [sflag:$0x1] =	stream.linear.gather [hbm4b:s26+s1], $0x40, $0x38;
	[tilespmem:$0x1CD00] =	vst v63  }
0x1cf: {  	_ =	swait.ge [sflag:s17], $0x40  }
0x1d0: {  	[sflag:s17] =	ssyncset.done $0x0  }
0x1d1: {  	[sflag:s17] =	ssyncadd.s32 $0xFFFFFFC0  }
0x1d2: {  	[tilespmem:s18], [sflag:$0x2] =	stream.indirect.gather [hbm4b:s14+s7], $0x80, s6, s7, $0xb8;
	[tilespmem:$0x1CD00] =	vst v63  }
0x1d3: {  	_ = 	snop  }
0x1d4: {  	[tilespmem:s20], [sflag:$0x2] =	stream.indirect.gather [hbm4b:s15+s7], $0x100, s19, s7, $0xb8;
	[tilespmem:$0x1CD00] =	vst v63  }
0x1d5: {  	_ = 	snop  }
0x1d6: {  	[tilespmem:s22], [sflag:$0x2] =	stream.indirect.gather [hbm4b:s16+s7], $0x180, s21, s7, $0xb8;
	[tilespmem:$0x1CD00] =	vst v63  }
0x1d7: {  	_ =	swait.ge [sflag:s23], $0x800  }
0x1d8: {  	[sflag:s23] =	ssyncset.done $0x0  }
0x1d9: {  	[sflag:s23] =	ssyncadd.s32 $0xFFFFF800  }
0x1da: {  	_ =	swait.ge [sflag:s23], $0x1000  }
0x1db: {  	[sflag:s23] =	ssyncset.done $0x0  }
0x1dc: {  	[sflag:s23] =	ssyncadd.s32 $0xFFFFF000  }
0x1dd: {  	_ =	swait.ge [sflag:s23], $0x1800  }
0x1de: {  	[sflag:s23] =	ssyncset.done $0x0  }
0x1df: {  	[sflag:s23] =	ssyncadd.s32 $0xFFFFE800  }
0x1e0: {  	[spmem:s12] =	stream.indirect.scatter.add.f32 [tilespmem:s3], [sflag:$0x3], $0x90, s5, s7, $0xb8;
	[tilespmem:$0x1CD00] =	vst v63  }
0x1e1: {  	_ =	swait.ge [sflag:s4], $0x900  }
0x1e2: {  	[sflag:s4] =	ssyncset.done $0x0  }
0x1e3: {  	[sflag:s4] =	ssyncadd.s32 $0xFFFFF700  }
0x1e4: {  	_ =	swait.ge [sflag:s23], $0x800  }
0x1e5: {  	[sflag:s23] =	ssyncset.done $0x0  }
0x1e6: {  	[sflag:s23] =	ssyncadd.s32 $0xFFFFF800  }
0x1e7: {  	_ =	swait.ge [sflag:s23], $0x1000  }
0x1e8: {  	[sflag:s23] =	ssyncset.done $0x0  }
0x1e9: {  	[sflag:s23] =	ssyncadd.s32 $0xFFFFF000  }
0x1ea: {  	_ =	swait.ge [sflag:s23], $0x1800  }
0x1eb: {  	[sflag:s23] =	ssyncset.done $0x0  }
0x1ec: {  	[sflag:s23] =	ssyncadd.s32 $0xFFFFE800  }
0x1ed: {  	[spmem:s12] =	stream.indirect.scatter.add.f32 [tilespmem:s3], [sflag:$0x3], $0x90, s6, s7, $0xb8;
	[tilespmem:$0x1CD00] =	vst v63  }
0x1ee: {  	_ =	swait.ge [sflag:s4], $0x900  }
0x1ef: {  	[sflag:s4] =	ssyncset.done $0x0  }
0x1f0: {  	[sflag:s4] =	ssyncadd.s32 $0xFFFFF700  }
0x1f1: {  	[bflag:$0x0] =	sbarrier.arrive $0xFFFF  }
0x1f2: {  	s25 =	sld [smem:$0x7C4];
	_ =	sdelay $0x2  }
0x1f3: {  	[tilespmem:s3], [sflag:$0x3] =	stream.linear.gather [spmem:s25], $0x900, $0x38;
	[tilespmem:$0x1CD00] =	vst v63  }
0x1f4: {  	_ =	swait.ge [sflag:s4], $0x900  }
0x1f5: {  	[sflag:s4] =	ssyncset.done $0x0  }
0x1f6: {  	s26 =	rddreg [dreg:$0x3];
	[sflag:s4] =	ssyncadd.s32 $0xFFFFF700  }
0x1f7: {  	[hbm4b:s26+s1] =	stream.linear.scatter [tilespmem:s3], [sflag:$0x3], $0x900, $0x38;
	[tilespmem:$0x1CD00] =	vst v63  }
0x1f8: {  	_ =	swait.ge [sflag:s4], $0x900  }
0x1f9: {  	s26 =	sld [smem:$0x7C6]  }
0x1fa: {  	[sflag:s4] =	ssyncset.done $0x0  }
0x1fb: {  	[sflag:s4] =	ssyncadd.s32 $0xFFFFF700  }
0x1fc: {  	[tilespmem:s3], [sflag:$0x3] =	stream.linear.gather [spmem:s26], $0x900, $0x38;
	[tilespmem:$0x1CD00] =	vst v63  }
0x1fd: {  	_ =	swait.ge [sflag:s4], $0x900  }
0x1fe: {  	[sflag:s4] =	ssyncset.done $0x0  }
0x1ff: {  	s26 =	rddreg [dreg:$0x4];
	[sflag:s4] =	ssyncadd.s32 $0xFFFFF700  }
0x200: {  	[hbm4b:s26+s1] =	stream.linear.scatter [tilespmem:s3], [sflag:$0x3], $0x900, $0x38;
	[tilespmem:$0x1CD00] =	vst v63  }
0x201: {  	_ =	swait.ge [sflag:s4], $0x900  }
0x202: {  	s26 =	sld [smem:$0x7C8]  }
0x203: {  	[sflag:s4] =	ssyncset.done $0x0  }
0x204: {  	[sflag:s4] =	ssyncadd.s32 $0xFFFFF700  }
0x205: {  	[tilespmem:s3], [sflag:$0x3] =	stream.linear.gather [spmem:s26], $0x900, $0x38;
	[tilespmem:$0x1CD00] =	vst v63  }
0x206: {  	_ =	swait.ge [sflag:s4], $0x900  }
0x207: {  	[sflag:s4] =	ssyncset.done $0x0  }
0x208: {  	s26 =	rddreg [dreg:$0x5];
	[sflag:s4] =	ssyncadd.s32 $0xFFFFF700  }
0x209: {  	[hbm4b:s26+s1] =	stream.linear.scatter [tilespmem:s3], [sflag:$0x3], $0x900, $0x38;
	[tilespmem:$0x1CD00] =	vst v63  }
0x20a: {  	_ =	swait.ge [sflag:s4], $0x900  }
0x20b: {  	s26 =	sld [smem:$0x7CA]  }
0x20c: {  	[sflag:s4] =	ssyncset.done $0x0  }
0x20d: {  	[sflag:s4] =	ssyncadd.s32 $0xFFFFF700  }
0x20e: {  	[tilespmem:s3], [sflag:$0x3] =	stream.linear.gather [spmem:s26], $0x900, $0x38;
	[tilespmem:$0x1CD00] =	vst v63  }
0x20f: {  	_ =	swait.ge [sflag:s4], $0x900  }
0x210: {  	[sflag:s4] =	ssyncset.done $0x0  }
0x211: {  	s26 =	rddreg [dreg:$0x6];
	[sflag:s4] =	ssyncadd.s32 $0xFFFFF700  }
0x212: {  	[hbm4b:s26+s1] =	stream.linear.scatter [tilespmem:s3], [sflag:$0x3], $0x900, $0x38;
	[tilespmem:$0x1CD00] =	vst v63  }
0x213: {  	_ =	swait.ge [sflag:s4], $0x900  }
0x214: {  	s26 =	sld [smem:$0x7CC]  }
0x215: {  	[sflag:s4] =	ssyncset.done $0x0  }
0x216: {  	[sflag:s4] =	ssyncadd.s32 $0xFFFFF700  }
0x217: {  	[tilespmem:s3], [sflag:$0x3] =	stream.linear.gather [spmem:s26], $0x900, $0x38;
	[tilespmem:$0x1CD00] =	vst v63  }
0x218: {  	_ =	swait.ge [sflag:s4], $0x900  }
0x219: {  	[sflag:s4] =	ssyncset.done $0x0  }
0x21a: {  	s26 =	rddreg [dreg:$0x7];
	[sflag:s4] =	ssyncadd.s32 $0xFFFFF700  }
0x21b: {  	[hbm4b:s26+s1] =	stream.linear.scatter [tilespmem:s3], [sflag:$0x3], $0x900, $0x38;
	[tilespmem:$0x1CD00] =	vst v63  }
0x21c: {  	_ =	swait.ge [sflag:s4], $0x900  }
0x21d: {  	s26 =	sld [smem:$0x7CE]  }
0x21e: {  	[sflag:s4] =	ssyncset.done $0x0  }
0x21f: {  	[sflag:s4] =	ssyncadd.s32 $0xFFFFF700  }
0x220: {  	[tilespmem:s3], [sflag:$0x3] =	stream.linear.gather [spmem:s26], $0x900, $0x38;
	[tilespmem:$0x1CD00] =	vst v63  }
0x221: {  	_ =	swait.ge [sflag:s4], $0x900  }
0x222: {  	[sflag:s4] =	ssyncset.done $0x0  }
0x223: {  	s26 =	rddreg [dreg:$0x8];
	[sflag:s4] =	ssyncadd.s32 $0xFFFFF700  }
0x224: {  	[hbm4b:s26+s1] =	stream.linear.scatter [tilespmem:s3], [sflag:$0x3], $0x900, $0x38;
	[tilespmem:$0x1CD00] =	vst v63  }
0x225: {  	_ =	swait.ge [sflag:s4], $0x900  }
0x226: {  	s26 =	sld [smem:$0x7D0]  }
0x227: {  	[sflag:s4] =	ssyncset.done $0x0  }
0x228: {  	[sflag:s4] =	ssyncadd.s32 $0xFFFFF700  }
0x229: {  	[tilespmem:s3], [sflag:$0x3] =	stream.linear.gather [spmem:s26], $0x900, $0x38;
	[tilespmem:$0x1CD00] =	vst v63  }
0x22a: {  	_ =	swait.ge [sflag:s4], $0x900  }
0x22b: {  	[sflag:s4] =	ssyncset.done $0x0  }
0x22c: {  	s26 =	rddreg [dreg:$0x9];
	[sflag:s4] =	ssyncadd.s32 $0xFFFFF700  }
0x22d: {  	[hbm4b:s26+s1] =	stream.linear.scatter [tilespmem:s3], [sflag:$0x3], $0x900, $0x38;
	[tilespmem:$0x1CD00] =	vst v63  }
0x22e: {  	_ =	swait.ge [sflag:s4], $0x900  }
0x22f: {  	s26 =	sld [smem:$0x7D2]  }
0x230: {  	[sflag:s4] =	ssyncset.done $0x0  }
0x231: {  	[sflag:s4] =	ssyncadd.s32 $0xFFFFF700  }
0x232: {  	[tilespmem:s3], [sflag:$0x3] =	stream.linear.gather [spmem:s26], $0x900, $0x38;
	[tilespmem:$0x1CD00] =	vst v63  }
0x233: {  	_ =	swait.ge [sflag:s4], $0x900  }
0x234: {  	[sflag:s4] =	ssyncset.done $0x0  }
0x235: {  	s26 =	rddreg [dreg:$0xa];
	[sflag:s4] =	ssyncadd.s32 $0xFFFFF700  }
0x236: {  	[hbm4b:s26+s1] =	stream.linear.scatter [tilespmem:s3], [sflag:$0x3], $0x900, $0x38;
	[tilespmem:$0x1CD00] =	vst v63  }
0x237: {  	_ =	swait.ge [sflag:s4], $0x900  }
0x238: {  	s26 =	sld [smem:$0x7D4]  }
0x239: {  	[sflag:s4] =	ssyncset.done $0x0  }
0x23a: {  	[sflag:s4] =	ssyncadd.s32 $0xFFFFF700  }
0x23b: {  	[tilespmem:s3], [sflag:$0x3] =	stream.linear.gather [spmem:s26], $0x900, $0x38;
	[tilespmem:$0x1CD00] =	vst v63  }
0x23c: {  	_ =	swait.ge [sflag:s4], $0x900  }
0x23d: {  	[sflag:s4] =	ssyncset.done $0x0  }
0x23e: {  	s26 =	rddreg [dreg:$0xb];
	[sflag:s4] =	ssyncadd.s32 $0xFFFFF700  }
0x23f: {  	[hbm4b:s26+s1] =	stream.linear.scatter [tilespmem:s3], [sflag:$0x3], $0x900, $0x38;
	[tilespmem:$0x1CD00] =	vst v63  }
0x240: {  	_ =	swait.ge [sflag:s4], $0x900  }
0x241: {  	s26 =	sld [smem:$0x7D6]  }
0x242: {  	[sflag:s4] =	ssyncset.done $0x0  }
0x243: {  	[sflag:s4] =	ssyncadd.s32 $0xFFFFF700  }
0x244: {  	[tilespmem:s3], [sflag:$0x3] =	stream.linear.gather [spmem:s26], $0x900, $0x38;
	[tilespmem:$0x1CD00] =	vst v63  }
0x245: {  	_ =	swait.ge [sflag:s4], $0x900  }
0x246: {  	[sflag:s4] =	ssyncset.done $0x0  }
0x247: {  	s26 =	rddreg [dreg:$0xc];
	[sflag:s4] =	ssyncadd.s32 $0xFFFFF700  }
0x248: {  	[hbm4b:s26+s1] =	stream.linear.scatter [tilespmem:s3], [sflag:$0x3], $0x900, $0x38;
	[tilespmem:$0x1CD00] =	vst v63  }
0x249: {  	_ =	swait.ge [sflag:s4], $0x900  }
0x24a: {  	s26 =	sld [smem:$0x7D8]  }
0x24b: {  	[sflag:s4] =	ssyncset.done $0x0  }
0x24c: {  	[sflag:s4] =	ssyncadd.s32 $0xFFFFF700  }
0x24d: {  	[tilespmem:s3], [sflag:$0x3] =	stream.linear.gather [spmem:s26], $0x900, $0x38;
	[tilespmem:$0x1CD00] =	vst v63  }
0x24e: {  	_ =	swait.ge [sflag:s4], $0x900  }
0x24f: {  	[sflag:s4] =	ssyncset.done $0x0  }
0x250: {  	s26 =	rddreg [dreg:$0xd];
	[sflag:s4] =	ssyncadd.s32 $0xFFFFF700  }
0x251: {  	[hbm4b:s26+s1] =	stream.linear.scatter [tilespmem:s3], [sflag:$0x3], $0x900, $0x38;
	[tilespmem:$0x1CD00] =	vst v63  }
0x252: {  	_ =	swait.ge [sflag:s4], $0x900  }
0x253: {  	s26 =	sld [smem:$0x7DA]  }
0x254: {  	[sflag:s4] =	ssyncset.done $0x0  }
0x255: {  	[sflag:s4] =	ssyncadd.s32 $0xFFFFF700  }
0x256: {  	[tilespmem:s3], [sflag:$0x3] =	stream.linear.gather [spmem:s26], $0x900, $0x38;
	[tilespmem:$0x1CD00] =	vst v63  }
0x257: {  	_ =	swait.ge [sflag:s4], $0x900  }
0x258: {  	[sflag:s4] =	ssyncset.done $0x0  }
0x259: {  	s26 =	rddreg [dreg:$0xe];
	[sflag:s4] =	ssyncadd.s32 $0xFFFFF700  }
0x25a: {  	[hbm4b:s26+s1] =	stream.linear.scatter [tilespmem:s3], [sflag:$0x3], $0x900, $0x38;
	[tilespmem:$0x1CD00] =	vst v63  }
0x25b: {  	_ =	swait.ge [sflag:s4], $0x900  }
0x25c: {  	s26 =	sld [smem:$0x7DC]  }
0x25d: {  	[sflag:s4] =	ssyncset.done $0x0  }
0x25e: {  	[sflag:s4] =	ssyncadd.s32 $0xFFFFF700  }
0x25f: {  	[tilespmem:s3], [sflag:$0x3] =	stream.linear.gather [spmem:s26], $0x900, $0x38;
	[tilespmem:$0x1CD00] =	vst v63  }
0x260: {  	_ =	swait.ge [sflag:s4], $0x900  }
0x261: {  	[sflag:s4] =	ssyncset.done $0x0  }
0x262: {  	s26 =	rddreg [dreg:$0xf];
	[sflag:s4] =	ssyncadd.s32 $0xFFFFF700  }
0x263: {  	[hbm4b:s26+s1] =	stream.linear.scatter [tilespmem:s3], [sflag:$0x3], $0x900, $0x38;
	[tilespmem:$0x1CD00] =	vst v63  }
0x264: {  	_ =	swait.ge [sflag:s4], $0x900  }
0x265: {  	s26 =	sld [smem:$0x7DE]  }
0x266: {  	[sflag:s4] =	ssyncset.done $0x0  }
0x267: {  	[sflag:s4] =	ssyncadd.s32 $0xFFFFF700  }
0x268: {  	[tilespmem:s3], [sflag:$0x3] =	stream.linear.gather [spmem:s26], $0x900, $0x38;
	[tilespmem:$0x1CD00] =	vst v63  }
0x269: {  	_ =	swait.ge [sflag:s4], $0x900  }
0x26a: {  	[sflag:s4] =	ssyncset.done $0x0  }
0x26b: {  	s26 =	rddreg [dreg:$0x10];
	[sflag:s4] =	ssyncadd.s32 $0xFFFFF700  }
0x26c: {  	[hbm4b:s26+s1] =	stream.linear.scatter [tilespmem:s3], [sflag:$0x3], $0x900, $0x38;
	[tilespmem:$0x1CD00] =	vst v63  }
0x26d: {  	_ =	swait.ge [sflag:s4], $0x900  }
0x26e: {  	s26 =	sld [smem:$0x7E0]  }
0x26f: {  	[sflag:s4] =	ssyncset.done $0x0  }
0x270: {  	[sflag:s4] =	ssyncadd.s32 $0xFFFFF700  }
0x271: {  	[tilespmem:s3], [sflag:$0x3] =	stream.linear.gather [spmem:s26], $0x900, $0x38;
	[tilespmem:$0x1CD00] =	vst v63  }
0x272: {  	_ =	swait.ge [sflag:s4], $0x900  }
0x273: {  	[sflag:s4] =	ssyncset.done $0x0  }
0x274: {  	s26 =	rddreg [dreg:$0x11];
	[sflag:s4] =	ssyncadd.s32 $0xFFFFF700  }
0x275: {  	[hbm4b:s26+s1] =	stream.linear.scatter [tilespmem:s3], [sflag:$0x3], $0x900, $0x38;
	[tilespmem:$0x1CD00] =	vst v63  }
0x276: {  	_ =	swait.ge [sflag:s4], $0x900  }
0x277: {  	s26 =	sld [smem:$0x7E2]  }
0x278: {  	[sflag:s4] =	ssyncset.done $0x0  }
0x279: {  	[sflag:s4] =	ssyncadd.s32 $0xFFFFF700  }
0x27a: {  	[tilespmem:s3], [sflag:$0x3] =	stream.linear.gather [spmem:s26], $0x900, $0x38;
	[tilespmem:$0x1CD00] =	vst v63  }
0x27b: {  	_ =	swait.ge [sflag:s4], $0x900  }
0x27c: {  	[sflag:s4] =	ssyncset.done $0x0  }
0x27d: {  	s26 =	rddreg [dreg:$0x12];
	[sflag:s4] =	ssyncadd.s32 $0xFFFFF700  }
0x27e: {  	[hbm4b:s26+s1] =	stream.linear.scatter [tilespmem:s3], [sflag:$0x3], $0x900, $0x38;
	[tilespmem:$0x1CD00] =	vst v63  }
0x27f: {  	_ =	swait.ge [sflag:s4], $0x900  }
0x280: {  	s26 =	sld [smem:$0x7E4]  }
0x281: {  	[sflag:s4] =	ssyncset.done $0x0  }
0x282: {  	[sflag:s4] =	ssyncadd.s32 $0xFFFFF700  }
0x283: {  	[tilespmem:s3], [sflag:$0x3] =	stream.linear.gather [spmem:s26], $0x900, $0x38;
	[tilespmem:$0x1CD00] =	vst v63  }
0x284: {  	_ =	swait.ge [sflag:s4], $0x900  }
0x285: {  	[sflag:s4] =	ssyncset.done $0x0  }
0x286: {  	s26 =	rddreg [dreg:$0x13];
	[sflag:s4] =	ssyncadd.s32 $0xFFFFF700  }
0x287: {  	[hbm4b:s26+s1] =	stream.linear.scatter [tilespmem:s3], [sflag:$0x3], $0x900, $0x38;
	[tilespmem:$0x1CD00] =	vst v63  }
0x288: {  	_ =	swait.ge [sflag:s4], $0x900  }
0x289: {  	s26 =	sld [smem:$0x7E6]  }
0x28a: {  	[sflag:s4] =	ssyncset.done $0x0  }
0x28b: {  	[sflag:s4] =	ssyncadd.s32 $0xFFFFF700  }
0x28c: {  	[tilespmem:s3], [sflag:$0x3] =	stream.linear.gather [spmem:s26], $0x900, $0x38;
	[tilespmem:$0x1CD00] =	vst v63  }
0x28d: {  	_ =	swait.ge [sflag:s4], $0x900  }
0x28e: {  	[sflag:s4] =	ssyncset.done $0x0  }
0x28f: {  	s26 =	rddreg [dreg:$0x14];
	[sflag:s4] =	ssyncadd.s32 $0xFFFFF700  }
0x290: {  	[hbm4b:s26+s1] =	stream.linear.scatter [tilespmem:s3], [sflag:$0x3], $0x900, $0x38;
	[tilespmem:$0x1CD00] =	vst v63  }
0x291: {  	_ =	swait.ge [sflag:s4], $0x900  }
0x292: {  	s26 =	sld [smem:$0x7E7]  }
0x293: {  	[sflag:s4] =	ssyncset.done $0x0  }
0x294: {  	[sflag:s4] =	ssyncadd.s32 $0xFFFFF700  }
0x295: {  	[tilespmem:s3], [sflag:$0x3] =	stream.linear.gather [spmem:s26], $0x900, $0x38;
	[tilespmem:$0x1CD00] =	vst v63  }
0x296: {  	_ =	swait.ge [sflag:s4], $0x900  }
0x297: {  	[sflag:s4] =	ssyncset.done $0x0  }
0x298: {  	s26 =	rddreg [dreg:$0x15];
	[sflag:s4] =	ssyncadd.s32 $0xFFFFF700  }
0x299: {  	[hbm4b:s26+s1] =	stream.linear.scatter [tilespmem:s3], [sflag:$0x3], $0x900, $0x38;
	[tilespmem:$0x1CD00] =	vst v63  }
0x29a: {  	_ =	swait.ge [sflag:s4], $0x900  }
0x29b: {  	s26 =	sld [smem:$0x7E8]  }
0x29c: {  	[sflag:s4] =	ssyncset.done $0x0  }
0x29d: {  	[sflag:s4] =	ssyncadd.s32 $0xFFFFF700  }
0x29e: {  	[tilespmem:s3], [sflag:$0x3] =	stream.linear.gather [spmem:s26], $0x900, $0x38;
	[tilespmem:$0x1CD00] =	vst v63  }
0x29f: {  	_ =	swait.ge [sflag:s4], $0x900  }
0x2a0: {  	[sflag:s4] =	ssyncset.done $0x0  }
0x2a1: {  	s26 =	rddreg [dreg:$0x16];
	[sflag:s4] =	ssyncadd.s32 $0xFFFFF700  }
0x2a2: {  	[hbm4b:s26+s1] =	stream.linear.scatter [tilespmem:s3], [sflag:$0x3], $0x900, $0x38;
	[tilespmem:$0x1CD00] =	vst v63  }
0x2a3: {  	_ =	swait.ge [sflag:s4], $0x900  }
0x2a4: {  	[sflag:s4] =	ssyncset.done $0x0  }
0x2a5: {  	[sflag:s4] =	ssyncadd.s32 $0xFFFFF700  }
0x2a6: {  	[tilespmem:s3], [sflag:$0x3] =	stream.linear.gather [spmem:s29], $0x900, $0x38;
	[tilespmem:$0x1CD00] =	vst v63  }
0x2a7: {  	_ =	swait.ge [sflag:s4], $0x900  }
0x2a8: {  	[sflag:s4] =	ssyncset.done $0x0  }
0x2a9: {  	s26 =	rddreg [dreg:$0x17];
	[sflag:s4] =	ssyncadd.s32 $0xFFFFF700  }
0x2aa: {  	[hbm4b:s26+s1] =	stream.linear.scatter [tilespmem:s3], [sflag:$0x3], $0x900, $0x38;
	[tilespmem:$0x1CD00] =	vst v63  }
0x2ab: {  	_ =	swait.ge [sflag:s4], $0x900  }
0x2ac: {  	s28 =	smov.u32 s29;
	s29 =	sld [smem:$0x7E9]  }
0x2ad: {  	[sflag:s4] =	ssyncset.done $0x0  }
0x2ae: {  	[sflag:s4] =	ssyncadd.s32 $0xFFFFF700  }
0x2af: {  	[tilespmem:s3], [sflag:$0x3] =	stream.linear.gather [spmem:s29], $0x900, $0x38;
	[tilespmem:$0x1CD00] =	vst v63  }
0x2b0: {  	_ =	swait.ge [sflag:s4], $0x900  }
0x2b1: {  	[sflag:s4] =	ssyncset.done $0x0  }
0x2b2: {  	s26 =	rddreg [dreg:$0x18];
	[sflag:s4] =	ssyncadd.s32 $0xFFFFF700  }
0x2b3: {  	[hbm4b:s26+s1] =	stream.linear.scatter [tilespmem:s3], [sflag:$0x3], $0x900, $0x38;
	[tilespmem:$0x1CD00] =	vst v63  }
0x2b4: {  	_ =	swait.ge [sflag:s4], $0x900  }
0x2b5: {  	s29 =	sld [smem:$0x7EA]  }
0x2b6: {  	[sflag:s4] =	ssyncset.done $0x0  }
0x2b7: {  	[sflag:s4] =	ssyncadd.s32 $0xFFFFF700  }
0x2b8: {  	[tilespmem:s3], [sflag:$0x3] =	stream.linear.gather [spmem:s29], $0x900, $0x38;
	[tilespmem:$0x1CD00] =	vst v63  }
0x2b9: {  	_ =	swait.ge [sflag:s4], $0x900  }
0x2ba: {  	[sflag:s4] =	ssyncset.done $0x0  }
0x2bb: {  	s26 =	rddreg [dreg:$0x19];
	[sflag:s4] =	ssyncadd.s32 $0xFFFFF700  }
0x2bc: {  	[hbm4b:s26+s1] =	stream.linear.scatter [tilespmem:s3], [sflag:$0x3], $0x900, $0x38;
	[tilespmem:$0x1CD00] =	vst v63  }
0x2bd: {  	_ =	swait.ge [sflag:s4], $0x900  }
0x2be: {  	s29 =	sld [smem:$0x7EB]  }
0x2bf: {  	[sflag:s4] =	ssyncset.done $0x0  }
0x2c0: {  	[sflag:s4] =	ssyncadd.s32 $0xFFFFF700  }
0x2c1: {  	[tilespmem:s3], [sflag:$0x3] =	stream.linear.gather [spmem:s29], $0x900, $0x38;
	[tilespmem:$0x1CD00] =	vst v63  }
0x2c2: {  	_ =	swait.ge [sflag:s4], $0x900  }
0x2c3: {  	[sflag:s4] =	ssyncset.done $0x0  }
0x2c4: {  	s26 =	rddreg [dreg:$0x1a];
	[sflag:s4] =	ssyncadd.s32 $0xFFFFF700  }
0x2c5: {  	[hbm4b:s26+s1] =	stream.linear.scatter [tilespmem:s3], [sflag:$0x3], $0x900, $0x38;
	[tilespmem:$0x1CD00] =	vst v63  }
0x2c6: {  	_ =	swait.ge [sflag:s4], $0x900  }
0x2c7: {  	s29 =	sld [smem:$0x7EC]  }
0x2c8: {  	[sflag:s4] =	ssyncset.done $0x0  }
0x2c9: {  	[sflag:s4] =	ssyncadd.s32 $0xFFFFF700  }
0x2ca: {  	[tilespmem:s3], [sflag:$0x3] =	stream.linear.gather [spmem:s29], $0x900, $0x38;
	[tilespmem:$0x1CD00] =	vst v63  }
0x2cb: {  	_ =	swait.ge [sflag:s4], $0x900  }
0x2cc: {  	[sflag:s4] =	ssyncset.done $0x0  }
0x2cd: {  	s26 =	rddreg [dreg:$0x1b];
	[sflag:s4] =	ssyncadd.s32 $0xFFFFF700  }
0x2ce: {  	[hbm4b:s26+s1] =	stream.linear.scatter [tilespmem:s3], [sflag:$0x3], $0x900, $0x38;
	[tilespmem:$0x1CD00] =	vst v63  }
0x2cf: {  	_ =	swait.ge [sflag:s4], $0x900  }
0x2d0: {  	s29 =	sld [smem:$0x7ED]  }
0x2d1: {  	[sflag:s4] =	ssyncset.done $0x0  }
0x2d2: {  	[sflag:s4] =	ssyncadd.s32 $0xFFFFF700  }
0x2d3: {  	[tilespmem:s3], [sflag:$0x3] =	stream.linear.gather [spmem:s29], $0x900, $0x38;
	[tilespmem:$0x1CD00] =	vst v63  }
0x2d4: {  	_ =	swait.ge [sflag:s4], $0x900  }
0x2d5: {  	[sflag:s4] =	ssyncset.done $0x0  }
0x2d6: {  	s26 =	rddreg [dreg:$0x1c];
	[sflag:s4] =	ssyncadd.s32 $0xFFFFF700  }
0x2d7: {  	[hbm4b:s26+s1] =	stream.linear.scatter [tilespmem:s3], [sflag:$0x3], $0x900, $0x38;
	[tilespmem:$0x1CD00] =	vst v63  }
0x2d8: {  	_ =	swait.ge [sflag:s4], $0x900  }
0x2d9: {  	s29 =	sld [smem:$0x7EE]  }
0x2da: {  	[sflag:s4] =	ssyncset.done $0x0  }
0x2db: {  	[sflag:s4] =	ssyncadd.s32 $0xFFFFF700  }
0x2dc: {  	[tilespmem:s3], [sflag:$0x3] =	stream.linear.gather [spmem:s29], $0x900, $0x38;
	[tilespmem:$0x1CD00] =	vst v63  }
0x2dd: {  	_ =	swait.ge [sflag:s4], $0x900  }
0x2de: {  	[sflag:s4] =	ssyncset.done $0x0  }
0x2df: {  	s26 =	rddreg [dreg:$0x1d];
	[sflag:s4] =	ssyncadd.s32 $0xFFFFF700  }
0x2e0: {  	[hbm4b:s26+s1] =	stream.linear.scatter [tilespmem:s3], [sflag:$0x3], $0x900, $0x38;
	[tilespmem:$0x1CD00] =	vst v63  }
0x2e1: {  	_ =	swait.ge [sflag:s4], $0x900  }
0x2e2: {  	s29 =	sld [smem:$0x7EF]  }
0x2e3: {  	[sflag:s4] =	ssyncset.done $0x0  }
0x2e4: {  	[sflag:s4] =	ssyncadd.s32 $0xFFFFF700  }
0x2e5: {  	[tilespmem:s3], [sflag:$0x3] =	stream.linear.gather [spmem:s29], $0x900, $0x38;
	[tilespmem:$0x1CD00] =	vst v63  }
0x2e6: {  	_ =	swait.ge [sflag:s4], $0x900  }
0x2e7: {  	[sflag:s4] =	ssyncset.done $0x0  }
0x2e8: {  	s26 =	rddreg [dreg:$0x1e];
	[sflag:s4] =	ssyncadd.s32 $0xFFFFF700  }
0x2e9: {  	[hbm4b:s26+s1] =	stream.linear.scatter [tilespmem:s3], [sflag:$0x3], $0x900, $0x38;
	[tilespmem:$0x1CD00] =	vst v63  }
0x2ea: {  	_ =	swait.ge [sflag:s4], $0x900  }
0x2eb: {  	s29 =	sld [smem:$0x7F0]  }
0x2ec: {  	[sflag:s4] =	ssyncset.done $0x0  }
0x2ed: {  	[sflag:s4] =	ssyncadd.s32 $0xFFFFF700  }
0x2ee: {  	[tilespmem:s3], [sflag:$0x3] =	stream.linear.gather [spmem:s29], $0x900, $0x38;
	[tilespmem:$0x1CD00] =	vst v63  }
0x2ef: {  	_ =	swait.ge [sflag:s4], $0x900  }
0x2f0: {  	[sflag:s4] =	ssyncset.done $0x0  }
0x2f1: {  	s26 =	rddreg [dreg:$0x1f];
	[sflag:s4] =	ssyncadd.s32 $0xFFFFF700  }
0x2f2: {  	[hbm4b:s26+s1] =	stream.linear.scatter [tilespmem:s3], [sflag:$0x3], $0x900, $0x38;
	[tilespmem:$0x1CD00] =	vst v63  }
0x2f3: {  	_ =	swait.ge [sflag:s4], $0x900  }
0x2f4: {  	s29 =	sld [smem:$0x7F1]  }
0x2f5: {  	[sflag:s4] =	ssyncset.done $0x0  }
0x2f6: {  	[sflag:s4] =	ssyncadd.s32 $0xFFFFF700  }
0x2f7: {  	[tilespmem:s3], [sflag:$0x3] =	stream.linear.gather [spmem:s29], $0x900, $0x38;
	[tilespmem:$0x1CD00] =	vst v63  }
0x2f8: {  	_ =	swait.ge [sflag:s4], $0x900  }
0x2f9: {  	s26 =	sld [smem:$0x7B8]  }
0x2fa: {  	[sflag:s4] =	ssyncset.done $0x0  }
0x2fb: {  	[sflag:s4] =	ssyncadd.s32 $0xFFFFF700  }
0x2fc: {  	[hbm4b:s26+s1] =	stream.linear.scatter [tilespmem:s3], [sflag:$0x3], $0x900, $0x38;
	[tilespmem:$0x1CD00] =	vst v63  }
0x2fd: {  	_ =	swait.ge [sflag:s4], $0x900  }
0x2fe: {  	s29 =	sld [smem:$0x7F2]  }
0x2ff: {  	[sflag:s4] =	ssyncset.done $0x0  }
0x300: {  	[sflag:s4] =	ssyncadd.s32 $0xFFFFF700  }
0x301: {  	[tilespmem:s3], [sflag:$0x3] =	stream.linear.gather [spmem:s29], $0x900, $0x38;
	[tilespmem:$0x1CD00] =	vst v63  }
0x302: {  	_ =	swait.ge [sflag:s4], $0x900  }
0x303: {  	s26 =	sld [smem:$0x7B9]  }
0x304: {  	[sflag:s4] =	ssyncset.done $0x0  }
0x305: {  	[sflag:s4] =	ssyncadd.s32 $0xFFFFF700  }
0x306: {  	[hbm4b:s26+s1] =	stream.linear.scatter [tilespmem:s3], [sflag:$0x3], $0x900, $0x38;
	[tilespmem:$0x1CD00] =	vst v63  }
0x307: {  	_ =	swait.ge [sflag:s4], $0x900  }
0x308: {  	s29 =	sld [smem:$0x7F3]  }
0x309: {  	[sflag:s4] =	ssyncset.done $0x0  }
0x30a: {  	[sflag:s4] =	ssyncadd.s32 $0xFFFFF700  }
0x30b: {  	[tilespmem:s3], [sflag:$0x3] =	stream.linear.gather [spmem:s29], $0x900, $0x38;
	[tilespmem:$0x1CD00] =	vst v63  }
0x30c: {  	_ =	swait.ge [sflag:s4], $0x900  }
0x30d: {  	s26 =	sld [smem:$0x7BA]  }
0x30e: {  	[sflag:s4] =	ssyncset.done $0x0  }
0x30f: {  	[sflag:s4] =	ssyncadd.s32 $0xFFFFF700  }
0x310: {  	[hbm4b:s26+s1] =	stream.linear.scatter [tilespmem:s3], [sflag:$0x3], $0x900, $0x38;
	[tilespmem:$0x1CD00] =	vst v63  }
0x311: {  	_ =	swait.ge [sflag:s4], $0x900  }
0x312: {  	s29 =	sld [smem:$0x7F4]  }
0x313: {  	[sflag:s4] =	ssyncset.done $0x0  }
0x314: {  	[sflag:s4] =	ssyncadd.s32 $0xFFFFF700  }
0x315: {  	[tilespmem:s3], [sflag:$0x3] =	stream.linear.gather [spmem:s29], $0x900, $0x38;
	[tilespmem:$0x1CD00] =	vst v63  }
0x316: {  	_ =	swait.ge [sflag:s4], $0x900  }
0x317: {  	s26 =	sld [smem:$0x7BB]  }
0x318: {  	[sflag:s4] =	ssyncset.done $0x0  }
0x319: {  	[sflag:s4] =	ssyncadd.s32 $0xFFFFF700  }
0x31a: {  	[hbm4b:s26+s1] =	stream.linear.scatter [tilespmem:s3], [sflag:$0x3], $0x900, $0x38;
	[tilespmem:$0x1CD00] =	vst v63  }
0x31b: {  	_ =	swait.ge [sflag:s4], $0x900  }
0x31c: {  	s29 =	sld [smem:$0x7F5]  }
0x31d: {  	[sflag:s4] =	ssyncset.done $0x0  }
0x31e: {  	[sflag:s4] =	ssyncadd.s32 $0xFFFFF700  }
0x31f: {  	[tilespmem:s3], [sflag:$0x3] =	stream.linear.gather [spmem:s29], $0x900, $0x38;
	[tilespmem:$0x1CD00] =	vst v63  }
0x320: {  	_ =	swait.ge [sflag:s4], $0x900  }
0x321: {  	s26 =	sld [smem:$0x7BC]  }
0x322: {  	[sflag:s4] =	ssyncset.done $0x0  }
0x323: {  	[sflag:s4] =	ssyncadd.s32 $0xFFFFF700  }
0x324: {  	[hbm4b:s26+s1] =	stream.linear.scatter [tilespmem:s3], [sflag:$0x3], $0x900, $0x38;
	[tilespmem:$0x1CD00] =	vst v63  }
0x325: {  	_ =	swait.ge [sflag:s4], $0x900  }
0x326: {  	s29 =	sld [smem:$0x7F6]  }
0x327: {  	[sflag:s4] =	ssyncset.done $0x0  }
0x328: {  	[sflag:s4] =	ssyncadd.s32 $0xFFFFF700  }
0x329: {  	[tilespmem:s3], [sflag:$0x3] =	stream.linear.gather [spmem:s29], $0x900, $0x38;
	[tilespmem:$0x1CD00] =	vst v63  }
0x32a: {  	_ =	swait.ge [sflag:s4], $0x900  }
0x32b: {  	s26 =	sld [smem:$0x7BD]  }
0x32c: {  	[sflag:s4] =	ssyncset.done $0x0  }
0x32d: {  	[sflag:s4] =	ssyncadd.s32 $0xFFFFF700  }
0x32e: {  	[hbm4b:s26+s1] =	stream.linear.scatter [tilespmem:s3], [sflag:$0x3], $0x900, $0x38;
	[tilespmem:$0x1CD00] =	vst v63  }
0x32f: {  	_ =	swait.ge [sflag:s4], $0x900  }
0x330: {  	s29 =	sld [smem:$0x7F7]  }
0x331: {  	[sflag:s4] =	ssyncset.done $0x0  }
0x332: {  	[sflag:s4] =	ssyncadd.s32 $0xFFFFF700  }
0x333: {  	[tilespmem:s3], [sflag:$0x3] =	stream.linear.gather [spmem:s29], $0x900, $0x38;
	[tilespmem:$0x1CD00] =	vst v63  }
0x334: {  	_ =	swait.ge [sflag:s4], $0x900  }
0x335: {  	s26 =	sld [smem:$0x7BE]  }
0x336: {  	[sflag:s4] =	ssyncset.done $0x0  }
0x337: {  	[sflag:s4] =	ssyncadd.s32 $0xFFFFF700  }
0x338: {  	[hbm4b:s26+s1] =	stream.linear.scatter [tilespmem:s3], [sflag:$0x3], $0x900, $0x38;
	[tilespmem:$0x1CD00] =	vst v63  }
0x339: {  	_ =	swait.ge [sflag:s4], $0x900  }
0x33a: {  	s29 =	sld [smem:$0x7F8]  }
0x33b: {  	[sflag:s4] =	ssyncset.done $0x0  }
0x33c: {  	[sflag:s4] =	ssyncadd.s32 $0xFFFFF700  }
0x33d: {  	[tilespmem:s3], [sflag:$0x3] =	stream.linear.gather [spmem:s29], $0x900, $0x38;
	[tilespmem:$0x1CD00] =	vst v63  }
0x33e: {  	_ =	swait.ge [sflag:s4], $0x900  }
0x33f: {  	s26 =	sld [smem:$0x7BF]  }
0x340: {  	[sflag:s4] =	ssyncset.done $0x0  }
0x341: {  	[sflag:s4] =	ssyncadd.s32 $0xFFFFF700  }
0x342: {  	[hbm4b:s26+s1] =	stream.linear.scatter [tilespmem:s3], [sflag:$0x3], $0x900, $0x38;
	[tilespmem:$0x1CD00] =	vst v63  }
0x343: {  	_ =	swait.ge [sflag:s4], $0x900  }
0x344: {  	s29 =	sld [smem:$0x7F9]  }
0x345: {  	[sflag:s4] =	ssyncset.done $0x0  }
0x346: {  	[sflag:s4] =	ssyncadd.s32 $0xFFFFF700  }
0x347: {  	[tilespmem:s3], [sflag:$0x3] =	stream.linear.gather [spmem:s29], $0x900, $0x38;
	[tilespmem:$0x1CD00] =	vst v63  }
0x348: {  	_ =	swait.ge [sflag:s4], $0x900  }
0x349: {  	s26 =	sld [smem:$0x7C0]  }
0x34a: {  	[sflag:s4] =	ssyncset.done $0x0  }
0x34b: {  	[sflag:s4] =	ssyncadd.s32 $0xFFFFF700  }
0x34c: {  	[hbm4b:s26+s1] =	stream.linear.scatter [tilespmem:s3], [sflag:$0x3], $0x900, $0x38;
	[tilespmem:$0x1CD00] =	vst v63  }
0x34d: {  	_ =	swait.ge [sflag:s4], $0x900  }
0x34e: {  	[sflag:s4] =	ssyncset.done $0x0  }
0x34f: {  	[sflag:s4] =	ssyncadd.s32 $0xFFFFF700  }
0x350: {  	[tilespmem:s3], [sflag:$0x3] =	stream.linear.gather [spmem:s30], $0x900, $0x38;
	[tilespmem:$0x1CD00] =	vst v63  }
0x351: {  	_ =	swait.ge [sflag:s4], $0x900  }
0x352: {  	s29 =	sld [smem:$0x7C1]  }
0x353: {  	[sflag:s4] =	ssyncset.done $0x0  }
0x354: {  	[sflag:s4] =	ssyncadd.s32 $0xFFFFF700  }
0x355: {  	[hbm4b:s29+s1] =	stream.linear.scatter [tilespmem:s3], [sflag:$0x3], $0x900, $0x38;
	[tilespmem:$0x1CD00] =	vst v63  }
0x356: {  	_ =	swait.ge [sflag:s4], $0x900  }
0x357: {  	[sflag:s4] =	ssyncset.done $0x0  }
0x358: {  	[sflag:s4] =	ssyncadd.s32 $0xFFFFF700  }
0x359: {  	[tilespmem:s3], [sflag:$0x3] =	stream.linear.gather [spmem:s31], $0x480, $0x38;
	[tilespmem:$0x1CD00] =	vst v63  }
0x35a: {  	_ =	swait.ge [sflag:s4], $0x480  }
0x35b: {  	s26 =	sld [smem:$0x7C2]  }
0x35c: {  	[sflag:s4] =	ssyncset.done $0x0  }
0x35d: {  	[sflag:s4] =	ssyncadd.s32 $0xFFFFFB80  }
0x35e: {  	[hbm4b:s26+s1] =	stream.linear.scatter [tilespmem:s3], [sflag:$0x3], $0x480, $0x38;
	[tilespmem:$0x1CD00] =	vst v63  }
0x35f: {  	_ =	swait.ge [sflag:s4], $0x480  }
0x360: {  	s29 =	sld [smem:$0x7FB];
	_ =	sdelay $0x1  }
0x361: {  	s24 =	sadd.s32 $0x1, s24  }
0x362: {  	p0 =	sne.s32 s24, s29  }
.Ltmp2:
0x363: {  	_ = 	snop;
	(pc) =	sbr.rel @p0 .LBB2_1-.Ltmp2, $3  }
0x364: {  	_ =	sdelay $0x1  }
0x365: {  	[sflag:s4] =	ssyncset.done $0x0  }
0x366: {  	[sflag:s4] =	ssyncadd.s32 $0xFFFFFB80  }
0x367: {  	_ =	sfence.sel $0x180000  }
0x368: {  	[bflag:$0x0] =	sbarrier.arrive $0xFFFF  }
0x369: {  	_ =	strace $0x90000047  }
0x36a: {  	s0 =	stileid.u32;
	[bflag:$0x2] =	sbarrier.arrive $0xFFFF  }
0x36b: {  	p0 =	sne.s32 s0, $0x0;
	s0 =	rddreg [dreg:$0x2]  }
0x36c: {  	s0 =	sadd.s32 @!p0 $0x100000, s0  }
0x36d: {  	[sflag:s0] =	ssyncadd.tile.s32 @!p0 $0x1;
	_ =	shalt  }
.Lfunc_end2:
_tile_overlayer_lowered:
.L_overlay_start_2:
0x36e: {  	(tag) =	ssettag $0x2  }
0x36f: {  	s0 =	rddreg [dreg:$0x0];
	s2 =	stileid.u32  }
0x370: {  	s1 =	rddreg [dreg:$0x1];
	p0 =	sne.s32 s2, $0x0  }
0x371: {  	s3 =	rddreg [dreg:$0x2];
	[bflag:$0x3] =	sbarrier.arrive $0xFFFF;
	s2 =	simm.s32 @!p0 $0x1C03  }
0x372: {  	[timem:s3], [sflag:s2] =	dma.local @!p0 [hbm:s0], s1  }
0x373: {  	s0 =	simm.s32 @!p0 $0x3  }
0x374: {  	_ =	swait.ge @!p0 [sflag:s0], s1  }
0x375: {  	s1 =	ssub.s32 @!p0 $0x0, s1;
	[sflag:s0] =	ssyncset.done @!p0 $0x0  }
0x376: {  	[sflag:s0] =	ssyncadd.s32 @!p0 s1  }
0x377: {  	[bflag:$0x3] =	sbarrier.arrive $0xFFFF  }
0x378: {  	_ =	shalt  }

</sc_bundles>
